<compile_context>
chip_gen: v7x
topology: tpu7x:2x2x1
jax: 0.10.2.dev20260603
libtpu: 0.0.44.dev20260713+nightly
codegen_flags: <defaults>
</compile_context>

<pallas_src>
import functools

import jax
import jax.numpy as jnp
from jax import lax
from jax.experimental import pallas as pl
from jax.experimental.pallas import tpu as pltpu
from jax.experimental.pallas import tpu_sc as plsc

O_H, O_W = 7, 7
MAXBIN = 10

NEG = float("-inf")


def _bin_bounds(lo, delta, i, n):
    s_raw = lo + (i * delta + (n - 1)) // n
    e = lo + ((i + 1) * delta + (n - 1)) // n
    s = jnp.where(s_raw == e, s_raw - 1, s_raw)
    return s, e


def _tc_body(rois_ref, fmap_ref, out_ref, rm_ref):
    g = pl.program_id(0)
    b = g // 64
    r = g % 64
    H, W = 64, 64
    x1 = (rois_ref[b, r, 0] * W).astype(jnp.int32)
    y1 = (rois_ref[b, r, 1] * H).astype(jnp.int32)
    x2 = (rois_ref[b, r, 2] * W).astype(jnp.int32)
    y2 = (rois_ref[b, r, 3] * H).astype(jnp.int32)
    dx = x2 + 1 - x1
    dy = y2 + 1 - y1

    rms = []
    for oy in range(O_H):
        ys, ye = _bin_bounds(y1, dy, oy, O_H)
        acc0 = fmap_ref[0, ys, :, :]

        def ybody(j, acc, ys=ys):
            return jnp.maximum(acc, fmap_ref[0, ys + j, :, :])

        rms.append(lax.fori_loop(1, ye - ys, ybody, acc0))
    rm_ref[...] = jnp.stack(rms, axis=1)

    cols = []
    for ox in range(O_W):
        xs, xe = _bin_bounds(x1, dx, ox, O_W)
        acc0 = rm_ref[xs, :, :]

        def xbody(j, acc, xs=xs):
            return jnp.maximum(acc, rm_ref[xs + j, :, :])

        cols.append(lax.fori_loop(1, xe - xs, xbody, acc0))
    out_ref[0] = jnp.stack(cols, axis=1)


def _kernel_tc(fmaps, rois, n_rois):
    B, H, W, C = fmaps.shape
    return pl.pallas_call(
        _tc_body,
        grid=(n_rois,),
        in_specs=[
            pl.BlockSpec(memory_space=pltpu.SMEM),
            pl.BlockSpec((1, H, W, C), lambda g: (g // 64, 0, 0, 0)),
        ],
        out_specs=pl.BlockSpec(
            (1, O_H, O_W, C), lambda g: (g, 0, 0, 0)
        ),
        out_shape=jax.ShapeDtypeStruct((n_rois, O_H, O_W, C), jnp.float32),
        scratch_shapes=[pltpu.VMEM((W, O_H, C), jnp.float32)],
    )(rois, fmaps)



SC_NC = 2
SC_NS = 16
SC_NW = SC_NC * SC_NS
SC_L = 16


SC_NBUF = 8
SC_CH = 4


def _sc_body_make(rbase, n_sc):
  def _sc_body(fmap_hbm, rois_hbm, out_hbm, rois_v, idx_v, buf_v, outbuf_v, sem):
    C = fmap_hbm.shape[1]
    CB = C // SC_L
    wid = lax.axis_index("s") * SC_NC + lax.axis_index("c")
    rpw = n_sc // SC_NW
    roi0 = rbase + wid * rpw
    pltpu.sync_copy(rois_hbm, rois_v)
    lanes = lax.iota(jnp.int32, SC_L)
    negs = jnp.full((SC_L,), NEG, jnp.float32)

    def roi_body(ri, carry):
        g = roi0 + ri
        v = rois_v[g, pl.ds(0, SC_L)]
        vi = (v * 64.0).astype(jnp.int32)
        x1 = vi[0]
        y1 = vi[1]
        x2 = vi[2]
        y2 = vi[3]
        dx = x2 + 1 - x1
        dy = y2 + 1 - y1
        hc = (dy + 6) // 7
        wc = (dx + 6) // 7
        nc = hc * wc
        nk = (nc + SC_CH - 1) // SC_CH
        mrec = 65536 // wc + 1
        bbase = (g // 64) * 4096
        nt = 49 * nk

        def issue(t):
            cell = t // nk
            k = t - cell * nk
            oy = cell // 7
            ox = cell - oy * 7
            ys_r = y1 + (oy * dy + 6) // 7
            ye = y1 + ((oy + 1) * dy + 6) // 7
            ys = ys_r - (ys_r == ye).astype(jnp.int32)
            xs_r = x1 + (ox * dx + 6) // 7
            xe = x1 + ((ox + 1) * dx + 6) // 7
            xs = xs_r - (xs_r == xe).astype(jnp.int32)
            p = jnp.minimum(k * SC_CH + lanes, nc - 1)
            py = (p * mrec) >> 16
            px = p - py * wc
            yy = jnp.minimum(ys + py, ye - 1)
            xx = jnp.minimum(xs + px, xe - 1)
            slot = t % SC_NBUF
            idx_v[slot, pl.ds(0, SC_L)] = bbase + yy * 64 + xx
            pltpu.async_copy(
                fmap_hbm.at[idx_v.at[slot, pl.ds(0, SC_CH)]],
                buf_v.at[slot],
                sem,
            )

        for t0 in range(SC_NBUF - 1):
            issue(t0)

        def step(t, acc):
            pltpu.make_async_copy(
                fmap_hbm.at[pl.ds(0, SC_L)], buf_v.at[t % SC_NBUF], sem
            ).wait()

            @pl.when(t + (SC_NBUF - 1) < nt)
            def _():
                issue(t + (SC_NBUF - 1))

            slot = t % SC_NBUF
            new = []
            for cb in range(CB):
                m = acc[cb]
                for row in range(SC_CH):
                    m = jnp.maximum(
                        m, buf_v[slot, row, pl.ds(cb * SC_L, SC_L)]
                    )
                new.append(m)
            cell = t // nk
            is_last = t - cell * nk == nk - 1

            @pl.when(is_last)
            def _():
                cb0 = cell * C
                for cb in range(CB):
                    outbuf_v[pl.ds(cb0 + cb * SC_L, SC_L)] = new[cb]

            return tuple(jnp.where(is_last, negs, m) for m in new)

        acc0 = tuple(negs for _ in range(CB))
        lax.fori_loop(0, nt, step, acc0)
        pltpu.sync_copy(outbuf_v, out_hbm.at[pl.ds((g - rbase) * 49 * C, 49 * C)])
        return carry

    lax.fori_loop(0, rpw, roi_body, 0)

  return _sc_body


NTC = 160


def kernel(fmaps, rois):
    B, H, W, C = fmaps.shape
    R = rois.shape[1]
    n_sc = B * R - NTC
    fmap_flat = fmaps.reshape(B * H * W, C)
    rois_pad = jnp.pad(
        rois.reshape(B * R, 4), ((0, 0), (0, SC_L - 4))
    )
    rpw = n_sc // SC_NW
    mesh = plsc.VectorSubcoreMesh(core_axis_name="c", subcore_axis_name="s")
    run = pl.kernel(
        _sc_body_make(NTC, n_sc),
        out_type=jax.ShapeDtypeStruct((n_sc * 49 * C,), jnp.float32),
        mesh=mesh,
        scratch_types=[
            pltpu.VMEM((B * R, SC_L), jnp.float32),
            pltpu.VMEM((SC_NBUF, SC_L), jnp.int32),
            pltpu.VMEM((SC_NBUF, SC_CH, C), jnp.float32),
            pltpu.VMEM((49 * C,), jnp.float32),
            pltpu.SemaphoreType.DMA,
        ],
    )
    sc_out = run(fmap_flat, rois_pad).reshape(n_sc, O_H, O_W, C)
    tc_out = _kernel_tc(fmaps, rois, NTC)
    out = jnp.concatenate([tc_out, sc_out], axis=0)
    return out.reshape(B, R, O_H, O_W, C)

# --- scband reference (transcript-rebuilt; emitter-appended) ---
"""Pipeline reference for scband-roipooling-16312285790450 (READ-ONLY COPY).

The authoritative reference and input builder live on the scoring server;
editing this copy changes nothing except your own understanding.
"""

import jax, jax.numpy as jnp
import numpy as np

O_H, O_W = 7, 7

def _pair_grid(lo, hi, n):
    # ceil(linspace(lo, hi, n+1)) -> overlapping (start, end) pairs, matching the TF code
    delta = hi - lo
    i = jnp.arange(n + 1, dtype=jnp.int32)
    g = lo + (i * delta + (n - 1)) // n
    starts, ends = g[:-1], g[1:]
    starts = jnp.where(starts == ends, starts - 1, starts)
    return starts, ends

def _roi_pool(fmaps, rois):
    B, H, W, C = fmaps.shape
    R = rois.shape[1]
    ar_h = jnp.arange(H)
    ar_w = jnp.arange(W)
    outs = []
    for b in range(B):
        fmap = fmaps[b]
        roi_outs = []
        for r in range(R):
            x1 = jnp.floor(rois[b, r, 0] * W).astype(jnp.int32)
            y1 = jnp.floor(rois[b, r, 1] * H).astype(jnp.int32)
            x2 = jnp.floor(rois[b, r, 2] * W).astype(jnp.int32)
            y2 = jnp.floor(rois[b, r, 3] * H).astype(jnp.int32)
            xs, xe = _pair_grid(x1, x2 + 1, O_W)
            ys, ye = _pair_grid(y1, y2 + 1, O_H)
            my = (ar_h[None, :] >= ys[:, None]) & (ar_h[None, :] < ye[:, None])
            rowmax = jnp.max(jnp.where(my[:, :, None, None], fmap[None, :, :, :], -jnp.inf), axis=1)
            mx = (ar_w[None, :] >= xs[:, None]) & (ar_w[None, :] < xe[:, None])
            roi_outs.append(jnp.max(jnp.where(mx[None, :, :, None], rowmax[:, None, :, :], -jnp.inf), axis=2))
        outs.append(jnp.stack(roi_outs, axis=0))
    return jnp.stack(outs, axis=0)

def setup_inputs(seed: int = 0):
    key = jax.random.key(seed)
    k1, k2, k3 = jax.random.split(key, 3)
    fmaps = jax.random.normal(k1, (4, 64, 64, 384), dtype=jnp.float32)
    # valid normalized ROIs: x1<x2, y1<y2, all in [0, 1)
    xy1 = jax.random.uniform(k2, (4, 64, 2), minval=0.0, maxval=0.5, dtype=jnp.float32)
    wh = jax.random.uniform(k3, (4, 64, 2), minval=0.1, maxval=0.5, dtype=jnp.float32)
    xy2 = jnp.minimum(xy1 + wh, 0.999)
    rois = jnp.concatenate([xy1, xy2], axis=-1)
    return {"fmaps": fmaps, "rois": rois}

def reference(fmaps, rois):
    # input_shape=None path of the original layer: rois already normalized to [0,1]
    return _roi_pool(fmaps, rois)

if __name__ == "__main__":
    import jax
    _d = setup_inputs()
    print(jax.jit(kernel)(*tuple(_d.values())))

</pallas_src>

<mosaic_0001>
#map = affine_map<(d0, d1) -> (0, 0)>
#map1 = affine_map<(d0, d1) -> (0)>
module attributes {stable_mosaic.version = 14 : i64} {
  func.func @_sc_body(%arg0: i32, %arg1: i32, %arg2: memref<16384x384xf32, #tpu.memory_space<hbm>>, %arg3: memref<256x16xf32, #tpu.memory_space<hbm>>, %arg4: memref<1806336xf32, #tpu.memory_space<hbm>>, %arg5: memref<256x16xf32, #tpu.memory_space<vmem>>, %arg6: memref<8x16xi32, #tpu.memory_space<vmem>>, %arg7: memref<8x4x384xf32, #tpu.memory_space<vmem>>, %arg8: memref<18816xf32, #tpu.memory_space<vmem>>, %arg9: memref<!tpu.dma_semaphore, #tpu.memory_space<semaphore_mem>>) attributes {dimension_semantics = [#tpu.dimension_semantics<core_parallel>, #tpu.dimension_semantics<subcore_parallel>], iteration_bounds = array<i64: 2, 16>, scalar_prefetch = 0 : i64, scratch_operands = 5 : i64, tpu.core_type = #tpu.core_type<sc_vector_subcore>, window_params = [{transform_indices = #map}, {transform_indices = #map}, {transform_indices = #map1}]} {
    %mul3A = arith.constant 2 : i32
    %mul3A_0 = arith.muli %arg1, %mul3A : i32
    %add3A = arith.addi %mul3A_0, %arg0 : i32
    %mul3A_1 = arith.constant 3 : i32
    %mul3A_2 = arith.muli %add3A, %mul3A_1 : i32
    %add3A_3 = arith.constant 160 : i32
    %add3A_4 = arith.addi %add3A_3, %mul3A_2 : i32
    "tpu.region"() ({
      %run_scoped3A = tpu.sem_alloc : memref<!tpu.dma_semaphore, #tpu.memory_space<semaphore_mem>>
      tpu.enqueue_dma source(%arg3 : memref<256x16xf32, #tpu.memory_space<hbm>>) target(%arg5 : memref<256x16xf32, #tpu.memory_space<vmem>>) target_semaphore(%run_scoped3A : memref<!tpu.dma_semaphore, #tpu.memory_space<semaphore_mem>>)
      tpu.wait_dma2 semaphore(%run_scoped3A : memref<!tpu.dma_semaphore, #tpu.memory_space<semaphore_mem>>) src(%arg3 : memref<256x16xf32, #tpu.memory_space<hbm>>) dst(%arg5 : memref<256x16xf32, #tpu.memory_space<vmem>>)
      tpu.yield
    }) : () -> ()
    %iota3A = tpu.iota {dimensions = array<i32: 0>} : vector<16xi32>
    %broadcast_in_dim3A = arith.constant 0xFF800000 : f32
    %broadcast_in_dim3A_5 = vector.broadcast %broadcast_in_dim3A : f32 to vector<16xf32>
    %scan3A = arith.constant 0 : i32
    %scan3A_6 = arith.constant 0 : i32
    %scan3A_7 = arith.constant 3 : i32
    %scan3A_8 = arith.addi %scan3A_6, %scan3A_7 : i32
    %scan3A_9 = arith.constant 1 : i32
    scf.for %scan3A_11 = %scan3A_6 to %scan3A_8 step %scan3A_9  : i32 {
      %add3A_12 = arith.addi %add3A_4, %scan3A_11 : i32
      %get3A = arith.index_cast %add3A_12 : i32 to index
      %get3A_13 = arith.constant 0 : index
      %get3A_14 = tpu.vector_load %arg5[%get3A, %get3A_13] {strides = array<i32>} : memref<256x16xf32, #tpu.memory_space<vmem>>, vector<1x16xf32>,
      %get3A_15 = vector.shape_cast %get3A_14 : vector<1x16xf32> to vector<16xf32>
      %mul3A_16 = arith.constant 6.400000e+01 : f32
      %mul3A_17 = vector.broadcast %mul3A_16 : f32 to vector<16xf32>
      %mul3A_18 = arith.mulf %get3A_15, %mul3A_17 : vector<16xf32>
      %convert_element_type3A = arith.fptosi %mul3A_18 : vector<16xf32> to vector<16xi32>
      %slice3A = vector.extract_strided_slice %convert_element_type3A {offsets = [0], sizes = [1], strides = [1]} : vector<16xi32> to vector<1xi32>
      %squeeze3A = vector.extract %slice3A[0] : i32 from vector<1xi32>
      %slice3A_19 = vector.extract_strided_slice %convert_element_type3A {offsets = [1], sizes = [1], strides = [1]} : vector<16xi32> to vector<1xi32>
      %squeeze3A_20 = vector.extract %slice3A_19[0] : i32 from vector<1xi32>
      %slice3A_21 = vector.extract_strided_slice %convert_element_type3A {offsets = [2], sizes = [1], strides = [1]} : vector<16xi32> to vector<1xi32>
      %squeeze3A_22 = vector.extract %slice3A_21[0] : i32 from vector<1xi32>
      %slice3A_23 = vector.extract_strided_slice %convert_element_type3A {offsets = [3], sizes = [1], strides = [1]} : vector<16xi32> to vector<1xi32>
      %squeeze3A_24 = vector.extract %slice3A_23[0] : i32 from vector<1xi32>
      %add3A_25 = arith.constant 1 : i32
      %add3A_26 = arith.addi %squeeze3A_22, %add3A_25 : i32
      %sub3A = arith.subi %add3A_26, %squeeze3A : i32
      %add3A_27 = arith.constant 1 : i32
      %add3A_28 = arith.addi %squeeze3A_24, %add3A_27 : i32
      %sub3A_29 = arith.subi %add3A_28, %squeeze3A_20 : i32
      %add3A_30 = arith.constant 6 : i32
      %add3A_31 = arith.addi %sub3A_29, %add3A_30 : i32
      %jit3A = arith.constant 7 : i32
      %div3A = arith.divsi %add3A_31, %jit3A : i32
      %sign3A = arith.constant 0 : i32
      %sign3A_32 = arith.cmpi sgt, %add3A_31, %sign3A : i32
      %sign3A_33 = arith.extui %sign3A_32 : i1 to i32
      %sign3A_34 = arith.constant 0 : i32
      %sign3A_35 = arith.cmpi slt, %add3A_31, %sign3A_34 : i32
      %sign3A_36 = arith.extui %sign3A_35 : i1 to i32
      %sign3A_37 = arith.subi %sign3A_33, %sign3A_36 : i32
      %sign3A_38 = arith.constant 0 : i32
      %sign3A_39 = arith.cmpi sgt, %jit3A, %sign3A_38 : i32
      %sign3A_40 = arith.extui %sign3A_39 : i1 to i32
      %sign3A_41 = arith.constant 0 : i32
      %sign3A_42 = arith.cmpi slt, %jit3A, %sign3A_41 : i32
      %sign3A_43 = arith.extui %sign3A_42 : i1 to i32
      %sign3A_44 = arith.subi %sign3A_40, %sign3A_43 : i32
      %ne3A = arith.cmpi ne, %sign3A_37, %sign3A_44 : i32
      %rem3A = arith.remsi %add3A_31, %jit3A : i32
      %ne3A_45 = arith.constant 0 : i32
      %ne3A_46 = arith.cmpi ne, %rem3A, %ne3A_45 : i32
      %and3A = arith.andi %ne3A, %ne3A_46 : i1
      %sub3A_47 = arith.constant 1 : i32
      %sub3A_48 = arith.subi %div3A, %sub3A_47 : i32
      %select_n3A = arith.select %and3A, %sub3A_48, %div3A : i32
      %add3A_49 = arith.constant 6 : i32
      %add3A_50 = arith.addi %sub3A, %add3A_49 : i32
      %jit3A_51 = arith.constant 7 : i32
      %div3A_52 = arith.divsi %add3A_50, %jit3A_51 : i32
      %sign3A_53 = arith.constant 0 : i32
      %sign3A_54 = arith.cmpi sgt, %add3A_50, %sign3A_53 : i32
      %sign3A_55 = arith.extui %sign3A_54 : i1 to i32
      %sign3A_56 = arith.constant 0 : i32
      %sign3A_57 = arith.cmpi slt, %add3A_50, %sign3A_56 : i32
      %sign3A_58 = arith.extui %sign3A_57 : i1 to i32
      %sign3A_59 = arith.subi %sign3A_55, %sign3A_58 : i32
      %sign3A_60 = arith.constant 0 : i32
      %sign3A_61 = arith.cmpi sgt, %jit3A_51, %sign3A_60 : i32
      %sign3A_62 = arith.extui %sign3A_61 : i1 to i32
      %sign3A_63 = arith.constant 0 : i32
      %sign3A_64 = arith.cmpi slt, %jit3A_51, %sign3A_63 : i32
      %sign3A_65 = arith.extui %sign3A_64 : i1 to i32
      %sign3A_66 = arith.subi %sign3A_62, %sign3A_65 : i32
      %ne3A_67 = arith.cmpi ne, %sign3A_59, %sign3A_66 : i32
      %rem3A_68 = arith.remsi %add3A_50, %jit3A_51 : i32
      %ne3A_69 = arith.constant 0 : i32
      %ne3A_70 = arith.cmpi ne, %rem3A_68, %ne3A_69 : i32
      %and3A_71 = arith.andi %ne3A_67, %ne3A_70 : i1
      %sub3A_72 = arith.constant 1 : i32
      %sub3A_73 = arith.subi %div3A_52, %sub3A_72 : i32
      %select_n3A_74 = arith.select %and3A_71, %sub3A_73, %div3A_52 : i32
      %mul3A_75 = arith.muli %select_n3A, %select_n3A_74 : i32
      %add3A_76 = arith.constant 4 : i32
      %add3A_77 = arith.addi %mul3A_75, %add3A_76 : i32
      %sub3A_78 = arith.constant 1 : i32
      %sub3A_79 = arith.subi %add3A_77, %sub3A_78 : i32
      %jit3A_80 = arith.constant 4 : i32
      %div3A_81 = arith.divsi %sub3A_79, %jit3A_80 : i32
      %sign3A_82 = arith.constant 0 : i32
      %sign3A_83 = arith.cmpi sgt, %sub3A_79, %sign3A_82 : i32
      %sign3A_84 = arith.extui %sign3A_83 : i1 to i32
      %sign3A_85 = arith.constant 0 : i32
      %sign3A_86 = arith.cmpi slt, %sub3A_79, %sign3A_85 : i32
      %sign3A_87 = arith.extui %sign3A_86 : i1 to i32
      %sign3A_88 = arith.subi %sign3A_84, %sign3A_87 : i32
      %sign3A_89 = arith.constant 0 : i32
      %sign3A_90 = arith.cmpi sgt, %jit3A_80, %sign3A_89 : i32
      %sign3A_91 = arith.extui %sign3A_90 : i1 to i32
      %sign3A_92 = arith.constant 0 : i32
      %sign3A_93 = arith.cmpi slt, %jit3A_80, %sign3A_92 : i32
      %sign3A_94 = arith.extui %sign3A_93 : i1 to i32
      %sign3A_95 = arith.subi %sign3A_91, %sign3A_94 : i32
      %ne3A_96 = arith.cmpi ne, %sign3A_88, %sign3A_95 : i32
      %rem3A_97 = arith.remsi %sub3A_79, %jit3A_80 : i32
      %ne3A_98 = arith.constant 0 : i32
      %ne3A_99 = arith.cmpi ne, %rem3A_97, %ne3A_98 : i32
      %and3A_100 = arith.andi %ne3A_96, %ne3A_99 : i1
      %sub3A_101 = arith.constant 1 : i32
      %sub3A_102 = arith.subi %div3A_81, %sub3A_101 : i32
      %select_n3A_103 = arith.select %and3A_100, %sub3A_102, %div3A_81 : i32
      %jit3A_104 = arith.constant 65536 : i32
      %div3A_105 = arith.divsi %jit3A_104, %select_n3A_74 : i32
      %sign3A_106 = arith.constant 0 : i32
      %sign3A_107 = arith.cmpi sgt, %jit3A_104, %sign3A_106 : i32
      %sign3A_108 = arith.extui %sign3A_107 : i1 to i32
      %sign3A_109 = arith.constant 0 : i32
      %sign3A_110 = arith.cmpi slt, %jit3A_104, %sign3A_109 : i32
      %sign3A_111 = arith.extui %sign3A_110 : i1 to i32
      %sign3A_112 = arith.subi %sign3A_108, %sign3A_111 : i32
      %sign3A_113 = arith.constant 0 : i32
      %sign3A_114 = arith.cmpi sgt, %select_n3A_74, %sign3A_113 : i32
      %sign3A_115 = arith.extui %sign3A_114 : i1 to i32
      %sign3A_116 = arith.constant 0 : i32
      %sign3A_117 = arith.cmpi slt, %select_n3A_74, %sign3A_116 : i32
      %sign3A_118 = arith.extui %sign3A_117 : i1 to i32
      %sign3A_119 = arith.subi %sign3A_115, %sign3A_118 : i32
      %ne3A_120 = arith.cmpi ne, %sign3A_112, %sign3A_119 : i32
      %rem3A_121 = arith.remsi %jit3A_104, %select_n3A_74 : i32
      %ne3A_122 = arith.constant 0 : i32
      %ne3A_123 = arith.cmpi ne, %rem3A_121, %ne3A_122 : i32
      %and3A_124 = arith.andi %ne3A_120, %ne3A_123 : i1
      %sub3A_125 = arith.constant 1 : i32
      %sub3A_126 = arith.subi %div3A_105, %sub3A_125 : i32
      %select_n3A_127 = arith.select %and3A_124, %sub3A_126, %div3A_105 : i32
      %add3A_128 = arith.constant 1 : i32
      %add3A_129 = arith.addi %select_n3A_127, %add3A_128 : i32
      %jit3A_130 = arith.constant 64 : i32
      %div3A_131 = arith.divsi %add3A_12, %jit3A_130 : i32
      %sign3A_132 = arith.constant 0 : i32
      %sign3A_133 = arith.cmpi sgt, %add3A_12, %sign3A_132 : i32
      %sign3A_134 = arith.extui %sign3A_133 : i1 to i32
      %sign3A_135 = arith.constant 0 : i32
      %sign3A_136 = arith.cmpi slt, %add3A_12, %sign3A_135 : i32
      %sign3A_137 = arith.extui %sign3A_136 : i1 to i32
      %sign3A_138 = arith.subi %sign3A_134, %sign3A_137 : i32
      %sign3A_139 = arith.constant 0 : i32
      %sign3A_140 = arith.cmpi sgt, %jit3A_130, %sign3A_139 : i32
      %sign3A_141 = arith.extui %sign3A_140 : i1 to i32
      %sign3A_142 = arith.constant 0 : i32
      %sign3A_143 = arith.cmpi slt, %jit3A_130, %sign3A_142 : i32
      %sign3A_144 = arith.extui %sign3A_143 : i1 to i32
      %sign3A_145 = arith.subi %sign3A_141, %sign3A_144 : i32
      %ne3A_146 = arith.cmpi ne, %sign3A_138, %sign3A_145 : i32
      %rem3A_147 = arith.remsi %add3A_12, %jit3A_130 : i32
      %ne3A_148 = arith.constant 0 : i32
      %ne3A_149 = arith.cmpi ne, %rem3A_147, %ne3A_148 : i32
      %and3A_150 = arith.andi %ne3A_146, %ne3A_149 : i1
      %sub3A_151 = arith.constant 1 : i32
      %sub3A_152 = arith.subi %div3A_131, %sub3A_151 : i32
      %select_n3A_153 = arith.select %and3A_150, %sub3A_152, %div3A_131 : i32
      %mul3A_154 = arith.constant 4096 : i32
      %mul3A_155 = arith.muli %select_n3A_153, %mul3A_154 : i32
      %mul3A_156 = arith.constant 49 : i32
      %mul3A_157 = arith.muli %mul3A_156, %select_n3A_103 : i32
      %jit3A_158 = arith.constant 0 : i32
      %div3A_159 = arith.divsi %jit3A_158, %select_n3A_103 : i32
      %sign3A_160 = arith.constant 0 : i32
      %sign3A_161 = arith.cmpi sgt, %jit3A_158, %sign3A_160 : i32
      %sign3A_162 = arith.extui %sign3A_161 : i1 to i32
      %sign3A_163 = arith.constant 0 : i32
      %sign3A_164 = arith.cmpi slt, %jit3A_158, %sign3A_163 : i32
      %sign3A_165 = arith.extui %sign3A_164 : i1 to i32
      %sign3A_166 = arith.subi %sign3A_162, %sign3A_165 : i32
      %sign3A_167 = arith.constant 0 : i32
      %sign3A_168 = arith.cmpi sgt, %select_n3A_103, %sign3A_167 : i32
      %sign3A_169 = arith.extui %sign3A_168 : i1 to i32
      %sign3A_170 = arith.constant 0 : i32
      %sign3A_171 = arith.cmpi slt, %select_n3A_103, %sign3A_170 : i32
      %sign3A_172 = arith.extui %sign3A_171 : i1 to i32
      %sign3A_173 = arith.subi %sign3A_169, %sign3A_172 : i32
      %ne3A_174 = arith.cmpi ne, %sign3A_166, %sign3A_173 : i32
      %rem3A_175 = arith.remsi %jit3A_158, %select_n3A_103 : i32
      %ne3A_176 = arith.constant 0 : i32
      %ne3A_177 = arith.cmpi ne, %rem3A_175, %ne3A_176 : i32
      %and3A_178 = arith.andi %ne3A_174, %ne3A_177 : i1
      %sub3A_179 = arith.constant 1 : i32
      %sub3A_180 = arith.subi %div3A_159, %sub3A_179 : i32
      %select_n3A_181 = arith.select %and3A_178, %sub3A_180, %div3A_159 : i32
      %mul3A_182 = arith.muli %select_n3A_181, %select_n3A_103 : i32
      %sub3A_183 = arith.constant 0 : i32
      %sub3A_184 = arith.subi %sub3A_183, %mul3A_182 : i32
      %jit3A_185 = arith.constant 7 : i32
      %div3A_186 = arith.divsi %select_n3A_181, %jit3A_185 : i32
      %sign3A_187 = arith.constant 0 : i32
      %sign3A_188 = arith.cmpi sgt, %select_n3A_181, %sign3A_187 : i32
      %sign3A_189 = arith.extui %sign3A_188 : i1 to i32
      %sign3A_190 = arith.constant 0 : i32
      %sign3A_191 = arith.cmpi slt, %select_n3A_181, %sign3A_190 : i32
      %sign3A_192 = arith.extui %sign3A_191 : i1 to i32
      %sign3A_193 = arith.subi %sign3A_189, %sign3A_192 : i32
      %sign3A_194 = arith.constant 0 : i32
      %sign3A_195 = arith.cmpi sgt, %jit3A_185, %sign3A_194 : i32
      %sign3A_196 = arith.extui %sign3A_195 : i1 to i32
      %sign3A_197 = arith.constant 0 : i32
      %sign3A_198 = arith.cmpi slt, %jit3A_185, %sign3A_197 : i32
      %sign3A_199 = arith.extui %sign3A_198 : i1 to i32
      %sign3A_200 = arith.subi %sign3A_196, %sign3A_199 : i32
      %ne3A_201 = arith.cmpi ne, %sign3A_193, %sign3A_200 : i32
      %rem3A_202 = arith.remsi %select_n3A_181, %jit3A_185 : i32
      %ne3A_203 = arith.constant 0 : i32
      %ne3A_204 = arith.cmpi ne, %rem3A_202, %ne3A_203 : i32
      %and3A_205 = arith.andi %ne3A_201, %ne3A_204 : i1
      %sub3A_206 = arith.constant 1 : i32
      %sub3A_207 = arith.subi %div3A_186, %sub3A_206 : i32
      %select_n3A_208 = arith.select %and3A_205, %sub3A_207, %div3A_186 : i32
      %mul3A_209 = arith.constant 7 : i32
      %mul3A_210 = arith.muli %select_n3A_208, %mul3A_209 : i32
      %sub3A_211 = arith.subi %select_n3A_181, %mul3A_210 : i32
      %mul3A_212 = arith.muli %select_n3A_208, %sub3A_29 : i32
      %add3A_213 = arith.constant 6 : i32
      %add3A_214 = arith.addi %mul3A_212, %add3A_213 : i32
      %jit3A_215 = arith.constant 7 : i32
      %div3A_216 = arith.divsi %add3A_214, %jit3A_215 : i32
      %sign3A_217 = arith.constant 0 : i32
      %sign3A_218 = arith.cmpi sgt, %add3A_214, %sign3A_217 : i32
      %sign3A_219 = arith.extui %sign3A_218 : i1 to i32
      %sign3A_220 = arith.constant 0 : i32
      %sign3A_221 = arith.cmpi slt, %add3A_214, %sign3A_220 : i32
      %sign3A_222 = arith.extui %sign3A_221 : i1 to i32
      %sign3A_223 = arith.subi %sign3A_219, %sign3A_222 : i32
      %sign3A_224 = arith.constant 0 : i32
      %sign3A_225 = arith.cmpi sgt, %jit3A_215, %sign3A_224 : i32
      %sign3A_226 = arith.extui %sign3A_225 : i1 to i32
      %sign3A_227 = arith.constant 0 : i32
      %sign3A_228 = arith.cmpi slt, %jit3A_215, %sign3A_227 : i32
      %sign3A_229 = arith.extui %sign3A_228 : i1 to i32
      %sign3A_230 = arith.subi %sign3A_226, %sign3A_229 : i32
      %ne3A_231 = arith.cmpi ne, %sign3A_223, %sign3A_230 : i32
      %rem3A_232 = arith.remsi %add3A_214, %jit3A_215 : i32
      %ne3A_233 = arith.constant 0 : i32
      %ne3A_234 = arith.cmpi ne, %rem3A_232, %ne3A_233 : i32
      %and3A_235 = arith.andi %ne3A_231, %ne3A_234 : i1
      %sub3A_236 = arith.constant 1 : i32
      %sub3A_237 = arith.subi %div3A_216, %sub3A_236 : i32
      %select_n3A_238 = arith.select %and3A_235, %sub3A_237, %div3A_216 : i32
      %add3A_239 = arith.addi %squeeze3A_20, %select_n3A_238 : i32
      %add3A_240 = arith.constant 1 : i32
      %add3A_241 = arith.addi %select_n3A_208, %add3A_240 : i32
      %mul3A_242 = arith.muli %add3A_241, %sub3A_29 : i32
      %add3A_243 = arith.constant 6 : i32
      %add3A_244 = arith.addi %mul3A_242, %add3A_243 : i32
      %jit3A_245 = arith.constant 7 : i32
      %div3A_246 = arith.divsi %add3A_244, %jit3A_245 : i32
      %sign3A_247 = arith.constant 0 : i32
      %sign3A_248 = arith.cmpi sgt, %add3A_244, %sign3A_247 : i32
      %sign3A_249 = arith.extui %sign3A_248 : i1 to i32
      %sign3A_250 = arith.constant 0 : i32
      %sign3A_251 = arith.cmpi slt, %add3A_244, %sign3A_250 : i32
      %sign3A_252 = arith.extui %sign3A_251 : i1 to i32
      %sign3A_253 = arith.subi %sign3A_249, %sign3A_252 : i32
      %sign3A_254 = arith.constant 0 : i32
      %sign3A_255 = arith.cmpi sgt, %jit3A_245, %sign3A_254 : i32
      %sign3A_256 = arith.extui %sign3A_255 : i1 to i32
      %sign3A_257 = arith.constant 0 : i32
      %sign3A_258 = arith.cmpi slt, %jit3A_245, %sign3A_257 : i32
      %sign3A_259 = arith.extui %sign3A_258 : i1 to i32
      %sign3A_260 = arith.subi %sign3A_256, %sign3A_259 : i32
      %ne3A_261 = arith.cmpi ne, %sign3A_253, %sign3A_260 : i32
      %rem3A_262 = arith.remsi %add3A_244, %jit3A_245 : i32
      %ne3A_263 = arith.constant 0 : i32
      %ne3A_264 = arith.cmpi ne, %rem3A_262, %ne3A_263 : i32
      %and3A_265 = arith.andi %ne3A_261, %ne3A_264 : i1
      %sub3A_266 = arith.constant 1 : i32
      %sub3A_267 = arith.subi %div3A_246, %sub3A_266 : i32
      %select_n3A_268 = arith.select %and3A_265, %sub3A_267, %div3A_246 : i32
      %add3A_269 = arith.addi %squeeze3A_20, %select_n3A_268 : i32
      %eq3A = arith.cmpi eq, %add3A_239, %add3A_269 : i32
      %convert_element_type3A_270 = arith.extui %eq3A : i1 to i32
      %sub3A_271 = arith.subi %add3A_239, %convert_element_type3A_270 : i32
      %mul3A_272 = arith.muli %sub3A_211, %sub3A : i32
      %add3A_273 = arith.constant 6 : i32
      %add3A_274 = arith.addi %mul3A_272, %add3A_273 : i32
      %jit3A_275 = arith.constant 7 : i32
      %div3A_276 = arith.divsi %add3A_274, %jit3A_275 : i32
      %sign3A_277 = arith.constant 0 : i32
      %sign3A_278 = arith.cmpi sgt, %add3A_274, %sign3A_277 : i32
      %sign3A_279 = arith.extui %sign3A_278 : i1 to i32
      %sign3A_280 = arith.constant 0 : i32
      %sign3A_281 = arith.cmpi slt, %add3A_274, %sign3A_280 : i32
      %sign3A_282 = arith.extui %sign3A_281 : i1 to i32
      %sign3A_283 = arith.subi %sign3A_279, %sign3A_282 : i32
      %sign3A_284 = arith.constant 0 : i32
      %sign3A_285 = arith.cmpi sgt, %jit3A_275, %sign3A_284 : i32
      %sign3A_286 = arith.extui %sign3A_285 : i1 to i32
      %sign3A_287 = arith.constant 0 : i32
      %sign3A_288 = arith.cmpi slt, %jit3A_275, %sign3A_287 : i32
      %sign3A_289 = arith.extui %sign3A_288 : i1 to i32
      %sign3A_290 = arith.subi %sign3A_286, %sign3A_289 : i32
      %ne3A_291 = arith.cmpi ne, %sign3A_283, %sign3A_290 : i32
      %rem3A_292 = arith.remsi %add3A_274, %jit3A_275 : i32
      %ne3A_293 = arith.constant 0 : i32
      %ne3A_294 = arith.cmpi ne, %rem3A_292, %ne3A_293 : i32
      %and3A_295 = arith.andi %ne3A_291, %ne3A_294 : i1
      %sub3A_296 = arith.constant 1 : i32
      %sub3A_297 = arith.subi %div3A_276, %sub3A_296 : i32
      %select_n3A_298 = arith.select %and3A_295, %sub3A_297, %div3A_276 : i32
      %add3A_299 = arith.addi %squeeze3A, %select_n3A_298 : i32
      %add3A_300 = arith.constant 1 : i32
      %add3A_301 = arith.addi %sub3A_211, %add3A_300 : i32
      %mul3A_302 = arith.muli %add3A_301, %sub3A : i32
      %add3A_303 = arith.constant 6 : i32
      %add3A_304 = arith.addi %mul3A_302, %add3A_303 : i32
      %jit3A_305 = arith.constant 7 : i32
      %div3A_306 = arith.divsi %add3A_304, %jit3A_305 : i32
      %sign3A_307 = arith.constant 0 : i32
      %sign3A_308 = arith.cmpi sgt, %add3A_304, %sign3A_307 : i32
      %sign3A_309 = arith.extui %sign3A_308 : i1 to i32
      %sign3A_310 = arith.constant 0 : i32
      %sign3A_311 = arith.cmpi slt, %add3A_304, %sign3A_310 : i32
      %sign3A_312 = arith.extui %sign3A_311 : i1 to i32
      %sign3A_313 = arith.subi %sign3A_309, %sign3A_312 : i32
      %sign3A_314 = arith.constant 0 : i32
      %sign3A_315 = arith.cmpi sgt, %jit3A_305, %sign3A_314 : i32
      %sign3A_316 = arith.extui %sign3A_315 : i1 to i32
      %sign3A_317 = arith.constant 0 : i32
      %sign3A_318 = arith.cmpi slt, %jit3A_305, %sign3A_317 : i32
      %sign3A_319 = arith.extui %sign3A_318 : i1 to i32
      %sign3A_320 = arith.subi %sign3A_316, %sign3A_319 : i32
      %ne3A_321 = arith.cmpi ne, %sign3A_313, %sign3A_320 : i32
      %rem3A_322 = arith.remsi %add3A_304, %jit3A_305 : i32
      %ne3A_323 = arith.constant 0 : i32
      %ne3A_324 = arith.cmpi ne, %rem3A_322, %ne3A_323 : i32
      %and3A_325 = arith.andi %ne3A_321, %ne3A_324 : i1
      %sub3A_326 = arith.constant 1 : i32
      %sub3A_327 = arith.subi %div3A_306, %sub3A_326 : i32
      %select_n3A_328 = arith.select %and3A_325, %sub3A_327, %div3A_306 : i32
      %add3A_329 = arith.addi %squeeze3A, %select_n3A_328 : i32
      %eq3A_330 = arith.cmpi eq, %add3A_299, %add3A_329 : i32
      %convert_element_type3A_331 = arith.extui %eq3A_330 : i1 to i32
      %sub3A_332 = arith.subi %add3A_299, %convert_element_type3A_331 : i32
      %mul3A_333 = arith.constant 4 : i32
      %mul3A_334 = arith.muli %sub3A_184, %mul3A_333 : i32
      %add3A_335 = vector.broadcast %mul3A_334 : i32 to vector<16xi32>
      %add3A_336 = arith.addi %add3A_335, %iota3A : vector<16xi32>
      %sub3A_337 = arith.constant 1 : i32
      %sub3A_338 = arith.subi %mul3A_75, %sub3A_337 : i32
      %min3A = vector.broadcast %sub3A_338 : i32 to vector<16xi32>
      %min3A_339 = arith.minsi %add3A_336, %min3A : vector<16xi32>
      %mul3A_340 = vector.broadcast %add3A_129 : i32 to vector<16xi32>
      %mul3A_341 = arith.muli %min3A_339, %mul3A_340 : vector<16xi32>
      %shift_right_arithmetic3A = arith.constant 16 : i32
      %shift_right_arithmetic3A_342 = vector.broadcast %shift_right_arithmetic3A : i32 to vector<16xi32>
      %shift_right_arithmetic3A_343 = arith.shrsi %mul3A_341, %shift_right_arithmetic3A_342 : vector<16xi32>
      %mul3A_344 = vector.broadcast %select_n3A_74 : i32 to vector<16xi32>
      %mul3A_345 = arith.muli %shift_right_arithmetic3A_343, %mul3A_344 : vector<16xi32>
      %sub3A_346 = arith.subi %min3A_339, %mul3A_345 : vector<16xi32>
      %add3A_347 = vector.broadcast %sub3A_271 : i32 to vector<16xi32>
      %add3A_348 = arith.addi %add3A_347, %shift_right_arithmetic3A_343 : vector<16xi32>
      %sub3A_349 = arith.constant 1 : i32
      %sub3A_350 = arith.subi %add3A_269, %sub3A_349 : i32
      %min3A_351 = vector.broadcast %sub3A_350 : i32 to vector<16xi32>
      %min3A_352 = arith.minsi %add3A_348, %min3A_351 : vector<16xi32>
      %add3A_353 = vector.broadcast %sub3A_332 : i32 to vector<16xi32>
      %add3A_354 = arith.addi %add3A_353, %sub3A_346 : vector<16xi32>
      %sub3A_355 = arith.constant 1 : i32
      %sub3A_356 = arith.subi %add3A_329, %sub3A_355 : i32
      %min3A_357 = vector.broadcast %sub3A_356 : i32 to vector<16xi32>
      %min3A_358 = arith.minsi %add3A_354, %min3A_357 : vector<16xi32>
      %mul3A_359 = arith.constant 64 : i32
      %mul3A_360 = vector.broadcast %mul3A_359 : i32 to vector<16xi32>
      %mul3A_361 = arith.muli %min3A_352, %mul3A_360 : vector<16xi32>
      %add3A_362 = vector.broadcast %mul3A_155 : i32 to vector<16xi32>
      %add3A_363 = arith.addi %add3A_362, %mul3A_361 : vector<16xi32>
      %add3A_364 = arith.addi %add3A_363, %min3A_358 : vector<16xi32>
      %swap3A = arith.constant 0 : i32
      %swap3A_365 = arith.index_cast %swap3A : i32 to index
      %swap3A_366 = arith.constant 0 : index
      %swap3A_367 = tpu.vector_load %arg6[%swap3A_365, %swap3A_366] {strides = array<i32>} : memref<8x16xi32, #tpu.memory_space<vmem>>, vector<1x16xi32>,
      %swap3A_368 = vector.shape_cast %swap3A_367 : vector<1x16xi32> to vector<16xi32>
      %swap3A_369 = vector.shape_cast %add3A_364 : vector<16xi32> to vector<1x16xi32>
      tpu.vector_store %arg6[%swap3A_365, %swap3A_366], %swap3A_369 {strides = array<i32>} : memref<8x16xi32, #tpu.memory_space<vmem>>, vector<1x16xi32>,
      %dma_start3A = arith.constant 0 : i32
      %dma_start3A_370 = arith.constant 0 : i32
      %dma_start3A_371 = arith.constant 0 : i32
      %dma_start3A_372 = arith.constant 0 : i32
      %dma_start3A_373 = tpu.memref_slice %arg7[%dma_start3A_370, %dma_start3A_371, %dma_start3A_372] : memref<8x4x384xf32, #tpu.memory_space<vmem>> -> memref<1x4x384xf32, #tpu.memory_space<vmem>>
      %dma_start3A_374 = tpu.memref_squeeze %dma_start3A_373 : memref<1x4x384xf32, #tpu.memory_space<vmem>> -> memref<4x384xf32, #tpu.memory_space<vmem>>
      %dma_start3A_375 = arith.constant 0 : i32
      %dma_start3A_376 = tpu.memref_slice %arg6[%dma_start3A, %dma_start3A_375] : memref<8x16xi32, #tpu.memory_space<vmem>> -> memref<1x4xi32, #tpu.memory_space<vmem>>
      %dma_start3A_377 = tpu.memref_squeeze %dma_start3A_376 : memref<1x4xi32, #tpu.memory_space<vmem>> -> memref<4xi32, #tpu.memory_space<vmem>>
      %dma_start3A_378 = arith.constant 0 : i32
      %dma_start3A_379 = arith.constant 0 : i32
      %dma_start3A_380 = tpu.memref_slice %arg2[%dma_start3A_378, %dma_start3A_379] : memref<16384x384xf32, #tpu.memory_space<hbm>> -> memref<16384x384xf32, #tpu.memory_space<hbm>>
      tpu.enqueue_indirect_dma source(%dma_start3A_380 : memref<16384x384xf32, #tpu.memory_space<hbm>>) target(%dma_start3A_374 : memref<4x384xf32, #tpu.memory_space<vmem>>) offsets(%dma_start3A_377 : memref<4xi32, #tpu.memory_space<vmem>>) semaphore(%arg9 : memref<!tpu.dma_semaphore, #tpu.memory_space<semaphore_mem>>)
      %jit3A_381 = arith.constant 1 : i32
      %div3A_382 = arith.divsi %jit3A_381, %select_n3A_103 : i32
      %sign3A_383 = arith.constant 0 : i32
      %sign3A_384 = arith.cmpi sgt, %jit3A_381, %sign3A_383 : i32
      %sign3A_385 = arith.extui %sign3A_384 : i1 to i32
      %sign3A_386 = arith.constant 0 : i32
      %sign3A_387 = arith.cmpi slt, %jit3A_381, %sign3A_386 : i32
      %sign3A_388 = arith.extui %sign3A_387 : i1 to i32
      %sign3A_389 = arith.subi %sign3A_385, %sign3A_388 : i32
      %sign3A_390 = arith.constant 0 : i32
      %sign3A_391 = arith.cmpi sgt, %select_n3A_103, %sign3A_390 : i32
      %sign3A_392 = arith.extui %sign3A_391 : i1 to i32
      %sign3A_393 = arith.constant 0 : i32
      %sign3A_394 = arith.cmpi slt, %select_n3A_103, %sign3A_393 : i32
      %sign3A_395 = arith.extui %sign3A_394 : i1 to i32
      %sign3A_396 = arith.subi %sign3A_392, %sign3A_395 : i32
      %ne3A_397 = arith.cmpi ne, %sign3A_389, %sign3A_396 : i32
      %rem3A_398 = arith.remsi %jit3A_381, %select_n3A_103 : i32
      %ne3A_399 = arith.constant 0 : i32
      %ne3A_400 = arith.cmpi ne, %rem3A_398, %ne3A_399 : i32
      %and3A_401 = arith.andi %ne3A_397, %ne3A_400 : i1
      %sub3A_402 = arith.constant 1 : i32
      %sub3A_403 = arith.subi %div3A_382, %sub3A_402 : i32
      %select_n3A_404 = arith.select %and3A_401, %sub3A_403, %div3A_382 : i32
      %mul3A_405 = arith.muli %select_n3A_404, %select_n3A_103 : i32
      %sub3A_406 = arith.constant 1 : i32
      %sub3A_407 = arith.subi %sub3A_406, %mul3A_405 : i32
      %jit3A_408 = arith.constant 7 : i32
      %div3A_409 = arith.divsi %select_n3A_404, %jit3A_408 : i32
      %sign3A_410 = arith.constant 0 : i32
      %sign3A_411 = arith.cmpi sgt, %select_n3A_404, %sign3A_410 : i32
      %sign3A_412 = arith.extui %sign3A_411 : i1 to i32
      %sign3A_413 = arith.constant 0 : i32
      %sign3A_414 = arith.cmpi slt, %select_n3A_404, %sign3A_413 : i32
      %sign3A_415 = arith.extui %sign3A_414 : i1 to i32
      %sign3A_416 = arith.subi %sign3A_412, %sign3A_415 : i32
      %sign3A_417 = arith.constant 0 : i32
      %sign3A_418 = arith.cmpi sgt, %jit3A_408, %sign3A_417 : i32
      %sign3A_419 = arith.extui %sign3A_418 : i1 to i32
      %sign3A_420 = arith.constant 0 : i32
      %sign3A_421 = arith.cmpi slt, %jit3A_408, %sign3A_420 : i32
      %sign3A_422 = arith.extui %sign3A_421 : i1 to i32
      %sign3A_423 = arith.subi %sign3A_419, %sign3A_422 : i32
      %ne3A_424 = arith.cmpi ne, %sign3A_416, %sign3A_423 : i32
      %rem3A_425 = arith.remsi %select_n3A_404, %jit3A_408 : i32
      %ne3A_426 = arith.constant 0 : i32
      %ne3A_427 = arith.cmpi ne, %rem3A_425, %ne3A_426 : i32
      %and3A_428 = arith.andi %ne3A_424, %ne3A_427 : i1
      %sub3A_429 = arith.constant 1 : i32
      %sub3A_430 = arith.subi %div3A_409, %sub3A_429 : i32
      %select_n3A_431 = arith.select %and3A_428, %sub3A_430, %div3A_409 : i32
      %mul3A_432 = arith.constant 7 : i32
      %mul3A_433 = arith.muli %select_n3A_431, %mul3A_432 : i32
      %sub3A_434 = arith.subi %select_n3A_404, %mul3A_433 : i32
      %mul3A_435 = arith.muli %select_n3A_431, %sub3A_29 : i32
      %add3A_436 = arith.constant 6 : i32
      %add3A_437 = arith.addi %mul3A_435, %add3A_436 : i32
      %jit3A_438 = arith.constant 7 : i32
      %div3A_439 = arith.divsi %add3A_437, %jit3A_438 : i32
      %sign3A_440 = arith.constant 0 : i32
      %sign3A_441 = arith.cmpi sgt, %add3A_437, %sign3A_440 : i32
      %sign3A_442 = arith.extui %sign3A_441 : i1 to i32
      %sign3A_443 = arith.constant 0 : i32
      %sign3A_444 = arith.cmpi slt, %add3A_437, %sign3A_443 : i32
      %sign3A_445 = arith.extui %sign3A_444 : i1 to i32
      %sign3A_446 = arith.subi %sign3A_442, %sign3A_445 : i32
      %sign3A_447 = arith.constant 0 : i32
      %sign3A_448 = arith.cmpi sgt, %jit3A_438, %sign3A_447 : i32
      %sign3A_449 = arith.extui %sign3A_448 : i1 to i32
      %sign3A_450 = arith.constant 0 : i32
      %sign3A_451 = arith.cmpi slt, %jit3A_438, %sign3A_450 : i32
      %sign3A_452 = arith.extui %sign3A_451 : i1 to i32
      %sign3A_453 = arith.subi %sign3A_449, %sign3A_452 : i32
      %ne3A_454 = arith.cmpi ne, %sign3A_446, %sign3A_453 : i32
      %rem3A_455 = arith.remsi %add3A_437, %jit3A_438 : i32
      %ne3A_456 = arith.constant 0 : i32
      %ne3A_457 = arith.cmpi ne, %rem3A_455, %ne3A_456 : i32
      %and3A_458 = arith.andi %ne3A_454, %ne3A_457 : i1
      %sub3A_459 = arith.constant 1 : i32
      %sub3A_460 = arith.subi %div3A_439, %sub3A_459 : i32
      %select_n3A_461 = arith.select %and3A_458, %sub3A_460, %div3A_439 : i32
      %add3A_462 = arith.addi %squeeze3A_20, %select_n3A_461 : i32
      %add3A_463 = arith.constant 1 : i32
      %add3A_464 = arith.addi %select_n3A_431, %add3A_463 : i32
      %mul3A_465 = arith.muli %add3A_464, %sub3A_29 : i32
      %add3A_466 = arith.constant 6 : i32
      %add3A_467 = arith.addi %mul3A_465, %add3A_466 : i32
      %jit3A_468 = arith.constant 7 : i32
      %div3A_469 = arith.divsi %add3A_467, %jit3A_468 : i32
      %sign3A_470 = arith.constant 0 : i32
      %sign3A_471 = arith.cmpi sgt, %add3A_467, %sign3A_470 : i32
      %sign3A_472 = arith.extui %sign3A_471 : i1 to i32
      %sign3A_473 = arith.constant 0 : i32
      %sign3A_474 = arith.cmpi slt, %add3A_467, %sign3A_473 : i32
      %sign3A_475 = arith.extui %sign3A_474 : i1 to i32
      %sign3A_476 = arith.subi %sign3A_472, %sign3A_475 : i32
      %sign3A_477 = arith.constant 0 : i32
      %sign3A_478 = arith.cmpi sgt, %jit3A_468, %sign3A_477 : i32
      %sign3A_479 = arith.extui %sign3A_478 : i1 to i32
      %sign3A_480 = arith.constant 0 : i32
      %sign3A_481 = arith.cmpi slt, %jit3A_468, %sign3A_480 : i32
      %sign3A_482 = arith.extui %sign3A_481 : i1 to i32
      %sign3A_483 = arith.subi %sign3A_479, %sign3A_482 : i32
      %ne3A_484 = arith.cmpi ne, %sign3A_476, %sign3A_483 : i32
      %rem3A_485 = arith.remsi %add3A_467, %jit3A_468 : i32
      %ne3A_486 = arith.constant 0 : i32
      %ne3A_487 = arith.cmpi ne, %rem3A_485, %ne3A_486 : i32
      %and3A_488 = arith.andi %ne3A_484, %ne3A_487 : i1
      %sub3A_489 = arith.constant 1 : i32
      %sub3A_490 = arith.subi %div3A_469, %sub3A_489 : i32
      %select_n3A_491 = arith.select %and3A_488, %sub3A_490, %div3A_469 : i32
      %add3A_492 = arith.addi %squeeze3A_20, %select_n3A_491 : i32
      %eq3A_493 = arith.cmpi eq, %add3A_462, %add3A_492 : i32
      %convert_element_type3A_494 = arith.extui %eq3A_493 : i1 to i32
      %sub3A_495 = arith.subi %add3A_462, %convert_element_type3A_494 : i32
      %mul3A_496 = arith.muli %sub3A_434, %sub3A : i32
      %add3A_497 = arith.constant 6 : i32
      %add3A_498 = arith.addi %mul3A_496, %add3A_497 : i32
      %jit3A_499 = arith.constant 7 : i32
      %div3A_500 = arith.divsi %add3A_498, %jit3A_499 : i32
      %sign3A_501 = arith.constant 0 : i32
      %sign3A_502 = arith.cmpi sgt, %add3A_498, %sign3A_501 : i32
      %sign3A_503 = arith.extui %sign3A_502 : i1 to i32
      %sign3A_504 = arith.constant 0 : i32
      %sign3A_505 = arith.cmpi slt, %add3A_498, %sign3A_504 : i32
      %sign3A_506 = arith.extui %sign3A_505 : i1 to i32
      %sign3A_507 = arith.subi %sign3A_503, %sign3A_506 : i32
      %sign3A_508 = arith.constant 0 : i32
      %sign3A_509 = arith.cmpi sgt, %jit3A_499, %sign3A_508 : i32
      %sign3A_510 = arith.extui %sign3A_509 : i1 to i32
      %sign3A_511 = arith.constant 0 : i32
      %sign3A_512 = arith.cmpi slt, %jit3A_499, %sign3A_511 : i32
      %sign3A_513 = arith.extui %sign3A_512 : i1 to i32
      %sign3A_514 = arith.subi %sign3A_510, %sign3A_513 : i32
      %ne3A_515 = arith.cmpi ne, %sign3A_507, %sign3A_514 : i32
      %rem3A_516 = arith.remsi %add3A_498, %jit3A_499 : i32
      %ne3A_517 = arith.constant 0 : i32
      %ne3A_518 = arith.cmpi ne, %rem3A_516, %ne3A_517 : i32
      %and3A_519 = arith.andi %ne3A_515, %ne3A_518 : i1
      %sub3A_520 = arith.constant 1 : i32
      %sub3A_521 = arith.subi %div3A_500, %sub3A_520 : i32
      %select_n3A_522 = arith.select %and3A_519, %sub3A_521, %div3A_500 : i32
      %add3A_523 = arith.addi %squeeze3A, %select_n3A_522 : i32
      %add3A_524 = arith.constant 1 : i32
      %add3A_525 = arith.addi %sub3A_434, %add3A_524 : i32
      %mul3A_526 = arith.muli %add3A_525, %sub3A : i32
      %add3A_527 = arith.constant 6 : i32
      %add3A_528 = arith.addi %mul3A_526, %add3A_527 : i32
      %jit3A_529 = arith.constant 7 : i32
      %div3A_530 = arith.divsi %add3A_528, %jit3A_529 : i32
      %sign3A_531 = arith.constant 0 : i32
      %sign3A_532 = arith.cmpi sgt, %add3A_528, %sign3A_531 : i32
      %sign3A_533 = arith.extui %sign3A_532 : i1 to i32
      %sign3A_534 = arith.constant 0 : i32
      %sign3A_535 = arith.cmpi slt, %add3A_528, %sign3A_534 : i32
      %sign3A_536 = arith.extui %sign3A_535 : i1 to i32
      %sign3A_537 = arith.subi %sign3A_533, %sign3A_536 : i32
      %sign3A_538 = arith.constant 0 : i32
      %sign3A_539 = arith.cmpi sgt, %jit3A_529, %sign3A_538 : i32
      %sign3A_540 = arith.extui %sign3A_539 : i1 to i32
      %sign3A_541 = arith.constant 0 : i32
      %sign3A_542 = arith.cmpi slt, %jit3A_529, %sign3A_541 : i32
      %sign3A_543 = arith.extui %sign3A_542 : i1 to i32
      %sign3A_544 = arith.subi %sign3A_540, %sign3A_543 : i32
      %ne3A_545 = arith.cmpi ne, %sign3A_537, %sign3A_544 : i32
      %rem3A_546 = arith.remsi %add3A_528, %jit3A_529 : i32
      %ne3A_547 = arith.constant 0 : i32
      %ne3A_548 = arith.cmpi ne, %rem3A_546, %ne3A_547 : i32
      %and3A_549 = arith.andi %ne3A_545, %ne3A_548 : i1
      %sub3A_550 = arith.constant 1 : i32
      %sub3A_551 = arith.subi %div3A_530, %sub3A_550 : i32
      %select_n3A_552 = arith.select %and3A_549, %sub3A_551, %div3A_530 : i32
      %add3A_553 = arith.addi %squeeze3A, %select_n3A_552 : i32
      %eq3A_554 = arith.cmpi eq, %add3A_523, %add3A_553 : i32
      %convert_element_type3A_555 = arith.extui %eq3A_554 : i1 to i32
      %sub3A_556 = arith.subi %add3A_523, %convert_element_type3A_555 : i32
      %mul3A_557 = arith.constant 4 : i32
      %mul3A_558 = arith.muli %sub3A_407, %mul3A_557 : i32
      %add3A_559 = vector.broadcast %mul3A_558 : i32 to vector<16xi32>
      %add3A_560 = arith.addi %add3A_559, %iota3A : vector<16xi32>
      %sub3A_561 = arith.constant 1 : i32
      %sub3A_562 = arith.subi %mul3A_75, %sub3A_561 : i32
      %min3A_563 = vector.broadcast %sub3A_562 : i32 to vector<16xi32>
      %min3A_564 = arith.minsi %add3A_560, %min3A_563 : vector<16xi32>
      %mul3A_565 = vector.broadcast %add3A_129 : i32 to vector<16xi32>
      %mul3A_566 = arith.muli %min3A_564, %mul3A_565 : vector<16xi32>
      %shift_right_arithmetic3A_567 = arith.constant 16 : i32
      %shift_right_arithmetic3A_568 = vector.broadcast %shift_right_arithmetic3A_567 : i32 to vector<16xi32>
      %shift_right_arithmetic3A_569 = arith.shrsi %mul3A_566, %shift_right_arithmetic3A_568 : vector<16xi32>
      %mul3A_570 = vector.broadcast %select_n3A_74 : i32 to vector<16xi32>
      %mul3A_571 = arith.muli %shift_right_arithmetic3A_569, %mul3A_570 : vector<16xi32>
      %sub3A_572 = arith.subi %min3A_564, %mul3A_571 : vector<16xi32>
      %add3A_573 = vector.broadcast %sub3A_495 : i32 to vector<16xi32>
      %add3A_574 = arith.addi %add3A_573, %shift_right_arithmetic3A_569 : vector<16xi32>
      %sub3A_575 = arith.constant 1 : i32
      %sub3A_576 = arith.subi %add3A_492, %sub3A_575 : i32
      %min3A_577 = vector.broadcast %sub3A_576 : i32 to vector<16xi32>
      %min3A_578 = arith.minsi %add3A_574, %min3A_577 : vector<16xi32>
      %add3A_579 = vector.broadcast %sub3A_556 : i32 to vector<16xi32>
      %add3A_580 = arith.addi %add3A_579, %sub3A_572 : vector<16xi32>
      %sub3A_581 = arith.constant 1 : i32
      %sub3A_582 = arith.subi %add3A_553, %sub3A_581 : i32
      %min3A_583 = vector.broadcast %sub3A_582 : i32 to vector<16xi32>
      %min3A_584 = arith.minsi %add3A_580, %min3A_583 : vector<16xi32>
      %mul3A_585 = arith.constant 64 : i32
      %mul3A_586 = vector.broadcast %mul3A_585 : i32 to vector<16xi32>
      %mul3A_587 = arith.muli %min3A_578, %mul3A_586 : vector<16xi32>
      %add3A_588 = vector.broadcast %mul3A_155 : i32 to vector<16xi32>
      %add3A_589 = arith.addi %add3A_588, %mul3A_587 : vector<16xi32>
      %add3A_590 = arith.addi %add3A_589, %min3A_584 : vector<16xi32>
      %swap3A_591 = arith.constant 1 : i32
      %swap3A_592 = arith.index_cast %swap3A_591 : i32 to index
      %swap3A_593 = arith.constant 0 : index
      %swap3A_594 = tpu.vector_load %arg6[%swap3A_592, %swap3A_593] {strides = array<i32>} : memref<8x16xi32, #tpu.memory_space<vmem>>, vector<1x16xi32>,
      %swap3A_595 = vector.shape_cast %swap3A_594 : vector<1x16xi32> to vector<16xi32>
      %swap3A_596 = vector.shape_cast %add3A_590 : vector<16xi32> to vector<1x16xi32>
      tpu.vector_store %arg6[%swap3A_592, %swap3A_593], %swap3A_596 {strides = array<i32>} : memref<8x16xi32, #tpu.memory_space<vmem>>, vector<1x16xi32>,
      %dma_start3A_597 = arith.constant 1 : i32
      %dma_start3A_598 = arith.constant 1 : i32
      %dma_start3A_599 = arith.constant 0 : i32
      %dma_start3A_600 = arith.constant 0 : i32
      %dma_start3A_601 = tpu.memref_slice %arg7[%dma_start3A_598, %dma_start3A_599, %dma_start3A_600] : memref<8x4x384xf32, #tpu.memory_space<vmem>> -> memref<1x4x384xf32, #tpu.memory_space<vmem>>
      %dma_start3A_602 = tpu.memref_squeeze %dma_start3A_601 : memref<1x4x384xf32, #tpu.memory_space<vmem>> -> memref<4x384xf32, #tpu.memory_space<vmem>>
      %dma_start3A_603 = arith.constant 0 : i32
      %dma_start3A_604 = tpu.memref_slice %arg6[%dma_start3A_597, %dma_start3A_603] : memref<8x16xi32, #tpu.memory_space<vmem>> -> memref<1x4xi32, #tpu.memory_space<vmem>>
      %dma_start3A_605 = tpu.memref_squeeze %dma_start3A_604 : memref<1x4xi32, #tpu.memory_space<vmem>> -> memref<4xi32, #tpu.memory_space<vmem>>
      %dma_start3A_606 = arith.constant 0 : i32
      %dma_start3A_607 = arith.constant 0 : i32
      %dma_start3A_608 = tpu.memref_slice %arg2[%dma_start3A_606, %dma_start3A_607] : memref<16384x384xf32, #tpu.memory_space<hbm>> -> memref<16384x384xf32, #tpu.memory_space<hbm>>
      tpu.enqueue_indirect_dma source(%dma_start3A_608 : memref<16384x384xf32, #tpu.memory_space<hbm>>) target(%dma_start3A_602 : memref<4x384xf32, #tpu.memory_space<vmem>>) offsets(%dma_start3A_605 : memref<4xi32, #tpu.memory_space<vmem>>) semaphore(%arg9 : memref<!tpu.dma_semaphore, #tpu.memory_space<semaphore_mem>>)
      %jit3A_609 = arith.constant 2 : i32
      %div3A_610 = arith.divsi %jit3A_609, %select_n3A_103 : i32
      %sign3A_611 = arith.constant 0 : i32
      %sign3A_612 = arith.cmpi sgt, %jit3A_609, %sign3A_611 : i32
      %sign3A_613 = arith.extui %sign3A_612 : i1 to i32
      %sign3A_614 = arith.constant 0 : i32
      %sign3A_615 = arith.cmpi slt, %jit3A_609, %sign3A_614 : i32
      %sign3A_616 = arith.extui %sign3A_615 : i1 to i32
      %sign3A_617 = arith.subi %sign3A_613, %sign3A_616 : i32
      %sign3A_618 = arith.constant 0 : i32
      %sign3A_619 = arith.cmpi sgt, %select_n3A_103, %sign3A_618 : i32
      %sign3A_620 = arith.extui %sign3A_619 : i1 to i32
      %sign3A_621 = arith.constant 0 : i32
      %sign3A_622 = arith.cmpi slt, %select_n3A_103, %sign3A_621 : i32
      %sign3A_623 = arith.extui %sign3A_622 : i1 to i32
      %sign3A_624 = arith.subi %sign3A_620, %sign3A_623 : i32
      %ne3A_625 = arith.cmpi ne, %sign3A_617, %sign3A_624 : i32
      %rem3A_626 = arith.remsi %jit3A_609, %select_n3A_103 : i32
      %ne3A_627 = arith.constant 0 : i32
      %ne3A_628 = arith.cmpi ne, %rem3A_626, %ne3A_627 : i32
      %and3A_629 = arith.andi %ne3A_625, %ne3A_628 : i1
      %sub3A_630 = arith.constant 1 : i32
      %sub3A_631 = arith.subi %div3A_610, %sub3A_630 : i32
      %select_n3A_632 = arith.select %and3A_629, %sub3A_631, %div3A_610 : i32
      %mul3A_633 = arith.muli %select_n3A_632, %select_n3A_103 : i32
      %sub3A_634 = arith.constant 2 : i32
      %sub3A_635 = arith.subi %sub3A_634, %mul3A_633 : i32
      %jit3A_636 = arith.constant 7 : i32
      %div3A_637 = arith.divsi %select_n3A_632, %jit3A_636 : i32
      %sign3A_638 = arith.constant 0 : i32
      %sign3A_639 = arith.cmpi sgt, %select_n3A_632, %sign3A_638 : i32
      %sign3A_640 = arith.extui %sign3A_639 : i1 to i32
      %sign3A_641 = arith.constant 0 : i32
      %sign3A_642 = arith.cmpi slt, %select_n3A_632, %sign3A_641 : i32
      %sign3A_643 = arith.extui %sign3A_642 : i1 to i32
      %sign3A_644 = arith.subi %sign3A_640, %sign3A_643 : i32
      %sign3A_645 = arith.constant 0 : i32
      %sign3A_646 = arith.cmpi sgt, %jit3A_636, %sign3A_645 : i32
      %sign3A_647 = arith.extui %sign3A_646 : i1 to i32
      %sign3A_648 = arith.constant 0 : i32
      %sign3A_649 = arith.cmpi slt, %jit3A_636, %sign3A_648 : i32
      %sign3A_650 = arith.extui %sign3A_649 : i1 to i32
      %sign3A_651 = arith.subi %sign3A_647, %sign3A_650 : i32
      %ne3A_652 = arith.cmpi ne, %sign3A_644, %sign3A_651 : i32
      %rem3A_653 = arith.remsi %select_n3A_632, %jit3A_636 : i32
      %ne3A_654 = arith.constant 0 : i32
      %ne3A_655 = arith.cmpi ne, %rem3A_653, %ne3A_654 : i32
      %and3A_656 = arith.andi %ne3A_652, %ne3A_655 : i1
      %sub3A_657 = arith.constant 1 : i32
      %sub3A_658 = arith.subi %div3A_637, %sub3A_657 : i32
      %select_n3A_659 = arith.select %and3A_656, %sub3A_658, %div3A_637 : i32
      %mul3A_660 = arith.constant 7 : i32
      %mul3A_661 = arith.muli %select_n3A_659, %mul3A_660 : i32
      %sub3A_662 = arith.subi %select_n3A_632, %mul3A_661 : i32
      %mul3A_663 = arith.muli %select_n3A_659, %sub3A_29 : i32
      %add3A_664 = arith.constant 6 : i32
      %add3A_665 = arith.addi %mul3A_663, %add3A_664 : i32
      %jit3A_666 = arith.constant 7 : i32
      %div3A_667 = arith.divsi %add3A_665, %jit3A_666 : i32
      %sign3A_668 = arith.constant 0 : i32
      %sign3A_669 = arith.cmpi sgt, %add3A_665, %sign3A_668 : i32
      %sign3A_670 = arith.extui %sign3A_669 : i1 to i32
      %sign3A_671 = arith.constant 0 : i32
      %sign3A_672 = arith.cmpi slt, %add3A_665, %sign3A_671 : i32
      %sign3A_673 = arith.extui %sign3A_672 : i1 to i32
      %sign3A_674 = arith.subi %sign3A_670, %sign3A_673 : i32
      %sign3A_675 = arith.constant 0 : i32
      %sign3A_676 = arith.cmpi sgt, %jit3A_666, %sign3A_675 : i32
      %sign3A_677 = arith.extui %sign3A_676 : i1 to i32
      %sign3A_678 = arith.constant 0 : i32
      %sign3A_679 = arith.cmpi slt, %jit3A_666, %sign3A_678 : i32
      %sign3A_680 = arith.extui %sign3A_679 : i1 to i32
      %sign3A_681 = arith.subi %sign3A_677, %sign3A_680 : i32
      %ne3A_682 = arith.cmpi ne, %sign3A_674, %sign3A_681 : i32
      %rem3A_683 = arith.remsi %add3A_665, %jit3A_666 : i32
      %ne3A_684 = arith.constant 0 : i32
      %ne3A_685 = arith.cmpi ne, %rem3A_683, %ne3A_684 : i32
      %and3A_686 = arith.andi %ne3A_682, %ne3A_685 : i1
      %sub3A_687 = arith.constant 1 : i32
      %sub3A_688 = arith.subi %div3A_667, %sub3A_687 : i32
      %select_n3A_689 = arith.select %and3A_686, %sub3A_688, %div3A_667 : i32
      %add3A_690 = arith.addi %squeeze3A_20, %select_n3A_689 : i32
      %add3A_691 = arith.constant 1 : i32
      %add3A_692 = arith.addi %select_n3A_659, %add3A_691 : i32
      %mul3A_693 = arith.muli %add3A_692, %sub3A_29 : i32
      %add3A_694 = arith.constant 6 : i32
      %add3A_695 = arith.addi %mul3A_693, %add3A_694 : i32
      %jit3A_696 = arith.constant 7 : i32
      %div3A_697 = arith.divsi %add3A_695, %jit3A_696 : i32
      %sign3A_698 = arith.constant 0 : i32
      %sign3A_699 = arith.cmpi sgt, %add3A_695, %sign3A_698 : i32
      %sign3A_700 = arith.extui %sign3A_699 : i1 to i32
      %sign3A_701 = arith.constant 0 : i32
      %sign3A_702 = arith.cmpi slt, %add3A_695, %sign3A_701 : i32
      %sign3A_703 = arith.extui %sign3A_702 : i1 to i32
      %sign3A_704 = arith.subi %sign3A_700, %sign3A_703 : i32
      %sign3A_705 = arith.constant 0 : i32
      %sign3A_706 = arith.cmpi sgt, %jit3A_696, %sign3A_705 : i32
      %sign3A_707 = arith.extui %sign3A_706 : i1 to i32
      %sign3A_708 = arith.constant 0 : i32
      %sign3A_709 = arith.cmpi slt, %jit3A_696, %sign3A_708 : i32
      %sign3A_710 = arith.extui %sign3A_709 : i1 to i32
      %sign3A_711 = arith.subi %sign3A_707, %sign3A_710 : i32
      %ne3A_712 = arith.cmpi ne, %sign3A_704, %sign3A_711 : i32
      %rem3A_713 = arith.remsi %add3A_695, %jit3A_696 : i32
      %ne3A_714 = arith.constant 0 : i32
      %ne3A_715 = arith.cmpi ne, %rem3A_713, %ne3A_714 : i32
      %and3A_716 = arith.andi %ne3A_712, %ne3A_715 : i1
      %sub3A_717 = arith.constant 1 : i32
      %sub3A_718 = arith.subi %div3A_697, %sub3A_717 : i32
      %select_n3A_719 = arith.select %and3A_716, %sub3A_718, %div3A_697 : i32
      %add3A_720 = arith.addi %squeeze3A_20, %select_n3A_719 : i32
      %eq3A_721 = arith.cmpi eq, %add3A_690, %add3A_720 : i32
      %convert_element_type3A_722 = arith.extui %eq3A_721 : i1 to i32
      %sub3A_723 = arith.subi %add3A_690, %convert_element_type3A_722 : i32
      %mul3A_724 = arith.muli %sub3A_662, %sub3A : i32
      %add3A_725 = arith.constant 6 : i32
      %add3A_726 = arith.addi %mul3A_724, %add3A_725 : i32
      %jit3A_727 = arith.constant 7 : i32
      %div3A_728 = arith.divsi %add3A_726, %jit3A_727 : i32
      %sign3A_729 = arith.constant 0 : i32
      %sign3A_730 = arith.cmpi sgt, %add3A_726, %sign3A_729 : i32
      %sign3A_731 = arith.extui %sign3A_730 : i1 to i32
      %sign3A_732 = arith.constant 0 : i32
      %sign3A_733 = arith.cmpi slt, %add3A_726, %sign3A_732 : i32
      %sign3A_734 = arith.extui %sign3A_733 : i1 to i32
      %sign3A_735 = arith.subi %sign3A_731, %sign3A_734 : i32
      %sign3A_736 = arith.constant 0 : i32
      %sign3A_737 = arith.cmpi sgt, %jit3A_727, %sign3A_736 : i32
      %sign3A_738 = arith.extui %sign3A_737 : i1 to i32
      %sign3A_739 = arith.constant 0 : i32
      %sign3A_740 = arith.cmpi slt, %jit3A_727, %sign3A_739 : i32
      %sign3A_741 = arith.extui %sign3A_740 : i1 to i32
      %sign3A_742 = arith.subi %sign3A_738, %sign3A_741 : i32
      %ne3A_743 = arith.cmpi ne, %sign3A_735, %sign3A_742 : i32
      %rem3A_744 = arith.remsi %add3A_726, %jit3A_727 : i32
      %ne3A_745 = arith.constant 0 : i32
      %ne3A_746 = arith.cmpi ne, %rem3A_744, %ne3A_745 : i32
      %and3A_747 = arith.andi %ne3A_743, %ne3A_746 : i1
      %sub3A_748 = arith.constant 1 : i32
      %sub3A_749 = arith.subi %div3A_728, %sub3A_748 : i32
      %select_n3A_750 = arith.select %and3A_747, %sub3A_749, %div3A_728 : i32
      %add3A_751 = arith.addi %squeeze3A, %select_n3A_750 : i32
      %add3A_752 = arith.constant 1 : i32
      %add3A_753 = arith.addi %sub3A_662, %add3A_752 : i32
      %mul3A_754 = arith.muli %add3A_753, %sub3A : i32
      %add3A_755 = arith.constant 6 : i32
      %add3A_756 = arith.addi %mul3A_754, %add3A_755 : i32
      %jit3A_757 = arith.constant 7 : i32
      %div3A_758 = arith.divsi %add3A_756, %jit3A_757 : i32
      %sign3A_759 = arith.constant 0 : i32
      %sign3A_760 = arith.cmpi sgt, %add3A_756, %sign3A_759 : i32
      %sign3A_761 = arith.extui %sign3A_760 : i1 to i32
      %sign3A_762 = arith.constant 0 : i32
      %sign3A_763 = arith.cmpi slt, %add3A_756, %sign3A_762 : i32
      %sign3A_764 = arith.extui %sign3A_763 : i1 to i32
      %sign3A_765 = arith.subi %sign3A_761, %sign3A_764 : i32
      %sign3A_766 = arith.constant 0 : i32
      %sign3A_767 = arith.cmpi sgt, %jit3A_757, %sign3A_766 : i32
      %sign3A_768 = arith.extui %sign3A_767 : i1 to i32
      %sign3A_769 = arith.constant 0 : i32
      %sign3A_770 = arith.cmpi slt, %jit3A_757, %sign3A_769 : i32
      %sign3A_771 = arith.extui %sign3A_770 : i1 to i32
      %sign3A_772 = arith.subi %sign3A_768, %sign3A_771 : i32
      %ne3A_773 = arith.cmpi ne, %sign3A_765, %sign3A_772 : i32
      %rem3A_774 = arith.remsi %add3A_756, %jit3A_757 : i32
      %ne3A_775 = arith.constant 0 : i32
      %ne3A_776 = arith.cmpi ne, %rem3A_774, %ne3A_775 : i32
      %and3A_777 = arith.andi %ne3A_773, %ne3A_776 : i1
      %sub3A_778 = arith.constant 1 : i32
      %sub3A_779 = arith.subi %div3A_758, %sub3A_778 : i32
      %select_n3A_780 = arith.select %and3A_777, %sub3A_779, %div3A_758 : i32
      %add3A_781 = arith.addi %squeeze3A, %select_n3A_780 : i32
      %eq3A_782 = arith.cmpi eq, %add3A_751, %add3A_781 : i32
      %convert_element_type3A_783 = arith.extui %eq3A_782 : i1 to i32
      %sub3A_784 = arith.subi %add3A_751, %convert_element_type3A_783 : i32
      %mul3A_785 = arith.constant 4 : i32
      %mul3A_786 = arith.muli %sub3A_635, %mul3A_785 : i32
      %add3A_787 = vector.broadcast %mul3A_786 : i32 to vector<16xi32>
      %add3A_788 = arith.addi %add3A_787, %iota3A : vector<16xi32>
      %sub3A_789 = arith.constant 1 : i32
      %sub3A_790 = arith.subi %mul3A_75, %sub3A_789 : i32
      %min3A_791 = vector.broadcast %sub3A_790 : i32 to vector<16xi32>
      %min3A_792 = arith.minsi %add3A_788, %min3A_791 : vector<16xi32>
      %mul3A_793 = vector.broadcast %add3A_129 : i32 to vector<16xi32>
      %mul3A_794 = arith.muli %min3A_792, %mul3A_793 : vector<16xi32>
      %shift_right_arithmetic3A_795 = arith.constant 16 : i32
      %shift_right_arithmetic3A_796 = vector.broadcast %shift_right_arithmetic3A_795 : i32 to vector<16xi32>
      %shift_right_arithmetic3A_797 = arith.shrsi %mul3A_794, %shift_right_arithmetic3A_796 : vector<16xi32>
      %mul3A_798 = vector.broadcast %select_n3A_74 : i32 to vector<16xi32>
      %mul3A_799 = arith.muli %shift_right_arithmetic3A_797, %mul3A_798 : vector<16xi32>
      %sub3A_800 = arith.subi %min3A_792, %mul3A_799 : vector<16xi32>
      %add3A_801 = vector.broadcast %sub3A_723 : i32 to vector<16xi32>
      %add3A_802 = arith.addi %add3A_801, %shift_right_arithmetic3A_797 : vector<16xi32>
      %sub3A_803 = arith.constant 1 : i32
      %sub3A_804 = arith.subi %add3A_720, %sub3A_803 : i32
      %min3A_805 = vector.broadcast %sub3A_804 : i32 to vector<16xi32>
      %min3A_806 = arith.minsi %add3A_802, %min3A_805 : vector<16xi32>
      %add3A_807 = vector.broadcast %sub3A_784 : i32 to vector<16xi32>
      %add3A_808 = arith.addi %add3A_807, %sub3A_800 : vector<16xi32>
      %sub3A_809 = arith.constant 1 : i32
      %sub3A_810 = arith.subi %add3A_781, %sub3A_809 : i32
      %min3A_811 = vector.broadcast %sub3A_810 : i32 to vector<16xi32>
      %min3A_812 = arith.minsi %add3A_808, %min3A_811 : vector<16xi32>
      %mul3A_813 = arith.constant 64 : i32
      %mul3A_814 = vector.broadcast %mul3A_813 : i32 to vector<16xi32>
      %mul3A_815 = arith.muli %min3A_806, %mul3A_814 : vector<16xi32>
      %add3A_816 = vector.broadcast %mul3A_155 : i32 to vector<16xi32>
      %add3A_817 = arith.addi %add3A_816, %mul3A_815 : vector<16xi32>
      %add3A_818 = arith.addi %add3A_817, %min3A_812 : vector<16xi32>
      %swap3A_819 = arith.constant 2 : i32
      %swap3A_820 = arith.index_cast %swap3A_819 : i32 to index
      %swap3A_821 = arith.constant 0 : index
      %swap3A_822 = tpu.vector_load %arg6[%swap3A_820, %swap3A_821] {strides = array<i32>} : memref<8x16xi32, #tpu.memory_space<vmem>>, vector<1x16xi32>,
      %swap3A_823 = vector.shape_cast %swap3A_822 : vector<1x16xi32> to vector<16xi32>
      %swap3A_824 = vector.shape_cast %add3A_818 : vector<16xi32> to vector<1x16xi32>
      tpu.vector_store %arg6[%swap3A_820, %swap3A_821], %swap3A_824 {strides = array<i32>} : memref<8x16xi32, #tpu.memory_space<vmem>>, vector<1x16xi32>,
      %dma_start3A_825 = arith.constant 2 : i32
      %dma_start3A_826 = arith.constant 2 : i32
      %dma_start3A_827 = arith.constant 0 : i32
      %dma_start3A_828 = arith.constant 0 : i32
      %dma_start3A_829 = tpu.memref_slice %arg7[%dma_start3A_826, %dma_start3A_827, %dma_start3A_828] : memref<8x4x384xf32, #tpu.memory_space<vmem>> -> memref<1x4x384xf32, #tpu.memory_space<vmem>>
      %dma_start3A_830 = tpu.memref_squeeze %dma_start3A_829 : memref<1x4x384xf32, #tpu.memory_space<vmem>> -> memref<4x384xf32, #tpu.memory_space<vmem>>
      %dma_start3A_831 = arith.constant 0 : i32
      %dma_start3A_832 = tpu.memref_slice %arg6[%dma_start3A_825, %dma_start3A_831] : memref<8x16xi32, #tpu.memory_space<vmem>> -> memref<1x4xi32, #tpu.memory_space<vmem>>
      %dma_start3A_833 = tpu.memref_squeeze %dma_start3A_832 : memref<1x4xi32, #tpu.memory_space<vmem>> -> memref<4xi32, #tpu.memory_space<vmem>>
      %dma_start3A_834 = arith.constant 0 : i32
      %dma_start3A_835 = arith.constant 0 : i32
      %dma_start3A_836 = tpu.memref_slice %arg2[%dma_start3A_834, %dma_start3A_835] : memref<16384x384xf32, #tpu.memory_space<hbm>> -> memref<16384x384xf32, #tpu.memory_space<hbm>>
      tpu.enqueue_indirect_dma source(%dma_start3A_836 : memref<16384x384xf32, #tpu.memory_space<hbm>>) target(%dma_start3A_830 : memref<4x384xf32, #tpu.memory_space<vmem>>) offsets(%dma_start3A_833 : memref<4xi32, #tpu.memory_space<vmem>>) semaphore(%arg9 : memref<!tpu.dma_semaphore, #tpu.memory_space<semaphore_mem>>)
      %jit3A_837 = arith.constant 3 : i32
      %div3A_838 = arith.divsi %jit3A_837, %select_n3A_103 : i32
      %sign3A_839 = arith.constant 0 : i32
      %sign3A_840 = arith.cmpi sgt, %jit3A_837, %sign3A_839 : i32
      %sign3A_841 = arith.extui %sign3A_840 : i1 to i32
      %sign3A_842 = arith.constant 0 : i32
      %sign3A_843 = arith.cmpi slt, %jit3A_837, %sign3A_842 : i32
      %sign3A_844 = arith.extui %sign3A_843 : i1 to i32
      %sign3A_845 = arith.subi %sign3A_841, %sign3A_844 : i32
      %sign3A_846 = arith.constant 0 : i32
      %sign3A_847 = arith.cmpi sgt, %select_n3A_103, %sign3A_846 : i32
      %sign3A_848 = arith.extui %sign3A_847 : i1 to i32
      %sign3A_849 = arith.constant 0 : i32
      %sign3A_850 = arith.cmpi slt, %select_n3A_103, %sign3A_849 : i32
      %sign3A_851 = arith.extui %sign3A_850 : i1 to i32
      %sign3A_852 = arith.subi %sign3A_848, %sign3A_851 : i32
      %ne3A_853 = arith.cmpi ne, %sign3A_845, %sign3A_852 : i32
      %rem3A_854 = arith.remsi %jit3A_837, %select_n3A_103 : i32
      %ne3A_855 = arith.constant 0 : i32
      %ne3A_856 = arith.cmpi ne, %rem3A_854, %ne3A_855 : i32
      %and3A_857 = arith.andi %ne3A_853, %ne3A_856 : i1
      %sub3A_858 = arith.constant 1 : i32
      %sub3A_859 = arith.subi %div3A_838, %sub3A_858 : i32
      %select_n3A_860 = arith.select %and3A_857, %sub3A_859, %div3A_838 : i32
      %mul3A_861 = arith.muli %select_n3A_860, %select_n3A_103 : i32
      %sub3A_862 = arith.constant 3 : i32
      %sub3A_863 = arith.subi %sub3A_862, %mul3A_861 : i32
      %jit3A_864 = arith.constant 7 : i32
      %div3A_865 = arith.divsi %select_n3A_860, %jit3A_864 : i32
      %sign3A_866 = arith.constant 0 : i32
      %sign3A_867 = arith.cmpi sgt, %select_n3A_860, %sign3A_866 : i32
      %sign3A_868 = arith.extui %sign3A_867 : i1 to i32
      %sign3A_869 = arith.constant 0 : i32
      %sign3A_870 = arith.cmpi slt, %select_n3A_860, %sign3A_869 : i32
      %sign3A_871 = arith.extui %sign3A_870 : i1 to i32
      %sign3A_872 = arith.subi %sign3A_868, %sign3A_871 : i32
      %sign3A_873 = arith.constant 0 : i32
      %sign3A_874 = arith.cmpi sgt, %jit3A_864, %sign3A_873 : i32
      %sign3A_875 = arith.extui %sign3A_874 : i1 to i32
      %sign3A_876 = arith.constant 0 : i32
      %sign3A_877 = arith.cmpi slt, %jit3A_864, %sign3A_876 : i32
      %sign3A_878 = arith.extui %sign3A_877 : i1 to i32
      %sign3A_879 = arith.subi %sign3A_875, %sign3A_878 : i32
      %ne3A_880 = arith.cmpi ne, %sign3A_872, %sign3A_879 : i32
      %rem3A_881 = arith.remsi %select_n3A_860, %jit3A_864 : i32
      %ne3A_882 = arith.constant 0 : i32
      %ne3A_883 = arith.cmpi ne, %rem3A_881, %ne3A_882 : i32
      %and3A_884 = arith.andi %ne3A_880, %ne3A_883 : i1
      %sub3A_885 = arith.constant 1 : i32
      %sub3A_886 = arith.subi %div3A_865, %sub3A_885 : i32
      %select_n3A_887 = arith.select %and3A_884, %sub3A_886, %div3A_865 : i32
      %mul3A_888 = arith.constant 7 : i32
      %mul3A_889 = arith.muli %select_n3A_887, %mul3A_888 : i32
      %sub3A_890 = arith.subi %select_n3A_860, %mul3A_889 : i32
      %mul3A_891 = arith.muli %select_n3A_887, %sub3A_29 : i32
      %add3A_892 = arith.constant 6 : i32
      %add3A_893 = arith.addi %mul3A_891, %add3A_892 : i32
      %jit3A_894 = arith.constant 7 : i32
      %div3A_895 = arith.divsi %add3A_893, %jit3A_894 : i32
      %sign3A_896 = arith.constant 0 : i32
      %sign3A_897 = arith.cmpi sgt, %add3A_893, %sign3A_896 : i32
      %sign3A_898 = arith.extui %sign3A_897 : i1 to i32
      %sign3A_899 = arith.constant 0 : i32
      %sign3A_900 = arith.cmpi slt, %add3A_893, %sign3A_899 : i32
      %sign3A_901 = arith.extui %sign3A_900 : i1 to i32
      %sign3A_902 = arith.subi %sign3A_898, %sign3A_901 : i32
      %sign3A_903 = arith.constant 0 : i32
      %sign3A_904 = arith.cmpi sgt, %jit3A_894, %sign3A_903 : i32
      %sign3A_905 = arith.extui %sign3A_904 : i1 to i32
      %sign3A_906 = arith.constant 0 : i32
      %sign3A_907 = arith.cmpi slt, %jit3A_894, %sign3A_906 : i32
      %sign3A_908 = arith.extui %sign3A_907 : i1 to i32
      %sign3A_909 = arith.subi %sign3A_905, %sign3A_908 : i32
      %ne3A_910 = arith.cmpi ne, %sign3A_902, %sign3A_909 : i32
      %rem3A_911 = arith.remsi %add3A_893, %jit3A_894 : i32
      %ne3A_912 = arith.constant 0 : i32
      %ne3A_913 = arith.cmpi ne, %rem3A_911, %ne3A_912 : i32
      %and3A_914 = arith.andi %ne3A_910, %ne3A_913 : i1
      %sub3A_915 = arith.constant 1 : i32
      %sub3A_916 = arith.subi %div3A_895, %sub3A_915 : i32
      %select_n3A_917 = arith.select %and3A_914, %sub3A_916, %div3A_895 : i32
      %add3A_918 = arith.addi %squeeze3A_20, %select_n3A_917 : i32
      %add3A_919 = arith.constant 1 : i32
      %add3A_920 = arith.addi %select_n3A_887, %add3A_919 : i32
      %mul3A_921 = arith.muli %add3A_920, %sub3A_29 : i32
      %add3A_922 = arith.constant 6 : i32
      %add3A_923 = arith.addi %mul3A_921, %add3A_922 : i32
      %jit3A_924 = arith.constant 7 : i32
      %div3A_925 = arith.divsi %add3A_923, %jit3A_924 : i32
      %sign3A_926 = arith.constant 0 : i32
      %sign3A_927 = arith.cmpi sgt, %add3A_923, %sign3A_926 : i32
      %sign3A_928 = arith.extui %sign3A_927 : i1 to i32
      %sign3A_929 = arith.constant 0 : i32
      %sign3A_930 = arith.cmpi slt, %add3A_923, %sign3A_929 : i32
      %sign3A_931 = arith.extui %sign3A_930 : i1 to i32
      %sign3A_932 = arith.subi %sign3A_928, %sign3A_931 : i32
      %sign3A_933 = arith.constant 0 : i32
      %sign3A_934 = arith.cmpi sgt, %jit3A_924, %sign3A_933 : i32
      %sign3A_935 = arith.extui %sign3A_934 : i1 to i32
      %sign3A_936 = arith.constant 0 : i32
      %sign3A_937 = arith.cmpi slt, %jit3A_924, %sign3A_936 : i32
      %sign3A_938 = arith.extui %sign3A_937 : i1 to i32
      %sign3A_939 = arith.subi %sign3A_935, %sign3A_938 : i32
      %ne3A_940 = arith.cmpi ne, %sign3A_932, %sign3A_939 : i32
      %rem3A_941 = arith.remsi %add3A_923, %jit3A_924 : i32
      %ne3A_942 = arith.constant 0 : i32
      %ne3A_943 = arith.cmpi ne, %rem3A_941, %ne3A_942 : i32
      %and3A_944 = arith.andi %ne3A_940, %ne3A_943 : i1
      %sub3A_945 = arith.constant 1 : i32
      %sub3A_946 = arith.subi %div3A_925, %sub3A_945 : i32
      %select_n3A_947 = arith.select %and3A_944, %sub3A_946, %div3A_925 : i32
      %add3A_948 = arith.addi %squeeze3A_20, %select_n3A_947 : i32
      %eq3A_949 = arith.cmpi eq, %add3A_918, %add3A_948 : i32
      %convert_element_type3A_950 = arith.extui %eq3A_949 : i1 to i32
      %sub3A_951 = arith.subi %add3A_918, %convert_element_type3A_950 : i32
      %mul3A_952 = arith.muli %sub3A_890, %sub3A : i32
      %add3A_953 = arith.constant 6 : i32
      %add3A_954 = arith.addi %mul3A_952, %add3A_953 : i32
      %jit3A_955 = arith.constant 7 : i32
      %div3A_956 = arith.divsi %add3A_954, %jit3A_955 : i32
      %sign3A_957 = arith.constant 0 : i32
      %sign3A_958 = arith.cmpi sgt, %add3A_954, %sign3A_957 : i32
      %sign3A_959 = arith.extui %sign3A_958 : i1 to i32
      %sign3A_960 = arith.constant 0 : i32
      %sign3A_961 = arith.cmpi slt, %add3A_954, %sign3A_960 : i32
      %sign3A_962 = arith.extui %sign3A_961 : i1 to i32
      %sign3A_963 = arith.subi %sign3A_959, %sign3A_962 : i32
      %sign3A_964 = arith.constant 0 : i32
      %sign3A_965 = arith.cmpi sgt, %jit3A_955, %sign3A_964 : i32
      %sign3A_966 = arith.extui %sign3A_965 : i1 to i32
      %sign3A_967 = arith.constant 0 : i32
      %sign3A_968 = arith.cmpi slt, %jit3A_955, %sign3A_967 : i32
      %sign3A_969 = arith.extui %sign3A_968 : i1 to i32
      %sign3A_970 = arith.subi %sign3A_966, %sign3A_969 : i32
      %ne3A_971 = arith.cmpi ne, %sign3A_963, %sign3A_970 : i32
      %rem3A_972 = arith.remsi %add3A_954, %jit3A_955 : i32
      %ne3A_973 = arith.constant 0 : i32
      %ne3A_974 = arith.cmpi ne, %rem3A_972, %ne3A_973 : i32
      %and3A_975 = arith.andi %ne3A_971, %ne3A_974 : i1
      %sub3A_976 = arith.constant 1 : i32
      %sub3A_977 = arith.subi %div3A_956, %sub3A_976 : i32
      %select_n3A_978 = arith.select %and3A_975, %sub3A_977, %div3A_956 : i32
      %add3A_979 = arith.addi %squeeze3A, %select_n3A_978 : i32
      %add3A_980 = arith.constant 1 : i32
      %add3A_981 = arith.addi %sub3A_890, %add3A_980 : i32
      %mul3A_982 = arith.muli %add3A_981, %sub3A : i32
      %add3A_983 = arith.constant 6 : i32
      %add3A_984 = arith.addi %mul3A_982, %add3A_983 : i32
      %jit3A_985 = arith.constant 7 : i32
      %div3A_986 = arith.divsi %add3A_984, %jit3A_985 : i32
      %sign3A_987 = arith.constant 0 : i32
      %sign3A_988 = arith.cmpi sgt, %add3A_984, %sign3A_987 : i32
      %sign3A_989 = arith.extui %sign3A_988 : i1 to i32
      %sign3A_990 = arith.constant 0 : i32
      %sign3A_991 = arith.cmpi slt, %add3A_984, %sign3A_990 : i32
      %sign3A_992 = arith.extui %sign3A_991 : i1 to i32
      %sign3A_993 = arith.subi %sign3A_989, %sign3A_992 : i32
      %sign3A_994 = arith.constant 0 : i32
      %sign3A_995 = arith.cmpi sgt, %jit3A_985, %sign3A_994 : i32
      %sign3A_996 = arith.extui %sign3A_995 : i1 to i32
      %sign3A_997 = arith.constant 0 : i32
      %sign3A_998 = arith.cmpi slt, %jit3A_985, %sign3A_997 : i32
      %sign3A_999 = arith.extui %sign3A_998 : i1 to i32
      %sign3A_1000 = arith.subi %sign3A_996, %sign3A_999 : i32
      %ne3A_1001 = arith.cmpi ne, %sign3A_993, %sign3A_1000 : i32
      %rem3A_1002 = arith.remsi %add3A_984, %jit3A_985 : i32
      %ne3A_1003 = arith.constant 0 : i32
      %ne3A_1004 = arith.cmpi ne, %rem3A_1002, %ne3A_1003 : i32
      %and3A_1005 = arith.andi %ne3A_1001, %ne3A_1004 : i1
      %sub3A_1006 = arith.constant 1 : i32
      %sub3A_1007 = arith.subi %div3A_986, %sub3A_1006 : i32
      %select_n3A_1008 = arith.select %and3A_1005, %sub3A_1007, %div3A_986 : i32
      %add3A_1009 = arith.addi %squeeze3A, %select_n3A_1008 : i32
      %eq3A_1010 = arith.cmpi eq, %add3A_979, %add3A_1009 : i32
      %convert_element_type3A_1011 = arith.extui %eq3A_1010 : i1 to i32
      %sub3A_1012 = arith.subi %add3A_979, %convert_element_type3A_1011 : i32
      %mul3A_1013 = arith.constant 4 : i32
      %mul3A_1014 = arith.muli %sub3A_863, %mul3A_1013 : i32
      %add3A_1015 = vector.broadcast %mul3A_1014 : i32 to vector<16xi32>
      %add3A_1016 = arith.addi %add3A_1015, %iota3A : vector<16xi32>
      %sub3A_1017 = arith.constant 1 : i32
      %sub3A_1018 = arith.subi %mul3A_75, %sub3A_1017 : i32
      %min3A_1019 = vector.broadcast %sub3A_1018 : i32 to vector<16xi32>
      %min3A_1020 = arith.minsi %add3A_1016, %min3A_1019 : vector<16xi32>
      %mul3A_1021 = vector.broadcast %add3A_129 : i32 to vector<16xi32>
      %mul3A_1022 = arith.muli %min3A_1020, %mul3A_1021 : vector<16xi32>
      %shift_right_arithmetic3A_1023 = arith.constant 16 : i32
      %shift_right_arithmetic3A_1024 = vector.broadcast %shift_right_arithmetic3A_1023 : i32 to vector<16xi32>
      %shift_right_arithmetic3A_1025 = arith.shrsi %mul3A_1022, %shift_right_arithmetic3A_1024 : vector<16xi32>
      %mul3A_1026 = vector.broadcast %select_n3A_74 : i32 to vector<16xi32>
      %mul3A_1027 = arith.muli %shift_right_arithmetic3A_1025, %mul3A_1026 : vector<16xi32>
      %sub3A_1028 = arith.subi %min3A_1020, %mul3A_1027 : vector<16xi32>
      %add3A_1029 = vector.broadcast %sub3A_951 : i32 to vector<16xi32>
      %add3A_1030 = arith.addi %add3A_1029, %shift_right_arithmetic3A_1025 : vector<16xi32>
      %sub3A_1031 = arith.constant 1 : i32
      %sub3A_1032 = arith.subi %add3A_948, %sub3A_1031 : i32
      %min3A_1033 = vector.broadcast %sub3A_1032 : i32 to vector<16xi32>
      %min3A_1034 = arith.minsi %add3A_1030, %min3A_1033 : vector<16xi32>
      %add3A_1035 = vector.broadcast %sub3A_1012 : i32 to vector<16xi32>
      %add3A_1036 = arith.addi %add3A_1035, %sub3A_1028 : vector<16xi32>
      %sub3A_1037 = arith.constant 1 : i32
      %sub3A_1038 = arith.subi %add3A_1009, %sub3A_1037 : i32
      %min3A_1039 = vector.broadcast %sub3A_1038 : i32 to vector<16xi32>
      %min3A_1040 = arith.minsi %add3A_1036, %min3A_1039 : vector<16xi32>
      %mul3A_1041 = arith.constant 64 : i32
      %mul3A_1042 = vector.broadcast %mul3A_1041 : i32 to vector<16xi32>
      %mul3A_1043 = arith.muli %min3A_1034, %mul3A_1042 : vector<16xi32>
      %add3A_1044 = vector.broadcast %mul3A_155 : i32 to vector<16xi32>
      %add3A_1045 = arith.addi %add3A_1044, %mul3A_1043 : vector<16xi32>
      %add3A_1046 = arith.addi %add3A_1045, %min3A_1040 : vector<16xi32>
      %swap3A_1047 = arith.constant 3 : i32
      %swap3A_1048 = arith.index_cast %swap3A_1047 : i32 to index
      %swap3A_1049 = arith.constant 0 : index
      %swap3A_1050 = tpu.vector_load %arg6[%swap3A_1048, %swap3A_1049] {strides = array<i32>} : memref<8x16xi32, #tpu.memory_space<vmem>>, vector<1x16xi32>,
      %swap3A_1051 = vector.shape_cast %swap3A_1050 : vector<1x16xi32> to vector<16xi32>
      %swap3A_1052 = vector.shape_cast %add3A_1046 : vector<16xi32> to vector<1x16xi32>
      tpu.vector_store %arg6[%swap3A_1048, %swap3A_1049], %swap3A_1052 {strides = array<i32>} : memref<8x16xi32, #tpu.memory_space<vmem>>, vector<1x16xi32>,
      %dma_start3A_1053 = arith.constant 3 : i32
      %dma_start3A_1054 = arith.constant 3 : i32
      %dma_start3A_1055 = arith.constant 0 : i32
      %dma_start3A_1056 = arith.constant 0 : i32
      %dma_start3A_1057 = tpu.memref_slice %arg7[%dma_start3A_1054, %dma_start3A_1055, %dma_start3A_1056] : memref<8x4x384xf32, #tpu.memory_space<vmem>> -> memref<1x4x384xf32, #tpu.memory_space<vmem>>
      %dma_start3A_1058 = tpu.memref_squeeze %dma_start3A_1057 : memref<1x4x384xf32, #tpu.memory_space<vmem>> -> memref<4x384xf32, #tpu.memory_space<vmem>>
      %dma_start3A_1059 = arith.constant 0 : i32
      %dma_start3A_1060 = tpu.memref_slice %arg6[%dma_start3A_1053, %dma_start3A_1059] : memref<8x16xi32, #tpu.memory_space<vmem>> -> memref<1x4xi32, #tpu.memory_space<vmem>>
      %dma_start3A_1061 = tpu.memref_squeeze %dma_start3A_1060 : memref<1x4xi32, #tpu.memory_space<vmem>> -> memref<4xi32, #tpu.memory_space<vmem>>
      %dma_start3A_1062 = arith.constant 0 : i32
      %dma_start3A_1063 = arith.constant 0 : i32
      %dma_start3A_1064 = tpu.memref_slice %arg2[%dma_start3A_1062, %dma_start3A_1063] : memref<16384x384xf32, #tpu.memory_space<hbm>> -> memref<16384x384xf32, #tpu.memory_space<hbm>>
      tpu.enqueue_indirect_dma source(%dma_start3A_1064 : memref<16384x384xf32, #tpu.memory_space<hbm>>) target(%dma_start3A_1058 : memref<4x384xf32, #tpu.memory_space<vmem>>) offsets(%dma_start3A_1061 : memref<4xi32, #tpu.memory_space<vmem>>) semaphore(%arg9 : memref<!tpu.dma_semaphore, #tpu.memory_space<semaphore_mem>>)
      %jit3A_1065 = arith.constant 4 : i32
      %div3A_1066 = arith.divsi %jit3A_1065, %select_n3A_103 : i32
      %sign3A_1067 = arith.constant 0 : i32
      %sign3A_1068 = arith.cmpi sgt, %jit3A_1065, %sign3A_1067 : i32
      %sign3A_1069 = arith.extui %sign3A_1068 : i1 to i32
      %sign3A_1070 = arith.constant 0 : i32
      %sign3A_1071 = arith.cmpi slt, %jit3A_1065, %sign3A_1070 : i32
      %sign3A_1072 = arith.extui %sign3A_1071 : i1 to i32
      %sign3A_1073 = arith.subi %sign3A_1069, %sign3A_1072 : i32
      %sign3A_1074 = arith.constant 0 : i32
      %sign3A_1075 = arith.cmpi sgt, %select_n3A_103, %sign3A_1074 : i32
      %sign3A_1076 = arith.extui %sign3A_1075 : i1 to i32
      %sign3A_1077 = arith.constant 0 : i32
      %sign3A_1078 = arith.cmpi slt, %select_n3A_103, %sign3A_1077 : i32
      %sign3A_1079 = arith.extui %sign3A_1078 : i1 to i32
      %sign3A_1080 = arith.subi %sign3A_1076, %sign3A_1079 : i32
      %ne3A_1081 = arith.cmpi ne, %sign3A_1073, %sign3A_1080 : i32
      %rem3A_1082 = arith.remsi %jit3A_1065, %select_n3A_103 : i32
      %ne3A_1083 = arith.constant 0 : i32
      %ne3A_1084 = arith.cmpi ne, %rem3A_1082, %ne3A_1083 : i32
      %and3A_1085 = arith.andi %ne3A_1081, %ne3A_1084 : i1
      %sub3A_1086 = arith.constant 1 : i32
      %sub3A_1087 = arith.subi %div3A_1066, %sub3A_1086 : i32
      %select_n3A_1088 = arith.select %and3A_1085, %sub3A_1087, %div3A_1066 : i32
      %mul3A_1089 = arith.muli %select_n3A_1088, %select_n3A_103 : i32
      %sub3A_1090 = arith.constant 4 : i32
      %sub3A_1091 = arith.subi %sub3A_1090, %mul3A_1089 : i32
      %jit3A_1092 = arith.constant 7 : i32
      %div3A_1093 = arith.divsi %select_n3A_1088, %jit3A_1092 : i32
      %sign3A_1094 = arith.constant 0 : i32
      %sign3A_1095 = arith.cmpi sgt, %select_n3A_1088, %sign3A_1094 : i32
      %sign3A_1096 = arith.extui %sign3A_1095 : i1 to i32
      %sign3A_1097 = arith.constant 0 : i32
      %sign3A_1098 = arith.cmpi slt, %select_n3A_1088, %sign3A_1097 : i32
      %sign3A_1099 = arith.extui %sign3A_1098 : i1 to i32
      %sign3A_1100 = arith.subi %sign3A_1096, %sign3A_1099 : i32
      %sign3A_1101 = arith.constant 0 : i32
      %sign3A_1102 = arith.cmpi sgt, %jit3A_1092, %sign3A_1101 : i32
      %sign3A_1103 = arith.extui %sign3A_1102 : i1 to i32
      %sign3A_1104 = arith.constant 0 : i32
      %sign3A_1105 = arith.cmpi slt, %jit3A_1092, %sign3A_1104 : i32
      %sign3A_1106 = arith.extui %sign3A_1105 : i1 to i32
      %sign3A_1107 = arith.subi %sign3A_1103, %sign3A_1106 : i32
      %ne3A_1108 = arith.cmpi ne, %sign3A_1100, %sign3A_1107 : i32
      %rem3A_1109 = arith.remsi %select_n3A_1088, %jit3A_1092 : i32
      %ne3A_1110 = arith.constant 0 : i32
      %ne3A_1111 = arith.cmpi ne, %rem3A_1109, %ne3A_1110 : i32
      %and3A_1112 = arith.andi %ne3A_1108, %ne3A_1111 : i1
      %sub3A_1113 = arith.constant 1 : i32
      %sub3A_1114 = arith.subi %div3A_1093, %sub3A_1113 : i32
      %select_n3A_1115 = arith.select %and3A_1112, %sub3A_1114, %div3A_1093 : i32
      %mul3A_1116 = arith.constant 7 : i32
      %mul3A_1117 = arith.muli %select_n3A_1115, %mul3A_1116 : i32
      %sub3A_1118 = arith.subi %select_n3A_1088, %mul3A_1117 : i32
      %mul3A_1119 = arith.muli %select_n3A_1115, %sub3A_29 : i32
      %add3A_1120 = arith.constant 6 : i32
      %add3A_1121 = arith.addi %mul3A_1119, %add3A_1120 : i32
      %jit3A_1122 = arith.constant 7 : i32
      %div3A_1123 = arith.divsi %add3A_1121, %jit3A_1122 : i32
      %sign3A_1124 = arith.constant 0 : i32
      %sign3A_1125 = arith.cmpi sgt, %add3A_1121, %sign3A_1124 : i32
      %sign3A_1126 = arith.extui %sign3A_1125 : i1 to i32
      %sign3A_1127 = arith.constant 0 : i32
      %sign3A_1128 = arith.cmpi slt, %add3A_1121, %sign3A_1127 : i32
      %sign3A_1129 = arith.extui %sign3A_1128 : i1 to i32
      %sign3A_1130 = arith.subi %sign3A_1126, %sign3A_1129 : i32
      %sign3A_1131 = arith.constant 0 : i32
      %sign3A_1132 = arith.cmpi sgt, %jit3A_1122, %sign3A_1131 : i32
      %sign3A_1133 = arith.extui %sign3A_1132 : i1 to i32
      %sign3A_1134 = arith.constant 0 : i32
      %sign3A_1135 = arith.cmpi slt, %jit3A_1122, %sign3A_1134 : i32
      %sign3A_1136 = arith.extui %sign3A_1135 : i1 to i32
      %sign3A_1137 = arith.subi %sign3A_1133, %sign3A_1136 : i32
      %ne3A_1138 = arith.cmpi ne, %sign3A_1130, %sign3A_1137 : i32
      %rem3A_1139 = arith.remsi %add3A_1121, %jit3A_1122 : i32
      %ne3A_1140 = arith.constant 0 : i32
      %ne3A_1141 = arith.cmpi ne, %rem3A_1139, %ne3A_1140 : i32
      %and3A_1142 = arith.andi %ne3A_1138, %ne3A_1141 : i1
      %sub3A_1143 = arith.constant 1 : i32
      %sub3A_1144 = arith.subi %div3A_1123, %sub3A_1143 : i32
      %select_n3A_1145 = arith.select %and3A_1142, %sub3A_1144, %div3A_1123 : i32
      %add3A_1146 = arith.addi %squeeze3A_20, %select_n3A_1145 : i32
      %add3A_1147 = arith.constant 1 : i32
      %add3A_1148 = arith.addi %select_n3A_1115, %add3A_1147 : i32
      %mul3A_1149 = arith.muli %add3A_1148, %sub3A_29 : i32
      %add3A_1150 = arith.constant 6 : i32
      %add3A_1151 = arith.addi %mul3A_1149, %add3A_1150 : i32
      %jit3A_1152 = arith.constant 7 : i32
      %div3A_1153 = arith.divsi %add3A_1151, %jit3A_1152 : i32
      %sign3A_1154 = arith.constant 0 : i32
      %sign3A_1155 = arith.cmpi sgt, %add3A_1151, %sign3A_1154 : i32
      %sign3A_1156 = arith.extui %sign3A_1155 : i1 to i32
      %sign3A_1157 = arith.constant 0 : i32
      %sign3A_1158 = arith.cmpi slt, %add3A_1151, %sign3A_1157 : i32
      %sign3A_1159 = arith.extui %sign3A_1158 : i1 to i32
      %sign3A_1160 = arith.subi %sign3A_1156, %sign3A_1159 : i32
      %sign3A_1161 = arith.constant 0 : i32
      %sign3A_1162 = arith.cmpi sgt, %jit3A_1152, %sign3A_1161 : i32
      %sign3A_1163 = arith.extui %sign3A_1162 : i1 to i32
      %sign3A_1164 = arith.constant 0 : i32
      %sign3A_1165 = arith.cmpi slt, %jit3A_1152, %sign3A_1164 : i32
      %sign3A_1166 = arith.extui %sign3A_1165 : i1 to i32
      %sign3A_1167 = arith.subi %sign3A_1163, %sign3A_1166 : i32
      %ne3A_1168 = arith.cmpi ne, %sign3A_1160, %sign3A_1167 : i32
      %rem3A_1169 = arith.remsi %add3A_1151, %jit3A_1152 : i32
      %ne3A_1170 = arith.constant 0 : i32
      %ne3A_1171 = arith.cmpi ne, %rem3A_1169, %ne3A_1170 : i32
      %and3A_1172 = arith.andi %ne3A_1168, %ne3A_1171 : i1
      %sub3A_1173 = arith.constant 1 : i32
      %sub3A_1174 = arith.subi %div3A_1153, %sub3A_1173 : i32
      %select_n3A_1175 = arith.select %and3A_1172, %sub3A_1174, %div3A_1153 : i32
      %add3A_1176 = arith.addi %squeeze3A_20, %select_n3A_1175 : i32
      %eq3A_1177 = arith.cmpi eq, %add3A_1146, %add3A_1176 : i32
      %convert_element_type3A_1178 = arith.extui %eq3A_1177 : i1 to i32
      %sub3A_1179 = arith.subi %add3A_1146, %convert_element_type3A_1178 : i32
      %mul3A_1180 = arith.muli %sub3A_1118, %sub3A : i32
      %add3A_1181 = arith.constant 6 : i32
      %add3A_1182 = arith.addi %mul3A_1180, %add3A_1181 : i32
      %jit3A_1183 = arith.constant 7 : i32
      %div3A_1184 = arith.divsi %add3A_1182, %jit3A_1183 : i32
      %sign3A_1185 = arith.constant 0 : i32
      %sign3A_1186 = arith.cmpi sgt, %add3A_1182, %sign3A_1185 : i32
      %sign3A_1187 = arith.extui %sign3A_1186 : i1 to i32
      %sign3A_1188 = arith.constant 0 : i32
      %sign3A_1189 = arith.cmpi slt, %add3A_1182, %sign3A_1188 : i32
      %sign3A_1190 = arith.extui %sign3A_1189 : i1 to i32
      %sign3A_1191 = arith.subi %sign3A_1187, %sign3A_1190 : i32
      %sign3A_1192 = arith.constant 0 : i32
      %sign3A_1193 = arith.cmpi sgt, %jit3A_1183, %sign3A_1192 : i32
      %sign3A_1194 = arith.extui %sign3A_1193 : i1 to i32
      %sign3A_1195 = arith.constant 0 : i32
      %sign3A_1196 = arith.cmpi slt, %jit3A_1183, %sign3A_1195 : i32
      %sign3A_1197 = arith.extui %sign3A_1196 : i1 to i32
      %sign3A_1198 = arith.subi %sign3A_1194, %sign3A_1197 : i32
      %ne3A_1199 = arith.cmpi ne, %sign3A_1191, %sign3A_1198 : i32
      %rem3A_1200 = arith.remsi %add3A_1182, %jit3A_1183 : i32
      %ne3A_1201 = arith.constant 0 : i32
      %ne3A_1202 = arith.cmpi ne, %rem3A_1200, %ne3A_1201 : i32
      %and3A_1203 = arith.andi %ne3A_1199, %ne3A_1202 : i1
      %sub3A_1204 = arith.constant 1 : i32
      %sub3A_1205 = arith.subi %div3A_1184, %sub3A_1204 : i32
      %select_n3A_1206 = arith.select %and3A_1203, %sub3A_1205, %div3A_1184 : i32
      %add3A_1207 = arith.addi %squeeze3A, %select_n3A_1206 : i32
      %add3A_1208 = arith.constant 1 : i32
      %add3A_1209 = arith.addi %sub3A_1118, %add3A_1208 : i32
      %mul3A_1210 = arith.muli %add3A_1209, %sub3A : i32
      %add3A_1211 = arith.constant 6 : i32
      %add3A_1212 = arith.addi %mul3A_1210, %add3A_1211 : i32
      %jit3A_1213 = arith.constant 7 : i32
      %div3A_1214 = arith.divsi %add3A_1212, %jit3A_1213 : i32
      %sign3A_1215 = arith.constant 0 : i32
      %sign3A_1216 = arith.cmpi sgt, %add3A_1212, %sign3A_1215 : i32
      %sign3A_1217 = arith.extui %sign3A_1216 : i1 to i32
      %sign3A_1218 = arith.constant 0 : i32
      %sign3A_1219 = arith.cmpi slt, %add3A_1212, %sign3A_1218 : i32
      %sign3A_1220 = arith.extui %sign3A_1219 : i1 to i32
      %sign3A_1221 = arith.subi %sign3A_1217, %sign3A_1220 : i32
      %sign3A_1222 = arith.constant 0 : i32
      %sign3A_1223 = arith.cmpi sgt, %jit3A_1213, %sign3A_1222 : i32
      %sign3A_1224 = arith.extui %sign3A_1223 : i1 to i32
      %sign3A_1225 = arith.constant 0 : i32
      %sign3A_1226 = arith.cmpi slt, %jit3A_1213, %sign3A_1225 : i32
      %sign3A_1227 = arith.extui %sign3A_1226 : i1 to i32
      %sign3A_1228 = arith.subi %sign3A_1224, %sign3A_1227 : i32
      %ne3A_1229 = arith.cmpi ne, %sign3A_1221, %sign3A_1228 : i32
      %rem3A_1230 = arith.remsi %add3A_1212, %jit3A_1213 : i32
      %ne3A_1231 = arith.constant 0 : i32
      %ne3A_1232 = arith.cmpi ne, %rem3A_1230, %ne3A_1231 : i32
      %and3A_1233 = arith.andi %ne3A_1229, %ne3A_1232 : i1
      %sub3A_1234 = arith.constant 1 : i32
      %sub3A_1235 = arith.subi %div3A_1214, %sub3A_1234 : i32
      %select_n3A_1236 = arith.select %and3A_1233, %sub3A_1235, %div3A_1214 : i32
      %add3A_1237 = arith.addi %squeeze3A, %select_n3A_1236 : i32
      %eq3A_1238 = arith.cmpi eq, %add3A_1207, %add3A_1237 : i32
      %convert_element_type3A_1239 = arith.extui %eq3A_1238 : i1 to i32
      %sub3A_1240 = arith.subi %add3A_1207, %convert_element_type3A_1239 : i32
      %mul3A_1241 = arith.constant 4 : i32
      %mul3A_1242 = arith.muli %sub3A_1091, %mul3A_1241 : i32
      %add3A_1243 = vector.broadcast %mul3A_1242 : i32 to vector<16xi32>
      %add3A_1244 = arith.addi %add3A_1243, %iota3A : vector<16xi32>
      %sub3A_1245 = arith.constant 1 : i32
      %sub3A_1246 = arith.subi %mul3A_75, %sub3A_1245 : i32
      %min3A_1247 = vector.broadcast %sub3A_1246 : i32 to vector<16xi32>
      %min3A_1248 = arith.minsi %add3A_1244, %min3A_1247 : vector<16xi32>
      %mul3A_1249 = vector.broadcast %add3A_129 : i32 to vector<16xi32>
      %mul3A_1250 = arith.muli %min3A_1248, %mul3A_1249 : vector<16xi32>
      %shift_right_arithmetic3A_1251 = arith.constant 16 : i32
      %shift_right_arithmetic3A_1252 = vector.broadcast %shift_right_arithmetic3A_1251 : i32 to vector<16xi32>
      %shift_right_arithmetic3A_1253 = arith.shrsi %mul3A_1250, %shift_right_arithmetic3A_1252 : vector<16xi32>
      %mul3A_1254 = vector.broadcast %select_n3A_74 : i32 to vector<16xi32>
      %mul3A_1255 = arith.muli %shift_right_arithmetic3A_1253, %mul3A_1254 : vector<16xi32>
      %sub3A_1256 = arith.subi %min3A_1248, %mul3A_1255 : vector<16xi32>
      %add3A_1257 = vector.broadcast %sub3A_1179 : i32 to vector<16xi32>
      %add3A_1258 = arith.addi %add3A_1257, %shift_right_arithmetic3A_1253 : vector<16xi32>
      %sub3A_1259 = arith.constant 1 : i32
      %sub3A_1260 = arith.subi %add3A_1176, %sub3A_1259 : i32
      %min3A_1261 = vector.broadcast %sub3A_1260 : i32 to vector<16xi32>
      %min3A_1262 = arith.minsi %add3A_1258, %min3A_1261 : vector<16xi32>
      %add3A_1263 = vector.broadcast %sub3A_1240 : i32 to vector<16xi32>
      %add3A_1264 = arith.addi %add3A_1263, %sub3A_1256 : vector<16xi32>
      %sub3A_1265 = arith.constant 1 : i32
      %sub3A_1266 = arith.subi %add3A_1237, %sub3A_1265 : i32
      %min3A_1267 = vector.broadcast %sub3A_1266 : i32 to vector<16xi32>
      %min3A_1268 = arith.minsi %add3A_1264, %min3A_1267 : vector<16xi32>
      %mul3A_1269 = arith.constant 64 : i32
      %mul3A_1270 = vector.broadcast %mul3A_1269 : i32 to vector<16xi32>
      %mul3A_1271 = arith.muli %min3A_1262, %mul3A_1270 : vector<16xi32>
      %add3A_1272 = vector.broadcast %mul3A_155 : i32 to vector<16xi32>
      %add3A_1273 = arith.addi %add3A_1272, %mul3A_1271 : vector<16xi32>
      %add3A_1274 = arith.addi %add3A_1273, %min3A_1268 : vector<16xi32>
      %swap3A_1275 = arith.constant 4 : i32
      %swap3A_1276 = arith.index_cast %swap3A_1275 : i32 to index
      %swap3A_1277 = arith.constant 0 : index
      %swap3A_1278 = tpu.vector_load %arg6[%swap3A_1276, %swap3A_1277] {strides = array<i32>} : memref<8x16xi32, #tpu.memory_space<vmem>>, vector<1x16xi32>,
      %swap3A_1279 = vector.shape_cast %swap3A_1278 : vector<1x16xi32> to vector<16xi32>
      %swap3A_1280 = vector.shape_cast %add3A_1274 : vector<16xi32> to vector<1x16xi32>
      tpu.vector_store %arg6[%swap3A_1276, %swap3A_1277], %swap3A_1280 {strides = array<i32>} : memref<8x16xi32, #tpu.memory_space<vmem>>, vector<1x16xi32>,
      %dma_start3A_1281 = arith.constant 4 : i32
      %dma_start3A_1282 = arith.constant 4 : i32
      %dma_start3A_1283 = arith.constant 0 : i32
      %dma_start3A_1284 = arith.constant 0 : i32
      %dma_start3A_1285 = tpu.memref_slice %arg7[%dma_start3A_1282, %dma_start3A_1283, %dma_start3A_1284] : memref<8x4x384xf32, #tpu.memory_space<vmem>> -> memref<1x4x384xf32, #tpu.memory_space<vmem>>
      %dma_start3A_1286 = tpu.memref_squeeze %dma_start3A_1285 : memref<1x4x384xf32, #tpu.memory_space<vmem>> -> memref<4x384xf32, #tpu.memory_space<vmem>>
      %dma_start3A_1287 = arith.constant 0 : i32
      %dma_start3A_1288 = tpu.memref_slice %arg6[%dma_start3A_1281, %dma_start3A_1287] : memref<8x16xi32, #tpu.memory_space<vmem>> -> memref<1x4xi32, #tpu.memory_space<vmem>>
      %dma_start3A_1289 = tpu.memref_squeeze %dma_start3A_1288 : memref<1x4xi32, #tpu.memory_space<vmem>> -> memref<4xi32, #tpu.memory_space<vmem>>
      %dma_start3A_1290 = arith.constant 0 : i32
      %dma_start3A_1291 = arith.constant 0 : i32
      %dma_start3A_1292 = tpu.memref_slice %arg2[%dma_start3A_1290, %dma_start3A_1291] : memref<16384x384xf32, #tpu.memory_space<hbm>> -> memref<16384x384xf32, #tpu.memory_space<hbm>>
      tpu.enqueue_indirect_dma source(%dma_start3A_1292 : memref<16384x384xf32, #tpu.memory_space<hbm>>) target(%dma_start3A_1286 : memref<4x384xf32, #tpu.memory_space<vmem>>) offsets(%dma_start3A_1289 : memref<4xi32, #tpu.memory_space<vmem>>) semaphore(%arg9 : memref<!tpu.dma_semaphore, #tpu.memory_space<semaphore_mem>>)
      %jit3A_1293 = arith.constant 5 : i32
      %div3A_1294 = arith.divsi %jit3A_1293, %select_n3A_103 : i32
      %sign3A_1295 = arith.constant 0 : i32
      %sign3A_1296 = arith.cmpi sgt, %jit3A_1293, %sign3A_1295 : i32
      %sign3A_1297 = arith.extui %sign3A_1296 : i1 to i32
      %sign3A_1298 = arith.constant 0 : i32
      %sign3A_1299 = arith.cmpi slt, %jit3A_1293, %sign3A_1298 : i32
      %sign3A_1300 = arith.extui %sign3A_1299 : i1 to i32
      %sign3A_1301 = arith.subi %sign3A_1297, %sign3A_1300 : i32
      %sign3A_1302 = arith.constant 0 : i32
      %sign3A_1303 = arith.cmpi sgt, %select_n3A_103, %sign3A_1302 : i32
      %sign3A_1304 = arith.extui %sign3A_1303 : i1 to i32
      %sign3A_1305 = arith.constant 0 : i32
      %sign3A_1306 = arith.cmpi slt, %select_n3A_103, %sign3A_1305 : i32
      %sign3A_1307 = arith.extui %sign3A_1306 : i1 to i32
      %sign3A_1308 = arith.subi %sign3A_1304, %sign3A_1307 : i32
      %ne3A_1309 = arith.cmpi ne, %sign3A_1301, %sign3A_1308 : i32
      %rem3A_1310 = arith.remsi %jit3A_1293, %select_n3A_103 : i32
      %ne3A_1311 = arith.constant 0 : i32
      %ne3A_1312 = arith.cmpi ne, %rem3A_1310, %ne3A_1311 : i32
      %and3A_1313 = arith.andi %ne3A_1309, %ne3A_1312 : i1
      %sub3A_1314 = arith.constant 1 : i32
      %sub3A_1315 = arith.subi %div3A_1294, %sub3A_1314 : i32
      %select_n3A_1316 = arith.select %and3A_1313, %sub3A_1315, %div3A_1294 : i32
      %mul3A_1317 = arith.muli %select_n3A_1316, %select_n3A_103 : i32
      %sub3A_1318 = arith.constant 5 : i32
      %sub3A_1319 = arith.subi %sub3A_1318, %mul3A_1317 : i32
      %jit3A_1320 = arith.constant 7 : i32
      %div3A_1321 = arith.divsi %select_n3A_1316, %jit3A_1320 : i32
      %sign3A_1322 = arith.constant 0 : i32
      %sign3A_1323 = arith.cmpi sgt, %select_n3A_1316, %sign3A_1322 : i32
      %sign3A_1324 = arith.extui %sign3A_1323 : i1 to i32
      %sign3A_1325 = arith.constant 0 : i32
      %sign3A_1326 = arith.cmpi slt, %select_n3A_1316, %sign3A_1325 : i32
      %sign3A_1327 = arith.extui %sign3A_1326 : i1 to i32
      %sign3A_1328 = arith.subi %sign3A_1324, %sign3A_1327 : i32
      %sign3A_1329 = arith.constant 0 : i32
      %sign3A_1330 = arith.cmpi sgt, %jit3A_1320, %sign3A_1329 : i32
      %sign3A_1331 = arith.extui %sign3A_1330 : i1 to i32
      %sign3A_1332 = arith.constant 0 : i32
      %sign3A_1333 = arith.cmpi slt, %jit3A_1320, %sign3A_1332 : i32
      %sign3A_1334 = arith.extui %sign3A_1333 : i1 to i32
      %sign3A_1335 = arith.subi %sign3A_1331, %sign3A_1334 : i32
      %ne3A_1336 = arith.cmpi ne, %sign3A_1328, %sign3A_1335 : i32
      %rem3A_1337 = arith.remsi %select_n3A_1316, %jit3A_1320 : i32
      %ne3A_1338 = arith.constant 0 : i32
      %ne3A_1339 = arith.cmpi ne, %rem3A_1337, %ne3A_1338 : i32
      %and3A_1340 = arith.andi %ne3A_1336, %ne3A_1339 : i1
      %sub3A_1341 = arith.constant 1 : i32
      %sub3A_1342 = arith.subi %div3A_1321, %sub3A_1341 : i32
      %select_n3A_1343 = arith.select %and3A_1340, %sub3A_1342, %div3A_1321 : i32
      %mul3A_1344 = arith.constant 7 : i32
      %mul3A_1345 = arith.muli %select_n3A_1343, %mul3A_1344 : i32
      %sub3A_1346 = arith.subi %select_n3A_1316, %mul3A_1345 : i32
      %mul3A_1347 = arith.muli %select_n3A_1343, %sub3A_29 : i32
      %add3A_1348 = arith.constant 6 : i32
      %add3A_1349 = arith.addi %mul3A_1347, %add3A_1348 : i32
      %jit3A_1350 = arith.constant 7 : i32
      %div3A_1351 = arith.divsi %add3A_1349, %jit3A_1350 : i32
      %sign3A_1352 = arith.constant 0 : i32
      %sign3A_1353 = arith.cmpi sgt, %add3A_1349, %sign3A_1352 : i32
      %sign3A_1354 = arith.extui %sign3A_1353 : i1 to i32
      %sign3A_1355 = arith.constant 0 : i32
      %sign3A_1356 = arith.cmpi slt, %add3A_1349, %sign3A_1355 : i32
      %sign3A_1357 = arith.extui %sign3A_1356 : i1 to i32
      %sign3A_1358 = arith.subi %sign3A_1354, %sign3A_1357 : i32
      %sign3A_1359 = arith.constant 0 : i32
      %sign3A_1360 = arith.cmpi sgt, %jit3A_1350, %sign3A_1359 : i32
      %sign3A_1361 = arith.extui %sign3A_1360 : i1 to i32
      %sign3A_1362 = arith.constant 0 : i32
      %sign3A_1363 = arith.cmpi slt, %jit3A_1350, %sign3A_1362 : i32
      %sign3A_1364 = arith.extui %sign3A_1363 : i1 to i32
      %sign3A_1365 = arith.subi %sign3A_1361, %sign3A_1364 : i32
      %ne3A_1366 = arith.cmpi ne, %sign3A_1358, %sign3A_1365 : i32
      %rem3A_1367 = arith.remsi %add3A_1349, %jit3A_1350 : i32
      %ne3A_1368 = arith.constant 0 : i32
      %ne3A_1369 = arith.cmpi ne, %rem3A_1367, %ne3A_1368 : i32
      %and3A_1370 = arith.andi %ne3A_1366, %ne3A_1369 : i1
      %sub3A_1371 = arith.constant 1 : i32
      %sub3A_1372 = arith.subi %div3A_1351, %sub3A_1371 : i32
      %select_n3A_1373 = arith.select %and3A_1370, %sub3A_1372, %div3A_1351 : i32
      %add3A_1374 = arith.addi %squeeze3A_20, %select_n3A_1373 : i32
      %add3A_1375 = arith.constant 1 : i32
      %add3A_1376 = arith.addi %select_n3A_1343, %add3A_1375 : i32
      %mul3A_1377 = arith.muli %add3A_1376, %sub3A_29 : i32
      %add3A_1378 = arith.constant 6 : i32
      %add3A_1379 = arith.addi %mul3A_1377, %add3A_1378 : i32
      %jit3A_1380 = arith.constant 7 : i32
      %div3A_1381 = arith.divsi %add3A_1379, %jit3A_1380 : i32
      %sign3A_1382 = arith.constant 0 : i32
      %sign3A_1383 = arith.cmpi sgt, %add3A_1379, %sign3A_1382 : i32
      %sign3A_1384 = arith.extui %sign3A_1383 : i1 to i32
      %sign3A_1385 = arith.constant 0 : i32
      %sign3A_1386 = arith.cmpi slt, %add3A_1379, %sign3A_1385 : i32
      %sign3A_1387 = arith.extui %sign3A_1386 : i1 to i32
      %sign3A_1388 = arith.subi %sign3A_1384, %sign3A_1387 : i32
      %sign3A_1389 = arith.constant 0 : i32
      %sign3A_1390 = arith.cmpi sgt, %jit3A_1380, %sign3A_1389 : i32
      %sign3A_1391 = arith.extui %sign3A_1390 : i1 to i32
      %sign3A_1392 = arith.constant 0 : i32
      %sign3A_1393 = arith.cmpi slt, %jit3A_1380, %sign3A_1392 : i32
      %sign3A_1394 = arith.extui %sign3A_1393 : i1 to i32
      %sign3A_1395 = arith.subi %sign3A_1391, %sign3A_1394 : i32
      %ne3A_1396 = arith.cmpi ne, %sign3A_1388, %sign3A_1395 : i32
      %rem3A_1397 = arith.remsi %add3A_1379, %jit3A_1380 : i32
      %ne3A_1398 = arith.constant 0 : i32
      %ne3A_1399 = arith.cmpi ne, %rem3A_1397, %ne3A_1398 : i32
      %and3A_1400 = arith.andi %ne3A_1396, %ne3A_1399 : i1
      %sub3A_1401 = arith.constant 1 : i32
      %sub3A_1402 = arith.subi %div3A_1381, %sub3A_1401 : i32
      %select_n3A_1403 = arith.select %and3A_1400, %sub3A_1402, %div3A_1381 : i32
      %add3A_1404 = arith.addi %squeeze3A_20, %select_n3A_1403 : i32
      %eq3A_1405 = arith.cmpi eq, %add3A_1374, %add3A_1404 : i32
      %convert_element_type3A_1406 = arith.extui %eq3A_1405 : i1 to i32
      %sub3A_1407 = arith.subi %add3A_1374, %convert_element_type3A_1406 : i32
      %mul3A_1408 = arith.muli %sub3A_1346, %sub3A : i32
      %add3A_1409 = arith.constant 6 : i32
      %add3A_1410 = arith.addi %mul3A_1408, %add3A_1409 : i32
      %jit3A_1411 = arith.constant 7 : i32
      %div3A_1412 = arith.divsi %add3A_1410, %jit3A_1411 : i32
      %sign3A_1413 = arith.constant 0 : i32
      %sign3A_1414 = arith.cmpi sgt, %add3A_1410, %sign3A_1413 : i32
      %sign3A_1415 = arith.extui %sign3A_1414 : i1 to i32
      %sign3A_1416 = arith.constant 0 : i32
      %sign3A_1417 = arith.cmpi slt, %add3A_1410, %sign3A_1416 : i32
      %sign3A_1418 = arith.extui %sign3A_1417 : i1 to i32
      %sign3A_1419 = arith.subi %sign3A_1415, %sign3A_1418 : i32
      %sign3A_1420 = arith.constant 0 : i32
      %sign3A_1421 = arith.cmpi sgt, %jit3A_1411, %sign3A_1420 : i32
      %sign3A_1422 = arith.extui %sign3A_1421 : i1 to i32
      %sign3A_1423 = arith.constant 0 : i32
      %sign3A_1424 = arith.cmpi slt, %jit3A_1411, %sign3A_1423 : i32
      %sign3A_1425 = arith.extui %sign3A_1424 : i1 to i32
      %sign3A_1426 = arith.subi %sign3A_1422, %sign3A_1425 : i32
      %ne3A_1427 = arith.cmpi ne, %sign3A_1419, %sign3A_1426 : i32
      %rem3A_1428 = arith.remsi %add3A_1410, %jit3A_1411 : i32
      %ne3A_1429 = arith.constant 0 : i32
      %ne3A_1430 = arith.cmpi ne, %rem3A_1428, %ne3A_1429 : i32
      %and3A_1431 = arith.andi %ne3A_1427, %ne3A_1430 : i1
      %sub3A_1432 = arith.constant 1 : i32
      %sub3A_1433 = arith.subi %div3A_1412, %sub3A_1432 : i32
      %select_n3A_1434 = arith.select %and3A_1431, %sub3A_1433, %div3A_1412 : i32
      %add3A_1435 = arith.addi %squeeze3A, %select_n3A_1434 : i32
      %add3A_1436 = arith.constant 1 : i32
      %add3A_1437 = arith.addi %sub3A_1346, %add3A_1436 : i32
      %mul3A_1438 = arith.muli %add3A_1437, %sub3A : i32
      %add3A_1439 = arith.constant 6 : i32
      %add3A_1440 = arith.addi %mul3A_1438, %add3A_1439 : i32
      %jit3A_1441 = arith.constant 7 : i32
      %div3A_1442 = arith.divsi %add3A_1440, %jit3A_1441 : i32
      %sign3A_1443 = arith.constant 0 : i32
      %sign3A_1444 = arith.cmpi sgt, %add3A_1440, %sign3A_1443 : i32
      %sign3A_1445 = arith.extui %sign3A_1444 : i1 to i32
      %sign3A_1446 = arith.constant 0 : i32
      %sign3A_1447 = arith.cmpi slt, %add3A_1440, %sign3A_1446 : i32
      %sign3A_1448 = arith.extui %sign3A_1447 : i1 to i32
      %sign3A_1449 = arith.subi %sign3A_1445, %sign3A_1448 : i32
      %sign3A_1450 = arith.constant 0 : i32
      %sign3A_1451 = arith.cmpi sgt, %jit3A_1441, %sign3A_1450 : i32
      %sign3A_1452 = arith.extui %sign3A_1451 : i1 to i32
      %sign3A_1453 = arith.constant 0 : i32
      %sign3A_1454 = arith.cmpi slt, %jit3A_1441, %sign3A_1453 : i32
      %sign3A_1455 = arith.extui %sign3A_1454 : i1 to i32
      %sign3A_1456 = arith.subi %sign3A_1452, %sign3A_1455 : i32
      %ne3A_1457 = arith.cmpi ne, %sign3A_1449, %sign3A_1456 : i32
      %rem3A_1458 = arith.remsi %add3A_1440, %jit3A_1441 : i32
      %ne3A_1459 = arith.constant 0 : i32
      %ne3A_1460 = arith.cmpi ne, %rem3A_1458, %ne3A_1459 : i32
      %and3A_1461 = arith.andi %ne3A_1457, %ne3A_1460 : i1
      %sub3A_1462 = arith.constant 1 : i32
      %sub3A_1463 = arith.subi %div3A_1442, %sub3A_1462 : i32
      %select_n3A_1464 = arith.select %and3A_1461, %sub3A_1463, %div3A_1442 : i32
      %add3A_1465 = arith.addi %squeeze3A, %select_n3A_1464 : i32
      %eq3A_1466 = arith.cmpi eq, %add3A_1435, %add3A_1465 : i32
      %convert_element_type3A_1467 = arith.extui %eq3A_1466 : i1 to i32
      %sub3A_1468 = arith.subi %add3A_1435, %convert_element_type3A_1467 : i32
      %mul3A_1469 = arith.constant 4 : i32
      %mul3A_1470 = arith.muli %sub3A_1319, %mul3A_1469 : i32
      %add3A_1471 = vector.broadcast %mul3A_1470 : i32 to vector<16xi32>
      %add3A_1472 = arith.addi %add3A_1471, %iota3A : vector<16xi32>
      %sub3A_1473 = arith.constant 1 : i32
      %sub3A_1474 = arith.subi %mul3A_75, %sub3A_1473 : i32
      %min3A_1475 = vector.broadcast %sub3A_1474 : i32 to vector<16xi32>
      %min3A_1476 = arith.minsi %add3A_1472, %min3A_1475 : vector<16xi32>
      %mul3A_1477 = vector.broadcast %add3A_129 : i32 to vector<16xi32>
      %mul3A_1478 = arith.muli %min3A_1476, %mul3A_1477 : vector<16xi32>
      %shift_right_arithmetic3A_1479 = arith.constant 16 : i32
      %shift_right_arithmetic3A_1480 = vector.broadcast %shift_right_arithmetic3A_1479 : i32 to vector<16xi32>
      %shift_right_arithmetic3A_1481 = arith.shrsi %mul3A_1478, %shift_right_arithmetic3A_1480 : vector<16xi32>
      %mul3A_1482 = vector.broadcast %select_n3A_74 : i32 to vector<16xi32>
      %mul3A_1483 = arith.muli %shift_right_arithmetic3A_1481, %mul3A_1482 : vector<16xi32>
      %sub3A_1484 = arith.subi %min3A_1476, %mul3A_1483 : vector<16xi32>
      %add3A_1485 = vector.broadcast %sub3A_1407 : i32 to vector<16xi32>
      %add3A_1486 = arith.addi %add3A_1485, %shift_right_arithmetic3A_1481 : vector<16xi32>
      %sub3A_1487 = arith.constant 1 : i32
      %sub3A_1488 = arith.subi %add3A_1404, %sub3A_1487 : i32
      %min3A_1489 = vector.broadcast %sub3A_1488 : i32 to vector<16xi32>
      %min3A_1490 = arith.minsi %add3A_1486, %min3A_1489 : vector<16xi32>
      %add3A_1491 = vector.broadcast %sub3A_1468 : i32 to vector<16xi32>
      %add3A_1492 = arith.addi %add3A_1491, %sub3A_1484 : vector<16xi32>
      %sub3A_1493 = arith.constant 1 : i32
      %sub3A_1494 = arith.subi %add3A_1465, %sub3A_1493 : i32
      %min3A_1495 = vector.broadcast %sub3A_1494 : i32 to vector<16xi32>
      %min3A_1496 = arith.minsi %add3A_1492, %min3A_1495 : vector<16xi32>
      %mul3A_1497 = arith.constant 64 : i32
      %mul3A_1498 = vector.broadcast %mul3A_1497 : i32 to vector<16xi32>
      %mul3A_1499 = arith.muli %min3A_1490, %mul3A_1498 : vector<16xi32>
      %add3A_1500 = vector.broadcast %mul3A_155 : i32 to vector<16xi32>
      %add3A_1501 = arith.addi %add3A_1500, %mul3A_1499 : vector<16xi32>
      %add3A_1502 = arith.addi %add3A_1501, %min3A_1496 : vector<16xi32>
      %swap3A_1503 = arith.constant 5 : i32
      %swap3A_1504 = arith.index_cast %swap3A_1503 : i32 to index
      %swap3A_1505 = arith.constant 0 : index
      %swap3A_1506 = tpu.vector_load %arg6[%swap3A_1504, %swap3A_1505] {strides = array<i32>} : memref<8x16xi32, #tpu.memory_space<vmem>>, vector<1x16xi32>,
      %swap3A_1507 = vector.shape_cast %swap3A_1506 : vector<1x16xi32> to vector<16xi32>
      %swap3A_1508 = vector.shape_cast %add3A_1502 : vector<16xi32> to vector<1x16xi32>
      tpu.vector_store %arg6[%swap3A_1504, %swap3A_1505], %swap3A_1508 {strides = array<i32>} : memref<8x16xi32, #tpu.memory_space<vmem>>, vector<1x16xi32>,
      %dma_start3A_1509 = arith.constant 5 : i32
      %dma_start3A_1510 = arith.constant 5 : i32
      %dma_start3A_1511 = arith.constant 0 : i32
      %dma_start3A_1512 = arith.constant 0 : i32
      %dma_start3A_1513 = tpu.memref_slice %arg7[%dma_start3A_1510, %dma_start3A_1511, %dma_start3A_1512] : memref<8x4x384xf32, #tpu.memory_space<vmem>> -> memref<1x4x384xf32, #tpu.memory_space<vmem>>
      %dma_start3A_1514 = tpu.memref_squeeze %dma_start3A_1513 : memref<1x4x384xf32, #tpu.memory_space<vmem>> -> memref<4x384xf32, #tpu.memory_space<vmem>>
      %dma_start3A_1515 = arith.constant 0 : i32
      %dma_start3A_1516 = tpu.memref_slice %arg6[%dma_start3A_1509, %dma_start3A_1515] : memref<8x16xi32, #tpu.memory_space<vmem>> -> memref<1x4xi32, #tpu.memory_space<vmem>>
      %dma_start3A_1517 = tpu.memref_squeeze %dma_start3A_1516 : memref<1x4xi32, #tpu.memory_space<vmem>> -> memref<4xi32, #tpu.memory_space<vmem>>
      %dma_start3A_1518 = arith.constant 0 : i32
      %dma_start3A_1519 = arith.constant 0 : i32
      %dma_start3A_1520 = tpu.memref_slice %arg2[%dma_start3A_1518, %dma_start3A_1519] : memref<16384x384xf32, #tpu.memory_space<hbm>> -> memref<16384x384xf32, #tpu.memory_space<hbm>>
      tpu.enqueue_indirect_dma source(%dma_start3A_1520 : memref<16384x384xf32, #tpu.memory_space<hbm>>) target(%dma_start3A_1514 : memref<4x384xf32, #tpu.memory_space<vmem>>) offsets(%dma_start3A_1517 : memref<4xi32, #tpu.memory_space<vmem>>) semaphore(%arg9 : memref<!tpu.dma_semaphore, #tpu.memory_space<semaphore_mem>>)
      %jit3A_1521 = arith.constant 6 : i32
      %div3A_1522 = arith.divsi %jit3A_1521, %select_n3A_103 : i32
      %sign3A_1523 = arith.constant 0 : i32
      %sign3A_1524 = arith.cmpi sgt, %jit3A_1521, %sign3A_1523 : i32
      %sign3A_1525 = arith.extui %sign3A_1524 : i1 to i32
      %sign3A_1526 = arith.constant 0 : i32
      %sign3A_1527 = arith.cmpi slt, %jit3A_1521, %sign3A_1526 : i32
      %sign3A_1528 = arith.extui %sign3A_1527 : i1 to i32
      %sign3A_1529 = arith.subi %sign3A_1525, %sign3A_1528 : i32
      %sign3A_1530 = arith.constant 0 : i32
      %sign3A_1531 = arith.cmpi sgt, %select_n3A_103, %sign3A_1530 : i32
      %sign3A_1532 = arith.extui %sign3A_1531 : i1 to i32
      %sign3A_1533 = arith.constant 0 : i32
      %sign3A_1534 = arith.cmpi slt, %select_n3A_103, %sign3A_1533 : i32
      %sign3A_1535 = arith.extui %sign3A_1534 : i1 to i32
      %sign3A_1536 = arith.subi %sign3A_1532, %sign3A_1535 : i32
      %ne3A_1537 = arith.cmpi ne, %sign3A_1529, %sign3A_1536 : i32
      %rem3A_1538 = arith.remsi %jit3A_1521, %select_n3A_103 : i32
      %ne3A_1539 = arith.constant 0 : i32
      %ne3A_1540 = arith.cmpi ne, %rem3A_1538, %ne3A_1539 : i32
      %and3A_1541 = arith.andi %ne3A_1537, %ne3A_1540 : i1
      %sub3A_1542 = arith.constant 1 : i32
      %sub3A_1543 = arith.subi %div3A_1522, %sub3A_1542 : i32
      %select_n3A_1544 = arith.select %and3A_1541, %sub3A_1543, %div3A_1522 : i32
      %mul3A_1545 = arith.muli %select_n3A_1544, %select_n3A_103 : i32
      %sub3A_1546 = arith.constant 6 : i32
      %sub3A_1547 = arith.subi %sub3A_1546, %mul3A_1545 : i32
      %jit3A_1548 = arith.constant 7 : i32
      %div3A_1549 = arith.divsi %select_n3A_1544, %jit3A_1548 : i32
      %sign3A_1550 = arith.constant 0 : i32
      %sign3A_1551 = arith.cmpi sgt, %select_n3A_1544, %sign3A_1550 : i32
      %sign3A_1552 = arith.extui %sign3A_1551 : i1 to i32
      %sign3A_1553 = arith.constant 0 : i32
      %sign3A_1554 = arith.cmpi slt, %select_n3A_1544, %sign3A_1553 : i32
      %sign3A_1555 = arith.extui %sign3A_1554 : i1 to i32
      %sign3A_1556 = arith.subi %sign3A_1552, %sign3A_1555 : i32
      %sign3A_1557 = arith.constant 0 : i32
      %sign3A_1558 = arith.cmpi sgt, %jit3A_1548, %sign3A_1557 : i32
      %sign3A_1559 = arith.extui %sign3A_1558 : i1 to i32
      %sign3A_1560 = arith.constant 0 : i32
      %sign3A_1561 = arith.cmpi slt, %jit3A_1548, %sign3A_1560 : i32
      %sign3A_1562 = arith.extui %sign3A_1561 : i1 to i32
      %sign3A_1563 = arith.subi %sign3A_1559, %sign3A_1562 : i32
      %ne3A_1564 = arith.cmpi ne, %sign3A_1556, %sign3A_1563 : i32
      %rem3A_1565 = arith.remsi %select_n3A_1544, %jit3A_1548 : i32
      %ne3A_1566 = arith.constant 0 : i32
      %ne3A_1567 = arith.cmpi ne, %rem3A_1565, %ne3A_1566 : i32
      %and3A_1568 = arith.andi %ne3A_1564, %ne3A_1567 : i1
      %sub3A_1569 = arith.constant 1 : i32
      %sub3A_1570 = arith.subi %div3A_1549, %sub3A_1569 : i32
      %select_n3A_1571 = arith.select %and3A_1568, %sub3A_1570, %div3A_1549 : i32
      %mul3A_1572 = arith.constant 7 : i32
      %mul3A_1573 = arith.muli %select_n3A_1571, %mul3A_1572 : i32
      %sub3A_1574 = arith.subi %select_n3A_1544, %mul3A_1573 : i32
      %mul3A_1575 = arith.muli %select_n3A_1571, %sub3A_29 : i32
      %add3A_1576 = arith.constant 6 : i32
      %add3A_1577 = arith.addi %mul3A_1575, %add3A_1576 : i32
      %jit3A_1578 = arith.constant 7 : i32
      %div3A_1579 = arith.divsi %add3A_1577, %jit3A_1578 : i32
      %sign3A_1580 = arith.constant 0 : i32
      %sign3A_1581 = arith.cmpi sgt, %add3A_1577, %sign3A_1580 : i32
      %sign3A_1582 = arith.extui %sign3A_1581 : i1 to i32
      %sign3A_1583 = arith.constant 0 : i32
      %sign3A_1584 = arith.cmpi slt, %add3A_1577, %sign3A_1583 : i32
      %sign3A_1585 = arith.extui %sign3A_1584 : i1 to i32
      %sign3A_1586 = arith.subi %sign3A_1582, %sign3A_1585 : i32
      %sign3A_1587 = arith.constant 0 : i32
      %sign3A_1588 = arith.cmpi sgt, %jit3A_1578, %sign3A_1587 : i32
      %sign3A_1589 = arith.extui %sign3A_1588 : i1 to i32
      %sign3A_1590 = arith.constant 0 : i32
      %sign3A_1591 = arith.cmpi slt, %jit3A_1578, %sign3A_1590 : i32
      %sign3A_1592 = arith.extui %sign3A_1591 : i1 to i32
      %sign3A_1593 = arith.subi %sign3A_1589, %sign3A_1592 : i32
      %ne3A_1594 = arith.cmpi ne, %sign3A_1586, %sign3A_1593 : i32
      %rem3A_1595 = arith.remsi %add3A_1577, %jit3A_1578 : i32
      %ne3A_1596 = arith.constant 0 : i32
      %ne3A_1597 = arith.cmpi ne, %rem3A_1595, %ne3A_1596 : i32
      %and3A_1598 = arith.andi %ne3A_1594, %ne3A_1597 : i1
      %sub3A_1599 = arith.constant 1 : i32
      %sub3A_1600 = arith.subi %div3A_1579, %sub3A_1599 : i32
      %select_n3A_1601 = arith.select %and3A_1598, %sub3A_1600, %div3A_1579 : i32
      %add3A_1602 = arith.addi %squeeze3A_20, %select_n3A_1601 : i32
      %add3A_1603 = arith.constant 1 : i32
      %add3A_1604 = arith.addi %select_n3A_1571, %add3A_1603 : i32
      %mul3A_1605 = arith.muli %add3A_1604, %sub3A_29 : i32
      %add3A_1606 = arith.constant 6 : i32
      %add3A_1607 = arith.addi %mul3A_1605, %add3A_1606 : i32
      %jit3A_1608 = arith.constant 7 : i32
      %div3A_1609 = arith.divsi %add3A_1607, %jit3A_1608 : i32
      %sign3A_1610 = arith.constant 0 : i32
      %sign3A_1611 = arith.cmpi sgt, %add3A_1607, %sign3A_1610 : i32
      %sign3A_1612 = arith.extui %sign3A_1611 : i1 to i32
      %sign3A_1613 = arith.constant 0 : i32
      %sign3A_1614 = arith.cmpi slt, %add3A_1607, %sign3A_1613 : i32
      %sign3A_1615 = arith.extui %sign3A_1614 : i1 to i32
      %sign3A_1616 = arith.subi %sign3A_1612, %sign3A_1615 : i32
      %sign3A_1617 = arith.constant 0 : i32
      %sign3A_1618 = arith.cmpi sgt, %jit3A_1608, %sign3A_1617 : i32
      %sign3A_1619 = arith.extui %sign3A_1618 : i1 to i32
      %sign3A_1620 = arith.constant 0 : i32
      %sign3A_1621 = arith.cmpi slt, %jit3A_1608, %sign3A_1620 : i32
      %sign3A_1622 = arith.extui %sign3A_1621 : i1 to i32
      %sign3A_1623 = arith.subi %sign3A_1619, %sign3A_1622 : i32
      %ne3A_1624 = arith.cmpi ne, %sign3A_1616, %sign3A_1623 : i32
      %rem3A_1625 = arith.remsi %add3A_1607, %jit3A_1608 : i32
      %ne3A_1626 = arith.constant 0 : i32
      %ne3A_1627 = arith.cmpi ne, %rem3A_1625, %ne3A_1626 : i32
      %and3A_1628 = arith.andi %ne3A_1624, %ne3A_1627 : i1
      %sub3A_1629 = arith.constant 1 : i32
      %sub3A_1630 = arith.subi %div3A_1609, %sub3A_1629 : i32
      %select_n3A_1631 = arith.select %and3A_1628, %sub3A_1630, %div3A_1609 : i32
      %add3A_1632 = arith.addi %squeeze3A_20, %select_n3A_1631 : i32
      %eq3A_1633 = arith.cmpi eq, %add3A_1602, %add3A_1632 : i32
      %convert_element_type3A_1634 = arith.extui %eq3A_1633 : i1 to i32
      %sub3A_1635 = arith.subi %add3A_1602, %convert_element_type3A_1634 : i32
      %mul3A_1636 = arith.muli %sub3A_1574, %sub3A : i32
      %add3A_1637 = arith.constant 6 : i32
      %add3A_1638 = arith.addi %mul3A_1636, %add3A_1637 : i32
      %jit3A_1639 = arith.constant 7 : i32
      %div3A_1640 = arith.divsi %add3A_1638, %jit3A_1639 : i32
      %sign3A_1641 = arith.constant 0 : i32
      %sign3A_1642 = arith.cmpi sgt, %add3A_1638, %sign3A_1641 : i32
      %sign3A_1643 = arith.extui %sign3A_1642 : i1 to i32
      %sign3A_1644 = arith.constant 0 : i32
      %sign3A_1645 = arith.cmpi slt, %add3A_1638, %sign3A_1644 : i32
      %sign3A_1646 = arith.extui %sign3A_1645 : i1 to i32
      %sign3A_1647 = arith.subi %sign3A_1643, %sign3A_1646 : i32
      %sign3A_1648 = arith.constant 0 : i32
      %sign3A_1649 = arith.cmpi sgt, %jit3A_1639, %sign3A_1648 : i32
      %sign3A_1650 = arith.extui %sign3A_1649 : i1 to i32
      %sign3A_1651 = arith.constant 0 : i32
      %sign3A_1652 = arith.cmpi slt, %jit3A_1639, %sign3A_1651 : i32
      %sign3A_1653 = arith.extui %sign3A_1652 : i1 to i32
      %sign3A_1654 = arith.subi %sign3A_1650, %sign3A_1653 : i32
      %ne3A_1655 = arith.cmpi ne, %sign3A_1647, %sign3A_1654 : i32
      %rem3A_1656 = arith.remsi %add3A_1638, %jit3A_1639 : i32
      %ne3A_1657 = arith.constant 0 : i32
      %ne3A_1658 = arith.cmpi ne, %rem3A_1656, %ne3A_1657 : i32
      %and3A_1659 = arith.andi %ne3A_1655, %ne3A_1658 : i1
      %sub3A_1660 = arith.constant 1 : i32
      %sub3A_1661 = arith.subi %div3A_1640, %sub3A_1660 : i32
      %select_n3A_1662 = arith.select %and3A_1659, %sub3A_1661, %div3A_1640 : i32
      %add3A_1663 = arith.addi %squeeze3A, %select_n3A_1662 : i32
      %add3A_1664 = arith.constant 1 : i32
      %add3A_1665 = arith.addi %sub3A_1574, %add3A_1664 : i32
      %mul3A_1666 = arith.muli %add3A_1665, %sub3A : i32
      %add3A_1667 = arith.constant 6 : i32
      %add3A_1668 = arith.addi %mul3A_1666, %add3A_1667 : i32
      %jit3A_1669 = arith.constant 7 : i32
      %div3A_1670 = arith.divsi %add3A_1668, %jit3A_1669 : i32
      %sign3A_1671 = arith.constant 0 : i32
      %sign3A_1672 = arith.cmpi sgt, %add3A_1668, %sign3A_1671 : i32
      %sign3A_1673 = arith.extui %sign3A_1672 : i1 to i32
      %sign3A_1674 = arith.constant 0 : i32
      %sign3A_1675 = arith.cmpi slt, %add3A_1668, %sign3A_1674 : i32
      %sign3A_1676 = arith.extui %sign3A_1675 : i1 to i32
      %sign3A_1677 = arith.subi %sign3A_1673, %sign3A_1676 : i32
      %sign3A_1678 = arith.constant 0 : i32
      %sign3A_1679 = arith.cmpi sgt, %jit3A_1669, %sign3A_1678 : i32
      %sign3A_1680 = arith.extui %sign3A_1679 : i1 to i32
      %sign3A_1681 = arith.constant 0 : i32
      %sign3A_1682 = arith.cmpi slt, %jit3A_1669, %sign3A_1681 : i32
      %sign3A_1683 = arith.extui %sign3A_1682 : i1 to i32
      %sign3A_1684 = arith.subi %sign3A_1680, %sign3A_1683 : i32
      %ne3A_1685 = arith.cmpi ne, %sign3A_1677, %sign3A_1684 : i32
      %rem3A_1686 = arith.remsi %add3A_1668, %jit3A_1669 : i32
      %ne3A_1687 = arith.constant 0 : i32
      %ne3A_1688 = arith.cmpi ne, %rem3A_1686, %ne3A_1687 : i32
      %and3A_1689 = arith.andi %ne3A_1685, %ne3A_1688 : i1
      %sub3A_1690 = arith.constant 1 : i32
      %sub3A_1691 = arith.subi %div3A_1670, %sub3A_1690 : i32
      %select_n3A_1692 = arith.select %and3A_1689, %sub3A_1691, %div3A_1670 : i32
      %add3A_1693 = arith.addi %squeeze3A, %select_n3A_1692 : i32
      %eq3A_1694 = arith.cmpi eq, %add3A_1663, %add3A_1693 : i32
      %convert_element_type3A_1695 = arith.extui %eq3A_1694 : i1 to i32
      %sub3A_1696 = arith.subi %add3A_1663, %convert_element_type3A_1695 : i32
      %mul3A_1697 = arith.constant 4 : i32
      %mul3A_1698 = arith.muli %sub3A_1547, %mul3A_1697 : i32
      %add3A_1699 = vector.broadcast %mul3A_1698 : i32 to vector<16xi32>
      %add3A_1700 = arith.addi %add3A_1699, %iota3A : vector<16xi32>
      %sub3A_1701 = arith.constant 1 : i32
      %sub3A_1702 = arith.subi %mul3A_75, %sub3A_1701 : i32
      %min3A_1703 = vector.broadcast %sub3A_1702 : i32 to vector<16xi32>
      %min3A_1704 = arith.minsi %add3A_1700, %min3A_1703 : vector<16xi32>
      %mul3A_1705 = vector.broadcast %add3A_129 : i32 to vector<16xi32>
      %mul3A_1706 = arith.muli %min3A_1704, %mul3A_1705 : vector<16xi32>
      %shift_right_arithmetic3A_1707 = arith.constant 16 : i32
      %shift_right_arithmetic3A_1708 = vector.broadcast %shift_right_arithmetic3A_1707 : i32 to vector<16xi32>
      %shift_right_arithmetic3A_1709 = arith.shrsi %mul3A_1706, %shift_right_arithmetic3A_1708 : vector<16xi32>
      %mul3A_1710 = vector.broadcast %select_n3A_74 : i32 to vector<16xi32>
      %mul3A_1711 = arith.muli %shift_right_arithmetic3A_1709, %mul3A_1710 : vector<16xi32>
      %sub3A_1712 = arith.subi %min3A_1704, %mul3A_1711 : vector<16xi32>
      %add3A_1713 = vector.broadcast %sub3A_1635 : i32 to vector<16xi32>
      %add3A_1714 = arith.addi %add3A_1713, %shift_right_arithmetic3A_1709 : vector<16xi32>
      %sub3A_1715 = arith.constant 1 : i32
      %sub3A_1716 = arith.subi %add3A_1632, %sub3A_1715 : i32
      %min3A_1717 = vector.broadcast %sub3A_1716 : i32 to vector<16xi32>
      %min3A_1718 = arith.minsi %add3A_1714, %min3A_1717 : vector<16xi32>
      %add3A_1719 = vector.broadcast %sub3A_1696 : i32 to vector<16xi32>
      %add3A_1720 = arith.addi %add3A_1719, %sub3A_1712 : vector<16xi32>
      %sub3A_1721 = arith.constant 1 : i32
      %sub3A_1722 = arith.subi %add3A_1693, %sub3A_1721 : i32
      %min3A_1723 = vector.broadcast %sub3A_1722 : i32 to vector<16xi32>
      %min3A_1724 = arith.minsi %add3A_1720, %min3A_1723 : vector<16xi32>
      %mul3A_1725 = arith.constant 64 : i32
      %mul3A_1726 = vector.broadcast %mul3A_1725 : i32 to vector<16xi32>
      %mul3A_1727 = arith.muli %min3A_1718, %mul3A_1726 : vector<16xi32>
      %add3A_1728 = vector.broadcast %mul3A_155 : i32 to vector<16xi32>
      %add3A_1729 = arith.addi %add3A_1728, %mul3A_1727 : vector<16xi32>
      %add3A_1730 = arith.addi %add3A_1729, %min3A_1724 : vector<16xi32>
      %swap3A_1731 = arith.constant 6 : i32
      %swap3A_1732 = arith.index_cast %swap3A_1731 : i32 to index
      %swap3A_1733 = arith.constant 0 : index
      %swap3A_1734 = tpu.vector_load %arg6[%swap3A_1732, %swap3A_1733] {strides = array<i32>} : memref<8x16xi32, #tpu.memory_space<vmem>>, vector<1x16xi32>,
      %swap3A_1735 = vector.shape_cast %swap3A_1734 : vector<1x16xi32> to vector<16xi32>
      %swap3A_1736 = vector.shape_cast %add3A_1730 : vector<16xi32> to vector<1x16xi32>
      tpu.vector_store %arg6[%swap3A_1732, %swap3A_1733], %swap3A_1736 {strides = array<i32>} : memref<8x16xi32, #tpu.memory_space<vmem>>, vector<1x16xi32>,
      %dma_start3A_1737 = arith.constant 6 : i32
      %dma_start3A_1738 = arith.constant 6 : i32
      %dma_start3A_1739 = arith.constant 0 : i32
      %dma_start3A_1740 = arith.constant 0 : i32
      %dma_start3A_1741 = tpu.memref_slice %arg7[%dma_start3A_1738, %dma_start3A_1739, %dma_start3A_1740] : memref<8x4x384xf32, #tpu.memory_space<vmem>> -> memref<1x4x384xf32, #tpu.memory_space<vmem>>
      %dma_start3A_1742 = tpu.memref_squeeze %dma_start3A_1741 : memref<1x4x384xf32, #tpu.memory_space<vmem>> -> memref<4x384xf32, #tpu.memory_space<vmem>>
      %dma_start3A_1743 = arith.constant 0 : i32
      %dma_start3A_1744 = tpu.memref_slice %arg6[%dma_start3A_1737, %dma_start3A_1743] : memref<8x16xi32, #tpu.memory_space<vmem>> -> memref<1x4xi32, #tpu.memory_space<vmem>>
      %dma_start3A_1745 = tpu.memref_squeeze %dma_start3A_1744 : memref<1x4xi32, #tpu.memory_space<vmem>> -> memref<4xi32, #tpu.memory_space<vmem>>
      %dma_start3A_1746 = arith.constant 0 : i32
      %dma_start3A_1747 = arith.constant 0 : i32
      %dma_start3A_1748 = tpu.memref_slice %arg2[%dma_start3A_1746, %dma_start3A_1747] : memref<16384x384xf32, #tpu.memory_space<hbm>> -> memref<16384x384xf32, #tpu.memory_space<hbm>>
      tpu.enqueue_indirect_dma source(%dma_start3A_1748 : memref<16384x384xf32, #tpu.memory_space<hbm>>) target(%dma_start3A_1742 : memref<4x384xf32, #tpu.memory_space<vmem>>) offsets(%dma_start3A_1745 : memref<4xi32, #tpu.memory_space<vmem>>) semaphore(%arg9 : memref<!tpu.dma_semaphore, #tpu.memory_space<semaphore_mem>>)
      %while3A = arith.constant 0 : i32
      %while3A_1749 = arith.subi %mul3A_157, %while3A : i32
      %while3A_1750 = arith.addi %while3A, %while3A_1749 : i32
      %while3A_1751 = arith.constant 1 : i32
      %while3A_1752 = arith.divsi %while3A_1749, %while3A_1751 : i32
      %while3A_1753 = arith.muli %while3A_1752, %while3A_1751 : i32
      %while3A_1754 = arith.addi %while3A, %while3A_1753 : i32
      %while3A_1755 = arith.constant 1 : i32
      %while3A_1756:24 = scf.for %while3A_1765 = %while3A to %while3A_1754 step %while3A_1755 iter_args(%while3A_1766 = %broadcast_in_dim3A_5, %while3A_1767 = %broadcast_in_dim3A_5, %while3A_1768 = %broadcast_in_dim3A_5, %while3A_1769 = %broadcast_in_dim3A_5, %while3A_1770 = %broadcast_in_dim3A_5, %while3A_1771 = %broadcast_in_dim3A_5, %while3A_1772 = %broadcast_in_dim3A_5, %while3A_1773 = %broadcast_in_dim3A_5, %while3A_1774 = %broadcast_in_dim3A_5, %while3A_1775 = %broadcast_in_dim3A_5, %while3A_1776 = %broadcast_in_dim3A_5, %while3A_1777 = %broadcast_in_dim3A_5, %while3A_1778 = %broadcast_in_dim3A_5, %while3A_1779 = %broadcast_in_dim3A_5, %while3A_1780 = %broadcast_in_dim3A_5, %while3A_1781 = %broadcast_in_dim3A_5, %while3A_1782 = %broadcast_in_dim3A_5, %while3A_1783 = %broadcast_in_dim3A_5, %while3A_1784 = %broadcast_in_dim3A_5, %while3A_1785 = %broadcast_in_dim3A_5, %while3A_1786 = %broadcast_in_dim3A_5, %while3A_1787 = %broadcast_in_dim3A_5, %while3A_1788 = %broadcast_in_dim3A_5, %while3A_1789 = %broadcast_in_dim3A_5) -> (vector<16xf32>, vector<16xf32>, vector<16xf32>, vector<16xf32>, vector<16xf32>, vector<16xf32>, vector<16xf32>, vector<16xf32>, vector<16xf32>, vector<16xf32>, vector<16xf32>, vector<16xf32>, vector<16xf32>, vector<16xf32>, vector<16xf32>, vector<16xf32>, vector<16xf32>, vector<16xf32>, vector<16xf32>, vector<16xf32>, vector<16xf32>, vector<16xf32>, vector<16xf32>, vector<16xf32>)  : i32 {
        %jit3A_1790 = arith.constant 8 : i32
        %eq3A_1791 = arith.constant 0 : i32
        %eq3A_1792 = arith.cmpi eq, %jit3A_1790, %eq3A_1791 : i32
        %jit3A_1793 = arith.constant 1 : i32
        %select_n3A_1794 = arith.select %eq3A_1792, %jit3A_1793, %jit3A_1790 : i32
        %rem3A_1795 = arith.remsi %while3A_1765, %select_n3A_1794 : i32
        %ne3A_1796 = arith.constant 0 : i32
        %ne3A_1797 = arith.cmpi ne, %rem3A_1795, %ne3A_1796 : i32
        %lt3A = arith.constant 0 : i32
        %lt3A_1798 = arith.cmpi slt, %rem3A_1795, %lt3A : i32
        %lt3A_1799 = arith.constant 0 : i32
        %lt3A_1800 = arith.cmpi slt, %select_n3A_1794, %lt3A_1799 : i32
        %ne3A_1801 = arith.xori %lt3A_1798, %lt3A_1800 : i1
        %and3A_1802 = arith.andi %ne3A_1801, %ne3A_1797 : i1
        %add3A_1803 = arith.addi %rem3A_1795, %select_n3A_1794 : i32
        %select_n3A_1804 = arith.select %and3A_1802, %add3A_1803, %rem3A_1795 : i32
        %dma_wait3A = arith.constant 0 : i32
        %dma_wait3A_1805 = arith.constant 0 : i32
        %dma_wait3A_1806 = tpu.memref_slice %arg7[%select_n3A_1804, %dma_wait3A, %dma_wait3A_1805] : memref<8x4x384xf32, #tpu.memory_space<vmem>> -> memref<1x4x384xf32, #tpu.memory_space<vmem>>
        %dma_wait3A_1807 = tpu.memref_squeeze %dma_wait3A_1806 : memref<1x4x384xf32, #tpu.memory_space<vmem>> -> memref<4x384xf32, #tpu.memory_space<vmem>>
        %dma_wait3A_1808 = arith.constant 0 : i32
        %dma_wait3A_1809 = arith.constant 0 : i32
        %dma_wait3A_1810 = tpu.memref_slice %arg2[%dma_wait3A_1808, %dma_wait3A_1809] : memref<16384x384xf32, #tpu.memory_space<hbm>> -> memref<16x384xf32, #tpu.memory_space<hbm>>
        %dma_wait3A_1811 = arith.constant 0 : i32
        %dma_wait3A_1812 = arith.constant 0 : i32
        %dma_wait3A_1813 = tpu.memref_slice %arg7[%select_n3A_1804, %dma_wait3A_1811, %dma_wait3A_1812] : memref<8x4x384xf32, #tpu.memory_space<vmem>> -> memref<1x4x384xf32, #tpu.memory_space<vmem>>
        %dma_wait3A_1814 = tpu.memref_squeeze %dma_wait3A_1813 : memref<1x4x384xf32, #tpu.memory_space<vmem>> -> memref<4x384xf32, #tpu.memory_space<vmem>>
        %dma_wait3A_1815 = arith.constant 0 : i32
        %dma_wait3A_1816 = arith.constant 0 : i32
        %dma_wait3A_1817 = tpu.memref_slice %arg2[%dma_wait3A_1815, %dma_wait3A_1816] : memref<16384x384xf32, #tpu.memory_space<hbm>> -> memref<16x384xf32, #tpu.memory_space<hbm>>
        tpu.wait_dma2 semaphore(%arg9 : memref<!tpu.dma_semaphore, #tpu.memory_space<semaphore_mem>>) src(%dma_wait3A_1817 : memref<16x384xf32, #tpu.memory_space<hbm>>) dst(%dma_wait3A_1814 : memref<4x384xf32, #tpu.memory_space<vmem>>)
        %add3A_1818 = arith.constant 7 : i32
        %add3A_1819 = arith.addi %while3A_1765, %add3A_1818 : i32
        %lt3A_1820 = arith.cmpi slt, %add3A_1819, %mul3A_157 : i32
        %convert_element_type3A_1821 = arith.extui %lt3A_1820 : i1 to i32
        %cond3A = arith.constant 0 : i32
        %cond3A_1822 = arith.cmpi ne, %convert_element_type3A_1821, %cond3A : i32
        scf.if %cond3A_1822 {
          %add3A_2565 = arith.constant 7 : i32
          %add3A_2566 = arith.addi %while3A_1765, %add3A_2565 : i32
          %div3A_2567 = arith.divsi %add3A_2566, %select_n3A_103 : i32
          %sign3A_2568 = arith.constant 0 : i32
          %sign3A_2569 = arith.cmpi sgt, %add3A_2566, %sign3A_2568 : i32
          %sign3A_2570 = arith.extui %sign3A_2569 : i1 to i32
          %sign3A_2571 = arith.constant 0 : i32
          %sign3A_2572 = arith.cmpi slt, %add3A_2566, %sign3A_2571 : i32
          %sign3A_2573 = arith.extui %sign3A_2572 : i1 to i32
          %sign3A_2574 = arith.subi %sign3A_2570, %sign3A_2573 : i32
          %sign3A_2575 = arith.constant 0 : i32
          %sign3A_2576 = arith.cmpi sgt, %select_n3A_103, %sign3A_2575 : i32
          %sign3A_2577 = arith.extui %sign3A_2576 : i1 to i32
          %sign3A_2578 = arith.constant 0 : i32
          %sign3A_2579 = arith.cmpi slt, %select_n3A_103, %sign3A_2578 : i32
          %sign3A_2580 = arith.extui %sign3A_2579 : i1 to i32
          %sign3A_2581 = arith.subi %sign3A_2577, %sign3A_2580 : i32
          %ne3A_2582 = arith.cmpi ne, %sign3A_2574, %sign3A_2581 : i32
          %rem3A_2583 = arith.remsi %add3A_2566, %select_n3A_103 : i32
          %ne3A_2584 = arith.constant 0 : i32
          %ne3A_2585 = arith.cmpi ne, %rem3A_2583, %ne3A_2584 : i32
          %and3A_2586 = arith.andi %ne3A_2582, %ne3A_2585 : i1
          %sub3A_2587 = arith.constant 1 : i32
          %sub3A_2588 = arith.subi %div3A_2567, %sub3A_2587 : i32
          %select_n3A_2589 = arith.select %and3A_2586, %sub3A_2588, %div3A_2567 : i32
          %mul3A_2590 = arith.muli %select_n3A_2589, %select_n3A_103 : i32
          %sub3A_2591 = arith.subi %add3A_2566, %mul3A_2590 : i32
          %jit3A_2592 = arith.constant 7 : i32
          %div3A_2593 = arith.divsi %select_n3A_2589, %jit3A_2592 : i32
          %sign3A_2594 = arith.constant 0 : i32
          %sign3A_2595 = arith.cmpi sgt, %select_n3A_2589, %sign3A_2594 : i32
          %sign3A_2596 = arith.extui %sign3A_2595 : i1 to i32
          %sign3A_2597 = arith.constant 0 : i32
          %sign3A_2598 = arith.cmpi slt, %select_n3A_2589, %sign3A_2597 : i32
          %sign3A_2599 = arith.extui %sign3A_2598 : i1 to i32
          %sign3A_2600 = arith.subi %sign3A_2596, %sign3A_2599 : i32
          %sign3A_2601 = arith.constant 0 : i32
          %sign3A_2602 = arith.cmpi sgt, %jit3A_2592, %sign3A_2601 : i32
          %sign3A_2603 = arith.extui %sign3A_2602 : i1 to i32
          %sign3A_2604 = arith.constant 0 : i32
          %sign3A_2605 = arith.cmpi slt, %jit3A_2592, %sign3A_2604 : i32
          %sign3A_2606 = arith.extui %sign3A_2605 : i1 to i32
          %sign3A_2607 = arith.subi %sign3A_2603, %sign3A_2606 : i32
          %ne3A_2608 = arith.cmpi ne, %sign3A_2600, %sign3A_2607 : i32
          %rem3A_2609 = arith.remsi %select_n3A_2589, %jit3A_2592 : i32
          %ne3A_2610 = arith.constant 0 : i32
          %ne3A_2611 = arith.cmpi ne, %rem3A_2609, %ne3A_2610 : i32
          %and3A_2612 = arith.andi %ne3A_2608, %ne3A_2611 : i1
          %sub3A_2613 = arith.constant 1 : i32
          %sub3A_2614 = arith.subi %div3A_2593, %sub3A_2613 : i32
          %select_n3A_2615 = arith.select %and3A_2612, %sub3A_2614, %div3A_2593 : i32
          %mul3A_2616 = arith.constant 7 : i32
          %mul3A_2617 = arith.muli %select_n3A_2615, %mul3A_2616 : i32
          %sub3A_2618 = arith.subi %select_n3A_2589, %mul3A_2617 : i32
          %mul3A_2619 = arith.muli %select_n3A_2615, %sub3A_29 : i32
          %add3A_2620 = arith.constant 6 : i32
          %add3A_2621 = arith.addi %mul3A_2619, %add3A_2620 : i32
          %jit3A_2622 = arith.constant 7 : i32
          %div3A_2623 = arith.divsi %add3A_2621, %jit3A_2622 : i32
          %sign3A_2624 = arith.constant 0 : i32
          %sign3A_2625 = arith.cmpi sgt, %add3A_2621, %sign3A_2624 : i32
          %sign3A_2626 = arith.extui %sign3A_2625 : i1 to i32
          %sign3A_2627 = arith.constant 0 : i32
          %sign3A_2628 = arith.cmpi slt, %add3A_2621, %sign3A_2627 : i32
          %sign3A_2629 = arith.extui %sign3A_2628 : i1 to i32
          %sign3A_2630 = arith.subi %sign3A_2626, %sign3A_2629 : i32
          %sign3A_2631 = arith.constant 0 : i32
          %sign3A_2632 = arith.cmpi sgt, %jit3A_2622, %sign3A_2631 : i32
          %sign3A_2633 = arith.extui %sign3A_2632 : i1 to i32
          %sign3A_2634 = arith.constant 0 : i32
          %sign3A_2635 = arith.cmpi slt, %jit3A_2622, %sign3A_2634 : i32
          %sign3A_2636 = arith.extui %sign3A_2635 : i1 to i32
          %sign3A_2637 = arith.subi %sign3A_2633, %sign3A_2636 : i32
          %ne3A_2638 = arith.cmpi ne, %sign3A_2630, %sign3A_2637 : i32
          %rem3A_2639 = arith.remsi %add3A_2621, %jit3A_2622 : i32
          %ne3A_2640 = arith.constant 0 : i32
          %ne3A_2641 = arith.cmpi ne, %rem3A_2639, %ne3A_2640 : i32
          %and3A_2642 = arith.andi %ne3A_2638, %ne3A_2641 : i1
          %sub3A_2643 = arith.constant 1 : i32
          %sub3A_2644 = arith.subi %div3A_2623, %sub3A_2643 : i32
          %select_n3A_2645 = arith.select %and3A_2642, %sub3A_2644, %div3A_2623 : i32
          %add3A_2646 = arith.addi %squeeze3A_20, %select_n3A_2645 : i32
          %add3A_2647 = arith.constant 1 : i32
          %add3A_2648 = arith.addi %select_n3A_2615, %add3A_2647 : i32
          %mul3A_2649 = arith.muli %add3A_2648, %sub3A_29 : i32
          %add3A_2650 = arith.constant 6 : i32
          %add3A_2651 = arith.addi %mul3A_2649, %add3A_2650 : i32
          %jit3A_2652 = arith.constant 7 : i32
          %div3A_2653 = arith.divsi %add3A_2651, %jit3A_2652 : i32
          %sign3A_2654 = arith.constant 0 : i32
          %sign3A_2655 = arith.cmpi sgt, %add3A_2651, %sign3A_2654 : i32
          %sign3A_2656 = arith.extui %sign3A_2655 : i1 to i32
          %sign3A_2657 = arith.constant 0 : i32
          %sign3A_2658 = arith.cmpi slt, %add3A_2651, %sign3A_2657 : i32
          %sign3A_2659 = arith.extui %sign3A_2658 : i1 to i32
          %sign3A_2660 = arith.subi %sign3A_2656, %sign3A_2659 : i32
          %sign3A_2661 = arith.constant 0 : i32
          %sign3A_2662 = arith.cmpi sgt, %jit3A_2652, %sign3A_2661 : i32
          %sign3A_2663 = arith.extui %sign3A_2662 : i1 to i32
          %sign3A_2664 = arith.constant 0 : i32
          %sign3A_2665 = arith.cmpi slt, %jit3A_2652, %sign3A_2664 : i32
          %sign3A_2666 = arith.extui %sign3A_2665 : i1 to i32
          %sign3A_2667 = arith.subi %sign3A_2663, %sign3A_2666 : i32
          %ne3A_2668 = arith.cmpi ne, %sign3A_2660, %sign3A_2667 : i32
          %rem3A_2669 = arith.remsi %add3A_2651, %jit3A_2652 : i32
          %ne3A_2670 = arith.constant 0 : i32
          %ne3A_2671 = arith.cmpi ne, %rem3A_2669, %ne3A_2670 : i32
          %and3A_2672 = arith.andi %ne3A_2668, %ne3A_2671 : i1
          %sub3A_2673 = arith.constant 1 : i32
          %sub3A_2674 = arith.subi %div3A_2653, %sub3A_2673 : i32
          %select_n3A_2675 = arith.select %and3A_2672, %sub3A_2674, %div3A_2653 : i32
          %add3A_2676 = arith.addi %squeeze3A_20, %select_n3A_2675 : i32
          %eq3A_2677 = arith.cmpi eq, %add3A_2646, %add3A_2676 : i32
          %convert_element_type3A_2678 = arith.extui %eq3A_2677 : i1 to i32
          %sub3A_2679 = arith.subi %add3A_2646, %convert_element_type3A_2678 : i32
          %mul3A_2680 = arith.muli %sub3A_2618, %sub3A : i32
          %add3A_2681 = arith.constant 6 : i32
          %add3A_2682 = arith.addi %mul3A_2680, %add3A_2681 : i32
          %jit3A_2683 = arith.constant 7 : i32
          %div3A_2684 = arith.divsi %add3A_2682, %jit3A_2683 : i32
          %sign3A_2685 = arith.constant 0 : i32
          %sign3A_2686 = arith.cmpi sgt, %add3A_2682, %sign3A_2685 : i32
          %sign3A_2687 = arith.extui %sign3A_2686 : i1 to i32
          %sign3A_2688 = arith.constant 0 : i32
          %sign3A_2689 = arith.cmpi slt, %add3A_2682, %sign3A_2688 : i32
          %sign3A_2690 = arith.extui %sign3A_2689 : i1 to i32
          %sign3A_2691 = arith.subi %sign3A_2687, %sign3A_2690 : i32
          %sign3A_2692 = arith.constant 0 : i32
          %sign3A_2693 = arith.cmpi sgt, %jit3A_2683, %sign3A_2692 : i32
          %sign3A_2694 = arith.extui %sign3A_2693 : i1 to i32
          %sign3A_2695 = arith.constant 0 : i32
          %sign3A_2696 = arith.cmpi slt, %jit3A_2683, %sign3A_2695 : i32
          %sign3A_2697 = arith.extui %sign3A_2696 : i1 to i32
          %sign3A_2698 = arith.subi %sign3A_2694, %sign3A_2697 : i32
          %ne3A_2699 = arith.cmpi ne, %sign3A_2691, %sign3A_2698 : i32
          %rem3A_2700 = arith.remsi %add3A_2682, %jit3A_2683 : i32
          %ne3A_2701 = arith.constant 0 : i32
          %ne3A_2702 = arith.cmpi ne, %rem3A_2700, %ne3A_2701 : i32
          %and3A_2703 = arith.andi %ne3A_2699, %ne3A_2702 : i1
          %sub3A_2704 = arith.constant 1 : i32
          %sub3A_2705 = arith.subi %div3A_2684, %sub3A_2704 : i32
          %select_n3A_2706 = arith.select %and3A_2703, %sub3A_2705, %div3A_2684 : i32
          %add3A_2707 = arith.addi %squeeze3A, %select_n3A_2706 : i32
          %add3A_2708 = arith.constant 1 : i32
          %add3A_2709 = arith.addi %sub3A_2618, %add3A_2708 : i32
          %mul3A_2710 = arith.muli %add3A_2709, %sub3A : i32
          %add3A_2711 = arith.constant 6 : i32
          %add3A_2712 = arith.addi %mul3A_2710, %add3A_2711 : i32
          %jit3A_2713 = arith.constant 7 : i32
          %div3A_2714 = arith.divsi %add3A_2712, %jit3A_2713 : i32
          %sign3A_2715 = arith.constant 0 : i32
          %sign3A_2716 = arith.cmpi sgt, %add3A_2712, %sign3A_2715 : i32
          %sign3A_2717 = arith.extui %sign3A_2716 : i1 to i32
          %sign3A_2718 = arith.constant 0 : i32
          %sign3A_2719 = arith.cmpi slt, %add3A_2712, %sign3A_2718 : i32
          %sign3A_2720 = arith.extui %sign3A_2719 : i1 to i32
          %sign3A_2721 = arith.subi %sign3A_2717, %sign3A_2720 : i32
          %sign3A_2722 = arith.constant 0 : i32
          %sign3A_2723 = arith.cmpi sgt, %jit3A_2713, %sign3A_2722 : i32
          %sign3A_2724 = arith.extui %sign3A_2723 : i1 to i32
          %sign3A_2725 = arith.constant 0 : i32
          %sign3A_2726 = arith.cmpi slt, %jit3A_2713, %sign3A_2725 : i32
          %sign3A_2727 = arith.extui %sign3A_2726 : i1 to i32
          %sign3A_2728 = arith.subi %sign3A_2724, %sign3A_2727 : i32
          %ne3A_2729 = arith.cmpi ne, %sign3A_2721, %sign3A_2728 : i32
          %rem3A_2730 = arith.remsi %add3A_2712, %jit3A_2713 : i32
          %ne3A_2731 = arith.constant 0 : i32
          %ne3A_2732 = arith.cmpi ne, %rem3A_2730, %ne3A_2731 : i32
          %and3A_2733 = arith.andi %ne3A_2729, %ne3A_2732 : i1
          %sub3A_2734 = arith.constant 1 : i32
          %sub3A_2735 = arith.subi %div3A_2714, %sub3A_2734 : i32
          %select_n3A_2736 = arith.select %and3A_2733, %sub3A_2735, %div3A_2714 : i32
          %add3A_2737 = arith.addi %squeeze3A, %select_n3A_2736 : i32
          %eq3A_2738 = arith.cmpi eq, %add3A_2707, %add3A_2737 : i32
          %convert_element_type3A_2739 = arith.extui %eq3A_2738 : i1 to i32
          %sub3A_2740 = arith.subi %add3A_2707, %convert_element_type3A_2739 : i32
          %mul3A_2741 = arith.constant 4 : i32
          %mul3A_2742 = arith.muli %sub3A_2591, %mul3A_2741 : i32
          %add3A_2743 = vector.broadcast %mul3A_2742 : i32 to vector<16xi32>
          %add3A_2744 = arith.addi %add3A_2743, %iota3A : vector<16xi32>
          %sub3A_2745 = arith.constant 1 : i32
          %sub3A_2746 = arith.subi %mul3A_75, %sub3A_2745 : i32
          %min3A_2747 = vector.broadcast %sub3A_2746 : i32 to vector<16xi32>
          %min3A_2748 = arith.minsi %add3A_2744, %min3A_2747 : vector<16xi32>
          %mul3A_2749 = vector.broadcast %add3A_129 : i32 to vector<16xi32>
          %mul3A_2750 = arith.muli %min3A_2748, %mul3A_2749 : vector<16xi32>
          %shift_right_arithmetic3A_2751 = arith.constant 16 : i32
          %shift_right_arithmetic3A_2752 = vector.broadcast %shift_right_arithmetic3A_2751 : i32 to vector<16xi32>
          %shift_right_arithmetic3A_2753 = arith.shrsi %mul3A_2750, %shift_right_arithmetic3A_2752 : vector<16xi32>
          %mul3A_2754 = vector.broadcast %select_n3A_74 : i32 to vector<16xi32>
          %mul3A_2755 = arith.muli %shift_right_arithmetic3A_2753, %mul3A_2754 : vector<16xi32>
          %sub3A_2756 = arith.subi %min3A_2748, %mul3A_2755 : vector<16xi32>
          %add3A_2757 = vector.broadcast %sub3A_2679 : i32 to vector<16xi32>
          %add3A_2758 = arith.addi %add3A_2757, %shift_right_arithmetic3A_2753 : vector<16xi32>
          %sub3A_2759 = arith.constant 1 : i32
          %sub3A_2760 = arith.subi %add3A_2676, %sub3A_2759 : i32
          %min3A_2761 = vector.broadcast %sub3A_2760 : i32 to vector<16xi32>
          %min3A_2762 = arith.minsi %add3A_2758, %min3A_2761 : vector<16xi32>
          %add3A_2763 = vector.broadcast %sub3A_2740 : i32 to vector<16xi32>
          %add3A_2764 = arith.addi %add3A_2763, %sub3A_2756 : vector<16xi32>
          %sub3A_2765 = arith.constant 1 : i32
          %sub3A_2766 = arith.subi %add3A_2737, %sub3A_2765 : i32
          %min3A_2767 = vector.broadcast %sub3A_2766 : i32 to vector<16xi32>
          %min3A_2768 = arith.minsi %add3A_2764, %min3A_2767 : vector<16xi32>
          %jit3A_2769 = arith.constant 8 : i32
          %eq3A_2770 = arith.constant 0 : i32
          %eq3A_2771 = arith.cmpi eq, %jit3A_2769, %eq3A_2770 : i32
          %jit3A_2772 = arith.constant 1 : i32
          %select_n3A_2773 = arith.select %eq3A_2771, %jit3A_2772, %jit3A_2769 : i32
          %rem3A_2774 = arith.remsi %add3A_2566, %select_n3A_2773 : i32
          %ne3A_2775 = arith.constant 0 : i32
          %ne3A_2776 = arith.cmpi ne, %rem3A_2774, %ne3A_2775 : i32
          %lt3A_2777 = arith.constant 0 : i32
          %lt3A_2778 = arith.cmpi slt, %rem3A_2774, %lt3A_2777 : i32
          %lt3A_2779 = arith.constant 0 : i32
          %lt3A_2780 = arith.cmpi slt, %select_n3A_2773, %lt3A_2779 : i32
          %ne3A_2781 = arith.xori %lt3A_2778, %lt3A_2780 : i1
          %and3A_2782 = arith.andi %ne3A_2781, %ne3A_2776 : i1
          %add3A_2783 = arith.addi %rem3A_2774, %select_n3A_2773 : i32
          %select_n3A_2784 = arith.select %and3A_2782, %add3A_2783, %rem3A_2774 : i32
          %mul3A_2785 = arith.constant 64 : i32
          %mul3A_2786 = vector.broadcast %mul3A_2785 : i32 to vector<16xi32>
          %mul3A_2787 = arith.muli %min3A_2762, %mul3A_2786 : vector<16xi32>
          %add3A_2788 = vector.broadcast %mul3A_155 : i32 to vector<16xi32>
          %add3A_2789 = arith.addi %add3A_2788, %mul3A_2787 : vector<16xi32>
          %add3A_2790 = arith.addi %add3A_2789, %min3A_2768 : vector<16xi32>
          %swap3A_2791 = arith.index_cast %select_n3A_2784 : i32 to index
          %swap3A_2792 = arith.constant 0 : index
          %swap3A_2793 = tpu.vector_load %arg6[%swap3A_2791, %swap3A_2792] {strides = array<i32>} : memref<8x16xi32, #tpu.memory_space<vmem>>, vector<1x16xi32>,
          %swap3A_2794 = vector.shape_cast %swap3A_2793 : vector<1x16xi32> to vector<16xi32>
          %swap3A_2795 = vector.shape_cast %add3A_2790 : vector<16xi32> to vector<1x16xi32>
          tpu.vector_store %arg6[%swap3A_2791, %swap3A_2792], %swap3A_2795 {strides = array<i32>} : memref<8x16xi32, #tpu.memory_space<vmem>>, vector<1x16xi32>,
          %dma_start3A_2796 = arith.constant 0 : i32
          %dma_start3A_2797 = arith.constant 0 : i32
          %dma_start3A_2798 = tpu.memref_slice %arg7[%select_n3A_2784, %dma_start3A_2796, %dma_start3A_2797] : memref<8x4x384xf32, #tpu.memory_space<vmem>> -> memref<1x4x384xf32, #tpu.memory_space<vmem>>
          %dma_start3A_2799 = tpu.memref_squeeze %dma_start3A_2798 : memref<1x4x384xf32, #tpu.memory_space<vmem>> -> memref<4x384xf32, #tpu.memory_space<vmem>>
          %dma_start3A_2800 = arith.constant 0 : i32
          %dma_start3A_2801 = tpu.memref_slice %arg6[%select_n3A_2784, %dma_start3A_2800] : memref<8x16xi32, #tpu.memory_space<vmem>> -> memref<1x4xi32, #tpu.memory_space<vmem>>
          %dma_start3A_2802 = tpu.memref_squeeze %dma_start3A_2801 : memref<1x4xi32, #tpu.memory_space<vmem>> -> memref<4xi32, #tpu.memory_space<vmem>>
          %dma_start3A_2803 = arith.constant 0 : i32
          %dma_start3A_2804 = arith.constant 0 : i32
          %dma_start3A_2805 = tpu.memref_slice %arg2[%dma_start3A_2803, %dma_start3A_2804] : memref<16384x384xf32, #tpu.memory_space<hbm>> -> memref<16384x384xf32, #tpu.memory_space<hbm>>
          tpu.enqueue_indirect_dma source(%dma_start3A_2805 : memref<16384x384xf32, #tpu.memory_space<hbm>>) target(%dma_start3A_2799 : memref<4x384xf32, #tpu.memory_space<vmem>>) offsets(%dma_start3A_2802 : memref<4xi32, #tpu.memory_space<vmem>>) semaphore(%arg9 : memref<!tpu.dma_semaphore, #tpu.memory_space<semaphore_mem>>)
        } else {
        }
        %jit3A_1823 = arith.constant 8 : i32
        %eq3A_1824 = arith.constant 0 : i32
        %eq3A_1825 = arith.cmpi eq, %jit3A_1823, %eq3A_1824 : i32
        %jit3A_1826 = arith.constant 1 : i32
        %select_n3A_1827 = arith.select %eq3A_1825, %jit3A_1826, %jit3A_1823 : i32
        %rem3A_1828 = arith.remsi %while3A_1765, %select_n3A_1827 : i32
        %ne3A_1829 = arith.constant 0 : i32
        %ne3A_1830 = arith.cmpi ne, %rem3A_1828, %ne3A_1829 : i32
        %lt3A_1831 = arith.constant 0 : i32
        %lt3A_1832 = arith.cmpi slt, %rem3A_1828, %lt3A_1831 : i32
        %lt3A_1833 = arith.constant 0 : i32
        %lt3A_1834 = arith.cmpi slt, %select_n3A_1827, %lt3A_1833 : i32
        %ne3A_1835 = arith.xori %lt3A_1832, %lt3A_1834 : i1
        %and3A_1836 = arith.andi %ne3A_1835, %ne3A_1830 : i1
        %add3A_1837 = arith.addi %rem3A_1828, %select_n3A_1827 : i32
        %select_n3A_1838 = arith.select %and3A_1836, %add3A_1837, %rem3A_1828 : i32
        %get3A_1839 = arith.constant 0 : i32
        %get3A_1840 = arith.index_cast %select_n3A_1838 : i32 to index
        %get3A_1841 = arith.index_cast %get3A_1839 : i32 to index
        %get3A_1842 = arith.constant 0 : index
        %get3A_1843 = tpu.vector_load %arg7[%get3A_1840, %get3A_1841, %get3A_1842] {strides = array<i32>} : memref<8x4x384xf32, #tpu.memory_space<vmem>>, vector<1x1x16xf32>,
        %get3A_1844 = vector.shape_cast %get3A_1843 : vector<1x1x16xf32> to vector<16xf32>
        %max3A = arith.maximumf %while3A_1766, %get3A_1844 : vector<16xf32>
        %get3A_1845 = arith.constant 1 : i32
        %get3A_1846 = arith.index_cast %select_n3A_1838 : i32 to index
        %get3A_1847 = arith.index_cast %get3A_1845 : i32 to index
        %get3A_1848 = arith.constant 0 : index
        %get3A_1849 = tpu.vector_load %arg7[%get3A_1846, %get3A_1847, %get3A_1848] {strides = array<i32>} : memref<8x4x384xf32, #tpu.memory_space<vmem>>, vector<1x1x16xf32>,
        %get3A_1850 = vector.shape_cast %get3A_1849 : vector<1x1x16xf32> to vector<16xf32>
        %max3A_1851 = arith.maximumf %max3A, %get3A_1850 : vector<16xf32>
        %get3A_1852 = arith.constant 2 : i32
        %get3A_1853 = arith.index_cast %select_n3A_1838 : i32 to index
        %get3A_1854 = arith.index_cast %get3A_1852 : i32 to index
        %get3A_1855 = arith.constant 0 : index
        %get3A_1856 = tpu.vector_load %arg7[%get3A_1853, %get3A_1854, %get3A_1855] {strides = array<i32>} : memref<8x4x384xf32, #tpu.memory_space<vmem>>, vector<1x1x16xf32>,
        %get3A_1857 = vector.shape_cast %get3A_1856 : vector<1x1x16xf32> to vector<16xf32>
        %max3A_1858 = arith.maximumf %max3A_1851, %get3A_1857 : vector<16xf32>
        %get3A_1859 = arith.constant 3 : i32
        %get3A_1860 = arith.index_cast %select_n3A_1838 : i32 to index
        %get3A_1861 = arith.index_cast %get3A_1859 : i32 to index
        %get3A_1862 = arith.constant 0 : index
        %get3A_1863 = tpu.vector_load %arg7[%get3A_1860, %get3A_1861, %get3A_1862] {strides = array<i32>} : memref<8x4x384xf32, #tpu.memory_space<vmem>>, vector<1x1x16xf32>,
        %get3A_1864 = vector.shape_cast %get3A_1863 : vector<1x1x16xf32> to vector<16xf32>
        %max3A_1865 = arith.maximumf %max3A_1858, %get3A_1864 : vector<16xf32>
        %get3A_1866 = arith.constant 0 : i32
        %get3A_1867 = arith.index_cast %select_n3A_1838 : i32 to index
        %get3A_1868 = arith.index_cast %get3A_1866 : i32 to index
        %get3A_1869 = arith.constant 16 : index
        %get3A_1870 = tpu.vector_load %arg7[%get3A_1867, %get3A_1868, %get3A_1869] {strides = array<i32>} : memref<8x4x384xf32, #tpu.memory_space<vmem>>, vector<1x1x16xf32>,
        %get3A_1871 = vector.shape_cast %get3A_1870 : vector<1x1x16xf32> to vector<16xf32>
        %max3A_1872 = arith.maximumf %while3A_1767, %get3A_1871 : vector<16xf32>
        %get3A_1873 = arith.constant 1 : i32
        %get3A_1874 = arith.index_cast %select_n3A_1838 : i32 to index
        %get3A_1875 = arith.index_cast %get3A_1873 : i32 to index
        %get3A_1876 = arith.constant 16 : index
        %get3A_1877 = tpu.vector_load %arg7[%get3A_1874, %get3A_1875, %get3A_1876] {strides = array<i32>} : memref<8x4x384xf32, #tpu.memory_space<vmem>>, vector<1x1x16xf32>,
        %get3A_1878 = vector.shape_cast %get3A_1877 : vector<1x1x16xf32> to vector<16xf32>
        %max3A_1879 = arith.maximumf %max3A_1872, %get3A_1878 : vector<16xf32>
        %get3A_1880 = arith.constant 2 : i32
        %get3A_1881 = arith.index_cast %select_n3A_1838 : i32 to index
        %get3A_1882 = arith.index_cast %get3A_1880 : i32 to index
        %get3A_1883 = arith.constant 16 : index
        %get3A_1884 = tpu.vector_load %arg7[%get3A_1881, %get3A_1882, %get3A_1883] {strides = array<i32>} : memref<8x4x384xf32, #tpu.memory_space<vmem>>, vector<1x1x16xf32>,
        %get3A_1885 = vector.shape_cast %get3A_1884 : vector<1x1x16xf32> to vector<16xf32>
        %max3A_1886 = arith.maximumf %max3A_1879, %get3A_1885 : vector<16xf32>
        %get3A_1887 = arith.constant 3 : i32
        %get3A_1888 = arith.index_cast %select_n3A_1838 : i32 to index
        %get3A_1889 = arith.index_cast %get3A_1887 : i32 to index
        %get3A_1890 = arith.constant 16 : index
        %get3A_1891 = tpu.vector_load %arg7[%get3A_1888, %get3A_1889, %get3A_1890] {strides = array<i32>} : memref<8x4x384xf32, #tpu.memory_space<vmem>>, vector<1x1x16xf32>,
        %get3A_1892 = vector.shape_cast %get3A_1891 : vector<1x1x16xf32> to vector<16xf32>
        %max3A_1893 = arith.maximumf %max3A_1886, %get3A_1892 : vector<16xf32>
        %get3A_1894 = arith.constant 0 : i32
        %get3A_1895 = arith.index_cast %select_n3A_1838 : i32 to index
        %get3A_1896 = arith.index_cast %get3A_1894 : i32 to index
        %get3A_1897 = arith.constant 32 : index
        %get3A_1898 = tpu.vector_load %arg7[%get3A_1895, %get3A_1896, %get3A_1897] {strides = array<i32>} : memref<8x4x384xf32, #tpu.memory_space<vmem>>, vector<1x1x16xf32>,
        %get3A_1899 = vector.shape_cast %get3A_1898 : vector<1x1x16xf32> to vector<16xf32>
        %max3A_1900 = arith.maximumf %while3A_1768, %get3A_1899 : vector<16xf32>
        %get3A_1901 = arith.constant 1 : i32
        %get3A_1902 = arith.index_cast %select_n3A_1838 : i32 to index
        %get3A_1903 = arith.index_cast %get3A_1901 : i32 to index
        %get3A_1904 = arith.constant 32 : index
        %get3A_1905 = tpu.vector_load %arg7[%get3A_1902, %get3A_1903, %get3A_1904] {strides = array<i32>} : memref<8x4x384xf32, #tpu.memory_space<vmem>>, vector<1x1x16xf32>,
        %get3A_1906 = vector.shape_cast %get3A_1905 : vector<1x1x16xf32> to vector<16xf32>
        %max3A_1907 = arith.maximumf %max3A_1900, %get3A_1906 : vector<16xf32>
        %get3A_1908 = arith.constant 2 : i32
        %get3A_1909 = arith.index_cast %select_n3A_1838 : i32 to index
        %get3A_1910 = arith.index_cast %get3A_1908 : i32 to index
        %get3A_1911 = arith.constant 32 : index
        %get3A_1912 = tpu.vector_load %arg7[%get3A_1909, %get3A_1910, %get3A_1911] {strides = array<i32>} : memref<8x4x384xf32, #tpu.memory_space<vmem>>, vector<1x1x16xf32>,
        %get3A_1913 = vector.shape_cast %get3A_1912 : vector<1x1x16xf32> to vector<16xf32>
        %max3A_1914 = arith.maximumf %max3A_1907, %get3A_1913 : vector<16xf32>
        %get3A_1915 = arith.constant 3 : i32
        %get3A_1916 = arith.index_cast %select_n3A_1838 : i32 to index
        %get3A_1917 = arith.index_cast %get3A_1915 : i32 to index
        %get3A_1918 = arith.constant 32 : index
        %get3A_1919 = tpu.vector_load %arg7[%get3A_1916, %get3A_1917, %get3A_1918] {strides = array<i32>} : memref<8x4x384xf32, #tpu.memory_space<vmem>>, vector<1x1x16xf32>,
        %get3A_1920 = vector.shape_cast %get3A_1919 : vector<1x1x16xf32> to vector<16xf32>
        %max3A_1921 = arith.maximumf %max3A_1914, %get3A_1920 : vector<16xf32>
        %get3A_1922 = arith.constant 0 : i32
        %get3A_1923 = arith.index_cast %select_n3A_1838 : i32 to index
        %get3A_1924 = arith.index_cast %get3A_1922 : i32 to index
        %get3A_1925 = arith.constant 48 : index
        %get3A_1926 = tpu.vector_load %arg7[%get3A_1923, %get3A_1924, %get3A_1925] {strides = array<i32>} : memref<8x4x384xf32, #tpu.memory_space<vmem>>, vector<1x1x16xf32>,
        %get3A_1927 = vector.shape_cast %get3A_1926 : vector<1x1x16xf32> to vector<16xf32>
        %max3A_1928 = arith.maximumf %while3A_1769, %get3A_1927 : vector<16xf32>
        %get3A_1929 = arith.constant 1 : i32
        %get3A_1930 = arith.index_cast %select_n3A_1838 : i32 to index
        %get3A_1931 = arith.index_cast %get3A_1929 : i32 to index
        %get3A_1932 = arith.constant 48 : index
        %get3A_1933 = tpu.vector_load %arg7[%get3A_1930, %get3A_1931, %get3A_1932] {strides = array<i32>} : memref<8x4x384xf32, #tpu.memory_space<vmem>>, vector<1x1x16xf32>,
        %get3A_1934 = vector.shape_cast %get3A_1933 : vector<1x1x16xf32> to vector<16xf32>
        %max3A_1935 = arith.maximumf %max3A_1928, %get3A_1934 : vector<16xf32>
        %get3A_1936 = arith.constant 2 : i32
        %get3A_1937 = arith.index_cast %select_n3A_1838 : i32 to index
        %get3A_1938 = arith.index_cast %get3A_1936 : i32 to index
        %get3A_1939 = arith.constant 48 : index
        %get3A_1940 = tpu.vector_load %arg7[%get3A_1937, %get3A_1938, %get3A_1939] {strides = array<i32>} : memref<8x4x384xf32, #tpu.memory_space<vmem>>, vector<1x1x16xf32>,
        %get3A_1941 = vector.shape_cast %get3A_1940 : vector<1x1x16xf32> to vector<16xf32>
        %max3A_1942 = arith.maximumf %max3A_1935, %get3A_1941 : vector<16xf32>
        %get3A_1943 = arith.constant 3 : i32
        %get3A_1944 = arith.index_cast %select_n3A_1838 : i32 to index
        %get3A_1945 = arith.index_cast %get3A_1943 : i32 to index
        %get3A_1946 = arith.constant 48 : index
        %get3A_1947 = tpu.vector_load %arg7[%get3A_1944, %get3A_1945, %get3A_1946] {strides = array<i32>} : memref<8x4x384xf32, #tpu.memory_space<vmem>>, vector<1x1x16xf32>,
        %get3A_1948 = vector.shape_cast %get3A_1947 : vector<1x1x16xf32> to vector<16xf32>
        %max3A_1949 = arith.maximumf %max3A_1942, %get3A_1948 : vector<16xf32>
        %get3A_1950 = arith.constant 0 : i32
        %get3A_1951 = arith.index_cast %select_n3A_1838 : i32 to index
        %get3A_1952 = arith.index_cast %get3A_1950 : i32 to index
        %get3A_1953 = arith.constant 64 : index
        %get3A_1954 = tpu.vector_load %arg7[%get3A_1951, %get3A_1952, %get3A_1953] {strides = array<i32>} : memref<8x4x384xf32, #tpu.memory_space<vmem>>, vector<1x1x16xf32>,
        %get3A_1955 = vector.shape_cast %get3A_1954 : vector<1x1x16xf32> to vector<16xf32>
        %max3A_1956 = arith.maximumf %while3A_1770, %get3A_1955 : vector<16xf32>
        %get3A_1957 = arith.constant 1 : i32
        %get3A_1958 = arith.index_cast %select_n3A_1838 : i32 to index
        %get3A_1959 = arith.index_cast %get3A_1957 : i32 to index
        %get3A_1960 = arith.constant 64 : index
        %get3A_1961 = tpu.vector_load %arg7[%get3A_1958, %get3A_1959, %get3A_1960] {strides = array<i32>} : memref<8x4x384xf32, #tpu.memory_space<vmem>>, vector<1x1x16xf32>,
        %get3A_1962 = vector.shape_cast %get3A_1961 : vector<1x1x16xf32> to vector<16xf32>
        %max3A_1963 = arith.maximumf %max3A_1956, %get3A_1962 : vector<16xf32>
        %get3A_1964 = arith.constant 2 : i32
        %get3A_1965 = arith.index_cast %select_n3A_1838 : i32 to index
        %get3A_1966 = arith.index_cast %get3A_1964 : i32 to index
        %get3A_1967 = arith.constant 64 : index
        %get3A_1968 = tpu.vector_load %arg7[%get3A_1965, %get3A_1966, %get3A_1967] {strides = array<i32>} : memref<8x4x384xf32, #tpu.memory_space<vmem>>, vector<1x1x16xf32>,
        %get3A_1969 = vector.shape_cast %get3A_1968 : vector<1x1x16xf32> to vector<16xf32>
        %max3A_1970 = arith.maximumf %max3A_1963, %get3A_1969 : vector<16xf32>
        %get3A_1971 = arith.constant 3 : i32
        %get3A_1972 = arith.index_cast %select_n3A_1838 : i32 to index
        %get3A_1973 = arith.index_cast %get3A_1971 : i32 to index
        %get3A_1974 = arith.constant 64 : index
        %get3A_1975 = tpu.vector_load %arg7[%get3A_1972, %get3A_1973, %get3A_1974] {strides = array<i32>} : memref<8x4x384xf32, #tpu.memory_space<vmem>>, vector<1x1x16xf32>,
        %get3A_1976 = vector.shape_cast %get3A_1975 : vector<1x1x16xf32> to vector<16xf32>
        %max3A_1977 = arith.maximumf %max3A_1970, %get3A_1976 : vector<16xf32>
        %get3A_1978 = arith.constant 0 : i32
        %get3A_1979 = arith.index_cast %select_n3A_1838 : i32 to index
        %get3A_1980 = arith.index_cast %get3A_1978 : i32 to index
        %get3A_1981 = arith.constant 80 : index
        %get3A_1982 = tpu.vector_load %arg7[%get3A_1979, %get3A_1980, %get3A_1981] {strides = array<i32>} : memref<8x4x384xf32, #tpu.memory_space<vmem>>, vector<1x1x16xf32>,
        %get3A_1983 = vector.shape_cast %get3A_1982 : vector<1x1x16xf32> to vector<16xf32>
        %max3A_1984 = arith.maximumf %while3A_1771, %get3A_1983 : vector<16xf32>
        %get3A_1985 = arith.constant 1 : i32
        %get3A_1986 = arith.index_cast %select_n3A_1838 : i32 to index
        %get3A_1987 = arith.index_cast %get3A_1985 : i32 to index
        %get3A_1988 = arith.constant 80 : index
        %get3A_1989 = tpu.vector_load %arg7[%get3A_1986, %get3A_1987, %get3A_1988] {strides = array<i32>} : memref<8x4x384xf32, #tpu.memory_space<vmem>>, vector<1x1x16xf32>,
        %get3A_1990 = vector.shape_cast %get3A_1989 : vector<1x1x16xf32> to vector<16xf32>
        %max3A_1991 = arith.maximumf %max3A_1984, %get3A_1990 : vector<16xf32>
        %get3A_1992 = arith.constant 2 : i32
        %get3A_1993 = arith.index_cast %select_n3A_1838 : i32 to index
        %get3A_1994 = arith.index_cast %get3A_1992 : i32 to index
        %get3A_1995 = arith.constant 80 : index
        %get3A_1996 = tpu.vector_load %arg7[%get3A_1993, %get3A_1994, %get3A_1995] {strides = array<i32>} : memref<8x4x384xf32, #tpu.memory_space<vmem>>, vector<1x1x16xf32>,
        %get3A_1997 = vector.shape_cast %get3A_1996 : vector<1x1x16xf32> to vector<16xf32>
        %max3A_1998 = arith.maximumf %max3A_1991, %get3A_1997 : vector<16xf32>
        %get3A_1999 = arith.constant 3 : i32
        %get3A_2000 = arith.index_cast %select_n3A_1838 : i32 to index
        %get3A_2001 = arith.index_cast %get3A_1999 : i32 to index
        %get3A_2002 = arith.constant 80 : index
        %get3A_2003 = tpu.vector_load %arg7[%get3A_2000, %get3A_2001, %get3A_2002] {strides = array<i32>} : memref<8x4x384xf32, #tpu.memory_space<vmem>>, vector<1x1x16xf32>,
        %get3A_2004 = vector.shape_cast %get3A_2003 : vector<1x1x16xf32> to vector<16xf32>
        %max3A_2005 = arith.maximumf %max3A_1998, %get3A_2004 : vector<16xf32>
        %get3A_2006 = arith.constant 0 : i32
        %get3A_2007 = arith.index_cast %select_n3A_1838 : i32 to index
        %get3A_2008 = arith.index_cast %get3A_2006 : i32 to index
        %get3A_2009 = arith.constant 96 : index
        %get3A_2010 = tpu.vector_load %arg7[%get3A_2007, %get3A_2008, %get3A_2009] {strides = array<i32>} : memref<8x4x384xf32, #tpu.memory_space<vmem>>, vector<1x1x16xf32>,
        %get3A_2011 = vector.shape_cast %get3A_2010 : vector<1x1x16xf32> to vector<16xf32>
        %max3A_2012 = arith.maximumf %while3A_1772, %get3A_2011 : vector<16xf32>
        %get3A_2013 = arith.constant 1 : i32
        %get3A_2014 = arith.index_cast %select_n3A_1838 : i32 to index
        %get3A_2015 = arith.index_cast %get3A_2013 : i32 to index
        %get3A_2016 = arith.constant 96 : index
        %get3A_2017 = tpu.vector_load %arg7[%get3A_2014, %get3A_2015, %get3A_2016] {strides = array<i32>} : memref<8x4x384xf32, #tpu.memory_space<vmem>>, vector<1x1x16xf32>,
        %get3A_2018 = vector.shape_cast %get3A_2017 : vector<1x1x16xf32> to vector<16xf32>
        %max3A_2019 = arith.maximumf %max3A_2012, %get3A_2018 : vector<16xf32>
        %get3A_2020 = arith.constant 2 : i32
        %get3A_2021 = arith.index_cast %select_n3A_1838 : i32 to index
        %get3A_2022 = arith.index_cast %get3A_2020 : i32 to index
        %get3A_2023 = arith.constant 96 : index
        %get3A_2024 = tpu.vector_load %arg7[%get3A_2021, %get3A_2022, %get3A_2023] {strides = array<i32>} : memref<8x4x384xf32, #tpu.memory_space<vmem>>, vector<1x1x16xf32>,
        %get3A_2025 = vector.shape_cast %get3A_2024 : vector<1x1x16xf32> to vector<16xf32>
        %max3A_2026 = arith.maximumf %max3A_2019, %get3A_2025 : vector<16xf32>
        %get3A_2027 = arith.constant 3 : i32
        %get3A_2028 = arith.index_cast %select_n3A_1838 : i32 to index
        %get3A_2029 = arith.index_cast %get3A_2027 : i32 to index
        %get3A_2030 = arith.constant 96 : index
        %get3A_2031 = tpu.vector_load %arg7[%get3A_2028, %get3A_2029, %get3A_2030] {strides = array<i32>} : memref<8x4x384xf32, #tpu.memory_space<vmem>>, vector<1x1x16xf32>,
        %get3A_2032 = vector.shape_cast %get3A_2031 : vector<1x1x16xf32> to vector<16xf32>
        %max3A_2033 = arith.maximumf %max3A_2026, %get3A_2032 : vector<16xf32>
        %get3A_2034 = arith.constant 0 : i32
        %get3A_2035 = arith.index_cast %select_n3A_1838 : i32 to index
        %get3A_2036 = arith.index_cast %get3A_2034 : i32 to index
        %get3A_2037 = arith.constant 112 : index
        %get3A_2038 = tpu.vector_load %arg7[%get3A_2035, %get3A_2036, %get3A_2037] {strides = array<i32>} : memref<8x4x384xf32, #tpu.memory_space<vmem>>, vector<1x1x16xf32>,
        %get3A_2039 = vector.shape_cast %get3A_2038 : vector<1x1x16xf32> to vector<16xf32>
        %max3A_2040 = arith.maximumf %while3A_1773, %get3A_2039 : vector<16xf32>
        %get3A_2041 = arith.constant 1 : i32
        %get3A_2042 = arith.index_cast %select_n3A_1838 : i32 to index
        %get3A_2043 = arith.index_cast %get3A_2041 : i32 to index
        %get3A_2044 = arith.constant 112 : index
        %get3A_2045 = tpu.vector_load %arg7[%get3A_2042, %get3A_2043, %get3A_2044] {strides = array<i32>} : memref<8x4x384xf32, #tpu.memory_space<vmem>>, vector<1x1x16xf32>,
        %get3A_2046 = vector.shape_cast %get3A_2045 : vector<1x1x16xf32> to vector<16xf32>
        %max3A_2047 = arith.maximumf %max3A_2040, %get3A_2046 : vector<16xf32>
        %get3A_2048 = arith.constant 2 : i32
        %get3A_2049 = arith.index_cast %select_n3A_1838 : i32 to index
        %get3A_2050 = arith.index_cast %get3A_2048 : i32 to index
        %get3A_2051 = arith.constant 112 : index
        %get3A_2052 = tpu.vector_load %arg7[%get3A_2049, %get3A_2050, %get3A_2051] {strides = array<i32>} : memref<8x4x384xf32, #tpu.memory_space<vmem>>, vector<1x1x16xf32>,
        %get3A_2053 = vector.shape_cast %get3A_2052 : vector<1x1x16xf32> to vector<16xf32>
        %max3A_2054 = arith.maximumf %max3A_2047, %get3A_2053 : vector<16xf32>
        %get3A_2055 = arith.constant 3 : i32
        %get3A_2056 = arith.index_cast %select_n3A_1838 : i32 to index
        %get3A_2057 = arith.index_cast %get3A_2055 : i32 to index
        %get3A_2058 = arith.constant 112 : index
        %get3A_2059 = tpu.vector_load %arg7[%get3A_2056, %get3A_2057, %get3A_2058] {strides = array<i32>} : memref<8x4x384xf32, #tpu.memory_space<vmem>>, vector<1x1x16xf32>,
        %get3A_2060 = vector.shape_cast %get3A_2059 : vector<1x1x16xf32> to vector<16xf32>
        %max3A_2061 = arith.maximumf %max3A_2054, %get3A_2060 : vector<16xf32>
        %get3A_2062 = arith.constant 0 : i32
        %get3A_2063 = arith.index_cast %select_n3A_1838 : i32 to index
        %get3A_2064 = arith.index_cast %get3A_2062 : i32 to index
        %get3A_2065 = arith.constant 128 : index
        %get3A_2066 = tpu.vector_load %arg7[%get3A_2063, %get3A_2064, %get3A_2065] {strides = array<i32>} : memref<8x4x384xf32, #tpu.memory_space<vmem>>, vector<1x1x16xf32>,
        %get3A_2067 = vector.shape_cast %get3A_2066 : vector<1x1x16xf32> to vector<16xf32>
        %max3A_2068 = arith.maximumf %while3A_1774, %get3A_2067 : vector<16xf32>
        %get3A_2069 = arith.constant 1 : i32
        %get3A_2070 = arith.index_cast %select_n3A_1838 : i32 to index
        %get3A_2071 = arith.index_cast %get3A_2069 : i32 to index
        %get3A_2072 = arith.constant 128 : index
        %get3A_2073 = tpu.vector_load %arg7[%get3A_2070, %get3A_2071, %get3A_2072] {strides = array<i32>} : memref<8x4x384xf32, #tpu.memory_space<vmem>>, vector<1x1x16xf32>,
        %get3A_2074 = vector.shape_cast %get3A_2073 : vector<1x1x16xf32> to vector<16xf32>
        %max3A_2075 = arith.maximumf %max3A_2068, %get3A_2074 : vector<16xf32>
        %get3A_2076 = arith.constant 2 : i32
        %get3A_2077 = arith.index_cast %select_n3A_1838 : i32 to index
        %get3A_2078 = arith.index_cast %get3A_2076 : i32 to index
        %get3A_2079 = arith.constant 128 : index
        %get3A_2080 = tpu.vector_load %arg7[%get3A_2077, %get3A_2078, %get3A_2079] {strides = array<i32>} : memref<8x4x384xf32, #tpu.memory_space<vmem>>, vector<1x1x16xf32>,
        %get3A_2081 = vector.shape_cast %get3A_2080 : vector<1x1x16xf32> to vector<16xf32>
        %max3A_2082 = arith.maximumf %max3A_2075, %get3A_2081 : vector<16xf32>
        %get3A_2083 = arith.constant 3 : i32
        %get3A_2084 = arith.index_cast %select_n3A_1838 : i32 to index
        %get3A_2085 = arith.index_cast %get3A_2083 : i32 to index
        %get3A_2086 = arith.constant 128 : index
        %get3A_2087 = tpu.vector_load %arg7[%get3A_2084, %get3A_2085, %get3A_2086] {strides = array<i32>} : memref<8x4x384xf32, #tpu.memory_space<vmem>>, vector<1x1x16xf32>,
        %get3A_2088 = vector.shape_cast %get3A_2087 : vector<1x1x16xf32> to vector<16xf32>
        %max3A_2089 = arith.maximumf %max3A_2082, %get3A_2088 : vector<16xf32>
        %get3A_2090 = arith.constant 0 : i32
        %get3A_2091 = arith.index_cast %select_n3A_1838 : i32 to index
        %get3A_2092 = arith.index_cast %get3A_2090 : i32 to index
        %get3A_2093 = arith.constant 144 : index
        %get3A_2094 = tpu.vector_load %arg7[%get3A_2091, %get3A_2092, %get3A_2093] {strides = array<i32>} : memref<8x4x384xf32, #tpu.memory_space<vmem>>, vector<1x1x16xf32>,
        %get3A_2095 = vector.shape_cast %get3A_2094 : vector<1x1x16xf32> to vector<16xf32>
        %max3A_2096 = arith.maximumf %while3A_1775, %get3A_2095 : vector<16xf32>
        %get3A_2097 = arith.constant 1 : i32
        %get3A_2098 = arith.index_cast %select_n3A_1838 : i32 to index
        %get3A_2099 = arith.index_cast %get3A_2097 : i32 to index
        %get3A_2100 = arith.constant 144 : index
        %get3A_2101 = tpu.vector_load %arg7[%get3A_2098, %get3A_2099, %get3A_2100] {strides = array<i32>} : memref<8x4x384xf32, #tpu.memory_space<vmem>>, vector<1x1x16xf32>,
        %get3A_2102 = vector.shape_cast %get3A_2101 : vector<1x1x16xf32> to vector<16xf32>
        %max3A_2103 = arith.maximumf %max3A_2096, %get3A_2102 : vector<16xf32>
        %get3A_2104 = arith.constant 2 : i32
        %get3A_2105 = arith.index_cast %select_n3A_1838 : i32 to index
        %get3A_2106 = arith.index_cast %get3A_2104 : i32 to index
        %get3A_2107 = arith.constant 144 : index
        %get3A_2108 = tpu.vector_load %arg7[%get3A_2105, %get3A_2106, %get3A_2107] {strides = array<i32>} : memref<8x4x384xf32, #tpu.memory_space<vmem>>, vector<1x1x16xf32>,
        %get3A_2109 = vector.shape_cast %get3A_2108 : vector<1x1x16xf32> to vector<16xf32>
        %max3A_2110 = arith.maximumf %max3A_2103, %get3A_2109 : vector<16xf32>
        %get3A_2111 = arith.constant 3 : i32
        %get3A_2112 = arith.index_cast %select_n3A_1838 : i32 to index
        %get3A_2113 = arith.index_cast %get3A_2111 : i32 to index
        %get3A_2114 = arith.constant 144 : index
        %get3A_2115 = tpu.vector_load %arg7[%get3A_2112, %get3A_2113, %get3A_2114] {strides = array<i32>} : memref<8x4x384xf32, #tpu.memory_space<vmem>>, vector<1x1x16xf32>,
        %get3A_2116 = vector.shape_cast %get3A_2115 : vector<1x1x16xf32> to vector<16xf32>
        %max3A_2117 = arith.maximumf %max3A_2110, %get3A_2116 : vector<16xf32>
        %get3A_2118 = arith.constant 0 : i32
        %get3A_2119 = arith.index_cast %select_n3A_1838 : i32 to index
        %get3A_2120 = arith.index_cast %get3A_2118 : i32 to index
        %get3A_2121 = arith.constant 160 : index
        %get3A_2122 = tpu.vector_load %arg7[%get3A_2119, %get3A_2120, %get3A_2121] {strides = array<i32>} : memref<8x4x384xf32, #tpu.memory_space<vmem>>, vector<1x1x16xf32>,
        %get3A_2123 = vector.shape_cast %get3A_2122 : vector<1x1x16xf32> to vector<16xf32>
        %max3A_2124 = arith.maximumf %while3A_1776, %get3A_2123 : vector<16xf32>
        %get3A_2125 = arith.constant 1 : i32
        %get3A_2126 = arith.index_cast %select_n3A_1838 : i32 to index
        %get3A_2127 = arith.index_cast %get3A_2125 : i32 to index
        %get3A_2128 = arith.constant 160 : index
        %get3A_2129 = tpu.vector_load %arg7[%get3A_2126, %get3A_2127, %get3A_2128] {strides = array<i32>} : memref<8x4x384xf32, #tpu.memory_space<vmem>>, vector<1x1x16xf32>,
        %get3A_2130 = vector.shape_cast %get3A_2129 : vector<1x1x16xf32> to vector<16xf32>
        %max3A_2131 = arith.maximumf %max3A_2124, %get3A_2130 : vector<16xf32>
        %get3A_2132 = arith.constant 2 : i32
        %get3A_2133 = arith.index_cast %select_n3A_1838 : i32 to index
        %get3A_2134 = arith.index_cast %get3A_2132 : i32 to index
        %get3A_2135 = arith.constant 160 : index
        %get3A_2136 = tpu.vector_load %arg7[%get3A_2133, %get3A_2134, %get3A_2135] {strides = array<i32>} : memref<8x4x384xf32, #tpu.memory_space<vmem>>, vector<1x1x16xf32>,
        %get3A_2137 = vector.shape_cast %get3A_2136 : vector<1x1x16xf32> to vector<16xf32>
        %max3A_2138 = arith.maximumf %max3A_2131, %get3A_2137 : vector<16xf32>
        %get3A_2139 = arith.constant 3 : i32
        %get3A_2140 = arith.index_cast %select_n3A_1838 : i32 to index
        %get3A_2141 = arith.index_cast %get3A_2139 : i32 to index
        %get3A_2142 = arith.constant 160 : index
        %get3A_2143 = tpu.vector_load %arg7[%get3A_2140, %get3A_2141, %get3A_2142] {strides = array<i32>} : memref<8x4x384xf32, #tpu.memory_space<vmem>>, vector<1x1x16xf32>,
        %get3A_2144 = vector.shape_cast %get3A_2143 : vector<1x1x16xf32> to vector<16xf32>
        %max3A_2145 = arith.maximumf %max3A_2138, %get3A_2144 : vector<16xf32>
        %get3A_2146 = arith.constant 0 : i32
        %get3A_2147 = arith.index_cast %select_n3A_1838 : i32 to index
        %get3A_2148 = arith.index_cast %get3A_2146 : i32 to index
        %get3A_2149 = arith.constant 176 : index
        %get3A_2150 = tpu.vector_load %arg7[%get3A_2147, %get3A_2148, %get3A_2149] {strides = array<i32>} : memref<8x4x384xf32, #tpu.memory_space<vmem>>, vector<1x1x16xf32>,
        %get3A_2151 = vector.shape_cast %get3A_2150 : vector<1x1x16xf32> to vector<16xf32>
        %max3A_2152 = arith.maximumf %while3A_1777, %get3A_2151 : vector<16xf32>
        %get3A_2153 = arith.constant 1 : i32
        %get3A_2154 = arith.index_cast %select_n3A_1838 : i32 to index
        %get3A_2155 = arith.index_cast %get3A_2153 : i32 to index
        %get3A_2156 = arith.constant 176 : index
        %get3A_2157 = tpu.vector_load %arg7[%get3A_2154, %get3A_2155, %get3A_2156] {strides = array<i32>} : memref<8x4x384xf32, #tpu.memory_space<vmem>>, vector<1x1x16xf32>,
        %get3A_2158 = vector.shape_cast %get3A_2157 : vector<1x1x16xf32> to vector<16xf32>
        %max3A_2159 = arith.maximumf %max3A_2152, %get3A_2158 : vector<16xf32>
        %get3A_2160 = arith.constant 2 : i32
        %get3A_2161 = arith.index_cast %select_n3A_1838 : i32 to index
        %get3A_2162 = arith.index_cast %get3A_2160 : i32 to index
        %get3A_2163 = arith.constant 176 : index
        %get3A_2164 = tpu.vector_load %arg7[%get3A_2161, %get3A_2162, %get3A_2163] {strides = array<i32>} : memref<8x4x384xf32, #tpu.memory_space<vmem>>, vector<1x1x16xf32>,
        %get3A_2165 = vector.shape_cast %get3A_2164 : vector<1x1x16xf32> to vector<16xf32>
        %max3A_2166 = arith.maximumf %max3A_2159, %get3A_2165 : vector<16xf32>
        %get3A_2167 = arith.constant 3 : i32
        %get3A_2168 = arith.index_cast %select_n3A_1838 : i32 to index
        %get3A_2169 = arith.index_cast %get3A_2167 : i32 to index
        %get3A_2170 = arith.constant 176 : index
        %get3A_2171 = tpu.vector_load %arg7[%get3A_2168, %get3A_2169, %get3A_2170] {strides = array<i32>} : memref<8x4x384xf32, #tpu.memory_space<vmem>>, vector<1x1x16xf32>,
        %get3A_2172 = vector.shape_cast %get3A_2171 : vector<1x1x16xf32> to vector<16xf32>
        %max3A_2173 = arith.maximumf %max3A_2166, %get3A_2172 : vector<16xf32>
        %get3A_2174 = arith.constant 0 : i32
        %get3A_2175 = arith.index_cast %select_n3A_1838 : i32 to index
        %get3A_2176 = arith.index_cast %get3A_2174 : i32 to index
        %get3A_2177 = arith.constant 192 : index
        %get3A_2178 = tpu.vector_load %arg7[%get3A_2175, %get3A_2176, %get3A_2177] {strides = array<i32>} : memref<8x4x384xf32, #tpu.memory_space<vmem>>, vector<1x1x16xf32>,
        %get3A_2179 = vector.shape_cast %get3A_2178 : vector<1x1x16xf32> to vector<16xf32>
        %max3A_2180 = arith.maximumf %while3A_1778, %get3A_2179 : vector<16xf32>
        %get3A_2181 = arith.constant 1 : i32
        %get3A_2182 = arith.index_cast %select_n3A_1838 : i32 to index
        %get3A_2183 = arith.index_cast %get3A_2181 : i32 to index
        %get3A_2184 = arith.constant 192 : index
        %get3A_2185 = tpu.vector_load %arg7[%get3A_2182, %get3A_2183, %get3A_2184] {strides = array<i32>} : memref<8x4x384xf32, #tpu.memory_space<vmem>>, vector<1x1x16xf32>,
        %get3A_2186 = vector.shape_cast %get3A_2185 : vector<1x1x16xf32> to vector<16xf32>
        %max3A_2187 = arith.maximumf %max3A_2180, %get3A_2186 : vector<16xf32>
        %get3A_2188 = arith.constant 2 : i32
        %get3A_2189 = arith.index_cast %select_n3A_1838 : i32 to index
        %get3A_2190 = arith.index_cast %get3A_2188 : i32 to index
        %get3A_2191 = arith.constant 192 : index
        %get3A_2192 = tpu.vector_load %arg7[%get3A_2189, %get3A_2190, %get3A_2191] {strides = array<i32>} : memref<8x4x384xf32, #tpu.memory_space<vmem>>, vector<1x1x16xf32>,
        %get3A_2193 = vector.shape_cast %get3A_2192 : vector<1x1x16xf32> to vector<16xf32>
        %max3A_2194 = arith.maximumf %max3A_2187, %get3A_2193 : vector<16xf32>
        %get3A_2195 = arith.constant 3 : i32
        %get3A_2196 = arith.index_cast %select_n3A_1838 : i32 to index
        %get3A_2197 = arith.index_cast %get3A_2195 : i32 to index
        %get3A_2198 = arith.constant 192 : index
        %get3A_2199 = tpu.vector_load %arg7[%get3A_2196, %get3A_2197, %get3A_2198] {strides = array<i32>} : memref<8x4x384xf32, #tpu.memory_space<vmem>>, vector<1x1x16xf32>,
        %get3A_2200 = vector.shape_cast %get3A_2199 : vector<1x1x16xf32> to vector<16xf32>
        %max3A_2201 = arith.maximumf %max3A_2194, %get3A_2200 : vector<16xf32>
        %get3A_2202 = arith.constant 0 : i32
        %get3A_2203 = arith.index_cast %select_n3A_1838 : i32 to index
        %get3A_2204 = arith.index_cast %get3A_2202 : i32 to index
        %get3A_2205 = arith.constant 208 : index
        %get3A_2206 = tpu.vector_load %arg7[%get3A_2203, %get3A_2204, %get3A_2205] {strides = array<i32>} : memref<8x4x384xf32, #tpu.memory_space<vmem>>, vector<1x1x16xf32>,
        %get3A_2207 = vector.shape_cast %get3A_2206 : vector<1x1x16xf32> to vector<16xf32>
        %max3A_2208 = arith.maximumf %while3A_1779, %get3A_2207 : vector<16xf32>
        %get3A_2209 = arith.constant 1 : i32
        %get3A_2210 = arith.index_cast %select_n3A_1838 : i32 to index
        %get3A_2211 = arith.index_cast %get3A_2209 : i32 to index
        %get3A_2212 = arith.constant 208 : index
        %get3A_2213 = tpu.vector_load %arg7[%get3A_2210, %get3A_2211, %get3A_2212] {strides = array<i32>} : memref<8x4x384xf32, #tpu.memory_space<vmem>>, vector<1x1x16xf32>,
        %get3A_2214 = vector.shape_cast %get3A_2213 : vector<1x1x16xf32> to vector<16xf32>
        %max3A_2215 = arith.maximumf %max3A_2208, %get3A_2214 : vector<16xf32>
        %get3A_2216 = arith.constant 2 : i32
        %get3A_2217 = arith.index_cast %select_n3A_1838 : i32 to index
        %get3A_2218 = arith.index_cast %get3A_2216 : i32 to index
        %get3A_2219 = arith.constant 208 : index
        %get3A_2220 = tpu.vector_load %arg7[%get3A_2217, %get3A_2218, %get3A_2219] {strides = array<i32>} : memref<8x4x384xf32, #tpu.memory_space<vmem>>, vector<1x1x16xf32>,
        %get3A_2221 = vector.shape_cast %get3A_2220 : vector<1x1x16xf32> to vector<16xf32>
        %max3A_2222 = arith.maximumf %max3A_2215, %get3A_2221 : vector<16xf32>
        %get3A_2223 = arith.constant 3 : i32
        %get3A_2224 = arith.index_cast %select_n3A_1838 : i32 to index
        %get3A_2225 = arith.index_cast %get3A_2223 : i32 to index
        %get3A_2226 = arith.constant 208 : index
        %get3A_2227 = tpu.vector_load %arg7[%get3A_2224, %get3A_2225, %get3A_2226] {strides = array<i32>} : memref<8x4x384xf32, #tpu.memory_space<vmem>>, vector<1x1x16xf32>,
        %get3A_2228 = vector.shape_cast %get3A_2227 : vector<1x1x16xf32> to vector<16xf32>
        %max3A_2229 = arith.maximumf %max3A_2222, %get3A_2228 : vector<16xf32>
        %get3A_2230 = arith.constant 0 : i32
        %get3A_2231 = arith.index_cast %select_n3A_1838 : i32 to index
        %get3A_2232 = arith.index_cast %get3A_2230 : i32 to index
        %get3A_2233 = arith.constant 224 : index
        %get3A_2234 = tpu.vector_load %arg7[%get3A_2231, %get3A_2232, %get3A_2233] {strides = array<i32>} : memref<8x4x384xf32, #tpu.memory_space<vmem>>, vector<1x1x16xf32>,
        %get3A_2235 = vector.shape_cast %get3A_2234 : vector<1x1x16xf32> to vector<16xf32>
        %max3A_2236 = arith.maximumf %while3A_1780, %get3A_2235 : vector<16xf32>
        %get3A_2237 = arith.constant 1 : i32
        %get3A_2238 = arith.index_cast %select_n3A_1838 : i32 to index
        %get3A_2239 = arith.index_cast %get3A_2237 : i32 to index
        %get3A_2240 = arith.constant 224 : index
        %get3A_2241 = tpu.vector_load %arg7[%get3A_2238, %get3A_2239, %get3A_2240] {strides = array<i32>} : memref<8x4x384xf32, #tpu.memory_space<vmem>>, vector<1x1x16xf32>,
        %get3A_2242 = vector.shape_cast %get3A_2241 : vector<1x1x16xf32> to vector<16xf32>
        %max3A_2243 = arith.maximumf %max3A_2236, %get3A_2242 : vector<16xf32>
        %get3A_2244 = arith.constant 2 : i32
        %get3A_2245 = arith.index_cast %select_n3A_1838 : i32 to index
        %get3A_2246 = arith.index_cast %get3A_2244 : i32 to index
        %get3A_2247 = arith.constant 224 : index
        %get3A_2248 = tpu.vector_load %arg7[%get3A_2245, %get3A_2246, %get3A_2247] {strides = array<i32>} : memref<8x4x384xf32, #tpu.memory_space<vmem>>, vector<1x1x16xf32>,
        %get3A_2249 = vector.shape_cast %get3A_2248 : vector<1x1x16xf32> to vector<16xf32>
        %max3A_2250 = arith.maximumf %max3A_2243, %get3A_2249 : vector<16xf32>
        %get3A_2251 = arith.constant 3 : i32
        %get3A_2252 = arith.index_cast %select_n3A_1838 : i32 to index
        %get3A_2253 = arith.index_cast %get3A_2251 : i32 to index
        %get3A_2254 = arith.constant 224 : index
        %get3A_2255 = tpu.vector_load %arg7[%get3A_2252, %get3A_2253, %get3A_2254] {strides = array<i32>} : memref<8x4x384xf32, #tpu.memory_space<vmem>>, vector<1x1x16xf32>,
        %get3A_2256 = vector.shape_cast %get3A_2255 : vector<1x1x16xf32> to vector<16xf32>
        %max3A_2257 = arith.maximumf %max3A_2250, %get3A_2256 : vector<16xf32>
        %get3A_2258 = arith.constant 0 : i32
        %get3A_2259 = arith.index_cast %select_n3A_1838 : i32 to index
        %get3A_2260 = arith.index_cast %get3A_2258 : i32 to index
        %get3A_2261 = arith.constant 240 : index
        %get3A_2262 = tpu.vector_load %arg7[%get3A_2259, %get3A_2260, %get3A_2261] {strides = array<i32>} : memref<8x4x384xf32, #tpu.memory_space<vmem>>, vector<1x1x16xf32>,
        %get3A_2263 = vector.shape_cast %get3A_2262 : vector<1x1x16xf32> to vector<16xf32>
        %max3A_2264 = arith.maximumf %while3A_1781, %get3A_2263 : vector<16xf32>
        %get3A_2265 = arith.constant 1 : i32
        %get3A_2266 = arith.index_cast %select_n3A_1838 : i32 to index
        %get3A_2267 = arith.index_cast %get3A_2265 : i32 to index
        %get3A_2268 = arith.constant 240 : index
        %get3A_2269 = tpu.vector_load %arg7[%get3A_2266, %get3A_2267, %get3A_2268] {strides = array<i32>} : memref<8x4x384xf32, #tpu.memory_space<vmem>>, vector<1x1x16xf32>,
        %get3A_2270 = vector.shape_cast %get3A_2269 : vector<1x1x16xf32> to vector<16xf32>
        %max3A_2271 = arith.maximumf %max3A_2264, %get3A_2270 : vector<16xf32>
        %get3A_2272 = arith.constant 2 : i32
        %get3A_2273 = arith.index_cast %select_n3A_1838 : i32 to index
        %get3A_2274 = arith.index_cast %get3A_2272 : i32 to index
        %get3A_2275 = arith.constant 240 : index
        %get3A_2276 = tpu.vector_load %arg7[%get3A_2273, %get3A_2274, %get3A_2275] {strides = array<i32>} : memref<8x4x384xf32, #tpu.memory_space<vmem>>, vector<1x1x16xf32>,
        %get3A_2277 = vector.shape_cast %get3A_2276 : vector<1x1x16xf32> to vector<16xf32>
        %max3A_2278 = arith.maximumf %max3A_2271, %get3A_2277 : vector<16xf32>
        %get3A_2279 = arith.constant 3 : i32
        %get3A_2280 = arith.index_cast %select_n3A_1838 : i32 to index
        %get3A_2281 = arith.index_cast %get3A_2279 : i32 to index
        %get3A_2282 = arith.constant 240 : index
        %get3A_2283 = tpu.vector_load %arg7[%get3A_2280, %get3A_2281, %get3A_2282] {strides = array<i32>} : memref<8x4x384xf32, #tpu.memory_space<vmem>>, vector<1x1x16xf32>,
        %get3A_2284 = vector.shape_cast %get3A_2283 : vector<1x1x16xf32> to vector<16xf32>
        %max3A_2285 = arith.maximumf %max3A_2278, %get3A_2284 : vector<16xf32>
        %get3A_2286 = arith.constant 0 : i32
        %get3A_2287 = arith.index_cast %select_n3A_1838 : i32 to index
        %get3A_2288 = arith.index_cast %get3A_2286 : i32 to index
        %get3A_2289 = arith.constant 256 : index
        %get3A_2290 = tpu.vector_load %arg7[%get3A_2287, %get3A_2288, %get3A_2289] {strides = array<i32>} : memref<8x4x384xf32, #tpu.memory_space<vmem>>, vector<1x1x16xf32>,
        %get3A_2291 = vector.shape_cast %get3A_2290 : vector<1x1x16xf32> to vector<16xf32>
        %max3A_2292 = arith.maximumf %while3A_1782, %get3A_2291 : vector<16xf32>
        %get3A_2293 = arith.constant 1 : i32
        %get3A_2294 = arith.index_cast %select_n3A_1838 : i32 to index
        %get3A_2295 = arith.index_cast %get3A_2293 : i32 to index
        %get3A_2296 = arith.constant 256 : index
        %get3A_2297 = tpu.vector_load %arg7[%get3A_2294, %get3A_2295, %get3A_2296] {strides = array<i32>} : memref<8x4x384xf32, #tpu.memory_space<vmem>>, vector<1x1x16xf32>,
        %get3A_2298 = vector.shape_cast %get3A_2297 : vector<1x1x16xf32> to vector<16xf32>
        %max3A_2299 = arith.maximumf %max3A_2292, %get3A_2298 : vector<16xf32>
        %get3A_2300 = arith.constant 2 : i32
        %get3A_2301 = arith.index_cast %select_n3A_1838 : i32 to index
        %get3A_2302 = arith.index_cast %get3A_2300 : i32 to index
        %get3A_2303 = arith.constant 256 : index
        %get3A_2304 = tpu.vector_load %arg7[%get3A_2301, %get3A_2302, %get3A_2303] {strides = array<i32>} : memref<8x4x384xf32, #tpu.memory_space<vmem>>, vector<1x1x16xf32>,
        %get3A_2305 = vector.shape_cast %get3A_2304 : vector<1x1x16xf32> to vector<16xf32>
        %max3A_2306 = arith.maximumf %max3A_2299, %get3A_2305 : vector<16xf32>
        %get3A_2307 = arith.constant 3 : i32
        %get3A_2308 = arith.index_cast %select_n3A_1838 : i32 to index
        %get3A_2309 = arith.index_cast %get3A_2307 : i32 to index
        %get3A_2310 = arith.constant 256 : index
        %get3A_2311 = tpu.vector_load %arg7[%get3A_2308, %get3A_2309, %get3A_2310] {strides = array<i32>} : memref<8x4x384xf32, #tpu.memory_space<vmem>>, vector<1x1x16xf32>,
        %get3A_2312 = vector.shape_cast %get3A_2311 : vector<1x1x16xf32> to vector<16xf32>
        %max3A_2313 = arith.maximumf %max3A_2306, %get3A_2312 : vector<16xf32>
        %get3A_2314 = arith.constant 0 : i32
        %get3A_2315 = arith.index_cast %select_n3A_1838 : i32 to index
        %get3A_2316 = arith.index_cast %get3A_2314 : i32 to index
        %get3A_2317 = arith.constant 272 : index
        %get3A_2318 = tpu.vector_load %arg7[%get3A_2315, %get3A_2316, %get3A_2317] {strides = array<i32>} : memref<8x4x384xf32, #tpu.memory_space<vmem>>, vector<1x1x16xf32>,
        %get3A_2319 = vector.shape_cast %get3A_2318 : vector<1x1x16xf32> to vector<16xf32>
        %max3A_2320 = arith.maximumf %while3A_1783, %get3A_2319 : vector<16xf32>
        %get3A_2321 = arith.constant 1 : i32
        %get3A_2322 = arith.index_cast %select_n3A_1838 : i32 to index
        %get3A_2323 = arith.index_cast %get3A_2321 : i32 to index
        %get3A_2324 = arith.constant 272 : index
        %get3A_2325 = tpu.vector_load %arg7[%get3A_2322, %get3A_2323, %get3A_2324] {strides = array<i32>} : memref<8x4x384xf32, #tpu.memory_space<vmem>>, vector<1x1x16xf32>,
        %get3A_2326 = vector.shape_cast %get3A_2325 : vector<1x1x16xf32> to vector<16xf32>
        %max3A_2327 = arith.maximumf %max3A_2320, %get3A_2326 : vector<16xf32>
        %get3A_2328 = arith.constant 2 : i32
        %get3A_2329 = arith.index_cast %select_n3A_1838 : i32 to index
        %get3A_2330 = arith.index_cast %get3A_2328 : i32 to index
        %get3A_2331 = arith.constant 272 : index
        %get3A_2332 = tpu.vector_load %arg7[%get3A_2329, %get3A_2330, %get3A_2331] {strides = array<i32>} : memref<8x4x384xf32, #tpu.memory_space<vmem>>, vector<1x1x16xf32>,
        %get3A_2333 = vector.shape_cast %get3A_2332 : vector<1x1x16xf32> to vector<16xf32>
        %max3A_2334 = arith.maximumf %max3A_2327, %get3A_2333 : vector<16xf32>
        %get3A_2335 = arith.constant 3 : i32
        %get3A_2336 = arith.index_cast %select_n3A_1838 : i32 to index
        %get3A_2337 = arith.index_cast %get3A_2335 : i32 to index
        %get3A_2338 = arith.constant 272 : index
        %get3A_2339 = tpu.vector_load %arg7[%get3A_2336, %get3A_2337, %get3A_2338] {strides = array<i32>} : memref<8x4x384xf32, #tpu.memory_space<vmem>>, vector<1x1x16xf32>,
        %get3A_2340 = vector.shape_cast %get3A_2339 : vector<1x1x16xf32> to vector<16xf32>
        %max3A_2341 = arith.maximumf %max3A_2334, %get3A_2340 : vector<16xf32>
        %get3A_2342 = arith.constant 0 : i32
        %get3A_2343 = arith.index_cast %select_n3A_1838 : i32 to index
        %get3A_2344 = arith.index_cast %get3A_2342 : i32 to index
        %get3A_2345 = arith.constant 288 : index
        %get3A_2346 = tpu.vector_load %arg7[%get3A_2343, %get3A_2344, %get3A_2345] {strides = array<i32>} : memref<8x4x384xf32, #tpu.memory_space<vmem>>, vector<1x1x16xf32>,
        %get3A_2347 = vector.shape_cast %get3A_2346 : vector<1x1x16xf32> to vector<16xf32>
        %max3A_2348 = arith.maximumf %while3A_1784, %get3A_2347 : vector<16xf32>
        %get3A_2349 = arith.constant 1 : i32
        %get3A_2350 = arith.index_cast %select_n3A_1838 : i32 to index
        %get3A_2351 = arith.index_cast %get3A_2349 : i32 to index
        %get3A_2352 = arith.constant 288 : index
        %get3A_2353 = tpu.vector_load %arg7[%get3A_2350, %get3A_2351, %get3A_2352] {strides = array<i32>} : memref<8x4x384xf32, #tpu.memory_space<vmem>>, vector<1x1x16xf32>,
        %get3A_2354 = vector.shape_cast %get3A_2353 : vector<1x1x16xf32> to vector<16xf32>
        %max3A_2355 = arith.maximumf %max3A_2348, %get3A_2354 : vector<16xf32>
        %get3A_2356 = arith.constant 2 : i32
        %get3A_2357 = arith.index_cast %select_n3A_1838 : i32 to index
        %get3A_2358 = arith.index_cast %get3A_2356 : i32 to index
        %get3A_2359 = arith.constant 288 : index
        %get3A_2360 = tpu.vector_load %arg7[%get3A_2357, %get3A_2358, %get3A_2359] {strides = array<i32>} : memref<8x4x384xf32, #tpu.memory_space<vmem>>, vector<1x1x16xf32>,
        %get3A_2361 = vector.shape_cast %get3A_2360 : vector<1x1x16xf32> to vector<16xf32>
        %max3A_2362 = arith.maximumf %max3A_2355, %get3A_2361 : vector<16xf32>
        %get3A_2363 = arith.constant 3 : i32
        %get3A_2364 = arith.index_cast %select_n3A_1838 : i32 to index
        %get3A_2365 = arith.index_cast %get3A_2363 : i32 to index
        %get3A_2366 = arith.constant 288 : index
        %get3A_2367 = tpu.vector_load %arg7[%get3A_2364, %get3A_2365, %get3A_2366] {strides = array<i32>} : memref<8x4x384xf32, #tpu.memory_space<vmem>>, vector<1x1x16xf32>,
        %get3A_2368 = vector.shape_cast %get3A_2367 : vector<1x1x16xf32> to vector<16xf32>
        %max3A_2369 = arith.maximumf %max3A_2362, %get3A_2368 : vector<16xf32>
        %get3A_2370 = arith.constant 0 : i32
        %get3A_2371 = arith.index_cast %select_n3A_1838 : i32 to index
        %get3A_2372 = arith.index_cast %get3A_2370 : i32 to index
        %get3A_2373 = arith.constant 304 : index
        %get3A_2374 = tpu.vector_load %arg7[%get3A_2371, %get3A_2372, %get3A_2373] {strides = array<i32>} : memref<8x4x384xf32, #tpu.memory_space<vmem>>, vector<1x1x16xf32>,
        %get3A_2375 = vector.shape_cast %get3A_2374 : vector<1x1x16xf32> to vector<16xf32>
        %max3A_2376 = arith.maximumf %while3A_1785, %get3A_2375 : vector<16xf32>
        %get3A_2377 = arith.constant 1 : i32
        %get3A_2378 = arith.index_cast %select_n3A_1838 : i32 to index
        %get3A_2379 = arith.index_cast %get3A_2377 : i32 to index
        %get3A_2380 = arith.constant 304 : index
        %get3A_2381 = tpu.vector_load %arg7[%get3A_2378, %get3A_2379, %get3A_2380] {strides = array<i32>} : memref<8x4x384xf32, #tpu.memory_space<vmem>>, vector<1x1x16xf32>,
        %get3A_2382 = vector.shape_cast %get3A_2381 : vector<1x1x16xf32> to vector<16xf32>
        %max3A_2383 = arith.maximumf %max3A_2376, %get3A_2382 : vector<16xf32>
        %get3A_2384 = arith.constant 2 : i32
        %get3A_2385 = arith.index_cast %select_n3A_1838 : i32 to index
        %get3A_2386 = arith.index_cast %get3A_2384 : i32 to index
        %get3A_2387 = arith.constant 304 : index
        %get3A_2388 = tpu.vector_load %arg7[%get3A_2385, %get3A_2386, %get3A_2387] {strides = array<i32>} : memref<8x4x384xf32, #tpu.memory_space<vmem>>, vector<1x1x16xf32>,
        %get3A_2389 = vector.shape_cast %get3A_2388 : vector<1x1x16xf32> to vector<16xf32>
        %max3A_2390 = arith.maximumf %max3A_2383, %get3A_2389 : vector<16xf32>
        %get3A_2391 = arith.constant 3 : i32
        %get3A_2392 = arith.index_cast %select_n3A_1838 : i32 to index
        %get3A_2393 = arith.index_cast %get3A_2391 : i32 to index
        %get3A_2394 = arith.constant 304 : index
        %get3A_2395 = tpu.vector_load %arg7[%get3A_2392, %get3A_2393, %get3A_2394] {strides = array<i32>} : memref<8x4x384xf32, #tpu.memory_space<vmem>>, vector<1x1x16xf32>,
        %get3A_2396 = vector.shape_cast %get3A_2395 : vector<1x1x16xf32> to vector<16xf32>
        %max3A_2397 = arith.maximumf %max3A_2390, %get3A_2396 : vector<16xf32>
        %get3A_2398 = arith.constant 0 : i32
        %get3A_2399 = arith.index_cast %select_n3A_1838 : i32 to index
        %get3A_2400 = arith.index_cast %get3A_2398 : i32 to index
        %get3A_2401 = arith.constant 320 : index
        %get3A_2402 = tpu.vector_load %arg7[%get3A_2399, %get3A_2400, %get3A_2401] {strides = array<i32>} : memref<8x4x384xf32, #tpu.memory_space<vmem>>, vector<1x1x16xf32>,
        %get3A_2403 = vector.shape_cast %get3A_2402 : vector<1x1x16xf32> to vector<16xf32>
        %max3A_2404 = arith.maximumf %while3A_1786, %get3A_2403 : vector<16xf32>
        %get3A_2405 = arith.constant 1 : i32
        %get3A_2406 = arith.index_cast %select_n3A_1838 : i32 to index
        %get3A_2407 = arith.index_cast %get3A_2405 : i32 to index
        %get3A_2408 = arith.constant 320 : index
        %get3A_2409 = tpu.vector_load %arg7[%get3A_2406, %get3A_2407, %get3A_2408] {strides = array<i32>} : memref<8x4x384xf32, #tpu.memory_space<vmem>>, vector<1x1x16xf32>,
        %get3A_2410 = vector.shape_cast %get3A_2409 : vector<1x1x16xf32> to vector<16xf32>
        %max3A_2411 = arith.maximumf %max3A_2404, %get3A_2410 : vector<16xf32>
        %get3A_2412 = arith.constant 2 : i32
        %get3A_2413 = arith.index_cast %select_n3A_1838 : i32 to index
        %get3A_2414 = arith.index_cast %get3A_2412 : i32 to index
        %get3A_2415 = arith.constant 320 : index
        %get3A_2416 = tpu.vector_load %arg7[%get3A_2413, %get3A_2414, %get3A_2415] {strides = array<i32>} : memref<8x4x384xf32, #tpu.memory_space<vmem>>, vector<1x1x16xf32>,
        %get3A_2417 = vector.shape_cast %get3A_2416 : vector<1x1x16xf32> to vector<16xf32>
        %max3A_2418 = arith.maximumf %max3A_2411, %get3A_2417 : vector<16xf32>
        %get3A_2419 = arith.constant 3 : i32
        %get3A_2420 = arith.index_cast %select_n3A_1838 : i32 to index
        %get3A_2421 = arith.index_cast %get3A_2419 : i32 to index
        %get3A_2422 = arith.constant 320 : index
        %get3A_2423 = tpu.vector_load %arg7[%get3A_2420, %get3A_2421, %get3A_2422] {strides = array<i32>} : memref<8x4x384xf32, #tpu.memory_space<vmem>>, vector<1x1x16xf32>,
        %get3A_2424 = vector.shape_cast %get3A_2423 : vector<1x1x16xf32> to vector<16xf32>
        %max3A_2425 = arith.maximumf %max3A_2418, %get3A_2424 : vector<16xf32>
        %get3A_2426 = arith.constant 0 : i32
        %get3A_2427 = arith.index_cast %select_n3A_1838 : i32 to index
        %get3A_2428 = arith.index_cast %get3A_2426 : i32 to index
        %get3A_2429 = arith.constant 336 : index
        %get3A_2430 = tpu.vector_load %arg7[%get3A_2427, %get3A_2428, %get3A_2429] {strides = array<i32>} : memref<8x4x384xf32, #tpu.memory_space<vmem>>, vector<1x1x16xf32>,
        %get3A_2431 = vector.shape_cast %get3A_2430 : vector<1x1x16xf32> to vector<16xf32>
        %max3A_2432 = arith.maximumf %while3A_1787, %get3A_2431 : vector<16xf32>
        %get3A_2433 = arith.constant 1 : i32
        %get3A_2434 = arith.index_cast %select_n3A_1838 : i32 to index
        %get3A_2435 = arith.index_cast %get3A_2433 : i32 to index
        %get3A_2436 = arith.constant 336 : index
        %get3A_2437 = tpu.vector_load %arg7[%get3A_2434, %get3A_2435, %get3A_2436] {strides = array<i32>} : memref<8x4x384xf32, #tpu.memory_space<vmem>>, vector<1x1x16xf32>,
        %get3A_2438 = vector.shape_cast %get3A_2437 : vector<1x1x16xf32> to vector<16xf32>
        %max3A_2439 = arith.maximumf %max3A_2432, %get3A_2438 : vector<16xf32>
        %get3A_2440 = arith.constant 2 : i32
        %get3A_2441 = arith.index_cast %select_n3A_1838 : i32 to index
        %get3A_2442 = arith.index_cast %get3A_2440 : i32 to index
        %get3A_2443 = arith.constant 336 : index
        %get3A_2444 = tpu.vector_load %arg7[%get3A_2441, %get3A_2442, %get3A_2443] {strides = array<i32>} : memref<8x4x384xf32, #tpu.memory_space<vmem>>, vector<1x1x16xf32>,
        %get3A_2445 = vector.shape_cast %get3A_2444 : vector<1x1x16xf32> to vector<16xf32>
        %max3A_2446 = arith.maximumf %max3A_2439, %get3A_2445 : vector<16xf32>
        %get3A_2447 = arith.constant 3 : i32
        %get3A_2448 = arith.index_cast %select_n3A_1838 : i32 to index
        %get3A_2449 = arith.index_cast %get3A_2447 : i32 to index
        %get3A_2450 = arith.constant 336 : index
        %get3A_2451 = tpu.vector_load %arg7[%get3A_2448, %get3A_2449, %get3A_2450] {strides = array<i32>} : memref<8x4x384xf32, #tpu.memory_space<vmem>>, vector<1x1x16xf32>,
        %get3A_2452 = vector.shape_cast %get3A_2451 : vector<1x1x16xf32> to vector<16xf32>
        %max3A_2453 = arith.maximumf %max3A_2446, %get3A_2452 : vector<16xf32>
        %get3A_2454 = arith.constant 0 : i32
        %get3A_2455 = arith.index_cast %select_n3A_1838 : i32 to index
        %get3A_2456 = arith.index_cast %get3A_2454 : i32 to index
        %get3A_2457 = arith.constant 352 : index
        %get3A_2458 = tpu.vector_load %arg7[%get3A_2455, %get3A_2456, %get3A_2457] {strides = array<i32>} : memref<8x4x384xf32, #tpu.memory_space<vmem>>, vector<1x1x16xf32>,
        %get3A_2459 = vector.shape_cast %get3A_2458 : vector<1x1x16xf32> to vector<16xf32>
        %max3A_2460 = arith.maximumf %while3A_1788, %get3A_2459 : vector<16xf32>
        %get3A_2461 = arith.constant 1 : i32
        %get3A_2462 = arith.index_cast %select_n3A_1838 : i32 to index
        %get3A_2463 = arith.index_cast %get3A_2461 : i32 to index
        %get3A_2464 = arith.constant 352 : index
        %get3A_2465 = tpu.vector_load %arg7[%get3A_2462, %get3A_2463, %get3A_2464] {strides = array<i32>} : memref<8x4x384xf32, #tpu.memory_space<vmem>>, vector<1x1x16xf32>,
        %get3A_2466 = vector.shape_cast %get3A_2465 : vector<1x1x16xf32> to vector<16xf32>
        %max3A_2467 = arith.maximumf %max3A_2460, %get3A_2466 : vector<16xf32>
        %get3A_2468 = arith.constant 2 : i32
        %get3A_2469 = arith.index_cast %select_n3A_1838 : i32 to index
        %get3A_2470 = arith.index_cast %get3A_2468 : i32 to index
        %get3A_2471 = arith.constant 352 : index
        %get3A_2472 = tpu.vector_load %arg7[%get3A_2469, %get3A_2470, %get3A_2471] {strides = array<i32>} : memref<8x4x384xf32, #tpu.memory_space<vmem>>, vector<1x1x16xf32>,
        %get3A_2473 = vector.shape_cast %get3A_2472 : vector<1x1x16xf32> to vector<16xf32>
        %max3A_2474 = arith.maximumf %max3A_2467, %get3A_2473 : vector<16xf32>
        %get3A_2475 = arith.constant 3 : i32
        %get3A_2476 = arith.index_cast %select_n3A_1838 : i32 to index
        %get3A_2477 = arith.index_cast %get3A_2475 : i32 to index
        %get3A_2478 = arith.constant 352 : index
        %get3A_2479 = tpu.vector_load %arg7[%get3A_2476, %get3A_2477, %get3A_2478] {strides = array<i32>} : memref<8x4x384xf32, #tpu.memory_space<vmem>>, vector<1x1x16xf32>,
        %get3A_2480 = vector.shape_cast %get3A_2479 : vector<1x1x16xf32> to vector<16xf32>
        %max3A_2481 = arith.maximumf %max3A_2474, %get3A_2480 : vector<16xf32>
        %get3A_2482 = arith.constant 0 : i32
        %get3A_2483 = arith.index_cast %select_n3A_1838 : i32 to index
        %get3A_2484 = arith.index_cast %get3A_2482 : i32 to index
        %get3A_2485 = arith.constant 368 : index
        %get3A_2486 = tpu.vector_load %arg7[%get3A_2483, %get3A_2484, %get3A_2485] {strides = array<i32>} : memref<8x4x384xf32, #tpu.memory_space<vmem>>, vector<1x1x16xf32>,
        %get3A_2487 = vector.shape_cast %get3A_2486 : vector<1x1x16xf32> to vector<16xf32>
        %max3A_2488 = arith.maximumf %while3A_1789, %get3A_2487 : vector<16xf32>
        %get3A_2489 = arith.constant 1 : i32
        %get3A_2490 = arith.index_cast %select_n3A_1838 : i32 to index
        %get3A_2491 = arith.index_cast %get3A_2489 : i32 to index
        %get3A_2492 = arith.constant 368 : index
        %get3A_2493 = tpu.vector_load %arg7[%get3A_2490, %get3A_2491, %get3A_2492] {strides = array<i32>} : memref<8x4x384xf32, #tpu.memory_space<vmem>>, vector<1x1x16xf32>,
        %get3A_2494 = vector.shape_cast %get3A_2493 : vector<1x1x16xf32> to vector<16xf32>
        %max3A_2495 = arith.maximumf %max3A_2488, %get3A_2494 : vector<16xf32>
        %get3A_2496 = arith.constant 2 : i32
        %get3A_2497 = arith.index_cast %select_n3A_1838 : i32 to index
        %get3A_2498 = arith.index_cast %get3A_2496 : i32 to index
        %get3A_2499 = arith.constant 368 : index
        %get3A_2500 = tpu.vector_load %arg7[%get3A_2497, %get3A_2498, %get3A_2499] {strides = array<i32>} : memref<8x4x384xf32, #tpu.memory_space<vmem>>, vector<1x1x16xf32>,
        %get3A_2501 = vector.shape_cast %get3A_2500 : vector<1x1x16xf32> to vector<16xf32>
        %max3A_2502 = arith.maximumf %max3A_2495, %get3A_2501 : vector<16xf32>
        %get3A_2503 = arith.constant 3 : i32
        %get3A_2504 = arith.index_cast %select_n3A_1838 : i32 to index
        %get3A_2505 = arith.index_cast %get3A_2503 : i32 to index
        %get3A_2506 = arith.constant 368 : index
        %get3A_2507 = tpu.vector_load %arg7[%get3A_2504, %get3A_2505, %get3A_2506] {strides = array<i32>} : memref<8x4x384xf32, #tpu.memory_space<vmem>>, vector<1x1x16xf32>,
        %get3A_2508 = vector.shape_cast %get3A_2507 : vector<1x1x16xf32> to vector<16xf32>
        %max3A_2509 = arith.maximumf %max3A_2502, %get3A_2508 : vector<16xf32>
        %div3A_2510 = arith.divsi %while3A_1765, %select_n3A_103 : i32
        %sign3A_2511 = arith.constant 0 : i32
        %sign3A_2512 = arith.cmpi sgt, %while3A_1765, %sign3A_2511 : i32
        %sign3A_2513 = arith.extui %sign3A_2512 : i1 to i32
        %sign3A_2514 = arith.constant 0 : i32
        %sign3A_2515 = arith.cmpi slt, %while3A_1765, %sign3A_2514 : i32
        %sign3A_2516 = arith.extui %sign3A_2515 : i1 to i32
        %sign3A_2517 = arith.subi %sign3A_2513, %sign3A_2516 : i32
        %sign3A_2518 = arith.constant 0 : i32
        %sign3A_2519 = arith.cmpi sgt, %select_n3A_103, %sign3A_2518 : i32
        %sign3A_2520 = arith.extui %sign3A_2519 : i1 to i32
        %sign3A_2521 = arith.constant 0 : i32
        %sign3A_2522 = arith.cmpi slt, %select_n3A_103, %sign3A_2521 : i32
        %sign3A_2523 = arith.extui %sign3A_2522 : i1 to i32
        %sign3A_2524 = arith.subi %sign3A_2520, %sign3A_2523 : i32
        %ne3A_2525 = arith.cmpi ne, %sign3A_2517, %sign3A_2524 : i32
        %rem3A_2526 = arith.remsi %while3A_1765, %select_n3A_103 : i32
        %ne3A_2527 = arith.constant 0 : i32
        %ne3A_2528 = arith.cmpi ne, %rem3A_2526, %ne3A_2527 : i32
        %and3A_2529 = arith.andi %ne3A_2525, %ne3A_2528 : i1
        %sub3A_2530 = arith.constant 1 : i32
        %sub3A_2531 = arith.subi %div3A_2510, %sub3A_2530 : i32
        %select_n3A_2532 = arith.select %and3A_2529, %sub3A_2531, %div3A_2510 : i32
        %mul3A_2533 = arith.muli %select_n3A_2532, %select_n3A_103 : i32
        %sub3A_2534 = arith.subi %while3A_1765, %mul3A_2533 : i32
        %sub3A_2535 = arith.constant 1 : i32
        %sub3A_2536 = arith.subi %select_n3A_103, %sub3A_2535 : i32
        %eq3A_2537 = arith.cmpi eq, %sub3A_2534, %sub3A_2536 : i32
        %convert_element_type3A_2538 = arith.extui %eq3A_2537 : i1 to i32
        %cond3A_2539 = arith.constant 0 : i32
        %cond3A_2540 = arith.cmpi ne, %convert_element_type3A_2538, %cond3A_2539 : i32
        scf.if %cond3A_2540 {
          %mul3A_2565 = arith.constant 384 : i32
          %mul3A_2566 = arith.muli %select_n3A_2532, %mul3A_2565 : i32
          %add3A_2567 = arith.constant 0 : i32
          %add3A_2568 = arith.addi %mul3A_2566, %add3A_2567 : i32
          %swap3A_2569 = arith.index_cast %add3A_2568 : i32 to index
          %swap3A_2570 = tpu.vector_load %arg8[%swap3A_2569] {strides = array<i32>} : memref<18816xf32, #tpu.memory_space<vmem>>, vector<16xf32>,
          %swap3A_2571 = vector.shape_cast %swap3A_2570 : vector<16xf32> to vector<16xf32>
          %swap3A_2572 = vector.shape_cast %max3A_1865 : vector<16xf32> to vector<16xf32>
          tpu.vector_store %arg8[%swap3A_2569], %swap3A_2572 {strides = array<i32>} : memref<18816xf32, #tpu.memory_space<vmem>>, vector<16xf32>,
          %add3A_2573 = arith.constant 16 : i32
          %add3A_2574 = arith.addi %mul3A_2566, %add3A_2573 : i32
          %swap3A_2575 = arith.index_cast %add3A_2574 : i32 to index
          %swap3A_2576 = tpu.vector_load %arg8[%swap3A_2575] {strides = array<i32>} : memref<18816xf32, #tpu.memory_space<vmem>>, vector<16xf32>,
          %swap3A_2577 = vector.shape_cast %swap3A_2576 : vector<16xf32> to vector<16xf32>
          %swap3A_2578 = vector.shape_cast %max3A_1893 : vector<16xf32> to vector<16xf32>
          tpu.vector_store %arg8[%swap3A_2575], %swap3A_2578 {strides = array<i32>} : memref<18816xf32, #tpu.memory_space<vmem>>, vector<16xf32>,
          %add3A_2579 = arith.constant 32 : i32
          %add3A_2580 = arith.addi %mul3A_2566, %add3A_2579 : i32
          %swap3A_2581 = arith.index_cast %add3A_2580 : i32 to index
          %swap3A_2582 = tpu.vector_load %arg8[%swap3A_2581] {strides = array<i32>} : memref<18816xf32, #tpu.memory_space<vmem>>, vector<16xf32>,
          %swap3A_2583 = vector.shape_cast %swap3A_2582 : vector<16xf32> to vector<16xf32>
          %swap3A_2584 = vector.shape_cast %max3A_1921 : vector<16xf32> to vector<16xf32>
          tpu.vector_store %arg8[%swap3A_2581], %swap3A_2584 {strides = array<i32>} : memref<18816xf32, #tpu.memory_space<vmem>>, vector<16xf32>,
          %add3A_2585 = arith.constant 48 : i32
          %add3A_2586 = arith.addi %mul3A_2566, %add3A_2585 : i32
          %swap3A_2587 = arith.index_cast %add3A_2586 : i32 to index
          %swap3A_2588 = tpu.vector_load %arg8[%swap3A_2587] {strides = array<i32>} : memref<18816xf32, #tpu.memory_space<vmem>>, vector<16xf32>,
          %swap3A_2589 = vector.shape_cast %swap3A_2588 : vector<16xf32> to vector<16xf32>
          %swap3A_2590 = vector.shape_cast %max3A_1949 : vector<16xf32> to vector<16xf32>
          tpu.vector_store %arg8[%swap3A_2587], %swap3A_2590 {strides = array<i32>} : memref<18816xf32, #tpu.memory_space<vmem>>, vector<16xf32>,
          %add3A_2591 = arith.constant 64 : i32
          %add3A_2592 = arith.addi %mul3A_2566, %add3A_2591 : i32
          %swap3A_2593 = arith.index_cast %add3A_2592 : i32 to index
          %swap3A_2594 = tpu.vector_load %arg8[%swap3A_2593] {strides = array<i32>} : memref<18816xf32, #tpu.memory_space<vmem>>, vector<16xf32>,
          %swap3A_2595 = vector.shape_cast %swap3A_2594 : vector<16xf32> to vector<16xf32>
          %swap3A_2596 = vector.shape_cast %max3A_1977 : vector<16xf32> to vector<16xf32>
          tpu.vector_store %arg8[%swap3A_2593], %swap3A_2596 {strides = array<i32>} : memref<18816xf32, #tpu.memory_space<vmem>>, vector<16xf32>,
          %add3A_2597 = arith.constant 80 : i32
          %add3A_2598 = arith.addi %mul3A_2566, %add3A_2597 : i32
          %swap3A_2599 = arith.index_cast %add3A_2598 : i32 to index
          %swap3A_2600 = tpu.vector_load %arg8[%swap3A_2599] {strides = array<i32>} : memref<18816xf32, #tpu.memory_space<vmem>>, vector<16xf32>,
          %swap3A_2601 = vector.shape_cast %swap3A_2600 : vector<16xf32> to vector<16xf32>
          %swap3A_2602 = vector.shape_cast %max3A_2005 : vector<16xf32> to vector<16xf32>
          tpu.vector_store %arg8[%swap3A_2599], %swap3A_2602 {strides = array<i32>} : memref<18816xf32, #tpu.memory_space<vmem>>, vector<16xf32>,
          %add3A_2603 = arith.constant 96 : i32
          %add3A_2604 = arith.addi %mul3A_2566, %add3A_2603 : i32
          %swap3A_2605 = arith.index_cast %add3A_2604 : i32 to index
          %swap3A_2606 = tpu.vector_load %arg8[%swap3A_2605] {strides = array<i32>} : memref<18816xf32, #tpu.memory_space<vmem>>, vector<16xf32>,
          %swap3A_2607 = vector.shape_cast %swap3A_2606 : vector<16xf32> to vector<16xf32>
          %swap3A_2608 = vector.shape_cast %max3A_2033 : vector<16xf32> to vector<16xf32>
          tpu.vector_store %arg8[%swap3A_2605], %swap3A_2608 {strides = array<i32>} : memref<18816xf32, #tpu.memory_space<vmem>>, vector<16xf32>,
          %add3A_2609 = arith.constant 112 : i32
          %add3A_2610 = arith.addi %mul3A_2566, %add3A_2609 : i32
          %swap3A_2611 = arith.index_cast %add3A_2610 : i32 to index
          %swap3A_2612 = tpu.vector_load %arg8[%swap3A_2611] {strides = array<i32>} : memref<18816xf32, #tpu.memory_space<vmem>>, vector<16xf32>,
          %swap3A_2613 = vector.shape_cast %swap3A_2612 : vector<16xf32> to vector<16xf32>
          %swap3A_2614 = vector.shape_cast %max3A_2061 : vector<16xf32> to vector<16xf32>
          tpu.vector_store %arg8[%swap3A_2611], %swap3A_2614 {strides = array<i32>} : memref<18816xf32, #tpu.memory_space<vmem>>, vector<16xf32>,
          %add3A_2615 = arith.constant 128 : i32
          %add3A_2616 = arith.addi %mul3A_2566, %add3A_2615 : i32
          %swap3A_2617 = arith.index_cast %add3A_2616 : i32 to index
          %swap3A_2618 = tpu.vector_load %arg8[%swap3A_2617] {strides = array<i32>} : memref<18816xf32, #tpu.memory_space<vmem>>, vector<16xf32>,
          %swap3A_2619 = vector.shape_cast %swap3A_2618 : vector<16xf32> to vector<16xf32>
          %swap3A_2620 = vector.shape_cast %max3A_2089 : vector<16xf32> to vector<16xf32>
          tpu.vector_store %arg8[%swap3A_2617], %swap3A_2620 {strides = array<i32>} : memref<18816xf32, #tpu.memory_space<vmem>>, vector<16xf32>,
          %add3A_2621 = arith.constant 144 : i32
          %add3A_2622 = arith.addi %mul3A_2566, %add3A_2621 : i32
          %swap3A_2623 = arith.index_cast %add3A_2622 : i32 to index
          %swap3A_2624 = tpu.vector_load %arg8[%swap3A_2623] {strides = array<i32>} : memref<18816xf32, #tpu.memory_space<vmem>>, vector<16xf32>,
          %swap3A_2625 = vector.shape_cast %swap3A_2624 : vector<16xf32> to vector<16xf32>
          %swap3A_2626 = vector.shape_cast %max3A_2117 : vector<16xf32> to vector<16xf32>
          tpu.vector_store %arg8[%swap3A_2623], %swap3A_2626 {strides = array<i32>} : memref<18816xf32, #tpu.memory_space<vmem>>, vector<16xf32>,
          %add3A_2627 = arith.constant 160 : i32
          %add3A_2628 = arith.addi %mul3A_2566, %add3A_2627 : i32
          %swap3A_2629 = arith.index_cast %add3A_2628 : i32 to index
          %swap3A_2630 = tpu.vector_load %arg8[%swap3A_2629] {strides = array<i32>} : memref<18816xf32, #tpu.memory_space<vmem>>, vector<16xf32>,
          %swap3A_2631 = vector.shape_cast %swap3A_2630 : vector<16xf32> to vector<16xf32>
          %swap3A_2632 = vector.shape_cast %max3A_2145 : vector<16xf32> to vector<16xf32>
          tpu.vector_store %arg8[%swap3A_2629], %swap3A_2632 {strides = array<i32>} : memref<18816xf32, #tpu.memory_space<vmem>>, vector<16xf32>,
          %add3A_2633 = arith.constant 176 : i32
          %add3A_2634 = arith.addi %mul3A_2566, %add3A_2633 : i32
          %swap3A_2635 = arith.index_cast %add3A_2634 : i32 to index
          %swap3A_2636 = tpu.vector_load %arg8[%swap3A_2635] {strides = array<i32>} : memref<18816xf32, #tpu.memory_space<vmem>>, vector<16xf32>,
          %swap3A_2637 = vector.shape_cast %swap3A_2636 : vector<16xf32> to vector<16xf32>
          %swap3A_2638 = vector.shape_cast %max3A_2173 : vector<16xf32> to vector<16xf32>
          tpu.vector_store %arg8[%swap3A_2635], %swap3A_2638 {strides = array<i32>} : memref<18816xf32, #tpu.memory_space<vmem>>, vector<16xf32>,
          %add3A_2639 = arith.constant 192 : i32
          %add3A_2640 = arith.addi %mul3A_2566, %add3A_2639 : i32
          %swap3A_2641 = arith.index_cast %add3A_2640 : i32 to index
          %swap3A_2642 = tpu.vector_load %arg8[%swap3A_2641] {strides = array<i32>} : memref<18816xf32, #tpu.memory_space<vmem>>, vector<16xf32>,
          %swap3A_2643 = vector.shape_cast %swap3A_2642 : vector<16xf32> to vector<16xf32>
          %swap3A_2644 = vector.shape_cast %max3A_2201 : vector<16xf32> to vector<16xf32>
          tpu.vector_store %arg8[%swap3A_2641], %swap3A_2644 {strides = array<i32>} : memref<18816xf32, #tpu.memory_space<vmem>>, vector<16xf32>,
          %add3A_2645 = arith.constant 208 : i32
          %add3A_2646 = arith.addi %mul3A_2566, %add3A_2645 : i32
          %swap3A_2647 = arith.index_cast %add3A_2646 : i32 to index
          %swap3A_2648 = tpu.vector_load %arg8[%swap3A_2647] {strides = array<i32>} : memref<18816xf32, #tpu.memory_space<vmem>>, vector<16xf32>,
          %swap3A_2649 = vector.shape_cast %swap3A_2648 : vector<16xf32> to vector<16xf32>
          %swap3A_2650 = vector.shape_cast %max3A_2229 : vector<16xf32> to vector<16xf32>
          tpu.vector_store %arg8[%swap3A_2647], %swap3A_2650 {strides = array<i32>} : memref<18816xf32, #tpu.memory_space<vmem>>, vector<16xf32>,
          %add3A_2651 = arith.constant 224 : i32
          %add3A_2652 = arith.addi %mul3A_2566, %add3A_2651 : i32
          %swap3A_2653 = arith.index_cast %add3A_2652 : i32 to index
          %swap3A_2654 = tpu.vector_load %arg8[%swap3A_2653] {strides = array<i32>} : memref<18816xf32, #tpu.memory_space<vmem>>, vector<16xf32>,
          %swap3A_2655 = vector.shape_cast %swap3A_2654 : vector<16xf32> to vector<16xf32>
          %swap3A_2656 = vector.shape_cast %max3A_2257 : vector<16xf32> to vector<16xf32>
          tpu.vector_store %arg8[%swap3A_2653], %swap3A_2656 {strides = array<i32>} : memref<18816xf32, #tpu.memory_space<vmem>>, vector<16xf32>,
          %add3A_2657 = arith.constant 240 : i32
          %add3A_2658 = arith.addi %mul3A_2566, %add3A_2657 : i32
          %swap3A_2659 = arith.index_cast %add3A_2658 : i32 to index
          %swap3A_2660 = tpu.vector_load %arg8[%swap3A_2659] {strides = array<i32>} : memref<18816xf32, #tpu.memory_space<vmem>>, vector<16xf32>,
          %swap3A_2661 = vector.shape_cast %swap3A_2660 : vector<16xf32> to vector<16xf32>
          %swap3A_2662 = vector.shape_cast %max3A_2285 : vector<16xf32> to vector<16xf32>
          tpu.vector_store %arg8[%swap3A_2659], %swap3A_2662 {strides = array<i32>} : memref<18816xf32, #tpu.memory_space<vmem>>, vector<16xf32>,
          %add3A_2663 = arith.constant 256 : i32
          %add3A_2664 = arith.addi %mul3A_2566, %add3A_2663 : i32
          %swap3A_2665 = arith.index_cast %add3A_2664 : i32 to index
          %swap3A_2666 = tpu.vector_load %arg8[%swap3A_2665] {strides = array<i32>} : memref<18816xf32, #tpu.memory_space<vmem>>, vector<16xf32>,
          %swap3A_2667 = vector.shape_cast %swap3A_2666 : vector<16xf32> to vector<16xf32>
          %swap3A_2668 = vector.shape_cast %max3A_2313 : vector<16xf32> to vector<16xf32>
          tpu.vector_store %arg8[%swap3A_2665], %swap3A_2668 {strides = array<i32>} : memref<18816xf32, #tpu.memory_space<vmem>>, vector<16xf32>,
          %add3A_2669 = arith.constant 272 : i32
          %add3A_2670 = arith.addi %mul3A_2566, %add3A_2669 : i32
          %swap3A_2671 = arith.index_cast %add3A_2670 : i32 to index
          %swap3A_2672 = tpu.vector_load %arg8[%swap3A_2671] {strides = array<i32>} : memref<18816xf32, #tpu.memory_space<vmem>>, vector<16xf32>,
          %swap3A_2673 = vector.shape_cast %swap3A_2672 : vector<16xf32> to vector<16xf32>
          %swap3A_2674 = vector.shape_cast %max3A_2341 : vector<16xf32> to vector<16xf32>
          tpu.vector_store %arg8[%swap3A_2671], %swap3A_2674 {strides = array<i32>} : memref<18816xf32, #tpu.memory_space<vmem>>, vector<16xf32>,
          %add3A_2675 = arith.constant 288 : i32
          %add3A_2676 = arith.addi %mul3A_2566, %add3A_2675 : i32
          %swap3A_2677 = arith.index_cast %add3A_2676 : i32 to index
          %swap3A_2678 = tpu.vector_load %arg8[%swap3A_2677] {strides = array<i32>} : memref<18816xf32, #tpu.memory_space<vmem>>, vector<16xf32>,
          %swap3A_2679 = vector.shape_cast %swap3A_2678 : vector<16xf32> to vector<16xf32>
          %swap3A_2680 = vector.shape_cast %max3A_2369 : vector<16xf32> to vector<16xf32>
          tpu.vector_store %arg8[%swap3A_2677], %swap3A_2680 {strides = array<i32>} : memref<18816xf32, #tpu.memory_space<vmem>>, vector<16xf32>,
          %add3A_2681 = arith.constant 304 : i32
          %add3A_2682 = arith.addi %mul3A_2566, %add3A_2681 : i32
          %swap3A_2683 = arith.index_cast %add3A_2682 : i32 to index
          %swap3A_2684 = tpu.vector_load %arg8[%swap3A_2683] {strides = array<i32>} : memref<18816xf32, #tpu.memory_space<vmem>>, vector<16xf32>,
          %swap3A_2685 = vector.shape_cast %swap3A_2684 : vector<16xf32> to vector<16xf32>
          %swap3A_2686 = vector.shape_cast %max3A_2397 : vector<16xf32> to vector<16xf32>
          tpu.vector_store %arg8[%swap3A_2683], %swap3A_2686 {strides = array<i32>} : memref<18816xf32, #tpu.memory_space<vmem>>, vector<16xf32>,
          %add3A_2687 = arith.constant 320 : i32
          %add3A_2688 = arith.addi %mul3A_2566, %add3A_2687 : i32
          %swap3A_2689 = arith.index_cast %add3A_2688 : i32 to index
          %swap3A_2690 = tpu.vector_load %arg8[%swap3A_2689] {strides = array<i32>} : memref<18816xf32, #tpu.memory_space<vmem>>, vector<16xf32>,
          %swap3A_2691 = vector.shape_cast %swap3A_2690 : vector<16xf32> to vector<16xf32>
          %swap3A_2692 = vector.shape_cast %max3A_2425 : vector<16xf32> to vector<16xf32>
          tpu.vector_store %arg8[%swap3A_2689], %swap3A_2692 {strides = array<i32>} : memref<18816xf32, #tpu.memory_space<vmem>>, vector<16xf32>,
          %add3A_2693 = arith.constant 336 : i32
          %add3A_2694 = arith.addi %mul3A_2566, %add3A_2693 : i32
          %swap3A_2695 = arith.index_cast %add3A_2694 : i32 to index
          %swap3A_2696 = tpu.vector_load %arg8[%swap3A_2695] {strides = array<i32>} : memref<18816xf32, #tpu.memory_space<vmem>>, vector<16xf32>,
          %swap3A_2697 = vector.shape_cast %swap3A_2696 : vector<16xf32> to vector<16xf32>
          %swap3A_2698 = vector.shape_cast %max3A_2453 : vector<16xf32> to vector<16xf32>
          tpu.vector_store %arg8[%swap3A_2695], %swap3A_2698 {strides = array<i32>} : memref<18816xf32, #tpu.memory_space<vmem>>, vector<16xf32>,
          %add3A_2699 = arith.constant 352 : i32
          %add3A_2700 = arith.addi %mul3A_2566, %add3A_2699 : i32
          %swap3A_2701 = arith.index_cast %add3A_2700 : i32 to index
          %swap3A_2702 = tpu.vector_load %arg8[%swap3A_2701] {strides = array<i32>} : memref<18816xf32, #tpu.memory_space<vmem>>, vector<16xf32>,
          %swap3A_2703 = vector.shape_cast %swap3A_2702 : vector<16xf32> to vector<16xf32>
          %swap3A_2704 = vector.shape_cast %max3A_2481 : vector<16xf32> to vector<16xf32>
          tpu.vector_store %arg8[%swap3A_2701], %swap3A_2704 {strides = array<i32>} : memref<18816xf32, #tpu.memory_space<vmem>>, vector<16xf32>,
          %add3A_2705 = arith.constant 368 : i32
          %add3A_2706 = arith.addi %mul3A_2566, %add3A_2705 : i32
          %swap3A_2707 = arith.index_cast %add3A_2706 : i32 to index
          %swap3A_2708 = tpu.vector_load %arg8[%swap3A_2707] {strides = array<i32>} : memref<18816xf32, #tpu.memory_space<vmem>>, vector<16xf32>,
          %swap3A_2709 = vector.shape_cast %swap3A_2708 : vector<16xf32> to vector<16xf32>
          %swap3A_2710 = vector.shape_cast %max3A_2509 : vector<16xf32> to vector<16xf32>
          tpu.vector_store %arg8[%swap3A_2707], %swap3A_2710 {strides = array<i32>} : memref<18816xf32, #tpu.memory_space<vmem>>, vector<16xf32>,
        } else {
        }
        %select_n3A_2541 = arith.select %eq3A_2537, %broadcast_in_dim3A_5, %max3A_1865 : vector<16xf32>
        %select_n3A_2542 = arith.select %eq3A_2537, %broadcast_in_dim3A_5, %max3A_1893 : vector<16xf32>
        %select_n3A_2543 = arith.select %eq3A_2537, %broadcast_in_dim3A_5, %max3A_1921 : vector<16xf32>
        %select_n3A_2544 = arith.select %eq3A_2537, %broadcast_in_dim3A_5, %max3A_1949 : vector<16xf32>
        %select_n3A_2545 = arith.select %eq3A_2537, %broadcast_in_dim3A_5, %max3A_1977 : vector<16xf32>
        %select_n3A_2546 = arith.select %eq3A_2537, %broadcast_in_dim3A_5, %max3A_2005 : vector<16xf32>
        %select_n3A_2547 = arith.select %eq3A_2537, %broadcast_in_dim3A_5, %max3A_2033 : vector<16xf32>
        %select_n3A_2548 = arith.select %eq3A_2537, %broadcast_in_dim3A_5, %max3A_2061 : vector<16xf32>
        %select_n3A_2549 = arith.select %eq3A_2537, %broadcast_in_dim3A_5, %max3A_2089 : vector<16xf32>
        %select_n3A_2550 = arith.select %eq3A_2537, %broadcast_in_dim3A_5, %max3A_2117 : vector<16xf32>
        %select_n3A_2551 = arith.select %eq3A_2537, %broadcast_in_dim3A_5, %max3A_2145 : vector<16xf32>
        %select_n3A_2552 = arith.select %eq3A_2537, %broadcast_in_dim3A_5, %max3A_2173 : vector<16xf32>
        %select_n3A_2553 = arith.select %eq3A_2537, %broadcast_in_dim3A_5, %max3A_2201 : vector<16xf32>
        %select_n3A_2554 = arith.select %eq3A_2537, %broadcast_in_dim3A_5, %max3A_2229 : vector<16xf32>
        %select_n3A_2555 = arith.select %eq3A_2537, %broadcast_in_dim3A_5, %max3A_2257 : vector<16xf32>
        %select_n3A_2556 = arith.select %eq3A_2537, %broadcast_in_dim3A_5, %max3A_2285 : vector<16xf32>
        %select_n3A_2557 = arith.select %eq3A_2537, %broadcast_in_dim3A_5, %max3A_2313 : vector<16xf32>
        %select_n3A_2558 = arith.select %eq3A_2537, %broadcast_in_dim3A_5, %max3A_2341 : vector<16xf32>
        %select_n3A_2559 = arith.select %eq3A_2537, %broadcast_in_dim3A_5, %max3A_2369 : vector<16xf32>
        %select_n3A_2560 = arith.select %eq3A_2537, %broadcast_in_dim3A_5, %max3A_2397 : vector<16xf32>
        %select_n3A_2561 = arith.select %eq3A_2537, %broadcast_in_dim3A_5, %max3A_2425 : vector<16xf32>
        %select_n3A_2562 = arith.select %eq3A_2537, %broadcast_in_dim3A_5, %max3A_2453 : vector<16xf32>
        %select_n3A_2563 = arith.select %eq3A_2537, %broadcast_in_dim3A_5, %max3A_2481 : vector<16xf32>
        %select_n3A_2564 = arith.select %eq3A_2537, %broadcast_in_dim3A_5, %max3A_2509 : vector<16xf32>
        scf.yield %select_n3A_2541, %select_n3A_2542, %select_n3A_2543, %select_n3A_2544, %select_n3A_2545, %select_n3A_2546, %select_n3A_2547, %select_n3A_2548, %select_n3A_2549, %select_n3A_2550, %select_n3A_2551, %select_n3A_2552, %select_n3A_2553, %select_n3A_2554, %select_n3A_2555, %select_n3A_2556, %select_n3A_2557, %select_n3A_2558, %select_n3A_2559, %select_n3A_2560, %select_n3A_2561, %select_n3A_2562, %select_n3A_2563, %select_n3A_2564 : vector<16xf32>, vector<16xf32>, vector<16xf32>, vector<16xf32>, vector<16xf32>, vector<16xf32>, vector<16xf32>, vector<16xf32>, vector<16xf32>, vector<16xf32>, vector<16xf32>, vector<16xf32>, vector<16xf32>, vector<16xf32>, vector<16xf32>, vector<16xf32>, vector<16xf32>, vector<16xf32>, vector<16xf32>, vector<16xf32>, vector<16xf32>, vector<16xf32>, vector<16xf32>, vector<16xf32>
      }
      %while3A_1757 = arith.constant 1 : i32
      %while3A_1758:24 = scf.for %while3A_1765 = %while3A_1754 to %while3A_1750 step %while3A_1757 iter_args(%while3A_1766 = %while3A_1756#0, %while3A_1767 = %while3A_1756#1, %while3A_1768 = %while3A_1756#2, %while3A_1769 = %while3A_1756#3, %while3A_1770 = %while3A_1756#4, %while3A_1771 = %while3A_1756#5, %while3A_1772 = %while3A_1756#6, %while3A_1773 = %while3A_1756#7, %while3A_1774 = %while3A_1756#8, %while3A_1775 = %while3A_1756#9, %while3A_1776 = %while3A_1756#10, %while3A_1777 = %while3A_1756#11, %while3A_1778 = %while3A_1756#12, %while3A_1779 = %while3A_1756#13, %while3A_1780 = %while3A_1756#14, %while3A_1781 = %while3A_1756#15, %while3A_1782 = %while3A_1756#16, %while3A_1783 = %while3A_1756#17, %while3A_1784 = %while3A_1756#18, %while3A_1785 = %while3A_1756#19, %while3A_1786 = %while3A_1756#20, %while3A_1787 = %while3A_1756#21, %while3A_1788 = %while3A_1756#22, %while3A_1789 = %while3A_1756#23) -> (vector<16xf32>, vector<16xf32>, vector<16xf32>, vector<16xf32>, vector<16xf32>, vector<16xf32>, vector<16xf32>, vector<16xf32>, vector<16xf32>, vector<16xf32>, vector<16xf32>, vector<16xf32>, vector<16xf32>, vector<16xf32>, vector<16xf32>, vector<16xf32>, vector<16xf32>, vector<16xf32>, vector<16xf32>, vector<16xf32>, vector<16xf32>, vector<16xf32>, vector<16xf32>, vector<16xf32>)  : i32 {
        %jit3A_1790 = arith.constant 8 : i32
        %eq3A_1791 = arith.constant 0 : i32
        %eq3A_1792 = arith.cmpi eq, %jit3A_1790, %eq3A_1791 : i32
        %jit3A_1793 = arith.constant 1 : i32
        %select_n3A_1794 = arith.select %eq3A_1792, %jit3A_1793, %jit3A_1790 : i32
        %rem3A_1795 = arith.remsi %while3A_1765, %select_n3A_1794 : i32
        %ne3A_1796 = arith.constant 0 : i32
        %ne3A_1797 = arith.cmpi ne, %rem3A_1795, %ne3A_1796 : i32
        %lt3A = arith.constant 0 : i32
        %lt3A_1798 = arith.cmpi slt, %rem3A_1795, %lt3A : i32
        %lt3A_1799 = arith.constant 0 : i32
        %lt3A_1800 = arith.cmpi slt, %select_n3A_1794, %lt3A_1799 : i32
        %ne3A_1801 = arith.xori %lt3A_1798, %lt3A_1800 : i1
        %and3A_1802 = arith.andi %ne3A_1801, %ne3A_1797 : i1
        %add3A_1803 = arith.addi %rem3A_1795, %select_n3A_1794 : i32
        %select_n3A_1804 = arith.select %and3A_1802, %add3A_1803, %rem3A_1795 : i32
        %dma_wait3A = arith.constant 0 : i32
        %dma_wait3A_1805 = arith.constant 0 : i32
        %dma_wait3A_1806 = tpu.memref_slice %arg7[%select_n3A_1804, %dma_wait3A, %dma_wait3A_1805] : memref<8x4x384xf32, #tpu.memory_space<vmem>> -> memref<1x4x384xf32, #tpu.memory_space<vmem>>
        %dma_wait3A_1807 = tpu.memref_squeeze %dma_wait3A_1806 : memref<1x4x384xf32, #tpu.memory_space<vmem>> -> memref<4x384xf32, #tpu.memory_space<vmem>>
        %dma_wait3A_1808 = arith.constant 0 : i32
        %dma_wait3A_1809 = arith.constant 0 : i32
        %dma_wait3A_1810 = tpu.memref_slice %arg2[%dma_wait3A_1808, %dma_wait3A_1809] : memref<16384x384xf32, #tpu.memory_space<hbm>> -> memref<16x384xf32, #tpu.memory_space<hbm>>
        %dma_wait3A_1811 = arith.constant 0 : i32
        %dma_wait3A_1812 = arith.constant 0 : i32
        %dma_wait3A_1813 = tpu.memref_slice %arg7[%select_n3A_1804, %dma_wait3A_1811, %dma_wait3A_1812] : memref<8x4x384xf32, #tpu.memory_space<vmem>> -> memref<1x4x384xf32, #tpu.memory_space<vmem>>
        %dma_wait3A_1814 = tpu.memref_squeeze %dma_wait3A_1813 : memref<1x4x384xf32, #tpu.memory_space<vmem>> -> memref<4x384xf32, #tpu.memory_space<vmem>>
        %dma_wait3A_1815 = arith.constant 0 : i32
        %dma_wait3A_1816 = arith.constant 0 : i32
        %dma_wait3A_1817 = tpu.memref_slice %arg2[%dma_wait3A_1815, %dma_wait3A_1816] : memref<16384x384xf32, #tpu.memory_space<hbm>> -> memref<16x384xf32, #tpu.memory_space<hbm>>
        tpu.wait_dma2 semaphore(%arg9 : memref<!tpu.dma_semaphore, #tpu.memory_space<semaphore_mem>>) src(%dma_wait3A_1817 : memref<16x384xf32, #tpu.memory_space<hbm>>) dst(%dma_wait3A_1814 : memref<4x384xf32, #tpu.memory_space<vmem>>)
        %add3A_1818 = arith.constant 7 : i32
        %add3A_1819 = arith.addi %while3A_1765, %add3A_1818 : i32
        %lt3A_1820 = arith.cmpi slt, %add3A_1819, %mul3A_157 : i32
        %convert_element_type3A_1821 = arith.extui %lt3A_1820 : i1 to i32
        %cond3A = arith.constant 0 : i32
        %cond3A_1822 = arith.cmpi ne, %convert_element_type3A_1821, %cond3A : i32
        scf.if %cond3A_1822 {
          %add3A_2565 = arith.constant 7 : i32
          %add3A_2566 = arith.addi %while3A_1765, %add3A_2565 : i32
          %div3A_2567 = arith.divsi %add3A_2566, %select_n3A_103 : i32
          %sign3A_2568 = arith.constant 0 : i32
          %sign3A_2569 = arith.cmpi sgt, %add3A_2566, %sign3A_2568 : i32
          %sign3A_2570 = arith.extui %sign3A_2569 : i1 to i32
          %sign3A_2571 = arith.constant 0 : i32
          %sign3A_2572 = arith.cmpi slt, %add3A_2566, %sign3A_2571 : i32
          %sign3A_2573 = arith.extui %sign3A_2572 : i1 to i32
          %sign3A_2574 = arith.subi %sign3A_2570, %sign3A_2573 : i32
          %sign3A_2575 = arith.constant 0 : i32
          %sign3A_2576 = arith.cmpi sgt, %select_n3A_103, %sign3A_2575 : i32
          %sign3A_2577 = arith.extui %sign3A_2576 : i1 to i32
          %sign3A_2578 = arith.constant 0 : i32
          %sign3A_2579 = arith.cmpi slt, %select_n3A_103, %sign3A_2578 : i32
          %sign3A_2580 = arith.extui %sign3A_2579 : i1 to i32
          %sign3A_2581 = arith.subi %sign3A_2577, %sign3A_2580 : i32
          %ne3A_2582 = arith.cmpi ne, %sign3A_2574, %sign3A_2581 : i32
          %rem3A_2583 = arith.remsi %add3A_2566, %select_n3A_103 : i32
          %ne3A_2584 = arith.constant 0 : i32
          %ne3A_2585 = arith.cmpi ne, %rem3A_2583, %ne3A_2584 : i32
          %and3A_2586 = arith.andi %ne3A_2582, %ne3A_2585 : i1
          %sub3A_2587 = arith.constant 1 : i32
          %sub3A_2588 = arith.subi %div3A_2567, %sub3A_2587 : i32
          %select_n3A_2589 = arith.select %and3A_2586, %sub3A_2588, %div3A_2567 : i32
          %mul3A_2590 = arith.muli %select_n3A_2589, %select_n3A_103 : i32
          %sub3A_2591 = arith.subi %add3A_2566, %mul3A_2590 : i32
          %jit3A_2592 = arith.constant 7 : i32
          %div3A_2593 = arith.divsi %select_n3A_2589, %jit3A_2592 : i32
          %sign3A_2594 = arith.constant 0 : i32
          %sign3A_2595 = arith.cmpi sgt, %select_n3A_2589, %sign3A_2594 : i32
          %sign3A_2596 = arith.extui %sign3A_2595 : i1 to i32
          %sign3A_2597 = arith.constant 0 : i32
          %sign3A_2598 = arith.cmpi slt, %select_n3A_2589, %sign3A_2597 : i32
          %sign3A_2599 = arith.extui %sign3A_2598 : i1 to i32
          %sign3A_2600 = arith.subi %sign3A_2596, %sign3A_2599 : i32
          %sign3A_2601 = arith.constant 0 : i32
          %sign3A_2602 = arith.cmpi sgt, %jit3A_2592, %sign3A_2601 : i32
          %sign3A_2603 = arith.extui %sign3A_2602 : i1 to i32
          %sign3A_2604 = arith.constant 0 : i32
          %sign3A_2605 = arith.cmpi slt, %jit3A_2592, %sign3A_2604 : i32
          %sign3A_2606 = arith.extui %sign3A_2605 : i1 to i32
          %sign3A_2607 = arith.subi %sign3A_2603, %sign3A_2606 : i32
          %ne3A_2608 = arith.cmpi ne, %sign3A_2600, %sign3A_2607 : i32
          %rem3A_2609 = arith.remsi %select_n3A_2589, %jit3A_2592 : i32
          %ne3A_2610 = arith.constant 0 : i32
          %ne3A_2611 = arith.cmpi ne, %rem3A_2609, %ne3A_2610 : i32
          %and3A_2612 = arith.andi %ne3A_2608, %ne3A_2611 : i1
          %sub3A_2613 = arith.constant 1 : i32
          %sub3A_2614 = arith.subi %div3A_2593, %sub3A_2613 : i32
          %select_n3A_2615 = arith.select %and3A_2612, %sub3A_2614, %div3A_2593 : i32
          %mul3A_2616 = arith.constant 7 : i32
          %mul3A_2617 = arith.muli %select_n3A_2615, %mul3A_2616 : i32
          %sub3A_2618 = arith.subi %select_n3A_2589, %mul3A_2617 : i32
          %mul3A_2619 = arith.muli %select_n3A_2615, %sub3A_29 : i32
          %add3A_2620 = arith.constant 6 : i32
          %add3A_2621 = arith.addi %mul3A_2619, %add3A_2620 : i32
          %jit3A_2622 = arith.constant 7 : i32
          %div3A_2623 = arith.divsi %add3A_2621, %jit3A_2622 : i32
          %sign3A_2624 = arith.constant 0 : i32
          %sign3A_2625 = arith.cmpi sgt, %add3A_2621, %sign3A_2624 : i32
          %sign3A_2626 = arith.extui %sign3A_2625 : i1 to i32
          %sign3A_2627 = arith.constant 0 : i32
          %sign3A_2628 = arith.cmpi slt, %add3A_2621, %sign3A_2627 : i32
          %sign3A_2629 = arith.extui %sign3A_2628 : i1 to i32
          %sign3A_2630 = arith.subi %sign3A_2626, %sign3A_2629 : i32
          %sign3A_2631 = arith.constant 0 : i32
          %sign3A_2632 = arith.cmpi sgt, %jit3A_2622, %sign3A_2631 : i32
          %sign3A_2633 = arith.extui %sign3A_2632 : i1 to i32
          %sign3A_2634 = arith.constant 0 : i32
          %sign3A_2635 = arith.cmpi slt, %jit3A_2622, %sign3A_2634 : i32
          %sign3A_2636 = arith.extui %sign3A_2635 : i1 to i32
          %sign3A_2637 = arith.subi %sign3A_2633, %sign3A_2636 : i32
          %ne3A_2638 = arith.cmpi ne, %sign3A_2630, %sign3A_2637 : i32
          %rem3A_2639 = arith.remsi %add3A_2621, %jit3A_2622 : i32
          %ne3A_2640 = arith.constant 0 : i32
          %ne3A_2641 = arith.cmpi ne, %rem3A_2639, %ne3A_2640 : i32
          %and3A_2642 = arith.andi %ne3A_2638, %ne3A_2641 : i1
          %sub3A_2643 = arith.constant 1 : i32
          %sub3A_2644 = arith.subi %div3A_2623, %sub3A_2643 : i32
          %select_n3A_2645 = arith.select %and3A_2642, %sub3A_2644, %div3A_2623 : i32
          %add3A_2646 = arith.addi %squeeze3A_20, %select_n3A_2645 : i32
          %add3A_2647 = arith.constant 1 : i32
          %add3A_2648 = arith.addi %select_n3A_2615, %add3A_2647 : i32
          %mul3A_2649 = arith.muli %add3A_2648, %sub3A_29 : i32
          %add3A_2650 = arith.constant 6 : i32
          %add3A_2651 = arith.addi %mul3A_2649, %add3A_2650 : i32
          %jit3A_2652 = arith.constant 7 : i32
          %div3A_2653 = arith.divsi %add3A_2651, %jit3A_2652 : i32
          %sign3A_2654 = arith.constant 0 : i32
          %sign3A_2655 = arith.cmpi sgt, %add3A_2651, %sign3A_2654 : i32
          %sign3A_2656 = arith.extui %sign3A_2655 : i1 to i32
          %sign3A_2657 = arith.constant 0 : i32
          %sign3A_2658 = arith.cmpi slt, %add3A_2651, %sign3A_2657 : i32
          %sign3A_2659 = arith.extui %sign3A_2658 : i1 to i32
          %sign3A_2660 = arith.subi %sign3A_2656, %sign3A_2659 : i32
          %sign3A_2661 = arith.constant 0 : i32
          %sign3A_2662 = arith.cmpi sgt, %jit3A_2652, %sign3A_2661 : i32
          %sign3A_2663 = arith.extui %sign3A_2662 : i1 to i32
          %sign3A_2664 = arith.constant 0 : i32
          %sign3A_2665 = arith.cmpi slt, %jit3A_2652, %sign3A_2664 : i32
          %sign3A_2666 = arith.extui %sign3A_2665 : i1 to i32
          %sign3A_2667 = arith.subi %sign3A_2663, %sign3A_2666 : i32
          %ne3A_2668 = arith.cmpi ne, %sign3A_2660, %sign3A_2667 : i32
          %rem3A_2669 = arith.remsi %add3A_2651, %jit3A_2652 : i32
          %ne3A_2670 = arith.constant 0 : i32
          %ne3A_2671 = arith.cmpi ne, %rem3A_2669, %ne3A_2670 : i32
          %and3A_2672 = arith.andi %ne3A_2668, %ne3A_2671 : i1
          %sub3A_2673 = arith.constant 1 : i32
          %sub3A_2674 = arith.subi %div3A_2653, %sub3A_2673 : i32
          %select_n3A_2675 = arith.select %and3A_2672, %sub3A_2674, %div3A_2653 : i32
          %add3A_2676 = arith.addi %squeeze3A_20, %select_n3A_2675 : i32
          %eq3A_2677 = arith.cmpi eq, %add3A_2646, %add3A_2676 : i32
          %convert_element_type3A_2678 = arith.extui %eq3A_2677 : i1 to i32
          %sub3A_2679 = arith.subi %add3A_2646, %convert_element_type3A_2678 : i32
          %mul3A_2680 = arith.muli %sub3A_2618, %sub3A : i32
          %add3A_2681 = arith.constant 6 : i32
          %add3A_2682 = arith.addi %mul3A_2680, %add3A_2681 : i32
          %jit3A_2683 = arith.constant 7 : i32
          %div3A_2684 = arith.divsi %add3A_2682, %jit3A_2683 : i32
          %sign3A_2685 = arith.constant 0 : i32
          %sign3A_2686 = arith.cmpi sgt, %add3A_2682, %sign3A_2685 : i32
          %sign3A_2687 = arith.extui %sign3A_2686 : i1 to i32
          %sign3A_2688 = arith.constant 0 : i32
          %sign3A_2689 = arith.cmpi slt, %add3A_2682, %sign3A_2688 : i32
          %sign3A_2690 = arith.extui %sign3A_2689 : i1 to i32
          %sign3A_2691 = arith.subi %sign3A_2687, %sign3A_2690 : i32
          %sign3A_2692 = arith.constant 0 : i32
          %sign3A_2693 = arith.cmpi sgt, %jit3A_2683, %sign3A_2692 : i32
          %sign3A_2694 = arith.extui %sign3A_2693 : i1 to i32
          %sign3A_2695 = arith.constant 0 : i32
          %sign3A_2696 = arith.cmpi slt, %jit3A_2683, %sign3A_2695 : i32
          %sign3A_2697 = arith.extui %sign3A_2696 : i1 to i32
          %sign3A_2698 = arith.subi %sign3A_2694, %sign3A_2697 : i32
          %ne3A_2699 = arith.cmpi ne, %sign3A_2691, %sign3A_2698 : i32
          %rem3A_2700 = arith.remsi %add3A_2682, %jit3A_2683 : i32
          %ne3A_2701 = arith.constant 0 : i32
          %ne3A_2702 = arith.cmpi ne, %rem3A_2700, %ne3A_2701 : i32
          %and3A_2703 = arith.andi %ne3A_2699, %ne3A_2702 : i1
          %sub3A_2704 = arith.constant 1 : i32
          %sub3A_2705 = arith.subi %div3A_2684, %sub3A_2704 : i32
          %select_n3A_2706 = arith.select %and3A_2703, %sub3A_2705, %div3A_2684 : i32
          %add3A_2707 = arith.addi %squeeze3A, %select_n3A_2706 : i32
          %add3A_2708 = arith.constant 1 : i32
          %add3A_2709 = arith.addi %sub3A_2618, %add3A_2708 : i32
          %mul3A_2710 = arith.muli %add3A_2709, %sub3A : i32
          %add3A_2711 = arith.constant 6 : i32
          %add3A_2712 = arith.addi %mul3A_2710, %add3A_2711 : i32
          %jit3A_2713 = arith.constant 7 : i32
          %div3A_2714 = arith.divsi %add3A_2712, %jit3A_2713 : i32
          %sign3A_2715 = arith.constant 0 : i32
          %sign3A_2716 = arith.cmpi sgt, %add3A_2712, %sign3A_2715 : i32
          %sign3A_2717 = arith.extui %sign3A_2716 : i1 to i32
          %sign3A_2718 = arith.constant 0 : i32
          %sign3A_2719 = arith.cmpi slt, %add3A_2712, %sign3A_2718 : i32
          %sign3A_2720 = arith.extui %sign3A_2719 : i1 to i32
          %sign3A_2721 = arith.subi %sign3A_2717, %sign3A_2720 : i32
          %sign3A_2722 = arith.constant 0 : i32
          %sign3A_2723 = arith.cmpi sgt, %jit3A_2713, %sign3A_2722 : i32
          %sign3A_2724 = arith.extui %sign3A_2723 : i1 to i32
          %sign3A_2725 = arith.constant 0 : i32
          %sign3A_2726 = arith.cmpi slt, %jit3A_2713, %sign3A_2725 : i32
          %sign3A_2727 = arith.extui %sign3A_2726 : i1 to i32
          %sign3A_2728 = arith.subi %sign3A_2724, %sign3A_2727 : i32
          %ne3A_2729 = arith.cmpi ne, %sign3A_2721, %sign3A_2728 : i32
          %rem3A_2730 = arith.remsi %add3A_2712, %jit3A_2713 : i32
          %ne3A_2731 = arith.constant 0 : i32
          %ne3A_2732 = arith.cmpi ne, %rem3A_2730, %ne3A_2731 : i32
          %and3A_2733 = arith.andi %ne3A_2729, %ne3A_2732 : i1
          %sub3A_2734 = arith.constant 1 : i32
          %sub3A_2735 = arith.subi %div3A_2714, %sub3A_2734 : i32
          %select_n3A_2736 = arith.select %and3A_2733, %sub3A_2735, %div3A_2714 : i32
          %add3A_2737 = arith.addi %squeeze3A, %select_n3A_2736 : i32
          %eq3A_2738 = arith.cmpi eq, %add3A_2707, %add3A_2737 : i32
          %convert_element_type3A_2739 = arith.extui %eq3A_2738 : i1 to i32
          %sub3A_2740 = arith.subi %add3A_2707, %convert_element_type3A_2739 : i32
          %mul3A_2741 = arith.constant 4 : i32
          %mul3A_2742 = arith.muli %sub3A_2591, %mul3A_2741 : i32
          %add3A_2743 = vector.broadcast %mul3A_2742 : i32 to vector<16xi32>
          %add3A_2744 = arith.addi %add3A_2743, %iota3A : vector<16xi32>
          %sub3A_2745 = arith.constant 1 : i32
          %sub3A_2746 = arith.subi %mul3A_75, %sub3A_2745 : i32
          %min3A_2747 = vector.broadcast %sub3A_2746 : i32 to vector<16xi32>
          %min3A_2748 = arith.minsi %add3A_2744, %min3A_2747 : vector<16xi32>
          %mul3A_2749 = vector.broadcast %add3A_129 : i32 to vector<16xi32>
          %mul3A_2750 = arith.muli %min3A_2748, %mul3A_2749 : vector<16xi32>
          %shift_right_arithmetic3A_2751 = arith.constant 16 : i32
          %shift_right_arithmetic3A_2752 = vector.broadcast %shift_right_arithmetic3A_2751 : i32 to vector<16xi32>
          %shift_right_arithmetic3A_2753 = arith.shrsi %mul3A_2750, %shift_right_arithmetic3A_2752 : vector<16xi32>
          %mul3A_2754 = vector.broadcast %select_n3A_74 : i32 to vector<16xi32>
          %mul3A_2755 = arith.muli %shift_right_arithmetic3A_2753, %mul3A_2754 : vector<16xi32>
          %sub3A_2756 = arith.subi %min3A_2748, %mul3A_2755 : vector<16xi32>
          %add3A_2757 = vector.broadcast %sub3A_2679 : i32 to vector<16xi32>
          %add3A_2758 = arith.addi %add3A_2757, %shift_right_arithmetic3A_2753 : vector<16xi32>
          %sub3A_2759 = arith.constant 1 : i32
          %sub3A_2760 = arith.subi %add3A_2676, %sub3A_2759 : i32
          %min3A_2761 = vector.broadcast %sub3A_2760 : i32 to vector<16xi32>
          %min3A_2762 = arith.minsi %add3A_2758, %min3A_2761 : vector<16xi32>
          %add3A_2763 = vector.broadcast %sub3A_2740 : i32 to vector<16xi32>
          %add3A_2764 = arith.addi %add3A_2763, %sub3A_2756 : vector<16xi32>
          %sub3A_2765 = arith.constant 1 : i32
          %sub3A_2766 = arith.subi %add3A_2737, %sub3A_2765 : i32
          %min3A_2767 = vector.broadcast %sub3A_2766 : i32 to vector<16xi32>
          %min3A_2768 = arith.minsi %add3A_2764, %min3A_2767 : vector<16xi32>
          %jit3A_2769 = arith.constant 8 : i32
          %eq3A_2770 = arith.constant 0 : i32
          %eq3A_2771 = arith.cmpi eq, %jit3A_2769, %eq3A_2770 : i32
          %jit3A_2772 = arith.constant 1 : i32
          %select_n3A_2773 = arith.select %eq3A_2771, %jit3A_2772, %jit3A_2769 : i32
          %rem3A_2774 = arith.remsi %add3A_2566, %select_n3A_2773 : i32
          %ne3A_2775 = arith.constant 0 : i32
          %ne3A_2776 = arith.cmpi ne, %rem3A_2774, %ne3A_2775 : i32
          %lt3A_2777 = arith.constant 0 : i32
          %lt3A_2778 = arith.cmpi slt, %rem3A_2774, %lt3A_2777 : i32
          %lt3A_2779 = arith.constant 0 : i32
          %lt3A_2780 = arith.cmpi slt, %select_n3A_2773, %lt3A_2779 : i32
          %ne3A_2781 = arith.xori %lt3A_2778, %lt3A_2780 : i1
          %and3A_2782 = arith.andi %ne3A_2781, %ne3A_2776 : i1
          %add3A_2783 = arith.addi %rem3A_2774, %select_n3A_2773 : i32
          %select_n3A_2784 = arith.select %and3A_2782, %add3A_2783, %rem3A_2774 : i32
          %mul3A_2785 = arith.constant 64 : i32
          %mul3A_2786 = vector.broadcast %mul3A_2785 : i32 to vector<16xi32>
          %mul3A_2787 = arith.muli %min3A_2762, %mul3A_2786 : vector<16xi32>
          %add3A_2788 = vector.broadcast %mul3A_155 : i32 to vector<16xi32>
          %add3A_2789 = arith.addi %add3A_2788, %mul3A_2787 : vector<16xi32>
          %add3A_2790 = arith.addi %add3A_2789, %min3A_2768 : vector<16xi32>
          %swap3A_2791 = arith.index_cast %select_n3A_2784 : i32 to index
          %swap3A_2792 = arith.constant 0 : index
          %swap3A_2793 = tpu.vector_load %arg6[%swap3A_2791, %swap3A_2792] {strides = array<i32>} : memref<8x16xi32, #tpu.memory_space<vmem>>, vector<1x16xi32>,
          %swap3A_2794 = vector.shape_cast %swap3A_2793 : vector<1x16xi32> to vector<16xi32>
          %swap3A_2795 = vector.shape_cast %add3A_2790 : vector<16xi32> to vector<1x16xi32>
          tpu.vector_store %arg6[%swap3A_2791, %swap3A_2792], %swap3A_2795 {strides = array<i32>} : memref<8x16xi32, #tpu.memory_space<vmem>>, vector<1x16xi32>,
          %dma_start3A_2796 = arith.constant 0 : i32
          %dma_start3A_2797 = arith.constant 0 : i32
          %dma_start3A_2798 = tpu.memref_slice %arg7[%select_n3A_2784, %dma_start3A_2796, %dma_start3A_2797] : memref<8x4x384xf32, #tpu.memory_space<vmem>> -> memref<1x4x384xf32, #tpu.memory_space<vmem>>
          %dma_start3A_2799 = tpu.memref_squeeze %dma_start3A_2798 : memref<1x4x384xf32, #tpu.memory_space<vmem>> -> memref<4x384xf32, #tpu.memory_space<vmem>>
          %dma_start3A_2800 = arith.constant 0 : i32
          %dma_start3A_2801 = tpu.memref_slice %arg6[%select_n3A_2784, %dma_start3A_2800] : memref<8x16xi32, #tpu.memory_space<vmem>> -> memref<1x4xi32, #tpu.memory_space<vmem>>
          %dma_start3A_2802 = tpu.memref_squeeze %dma_start3A_2801 : memref<1x4xi32, #tpu.memory_space<vmem>> -> memref<4xi32, #tpu.memory_space<vmem>>
          %dma_start3A_2803 = arith.constant 0 : i32
          %dma_start3A_2804 = arith.constant 0 : i32
          %dma_start3A_2805 = tpu.memref_slice %arg2[%dma_start3A_2803, %dma_start3A_2804] : memref<16384x384xf32, #tpu.memory_space<hbm>> -> memref<16384x384xf32, #tpu.memory_space<hbm>>
          tpu.enqueue_indirect_dma source(%dma_start3A_2805 : memref<16384x384xf32, #tpu.memory_space<hbm>>) target(%dma_start3A_2799 : memref<4x384xf32, #tpu.memory_space<vmem>>) offsets(%dma_start3A_2802 : memref<4xi32, #tpu.memory_space<vmem>>) semaphore(%arg9 : memref<!tpu.dma_semaphore, #tpu.memory_space<semaphore_mem>>)
        } else {
        }
        %jit3A_1823 = arith.constant 8 : i32
        %eq3A_1824 = arith.constant 0 : i32
        %eq3A_1825 = arith.cmpi eq, %jit3A_1823, %eq3A_1824 : i32
        %jit3A_1826 = arith.constant 1 : i32
        %select_n3A_1827 = arith.select %eq3A_1825, %jit3A_1826, %jit3A_1823 : i32
        %rem3A_1828 = arith.remsi %while3A_1765, %select_n3A_1827 : i32
        %ne3A_1829 = arith.constant 0 : i32
        %ne3A_1830 = arith.cmpi ne, %rem3A_1828, %ne3A_1829 : i32
        %lt3A_1831 = arith.constant 0 : i32
        %lt3A_1832 = arith.cmpi slt, %rem3A_1828, %lt3A_1831 : i32
        %lt3A_1833 = arith.constant 0 : i32
        %lt3A_1834 = arith.cmpi slt, %select_n3A_1827, %lt3A_1833 : i32
        %ne3A_1835 = arith.xori %lt3A_1832, %lt3A_1834 : i1
        %and3A_1836 = arith.andi %ne3A_1835, %ne3A_1830 : i1
        %add3A_1837 = arith.addi %rem3A_1828, %select_n3A_1827 : i32
        %select_n3A_1838 = arith.select %and3A_1836, %add3A_1837, %rem3A_1828 : i32
        %get3A_1839 = arith.constant 0 : i32
        %get3A_1840 = arith.index_cast %select_n3A_1838 : i32 to index
        %get3A_1841 = arith.index_cast %get3A_1839 : i32 to index
        %get3A_1842 = arith.constant 0 : index
        %get3A_1843 = tpu.vector_load %arg7[%get3A_1840, %get3A_1841, %get3A_1842] {strides = array<i32>} : memref<8x4x384xf32, #tpu.memory_space<vmem>>, vector<1x1x16xf32>,
        %get3A_1844 = vector.shape_cast %get3A_1843 : vector<1x1x16xf32> to vector<16xf32>
        %max3A = arith.maximumf %while3A_1766, %get3A_1844 : vector<16xf32>
        %get3A_1845 = arith.constant 1 : i32
        %get3A_1846 = arith.index_cast %select_n3A_1838 : i32 to index
        %get3A_1847 = arith.index_cast %get3A_1845 : i32 to index
        %get3A_1848 = arith.constant 0 : index
        %get3A_1849 = tpu.vector_load %arg7[%get3A_1846, %get3A_1847, %get3A_1848] {strides = array<i32>} : memref<8x4x384xf32, #tpu.memory_space<vmem>>, vector<1x1x16xf32>,
        %get3A_1850 = vector.shape_cast %get3A_1849 : vector<1x1x16xf32> to vector<16xf32>
        %max3A_1851 = arith.maximumf %max3A, %get3A_1850 : vector<16xf32>
        %get3A_1852 = arith.constant 2 : i32
        %get3A_1853 = arith.index_cast %select_n3A_1838 : i32 to index
        %get3A_1854 = arith.index_cast %get3A_1852 : i32 to index
        %get3A_1855 = arith.constant 0 : index
        %get3A_1856 = tpu.vector_load %arg7[%get3A_1853, %get3A_1854, %get3A_1855] {strides = array<i32>} : memref<8x4x384xf32, #tpu.memory_space<vmem>>, vector<1x1x16xf32>,
        %get3A_1857 = vector.shape_cast %get3A_1856 : vector<1x1x16xf32> to vector<16xf32>
        %max3A_1858 = arith.maximumf %max3A_1851, %get3A_1857 : vector<16xf32>
        %get3A_1859 = arith.constant 3 : i32
        %get3A_1860 = arith.index_cast %select_n3A_1838 : i32 to index
        %get3A_1861 = arith.index_cast %get3A_1859 : i32 to index
        %get3A_1862 = arith.constant 0 : index
        %get3A_1863 = tpu.vector_load %arg7[%get3A_1860, %get3A_1861, %get3A_1862] {strides = array<i32>} : memref<8x4x384xf32, #tpu.memory_space<vmem>>, vector<1x1x16xf32>,
        %get3A_1864 = vector.shape_cast %get3A_1863 : vector<1x1x16xf32> to vector<16xf32>
        %max3A_1865 = arith.maximumf %max3A_1858, %get3A_1864 : vector<16xf32>
        %get3A_1866 = arith.constant 0 : i32
        %get3A_1867 = arith.index_cast %select_n3A_1838 : i32 to index
        %get3A_1868 = arith.index_cast %get3A_1866 : i32 to index
        %get3A_1869 = arith.constant 16 : index
        %get3A_1870 = tpu.vector_load %arg7[%get3A_1867, %get3A_1868, %get3A_1869] {strides = array<i32>} : memref<8x4x384xf32, #tpu.memory_space<vmem>>, vector<1x1x16xf32>,
        %get3A_1871 = vector.shape_cast %get3A_1870 : vector<1x1x16xf32> to vector<16xf32>
        %max3A_1872 = arith.maximumf %while3A_1767, %get3A_1871 : vector<16xf32>
        %get3A_1873 = arith.constant 1 : i32
        %get3A_1874 = arith.index_cast %select_n3A_1838 : i32 to index
        %get3A_1875 = arith.index_cast %get3A_1873 : i32 to index
        %get3A_1876 = arith.constant 16 : index
        %get3A_1877 = tpu.vector_load %arg7[%get3A_1874, %get3A_1875, %get3A_1876] {strides = array<i32>} : memref<8x4x384xf32, #tpu.memory_space<vmem>>, vector<1x1x16xf32>,
        %get3A_1878 = vector.shape_cast %get3A_1877 : vector<1x1x16xf32> to vector<16xf32>
        %max3A_1879 = arith.maximumf %max3A_1872, %get3A_1878 : vector<16xf32>
        %get3A_1880 = arith.constant 2 : i32
        %get3A_1881 = arith.index_cast %select_n3A_1838 : i32 to index
        %get3A_1882 = arith.index_cast %get3A_1880 : i32 to index
        %get3A_1883 = arith.constant 16 : index
        %get3A_1884 = tpu.vector_load %arg7[%get3A_1881, %get3A_1882, %get3A_1883] {strides = array<i32>} : memref<8x4x384xf32, #tpu.memory_space<vmem>>, vector<1x1x16xf32>,
        %get3A_1885 = vector.shape_cast %get3A_1884 : vector<1x1x16xf32> to vector<16xf32>
        %max3A_1886 = arith.maximumf %max3A_1879, %get3A_1885 : vector<16xf32>
        %get3A_1887 = arith.constant 3 : i32
        %get3A_1888 = arith.index_cast %select_n3A_1838 : i32 to index
        %get3A_1889 = arith.index_cast %get3A_1887 : i32 to index
        %get3A_1890 = arith.constant 16 : index
        %get3A_1891 = tpu.vector_load %arg7[%get3A_1888, %get3A_1889, %get3A_1890] {strides = array<i32>} : memref<8x4x384xf32, #tpu.memory_space<vmem>>, vector<1x1x16xf32>,
        %get3A_1892 = vector.shape_cast %get3A_1891 : vector<1x1x16xf32> to vector<16xf32>
        %max3A_1893 = arith.maximumf %max3A_1886, %get3A_1892 : vector<16xf32>
        %get3A_1894 = arith.constant 0 : i32
        %get3A_1895 = arith.index_cast %select_n3A_1838 : i32 to index
        %get3A_1896 = arith.index_cast %get3A_1894 : i32 to index
        %get3A_1897 = arith.constant 32 : index
        %get3A_1898 = tpu.vector_load %arg7[%get3A_1895, %get3A_1896, %get3A_1897] {strides = array<i32>} : memref<8x4x384xf32, #tpu.memory_space<vmem>>, vector<1x1x16xf32>,
        %get3A_1899 = vector.shape_cast %get3A_1898 : vector<1x1x16xf32> to vector<16xf32>
        %max3A_1900 = arith.maximumf %while3A_1768, %get3A_1899 : vector<16xf32>
        %get3A_1901 = arith.constant 1 : i32
        %get3A_1902 = arith.index_cast %select_n3A_1838 : i32 to index
        %get3A_1903 = arith.index_cast %get3A_1901 : i32 to index
        %get3A_1904 = arith.constant 32 : index
        %get3A_1905 = tpu.vector_load %arg7[%get3A_1902, %get3A_1903, %get3A_1904] {strides = array<i32>} : memref<8x4x384xf32, #tpu.memory_space<vmem>>, vector<1x1x16xf32>,
        %get3A_1906 = vector.shape_cast %get3A_1905 : vector<1x1x16xf32> to vector<16xf32>
        %max3A_1907 = arith.maximumf %max3A_1900, %get3A_1906 : vector<16xf32>
        %get3A_1908 = arith.constant 2 : i32
        %get3A_1909 = arith.index_cast %select_n3A_1838 : i32 to index
        %get3A_1910 = arith.index_cast %get3A_1908 : i32 to index
        %get3A_1911 = arith.constant 32 : index
        %get3A_1912 = tpu.vector_load %arg7[%get3A_1909, %get3A_1910, %get3A_1911] {strides = array<i32>} : memref<8x4x384xf32, #tpu.memory_space<vmem>>, vector<1x1x16xf32>,
        %get3A_1913 = vector.shape_cast %get3A_1912 : vector<1x1x16xf32> to vector<16xf32>
        %max3A_1914 = arith.maximumf %max3A_1907, %get3A_1913 : vector<16xf32>
        %get3A_1915 = arith.constant 3 : i32
        %get3A_1916 = arith.index_cast %select_n3A_1838 : i32 to index
        %get3A_1917 = arith.index_cast %get3A_1915 : i32 to index
        %get3A_1918 = arith.constant 32 : index
        %get3A_1919 = tpu.vector_load %arg7[%get3A_1916, %get3A_1917, %get3A_1918] {strides = array<i32>} : memref<8x4x384xf32, #tpu.memory_space<vmem>>, vector<1x1x16xf32>,
        %get3A_1920 = vector.shape_cast %get3A_1919 : vector<1x1x16xf32> to vector<16xf32>
        %max3A_1921 = arith.maximumf %max3A_1914, %get3A_1920 : vector<16xf32>
        %get3A_1922 = arith.constant 0 : i32
        %get3A_1923 = arith.index_cast %select_n3A_1838 : i32 to index
        %get3A_1924 = arith.index_cast %get3A_1922 : i32 to index
        %get3A_1925 = arith.constant 48 : index
        %get3A_1926 = tpu.vector_load %arg7[%get3A_1923, %get3A_1924, %get3A_1925] {strides = array<i32>} : memref<8x4x384xf32, #tpu.memory_space<vmem>>, vector<1x1x16xf32>,
        %get3A_1927 = vector.shape_cast %get3A_1926 : vector<1x1x16xf32> to vector<16xf32>
        %max3A_1928 = arith.maximumf %while3A_1769, %get3A_1927 : vector<16xf32>
        %get3A_1929 = arith.constant 1 : i32
        %get3A_1930 = arith.index_cast %select_n3A_1838 : i32 to index
        %get3A_1931 = arith.index_cast %get3A_1929 : i32 to index
        %get3A_1932 = arith.constant 48 : index
        %get3A_1933 = tpu.vector_load %arg7[%get3A_1930, %get3A_1931, %get3A_1932] {strides = array<i32>} : memref<8x4x384xf32, #tpu.memory_space<vmem>>, vector<1x1x16xf32>,
        %get3A_1934 = vector.shape_cast %get3A_1933 : vector<1x1x16xf32> to vector<16xf32>
        %max3A_1935 = arith.maximumf %max3A_1928, %get3A_1934 : vector<16xf32>
        %get3A_1936 = arith.constant 2 : i32
        %get3A_1937 = arith.index_cast %select_n3A_1838 : i32 to index
        %get3A_1938 = arith.index_cast %get3A_1936 : i32 to index
        %get3A_1939 = arith.constant 48 : index
        %get3A_1940 = tpu.vector_load %arg7[%get3A_1937, %get3A_1938, %get3A_1939] {strides = array<i32>} : memref<8x4x384xf32, #tpu.memory_space<vmem>>, vector<1x1x16xf32>,
        %get3A_1941 = vector.shape_cast %get3A_1940 : vector<1x1x16xf32> to vector<16xf32>
        %max3A_1942 = arith.maximumf %max3A_1935, %get3A_1941 : vector<16xf32>
        %get3A_1943 = arith.constant 3 : i32
        %get3A_1944 = arith.index_cast %select_n3A_1838 : i32 to index
        %get3A_1945 = arith.index_cast %get3A_1943 : i32 to index
        %get3A_1946 = arith.constant 48 : index
        %get3A_1947 = tpu.vector_load %arg7[%get3A_1944, %get3A_1945, %get3A_1946] {strides = array<i32>} : memref<8x4x384xf32, #tpu.memory_space<vmem>>, vector<1x1x16xf32>,
        %get3A_1948 = vector.shape_cast %get3A_1947 : vector<1x1x16xf32> to vector<16xf32>
        %max3A_1949 = arith.maximumf %max3A_1942, %get3A_1948 : vector<16xf32>
        %get3A_1950 = arith.constant 0 : i32
        %get3A_1951 = arith.index_cast %select_n3A_1838 : i32 to index
        %get3A_1952 = arith.index_cast %get3A_1950 : i32 to index
        %get3A_1953 = arith.constant 64 : index
        %get3A_1954 = tpu.vector_load %arg7[%get3A_1951, %get3A_1952, %get3A_1953] {strides = array<i32>} : memref<8x4x384xf32, #tpu.memory_space<vmem>>, vector<1x1x16xf32>,
        %get3A_1955 = vector.shape_cast %get3A_1954 : vector<1x1x16xf32> to vector<16xf32>
        %max3A_1956 = arith.maximumf %while3A_1770, %get3A_1955 : vector<16xf32>
        %get3A_1957 = arith.constant 1 : i32
        %get3A_1958 = arith.index_cast %select_n3A_1838 : i32 to index
        %get3A_1959 = arith.index_cast %get3A_1957 : i32 to index
        %get3A_1960 = arith.constant 64 : index
        %get3A_1961 = tpu.vector_load %arg7[%get3A_1958, %get3A_1959, %get3A_1960] {strides = array<i32>} : memref<8x4x384xf32, #tpu.memory_space<vmem>>, vector<1x1x16xf32>,
        %get3A_1962 = vector.shape_cast %get3A_1961 : vector<1x1x16xf32> to vector<16xf32>
        %max3A_1963 = arith.maximumf %max3A_1956, %get3A_1962 : vector<16xf32>
        %get3A_1964 = arith.constant 2 : i32
        %get3A_1965 = arith.index_cast %select_n3A_1838 : i32 to index
        %get3A_1966 = arith.index_cast %get3A_1964 : i32 to index
        %get3A_1967 = arith.constant 64 : index
        %get3A_1968 = tpu.vector_load %arg7[%get3A_1965, %get3A_1966, %get3A_1967] {strides = array<i32>} : memref<8x4x384xf32, #tpu.memory_space<vmem>>, vector<1x1x16xf32>,
        %get3A_1969 = vector.shape_cast %get3A_1968 : vector<1x1x16xf32> to vector<16xf32>
        %max3A_1970 = arith.maximumf %max3A_1963, %get3A_1969 : vector<16xf32>
        %get3A_1971 = arith.constant 3 : i32
        %get3A_1972 = arith.index_cast %select_n3A_1838 : i32 to index
        %get3A_1973 = arith.index_cast %get3A_1971 : i32 to index
        %get3A_1974 = arith.constant 64 : index
        %get3A_1975 = tpu.vector_load %arg7[%get3A_1972, %get3A_1973, %get3A_1974] {strides = array<i32>} : memref<8x4x384xf32, #tpu.memory_space<vmem>>, vector<1x1x16xf32>,
        %get3A_1976 = vector.shape_cast %get3A_1975 : vector<1x1x16xf32> to vector<16xf32>
        %max3A_1977 = arith.maximumf %max3A_1970, %get3A_1976 : vector<16xf32>
        %get3A_1978 = arith.constant 0 : i32
        %get3A_1979 = arith.index_cast %select_n3A_1838 : i32 to index
        %get3A_1980 = arith.index_cast %get3A_1978 : i32 to index
        %get3A_1981 = arith.constant 80 : index
        %get3A_1982 = tpu.vector_load %arg7[%get3A_1979, %get3A_1980, %get3A_1981] {strides = array<i32>} : memref<8x4x384xf32, #tpu.memory_space<vmem>>, vector<1x1x16xf32>,
        %get3A_1983 = vector.shape_cast %get3A_1982 : vector<1x1x16xf32> to vector<16xf32>
        %max3A_1984 = arith.maximumf %while3A_1771, %get3A_1983 : vector<16xf32>
        %get3A_1985 = arith.constant 1 : i32
        %get3A_1986 = arith.index_cast %select_n3A_1838 : i32 to index
        %get3A_1987 = arith.index_cast %get3A_1985 : i32 to index
        %get3A_1988 = arith.constant 80 : index
        %get3A_1989 = tpu.vector_load %arg7[%get3A_1986, %get3A_1987, %get3A_1988] {strides = array<i32>} : memref<8x4x384xf32, #tpu.memory_space<vmem>>, vector<1x1x16xf32>,
        %get3A_1990 = vector.shape_cast %get3A_1989 : vector<1x1x16xf32> to vector<16xf32>
        %max3A_1991 = arith.maximumf %max3A_1984, %get3A_1990 : vector<16xf32>
        %get3A_1992 = arith.constant 2 : i32
        %get3A_1993 = arith.index_cast %select_n3A_1838 : i32 to index
        %get3A_1994 = arith.index_cast %get3A_1992 : i32 to index
        %get3A_1995 = arith.constant 80 : index
        %get3A_1996 = tpu.vector_load %arg7[%get3A_1993, %get3A_1994, %get3A_1995] {strides = array<i32>} : memref<8x4x384xf32, #tpu.memory_space<vmem>>, vector<1x1x16xf32>,
        %get3A_1997 = vector.shape_cast %get3A_1996 : vector<1x1x16xf32> to vector<16xf32>
        %max3A_1998 = arith.maximumf %max3A_1991, %get3A_1997 : vector<16xf32>
        %get3A_1999 = arith.constant 3 : i32
        %get3A_2000 = arith.index_cast %select_n3A_1838 : i32 to index
        %get3A_2001 = arith.index_cast %get3A_1999 : i32 to index
        %get3A_2002 = arith.constant 80 : index
        %get3A_2003 = tpu.vector_load %arg7[%get3A_2000, %get3A_2001, %get3A_2002] {strides = array<i32>} : memref<8x4x384xf32, #tpu.memory_space<vmem>>, vector<1x1x16xf32>,
        %get3A_2004 = vector.shape_cast %get3A_2003 : vector<1x1x16xf32> to vector<16xf32>
        %max3A_2005 = arith.maximumf %max3A_1998, %get3A_2004 : vector<16xf32>
        %get3A_2006 = arith.constant 0 : i32
        %get3A_2007 = arith.index_cast %select_n3A_1838 : i32 to index
        %get3A_2008 = arith.index_cast %get3A_2006 : i32 to index
        %get3A_2009 = arith.constant 96 : index
        %get3A_2010 = tpu.vector_load %arg7[%get3A_2007, %get3A_2008, %get3A_2009] {strides = array<i32>} : memref<8x4x384xf32, #tpu.memory_space<vmem>>, vector<1x1x16xf32>,
        %get3A_2011 = vector.shape_cast %get3A_2010 : vector<1x1x16xf32> to vector<16xf32>
        %max3A_2012 = arith.maximumf %while3A_1772, %get3A_2011 : vector<16xf32>
        %get3A_2013 = arith.constant 1 : i32
        %get3A_2014 = arith.index_cast %select_n3A_1838 : i32 to index
        %get3A_2015 = arith.index_cast %get3A_2013 : i32 to index
        %get3A_2016 = arith.constant 96 : index
        %get3A_2017 = tpu.vector_load %arg7[%get3A_2014, %get3A_2015, %get3A_2016] {strides = array<i32>} : memref<8x4x384xf32, #tpu.memory_space<vmem>>, vector<1x1x16xf32>,
        %get3A_2018 = vector.shape_cast %get3A_2017 : vector<1x1x16xf32> to vector<16xf32>
        %max3A_2019 = arith.maximumf %max3A_2012, %get3A_2018 : vector<16xf32>
        %get3A_2020 = arith.constant 2 : i32
        %get3A_2021 = arith.index_cast %select_n3A_1838 : i32 to index
        %get3A_2022 = arith.index_cast %get3A_2020 : i32 to index
        %get3A_2023 = arith.constant 96 : index
        %get3A_2024 = tpu.vector_load %arg7[%get3A_2021, %get3A_2022, %get3A_2023] {strides = array<i32>} : memref<8x4x384xf32, #tpu.memory_space<vmem>>, vector<1x1x16xf32>,
        %get3A_2025 = vector.shape_cast %get3A_2024 : vector<1x1x16xf32> to vector<16xf32>
        %max3A_2026 = arith.maximumf %max3A_2019, %get3A_2025 : vector<16xf32>
        %get3A_2027 = arith.constant 3 : i32
        %get3A_2028 = arith.index_cast %select_n3A_1838 : i32 to index
        %get3A_2029 = arith.index_cast %get3A_2027 : i32 to index
        %get3A_2030 = arith.constant 96 : index
        %get3A_2031 = tpu.vector_load %arg7[%get3A_2028, %get3A_2029, %get3A_2030] {strides = array<i32>} : memref<8x4x384xf32, #tpu.memory_space<vmem>>, vector<1x1x16xf32>,
        %get3A_2032 = vector.shape_cast %get3A_2031 : vector<1x1x16xf32> to vector<16xf32>
        %max3A_2033 = arith.maximumf %max3A_2026, %get3A_2032 : vector<16xf32>
        %get3A_2034 = arith.constant 0 : i32
        %get3A_2035 = arith.index_cast %select_n3A_1838 : i32 to index
        %get3A_2036 = arith.index_cast %get3A_2034 : i32 to index
        %get3A_2037 = arith.constant 112 : index
        %get3A_2038 = tpu.vector_load %arg7[%get3A_2035, %get3A_2036, %get3A_2037] {strides = array<i32>} : memref<8x4x384xf32, #tpu.memory_space<vmem>>, vector<1x1x16xf32>,
        %get3A_2039 = vector.shape_cast %get3A_2038 : vector<1x1x16xf32> to vector<16xf32>
        %max3A_2040 = arith.maximumf %while3A_1773, %get3A_2039 : vector<16xf32>
        %get3A_2041 = arith.constant 1 : i32
        %get3A_2042 = arith.index_cast %select_n3A_1838 : i32 to index
        %get3A_2043 = arith.index_cast %get3A_2041 : i32 to index
        %get3A_2044 = arith.constant 112 : index
        %get3A_2045 = tpu.vector_load %arg7[%get3A_2042, %get3A_2043, %get3A_2044] {strides = array<i32>} : memref<8x4x384xf32, #tpu.memory_space<vmem>>, vector<1x1x16xf32>,
        %get3A_2046 = vector.shape_cast %get3A_2045 : vector<1x1x16xf32> to vector<16xf32>
        %max3A_2047 = arith.maximumf %max3A_2040, %get3A_2046 : vector<16xf32>
        %get3A_2048 = arith.constant 2 : i32
        %get3A_2049 = arith.index_cast %select_n3A_1838 : i32 to index
        %get3A_2050 = arith.index_cast %get3A_2048 : i32 to index
        %get3A_2051 = arith.constant 112 : index
        %get3A_2052 = tpu.vector_load %arg7[%get3A_2049, %get3A_2050, %get3A_2051] {strides = array<i32>} : memref<8x4x384xf32, #tpu.memory_space<vmem>>, vector<1x1x16xf32>,
        %get3A_2053 = vector.shape_cast %get3A_2052 : vector<1x1x16xf32> to vector<16xf32>
        %max3A_2054 = arith.maximumf %max3A_2047, %get3A_2053 : vector<16xf32>
        %get3A_2055 = arith.constant 3 : i32
        %get3A_2056 = arith.index_cast %select_n3A_1838 : i32 to index
        %get3A_2057 = arith.index_cast %get3A_2055 : i32 to index
        %get3A_2058 = arith.constant 112 : index
        %get3A_2059 = tpu.vector_load %arg7[%get3A_2056, %get3A_2057, %get3A_2058] {strides = array<i32>} : memref<8x4x384xf32, #tpu.memory_space<vmem>>, vector<1x1x16xf32>,
        %get3A_2060 = vector.shape_cast %get3A_2059 : vector<1x1x16xf32> to vector<16xf32>
        %max3A_2061 = arith.maximumf %max3A_2054, %get3A_2060 : vector<16xf32>
        %get3A_2062 = arith.constant 0 : i32
        %get3A_2063 = arith.index_cast %select_n3A_1838 : i32 to index
        %get3A_2064 = arith.index_cast %get3A_2062 : i32 to index
        %get3A_2065 = arith.constant 128 : index
        %get3A_2066 = tpu.vector_load %arg7[%get3A_2063, %get3A_2064, %get3A_2065] {strides = array<i32>} : memref<8x4x384xf32, #tpu.memory_space<vmem>>, vector<1x1x16xf32>,
        %get3A_2067 = vector.shape_cast %get3A_2066 : vector<1x1x16xf32> to vector<16xf32>
        %max3A_2068 = arith.maximumf %while3A_1774, %get3A_2067 : vector<16xf32>
        %get3A_2069 = arith.constant 1 : i32
        %get3A_2070 = arith.index_cast %select_n3A_1838 : i32 to index
        %get3A_2071 = arith.index_cast %get3A_2069 : i32 to index
        %get3A_2072 = arith.constant 128 : index
        %get3A_2073 = tpu.vector_load %arg7[%get3A_2070, %get3A_2071, %get3A_2072] {strides = array<i32>} : memref<8x4x384xf32, #tpu.memory_space<vmem>>, vector<1x1x16xf32>,
        %get3A_2074 = vector.shape_cast %get3A_2073 : vector<1x1x16xf32> to vector<16xf32>
        %max3A_2075 = arith.maximumf %max3A_2068, %get3A_2074 : vector<16xf32>
        %get3A_2076 = arith.constant 2 : i32
        %get3A_2077 = arith.index_cast %select_n3A_1838 : i32 to index
        %get3A_2078 = arith.index_cast %get3A_2076 : i32 to index
        %get3A_2079 = arith.constant 128 : index
        %get3A_2080 = tpu.vector_load %arg7[%get3A_2077, %get3A_2078, %get3A_2079] {strides = array<i32>} : memref<8x4x384xf32, #tpu.memory_space<vmem>>, vector<1x1x16xf32>,
        %get3A_2081 = vector.shape_cast %get3A_2080 : vector<1x1x16xf32> to vector<16xf32>
        %max3A_2082 = arith.maximumf %max3A_2075, %get3A_2081 : vector<16xf32>
        %get3A_2083 = arith.constant 3 : i32
        %get3A_2084 = arith.index_cast %select_n3A_1838 : i32 to index
        %get3A_2085 = arith.index_cast %get3A_2083 : i32 to index
        %get3A_2086 = arith.constant 128 : index
        %get3A_2087 = tpu.vector_load %arg7[%get3A_2084, %get3A_2085, %get3A_2086] {strides = array<i32>} : memref<8x4x384xf32, #tpu.memory_space<vmem>>, vector<1x1x16xf32>,
        %get3A_2088 = vector.shape_cast %get3A_2087 : vector<1x1x16xf32> to vector<16xf32>
        %max3A_2089 = arith.maximumf %max3A_2082, %get3A_2088 : vector<16xf32>
        %get3A_2090 = arith.constant 0 : i32
        %get3A_2091 = arith.index_cast %select_n3A_1838 : i32 to index
        %get3A_2092 = arith.index_cast %get3A_2090 : i32 to index
        %get3A_2093 = arith.constant 144 : index
        %get3A_2094 = tpu.vector_load %arg7[%get3A_2091, %get3A_2092, %get3A_2093] {strides = array<i32>} : memref<8x4x384xf32, #tpu.memory_space<vmem>>, vector<1x1x16xf32>,
        %get3A_2095 = vector.shape_cast %get3A_2094 : vector<1x1x16xf32> to vector<16xf32>
        %max3A_2096 = arith.maximumf %while3A_1775, %get3A_2095 : vector<16xf32>
        %get3A_2097 = arith.constant 1 : i32
        %get3A_2098 = arith.index_cast %select_n3A_1838 : i32 to index
        %get3A_2099 = arith.index_cast %get3A_2097 : i32 to index
        %get3A_2100 = arith.constant 144 : index
        %get3A_2101 = tpu.vector_load %arg7[%get3A_2098, %get3A_2099, %get3A_2100] {strides = array<i32>} : memref<8x4x384xf32, #tpu.memory_space<vmem>>, vector<1x1x16xf32>,
        %get3A_2102 = vector.shape_cast %get3A_2101 : vector<1x1x16xf32> to vector<16xf32>
        %max3A_2103 = arith.maximumf %max3A_2096, %get3A_2102 : vector<16xf32>
        %get3A_2104 = arith.constant 2 : i32
        %get3A_2105 = arith.index_cast %select_n3A_1838 : i32 to index
        %get3A_2106 = arith.index_cast %get3A_2104 : i32 to index
        %get3A_2107 = arith.constant 144 : index
        %get3A_2108 = tpu.vector_load %arg7[%get3A_2105, %get3A_2106, %get3A_2107] {strides = array<i32>} : memref<8x4x384xf32, #tpu.memory_space<vmem>>, vector<1x1x16xf32>,
        %get3A_2109 = vector.shape_cast %get3A_2108 : vector<1x1x16xf32> to vector<16xf32>
        %max3A_2110 = arith.maximumf %max3A_2103, %get3A_2109 : vector<16xf32>
        %get3A_2111 = arith.constant 3 : i32
        %get3A_2112 = arith.index_cast %select_n3A_1838 : i32 to index
        %get3A_2113 = arith.index_cast %get3A_2111 : i32 to index
        %get3A_2114 = arith.constant 144 : index
        %get3A_2115 = tpu.vector_load %arg7[%get3A_2112, %get3A_2113, %get3A_2114] {strides = array<i32>} : memref<8x4x384xf32, #tpu.memory_space<vmem>>, vector<1x1x16xf32>,
        %get3A_2116 = vector.shape_cast %get3A_2115 : vector<1x1x16xf32> to vector<16xf32>
        %max3A_2117 = arith.maximumf %max3A_2110, %get3A_2116 : vector<16xf32>
        %get3A_2118 = arith.constant 0 : i32
        %get3A_2119 = arith.index_cast %select_n3A_1838 : i32 to index
        %get3A_2120 = arith.index_cast %get3A_2118 : i32 to index
        %get3A_2121 = arith.constant 160 : index
        %get3A_2122 = tpu.vector_load %arg7[%get3A_2119, %get3A_2120, %get3A_2121] {strides = array<i32>} : memref<8x4x384xf32, #tpu.memory_space<vmem>>, vector<1x1x16xf32>,
        %get3A_2123 = vector.shape_cast %get3A_2122 : vector<1x1x16xf32> to vector<16xf32>
        %max3A_2124 = arith.maximumf %while3A_1776, %get3A_2123 : vector<16xf32>
        %get3A_2125 = arith.constant 1 : i32
        %get3A_2126 = arith.index_cast %select_n3A_1838 : i32 to index
        %get3A_2127 = arith.index_cast %get3A_2125 : i32 to index
        %get3A_2128 = arith.constant 160 : index
        %get3A_2129 = tpu.vector_load %arg7[%get3A_2126, %get3A_2127, %get3A_2128] {strides = array<i32>} : memref<8x4x384xf32, #tpu.memory_space<vmem>>, vector<1x1x16xf32>,
        %get3A_2130 = vector.shape_cast %get3A_2129 : vector<1x1x16xf32> to vector<16xf32>
        %max3A_2131 = arith.maximumf %max3A_2124, %get3A_2130 : vector<16xf32>
        %get3A_2132 = arith.constant 2 : i32
        %get3A_2133 = arith.index_cast %select_n3A_1838 : i32 to index
        %get3A_2134 = arith.index_cast %get3A_2132 : i32 to index
        %get3A_2135 = arith.constant 160 : index
        %get3A_2136 = tpu.vector_load %arg7[%get3A_2133, %get3A_2134, %get3A_2135] {strides = array<i32>} : memref<8x4x384xf32, #tpu.memory_space<vmem>>, vector<1x1x16xf32>,
        %get3A_2137 = vector.shape_cast %get3A_2136 : vector<1x1x16xf32> to vector<16xf32>
        %max3A_2138 = arith.maximumf %max3A_2131, %get3A_2137 : vector<16xf32>
        %get3A_2139 = arith.constant 3 : i32
        %get3A_2140 = arith.index_cast %select_n3A_1838 : i32 to index
        %get3A_2141 = arith.index_cast %get3A_2139 : i32 to index
        %get3A_2142 = arith.constant 160 : index
        %get3A_2143 = tpu.vector_load %arg7[%get3A_2140, %get3A_2141, %get3A_2142] {strides = array<i32>} : memref<8x4x384xf32, #tpu.memory_space<vmem>>, vector<1x1x16xf32>,
        %get3A_2144 = vector.shape_cast %get3A_2143 : vector<1x1x16xf32> to vector<16xf32>
        %max3A_2145 = arith.maximumf %max3A_2138, %get3A_2144 : vector<16xf32>
        %get3A_2146 = arith.constant 0 : i32
        %get3A_2147 = arith.index_cast %select_n3A_1838 : i32 to index
        %get3A_2148 = arith.index_cast %get3A_2146 : i32 to index
        %get3A_2149 = arith.constant 176 : index
        %get3A_2150 = tpu.vector_load %arg7[%get3A_2147, %get3A_2148, %get3A_2149] {strides = array<i32>} : memref<8x4x384xf32, #tpu.memory_space<vmem>>, vector<1x1x16xf32>,
        %get3A_2151 = vector.shape_cast %get3A_2150 : vector<1x1x16xf32> to vector<16xf32>
        %max3A_2152 = arith.maximumf %while3A_1777, %get3A_2151 : vector<16xf32>
        %get3A_2153 = arith.constant 1 : i32
        %get3A_2154 = arith.index_cast %select_n3A_1838 : i32 to index
        %get3A_2155 = arith.index_cast %get3A_2153 : i32 to index
        %get3A_2156 = arith.constant 176 : index
        %get3A_2157 = tpu.vector_load %arg7[%get3A_2154, %get3A_2155, %get3A_2156] {strides = array<i32>} : memref<8x4x384xf32, #tpu.memory_space<vmem>>, vector<1x1x16xf32>,
        %get3A_2158 = vector.shape_cast %get3A_2157 : vector<1x1x16xf32> to vector<16xf32>
        %max3A_2159 = arith.maximumf %max3A_2152, %get3A_2158 : vector<16xf32>
        %get3A_2160 = arith.constant 2 : i32
        %get3A_2161 = arith.index_cast %select_n3A_1838 : i32 to index
        %get3A_2162 = arith.index_cast %get3A_2160 : i32 to index
        %get3A_2163 = arith.constant 176 : index
        %get3A_2164 = tpu.vector_load %arg7[%get3A_2161, %get3A_2162, %get3A_2163] {strides = array<i32>} : memref<8x4x384xf32, #tpu.memory_space<vmem>>, vector<1x1x16xf32>,
        %get3A_2165 = vector.shape_cast %get3A_2164 : vector<1x1x16xf32> to vector<16xf32>
        %max3A_2166 = arith.maximumf %max3A_2159, %get3A_2165 : vector<16xf32>
        %get3A_2167 = arith.constant 3 : i32
        %get3A_2168 = arith.index_cast %select_n3A_1838 : i32 to index
        %get3A_2169 = arith.index_cast %get3A_2167 : i32 to index
        %get3A_2170 = arith.constant 176 : index
        %get3A_2171 = tpu.vector_load %arg7[%get3A_2168, %get3A_2169, %get3A_2170] {strides = array<i32>} : memref<8x4x384xf32, #tpu.memory_space<vmem>>, vector<1x1x16xf32>,
        %get3A_2172 = vector.shape_cast %get3A_2171 : vector<1x1x16xf32> to vector<16xf32>
        %max3A_2173 = arith.maximumf %max3A_2166, %get3A_2172 : vector<16xf32>
        %get3A_2174 = arith.constant 0 : i32
        %get3A_2175 = arith.index_cast %select_n3A_1838 : i32 to index
        %get3A_2176 = arith.index_cast %get3A_2174 : i32 to index
        %get3A_2177 = arith.constant 192 : index
        %get3A_2178 = tpu.vector_load %arg7[%get3A_2175, %get3A_2176, %get3A_2177] {strides = array<i32>} : memref<8x4x384xf32, #tpu.memory_space<vmem>>, vector<1x1x16xf32>,
        %get3A_2179 = vector.shape_cast %get3A_2178 : vector<1x1x16xf32> to vector<16xf32>
        %max3A_2180 = arith.maximumf %while3A_1778, %get3A_2179 : vector<16xf32>
        %get3A_2181 = arith.constant 1 : i32
        %get3A_2182 = arith.index_cast %select_n3A_1838 : i32 to index
        %get3A_2183 = arith.index_cast %get3A_2181 : i32 to index
        %get3A_2184 = arith.constant 192 : index
        %get3A_2185 = tpu.vector_load %arg7[%get3A_2182, %get3A_2183, %get3A_2184] {strides = array<i32>} : memref<8x4x384xf32, #tpu.memory_space<vmem>>, vector<1x1x16xf32>,
        %get3A_2186 = vector.shape_cast %get3A_2185 : vector<1x1x16xf32> to vector<16xf32>
        %max3A_2187 = arith.maximumf %max3A_2180, %get3A_2186 : vector<16xf32>
        %get3A_2188 = arith.constant 2 : i32
        %get3A_2189 = arith.index_cast %select_n3A_1838 : i32 to index
        %get3A_2190 = arith.index_cast %get3A_2188 : i32 to index
        %get3A_2191 = arith.constant 192 : index
        %get3A_2192 = tpu.vector_load %arg7[%get3A_2189, %get3A_2190, %get3A_2191] {strides = array<i32>} : memref<8x4x384xf32, #tpu.memory_space<vmem>>, vector<1x1x16xf32>,
        %get3A_2193 = vector.shape_cast %get3A_2192 : vector<1x1x16xf32> to vector<16xf32>
        %max3A_2194 = arith.maximumf %max3A_2187, %get3A_2193 : vector<16xf32>
        %get3A_2195 = arith.constant 3 : i32
        %get3A_2196 = arith.index_cast %select_n3A_1838 : i32 to index
        %get3A_2197 = arith.index_cast %get3A_2195 : i32 to index
        %get3A_2198 = arith.constant 192 : index
        %get3A_2199 = tpu.vector_load %arg7[%get3A_2196, %get3A_2197, %get3A_2198] {strides = array<i32>} : memref<8x4x384xf32, #tpu.memory_space<vmem>>, vector<1x1x16xf32>,
        %get3A_2200 = vector.shape_cast %get3A_2199 : vector<1x1x16xf32> to vector<16xf32>
        %max3A_2201 = arith.maximumf %max3A_2194, %get3A_2200 : vector<16xf32>
        %get3A_2202 = arith.constant 0 : i32
        %get3A_2203 = arith.index_cast %select_n3A_1838 : i32 to index
        %get3A_2204 = arith.index_cast %get3A_2202 : i32 to index
        %get3A_2205 = arith.constant 208 : index
        %get3A_2206 = tpu.vector_load %arg7[%get3A_2203, %get3A_2204, %get3A_2205] {strides = array<i32>} : memref<8x4x384xf32, #tpu.memory_space<vmem>>, vector<1x1x16xf32>,
        %get3A_2207 = vector.shape_cast %get3A_2206 : vector<1x1x16xf32> to vector<16xf32>
        %max3A_2208 = arith.maximumf %while3A_1779, %get3A_2207 : vector<16xf32>
        %get3A_2209 = arith.constant 1 : i32
        %get3A_2210 = arith.index_cast %select_n3A_1838 : i32 to index
        %get3A_2211 = arith.index_cast %get3A_2209 : i32 to index
        %get3A_2212 = arith.constant 208 : index
        %get3A_2213 = tpu.vector_load %arg7[%get3A_2210, %get3A_2211, %get3A_2212] {strides = array<i32>} : memref<8x4x384xf32, #tpu.memory_space<vmem>>, vector<1x1x16xf32>,
        %get3A_2214 = vector.shape_cast %get3A_2213 : vector<1x1x16xf32> to vector<16xf32>
        %max3A_2215 = arith.maximumf %max3A_2208, %get3A_2214 : vector<16xf32>
        %get3A_2216 = arith.constant 2 : i32
        %get3A_2217 = arith.index_cast %select_n3A_1838 : i32 to index
        %get3A_2218 = arith.index_cast %get3A_2216 : i32 to index
        %get3A_2219 = arith.constant 208 : index
        %get3A_2220 = tpu.vector_load %arg7[%get3A_2217, %get3A_2218, %get3A_2219] {strides = array<i32>} : memref<8x4x384xf32, #tpu.memory_space<vmem>>, vector<1x1x16xf32>,
        %get3A_2221 = vector.shape_cast %get3A_2220 : vector<1x1x16xf32> to vector<16xf32>
        %max3A_2222 = arith.maximumf %max3A_2215, %get3A_2221 : vector<16xf32>
        %get3A_2223 = arith.constant 3 : i32
        %get3A_2224 = arith.index_cast %select_n3A_1838 : i32 to index
        %get3A_2225 = arith.index_cast %get3A_2223 : i32 to index
        %get3A_2226 = arith.constant 208 : index
        %get3A_2227 = tpu.vector_load %arg7[%get3A_2224, %get3A_2225, %get3A_2226] {strides = array<i32>} : memref<8x4x384xf32, #tpu.memory_space<vmem>>, vector<1x1x16xf32>,
        %get3A_2228 = vector.shape_cast %get3A_2227 : vector<1x1x16xf32> to vector<16xf32>
        %max3A_2229 = arith.maximumf %max3A_2222, %get3A_2228 : vector<16xf32>
        %get3A_2230 = arith.constant 0 : i32
        %get3A_2231 = arith.index_cast %select_n3A_1838 : i32 to index
        %get3A_2232 = arith.index_cast %get3A_2230 : i32 to index
        %get3A_2233 = arith.constant 224 : index
        %get3A_2234 = tpu.vector_load %arg7[%get3A_2231, %get3A_2232, %get3A_2233] {strides = array<i32>} : memref<8x4x384xf32, #tpu.memory_space<vmem>>, vector<1x1x16xf32>,
        %get3A_2235 = vector.shape_cast %get3A_2234 : vector<1x1x16xf32> to vector<16xf32>
        %max3A_2236 = arith.maximumf %while3A_1780, %get3A_2235 : vector<16xf32>
        %get3A_2237 = arith.constant 1 : i32
        %get3A_2238 = arith.index_cast %select_n3A_1838 : i32 to index
        %get3A_2239 = arith.index_cast %get3A_2237 : i32 to index
        %get3A_2240 = arith.constant 224 : index
        %get3A_2241 = tpu.vector_load %arg7[%get3A_2238, %get3A_2239, %get3A_2240] {strides = array<i32>} : memref<8x4x384xf32, #tpu.memory_space<vmem>>, vector<1x1x16xf32>,
        %get3A_2242 = vector.shape_cast %get3A_2241 : vector<1x1x16xf32> to vector<16xf32>
        %max3A_2243 = arith.maximumf %max3A_2236, %get3A_2242 : vector<16xf32>
        %get3A_2244 = arith.constant 2 : i32
        %get3A_2245 = arith.index_cast %select_n3A_1838 : i32 to index
        %get3A_2246 = arith.index_cast %get3A_2244 : i32 to index
        %get3A_2247 = arith.constant 224 : index
        %get3A_2248 = tpu.vector_load %arg7[%get3A_2245, %get3A_2246, %get3A_2247] {strides = array<i32>} : memref<8x4x384xf32, #tpu.memory_space<vmem>>, vector<1x1x16xf32>,
        %get3A_2249 = vector.shape_cast %get3A_2248 : vector<1x1x16xf32> to vector<16xf32>
        %max3A_2250 = arith.maximumf %max3A_2243, %get3A_2249 : vector<16xf32>
        %get3A_2251 = arith.constant 3 : i32
        %get3A_2252 = arith.index_cast %select_n3A_1838 : i32 to index
        %get3A_2253 = arith.index_cast %get3A_2251 : i32 to index
        %get3A_2254 = arith.constant 224 : index
        %get3A_2255 = tpu.vector_load %arg7[%get3A_2252, %get3A_2253, %get3A_2254] {strides = array<i32>} : memref<8x4x384xf32, #tpu.memory_space<vmem>>, vector<1x1x16xf32>,
        %get3A_2256 = vector.shape_cast %get3A_2255 : vector<1x1x16xf32> to vector<16xf32>
        %max3A_2257 = arith.maximumf %max3A_2250, %get3A_2256 : vector<16xf32>
        %get3A_2258 = arith.constant 0 : i32
        %get3A_2259 = arith.index_cast %select_n3A_1838 : i32 to index
        %get3A_2260 = arith.index_cast %get3A_2258 : i32 to index
        %get3A_2261 = arith.constant 240 : index
        %get3A_2262 = tpu.vector_load %arg7[%get3A_2259, %get3A_2260, %get3A_2261] {strides = array<i32>} : memref<8x4x384xf32, #tpu.memory_space<vmem>>, vector<1x1x16xf32>,
        %get3A_2263 = vector.shape_cast %get3A_2262 : vector<1x1x16xf32> to vector<16xf32>
        %max3A_2264 = arith.maximumf %while3A_1781, %get3A_2263 : vector<16xf32>
        %get3A_2265 = arith.constant 1 : i32
        %get3A_2266 = arith.index_cast %select_n3A_1838 : i32 to index
        %get3A_2267 = arith.index_cast %get3A_2265 : i32 to index
        %get3A_2268 = arith.constant 240 : index
        %get3A_2269 = tpu.vector_load %arg7[%get3A_2266, %get3A_2267, %get3A_2268] {strides = array<i32>} : memref<8x4x384xf32, #tpu.memory_space<vmem>>, vector<1x1x16xf32>,
        %get3A_2270 = vector.shape_cast %get3A_2269 : vector<1x1x16xf32> to vector<16xf32>
        %max3A_2271 = arith.maximumf %max3A_2264, %get3A_2270 : vector<16xf32>
        %get3A_2272 = arith.constant 2 : i32
        %get3A_2273 = arith.index_cast %select_n3A_1838 : i32 to index
        %get3A_2274 = arith.index_cast %get3A_2272 : i32 to index
        %get3A_2275 = arith.constant 240 : index
        %get3A_2276 = tpu.vector_load %arg7[%get3A_2273, %get3A_2274, %get3A_2275] {strides = array<i32>} : memref<8x4x384xf32, #tpu.memory_space<vmem>>, vector<1x1x16xf32>,
        %get3A_2277 = vector.shape_cast %get3A_2276 : vector<1x1x16xf32> to vector<16xf32>
        %max3A_2278 = arith.maximumf %max3A_2271, %get3A_2277 : vector<16xf32>
        %get3A_2279 = arith.constant 3 : i32
        %get3A_2280 = arith.index_cast %select_n3A_1838 : i32 to index
        %get3A_2281 = arith.index_cast %get3A_2279 : i32 to index
        %get3A_2282 = arith.constant 240 : index
        %get3A_2283 = tpu.vector_load %arg7[%get3A_2280, %get3A_2281, %get3A_2282] {strides = array<i32>} : memref<8x4x384xf32, #tpu.memory_space<vmem>>, vector<1x1x16xf32>,
        %get3A_2284 = vector.shape_cast %get3A_2283 : vector<1x1x16xf32> to vector<16xf32>
        %max3A_2285 = arith.maximumf %max3A_2278, %get3A_2284 : vector<16xf32>
        %get3A_2286 = arith.constant 0 : i32
        %get3A_2287 = arith.index_cast %select_n3A_1838 : i32 to index
        %get3A_2288 = arith.index_cast %get3A_2286 : i32 to index
        %get3A_2289 = arith.constant 256 : index
        %get3A_2290 = tpu.vector_load %arg7[%get3A_2287, %get3A_2288, %get3A_2289] {strides = array<i32>} : memref<8x4x384xf32, #tpu.memory_space<vmem>>, vector<1x1x16xf32>,
        %get3A_2291 = vector.shape_cast %get3A_2290 : vector<1x1x16xf32> to vector<16xf32>
        %max3A_2292 = arith.maximumf %while3A_1782, %get3A_2291 : vector<16xf32>
        %get3A_2293 = arith.constant 1 : i32
        %get3A_2294 = arith.index_cast %select_n3A_1838 : i32 to index
        %get3A_2295 = arith.index_cast %get3A_2293 : i32 to index
        %get3A_2296 = arith.constant 256 : index
        %get3A_2297 = tpu.vector_load %arg7[%get3A_2294, %get3A_2295, %get3A_2296] {strides = array<i32>} : memref<8x4x384xf32, #tpu.memory_space<vmem>>, vector<1x1x16xf32>,
        %get3A_2298 = vector.shape_cast %get3A_2297 : vector<1x1x16xf32> to vector<16xf32>
        %max3A_2299 = arith.maximumf %max3A_2292, %get3A_2298 : vector<16xf32>
        %get3A_2300 = arith.constant 2 : i32
        %get3A_2301 = arith.index_cast %select_n3A_1838 : i32 to index
        %get3A_2302 = arith.index_cast %get3A_2300 : i32 to index
        %get3A_2303 = arith.constant 256 : index
        %get3A_2304 = tpu.vector_load %arg7[%get3A_2301, %get3A_2302, %get3A_2303] {strides = array<i32>} : memref<8x4x384xf32, #tpu.memory_space<vmem>>, vector<1x1x16xf32>,
        %get3A_2305 = vector.shape_cast %get3A_2304 : vector<1x1x16xf32> to vector<16xf32>
        %max3A_2306 = arith.maximumf %max3A_2299, %get3A_2305 : vector<16xf32>
        %get3A_2307 = arith.constant 3 : i32
        %get3A_2308 = arith.index_cast %select_n3A_1838 : i32 to index
        %get3A_2309 = arith.index_cast %get3A_2307 : i32 to index
        %get3A_2310 = arith.constant 256 : index
        %get3A_2311 = tpu.vector_load %arg7[%get3A_2308, %get3A_2309, %get3A_2310] {strides = array<i32>} : memref<8x4x384xf32, #tpu.memory_space<vmem>>, vector<1x1x16xf32>,
        %get3A_2312 = vector.shape_cast %get3A_2311 : vector<1x1x16xf32> to vector<16xf32>
        %max3A_2313 = arith.maximumf %max3A_2306, %get3A_2312 : vector<16xf32>
        %get3A_2314 = arith.constant 0 : i32
        %get3A_2315 = arith.index_cast %select_n3A_1838 : i32 to index
        %get3A_2316 = arith.index_cast %get3A_2314 : i32 to index
        %get3A_2317 = arith.constant 272 : index
        %get3A_2318 = tpu.vector_load %arg7[%get3A_2315, %get3A_2316, %get3A_2317] {strides = array<i32>} : memref<8x4x384xf32, #tpu.memory_space<vmem>>, vector<1x1x16xf32>,
        %get3A_2319 = vector.shape_cast %get3A_2318 : vector<1x1x16xf32> to vector<16xf32>
        %max3A_2320 = arith.maximumf %while3A_1783, %get3A_2319 : vector<16xf32>
        %get3A_2321 = arith.constant 1 : i32
        %get3A_2322 = arith.index_cast %select_n3A_1838 : i32 to index
        %get3A_2323 = arith.index_cast %get3A_2321 : i32 to index
        %get3A_2324 = arith.constant 272 : index
        %get3A_2325 = tpu.vector_load %arg7[%get3A_2322, %get3A_2323, %get3A_2324] {strides = array<i32>} : memref<8x4x384xf32, #tpu.memory_space<vmem>>, vector<1x1x16xf32>,
        %get3A_2326 = vector.shape_cast %get3A_2325 : vector<1x1x16xf32> to vector<16xf32>
        %max3A_2327 = arith.maximumf %max3A_2320, %get3A_2326 : vector<16xf32>
        %get3A_2328 = arith.constant 2 : i32
        %get3A_2329 = arith.index_cast %select_n3A_1838 : i32 to index
        %get3A_2330 = arith.index_cast %get3A_2328 : i32 to index
        %get3A_2331 = arith.constant 272 : index
        %get3A_2332 = tpu.vector_load %arg7[%get3A_2329, %get3A_2330, %get3A_2331] {strides = array<i32>} : memref<8x4x384xf32, #tpu.memory_space<vmem>>, vector<1x1x16xf32>,
        %get3A_2333 = vector.shape_cast %get3A_2332 : vector<1x1x16xf32> to vector<16xf32>
        %max3A_2334 = arith.maximumf %max3A_2327, %get3A_2333 : vector<16xf32>
        %get3A_2335 = arith.constant 3 : i32
        %get3A_2336 = arith.index_cast %select_n3A_1838 : i32 to index
        %get3A_2337 = arith.index_cast %get3A_2335 : i32 to index
        %get3A_2338 = arith.constant 272 : index
        %get3A_2339 = tpu.vector_load %arg7[%get3A_2336, %get3A_2337, %get3A_2338] {strides = array<i32>} : memref<8x4x384xf32, #tpu.memory_space<vmem>>, vector<1x1x16xf32>,
        %get3A_2340 = vector.shape_cast %get3A_2339 : vector<1x1x16xf32> to vector<16xf32>
        %max3A_2341 = arith.maximumf %max3A_2334, %get3A_2340 : vector<16xf32>
        %get3A_2342 = arith.constant 0 : i32
        %get3A_2343 = arith.index_cast %select_n3A_1838 : i32 to index
        %get3A_2344 = arith.index_cast %get3A_2342 : i32 to index
        %get3A_2345 = arith.constant 288 : index
        %get3A_2346 = tpu.vector_load %arg7[%get3A_2343, %get3A_2344, %get3A_2345] {strides = array<i32>} : memref<8x4x384xf32, #tpu.memory_space<vmem>>, vector<1x1x16xf32>,
        %get3A_2347 = vector.shape_cast %get3A_2346 : vector<1x1x16xf32> to vector<16xf32>
        %max3A_2348 = arith.maximumf %while3A_1784, %get3A_2347 : vector<16xf32>
        %get3A_2349 = arith.constant 1 : i32
        %get3A_2350 = arith.index_cast %select_n3A_1838 : i32 to index
        %get3A_2351 = arith.index_cast %get3A_2349 : i32 to index
        %get3A_2352 = arith.constant 288 : index
        %get3A_2353 = tpu.vector_load %arg7[%get3A_2350, %get3A_2351, %get3A_2352] {strides = array<i32>} : memref<8x4x384xf32, #tpu.memory_space<vmem>>, vector<1x1x16xf32>,
        %get3A_2354 = vector.shape_cast %get3A_2353 : vector<1x1x16xf32> to vector<16xf32>
        %max3A_2355 = arith.maximumf %max3A_2348, %get3A_2354 : vector<16xf32>
        %get3A_2356 = arith.constant 2 : i32
        %get3A_2357 = arith.index_cast %select_n3A_1838 : i32 to index
        %get3A_2358 = arith.index_cast %get3A_2356 : i32 to index
        %get3A_2359 = arith.constant 288 : index
        %get3A_2360 = tpu.vector_load %arg7[%get3A_2357, %get3A_2358, %get3A_2359] {strides = array<i32>} : memref<8x4x384xf32, #tpu.memory_space<vmem>>, vector<1x1x16xf32>,
        %get3A_2361 = vector.shape_cast %get3A_2360 : vector<1x1x16xf32> to vector<16xf32>
        %max3A_2362 = arith.maximumf %max3A_2355, %get3A_2361 : vector<16xf32>
        %get3A_2363 = arith.constant 3 : i32
        %get3A_2364 = arith.index_cast %select_n3A_1838 : i32 to index
        %get3A_2365 = arith.index_cast %get3A_2363 : i32 to index
        %get3A_2366 = arith.constant 288 : index
        %get3A_2367 = tpu.vector_load %arg7[%get3A_2364, %get3A_2365, %get3A_2366] {strides = array<i32>} : memref<8x4x384xf32, #tpu.memory_space<vmem>>, vector<1x1x16xf32>,
        %get3A_2368 = vector.shape_cast %get3A_2367 : vector<1x1x16xf32> to vector<16xf32>
        %max3A_2369 = arith.maximumf %max3A_2362, %get3A_2368 : vector<16xf32>
        %get3A_2370 = arith.constant 0 : i32
        %get3A_2371 = arith.index_cast %select_n3A_1838 : i32 to index
        %get3A_2372 = arith.index_cast %get3A_2370 : i32 to index
        %get3A_2373 = arith.constant 304 : index
        %get3A_2374 = tpu.vector_load %arg7[%get3A_2371, %get3A_2372, %get3A_2373] {strides = array<i32>} : memref<8x4x384xf32, #tpu.memory_space<vmem>>, vector<1x1x16xf32>,
        %get3A_2375 = vector.shape_cast %get3A_2374 : vector<1x1x16xf32> to vector<16xf32>
        %max3A_2376 = arith.maximumf %while3A_1785, %get3A_2375 : vector<16xf32>
        %get3A_2377 = arith.constant 1 : i32
        %get3A_2378 = arith.index_cast %select_n3A_1838 : i32 to index
        %get3A_2379 = arith.index_cast %get3A_2377 : i32 to index
        %get3A_2380 = arith.constant 304 : index
        %get3A_2381 = tpu.vector_load %arg7[%get3A_2378, %get3A_2379, %get3A_2380] {strides = array<i32>} : memref<8x4x384xf32, #tpu.memory_space<vmem>>, vector<1x1x16xf32>,
        %get3A_2382 = vector.shape_cast %get3A_2381 : vector<1x1x16xf32> to vector<16xf32>
        %max3A_2383 = arith.maximumf %max3A_2376, %get3A_2382 : vector<16xf32>
        %get3A_2384 = arith.constant 2 : i32
        %get3A_2385 = arith.index_cast %select_n3A_1838 : i32 to index
        %get3A_2386 = arith.index_cast %get3A_2384 : i32 to index
        %get3A_2387 = arith.constant 304 : index
        %get3A_2388 = tpu.vector_load %arg7[%get3A_2385, %get3A_2386, %get3A_2387] {strides = array<i32>} : memref<8x4x384xf32, #tpu.memory_space<vmem>>, vector<1x1x16xf32>,
        %get3A_2389 = vector.shape_cast %get3A_2388 : vector<1x1x16xf32> to vector<16xf32>
        %max3A_2390 = arith.maximumf %max3A_2383, %get3A_2389 : vector<16xf32>
        %get3A_2391 = arith.constant 3 : i32
        %get3A_2392 = arith.index_cast %select_n3A_1838 : i32 to index
        %get3A_2393 = arith.index_cast %get3A_2391 : i32 to index
        %get3A_2394 = arith.constant 304 : index
        %get3A_2395 = tpu.vector_load %arg7[%get3A_2392, %get3A_2393, %get3A_2394] {strides = array<i32>} : memref<8x4x384xf32, #tpu.memory_space<vmem>>, vector<1x1x16xf32>,
        %get3A_2396 = vector.shape_cast %get3A_2395 : vector<1x1x16xf32> to vector<16xf32>
        %max3A_2397 = arith.maximumf %max3A_2390, %get3A_2396 : vector<16xf32>
        %get3A_2398 = arith.constant 0 : i32
        %get3A_2399 = arith.index_cast %select_n3A_1838 : i32 to index
        %get3A_2400 = arith.index_cast %get3A_2398 : i32 to index
        %get3A_2401 = arith.constant 320 : index
        %get3A_2402 = tpu.vector_load %arg7[%get3A_2399, %get3A_2400, %get3A_2401] {strides = array<i32>} : memref<8x4x384xf32, #tpu.memory_space<vmem>>, vector<1x1x16xf32>,
        %get3A_2403 = vector.shape_cast %get3A_2402 : vector<1x1x16xf32> to vector<16xf32>
        %max3A_2404 = arith.maximumf %while3A_1786, %get3A_2403 : vector<16xf32>
        %get3A_2405 = arith.constant 1 : i32
        %get3A_2406 = arith.index_cast %select_n3A_1838 : i32 to index
        %get3A_2407 = arith.index_cast %get3A_2405 : i32 to index
        %get3A_2408 = arith.constant 320 : index
        %get3A_2409 = tpu.vector_load %arg7[%get3A_2406, %get3A_2407, %get3A_2408] {strides = array<i32>} : memref<8x4x384xf32, #tpu.memory_space<vmem>>, vector<1x1x16xf32>,
        %get3A_2410 = vector.shape_cast %get3A_2409 : vector<1x1x16xf32> to vector<16xf32>
        %max3A_2411 = arith.maximumf %max3A_2404, %get3A_2410 : vector<16xf32>
        %get3A_2412 = arith.constant 2 : i32
        %get3A_2413 = arith.index_cast %select_n3A_1838 : i32 to index
        %get3A_2414 = arith.index_cast %get3A_2412 : i32 to index
        %get3A_2415 = arith.constant 320 : index
        %get3A_2416 = tpu.vector_load %arg7[%get3A_2413, %get3A_2414, %get3A_2415] {strides = array<i32>} : memref<8x4x384xf32, #tpu.memory_space<vmem>>, vector<1x1x16xf32>,
        %get3A_2417 = vector.shape_cast %get3A_2416 : vector<1x1x16xf32> to vector<16xf32>
        %max3A_2418 = arith.maximumf %max3A_2411, %get3A_2417 : vector<16xf32>
        %get3A_2419 = arith.constant 3 : i32
        %get3A_2420 = arith.index_cast %select_n3A_1838 : i32 to index
        %get3A_2421 = arith.index_cast %get3A_2419 : i32 to index
        %get3A_2422 = arith.constant 320 : index
        %get3A_2423 = tpu.vector_load %arg7[%get3A_2420, %get3A_2421, %get3A_2422] {strides = array<i32>} : memref<8x4x384xf32, #tpu.memory_space<vmem>>, vector<1x1x16xf32>,
        %get3A_2424 = vector.shape_cast %get3A_2423 : vector<1x1x16xf32> to vector<16xf32>
        %max3A_2425 = arith.maximumf %max3A_2418, %get3A_2424 : vector<16xf32>
        %get3A_2426 = arith.constant 0 : i32
        %get3A_2427 = arith.index_cast %select_n3A_1838 : i32 to index
        %get3A_2428 = arith.index_cast %get3A_2426 : i32 to index
        %get3A_2429 = arith.constant 336 : index
        %get3A_2430 = tpu.vector_load %arg7[%get3A_2427, %get3A_2428, %get3A_2429] {strides = array<i32>} : memref<8x4x384xf32, #tpu.memory_space<vmem>>, vector<1x1x16xf32>,
        %get3A_2431 = vector.shape_cast %get3A_2430 : vector<1x1x16xf32> to vector<16xf32>
        %max3A_2432 = arith.maximumf %while3A_1787, %get3A_2431 : vector<16xf32>
        %get3A_2433 = arith.constant 1 : i32
        %get3A_2434 = arith.index_cast %select_n3A_1838 : i32 to index
        %get3A_2435 = arith.index_cast %get3A_2433 : i32 to index
        %get3A_2436 = arith.constant 336 : index
        %get3A_2437 = tpu.vector_load %arg7[%get3A_2434, %get3A_2435, %get3A_2436] {strides = array<i32>} : memref<8x4x384xf32, #tpu.memory_space<vmem>>, vector<1x1x16xf32>,
        %get3A_2438 = vector.shape_cast %get3A_2437 : vector<1x1x16xf32> to vector<16xf32>
        %max3A_2439 = arith.maximumf %max3A_2432, %get3A_2438 : vector<16xf32>
        %get3A_2440 = arith.constant 2 : i32
        %get3A_2441 = arith.index_cast %select_n3A_1838 : i32 to index
        %get3A_2442 = arith.index_cast %get3A_2440 : i32 to index
        %get3A_2443 = arith.constant 336 : index
        %get3A_2444 = tpu.vector_load %arg7[%get3A_2441, %get3A_2442, %get3A_2443] {strides = array<i32>} : memref<8x4x384xf32, #tpu.memory_space<vmem>>, vector<1x1x16xf32>,
        %get3A_2445 = vector.shape_cast %get3A_2444 : vector<1x1x16xf32> to vector<16xf32>
        %max3A_2446 = arith.maximumf %max3A_2439, %get3A_2445 : vector<16xf32>
        %get3A_2447 = arith.constant 3 : i32
        %get3A_2448 = arith.index_cast %select_n3A_1838 : i32 to index
        %get3A_2449 = arith.index_cast %get3A_2447 : i32 to index
        %get3A_2450 = arith.constant 336 : index
        %get3A_2451 = tpu.vector_load %arg7[%get3A_2448, %get3A_2449, %get3A_2450] {strides = array<i32>} : memref<8x4x384xf32, #tpu.memory_space<vmem>>, vector<1x1x16xf32>,
        %get3A_2452 = vector.shape_cast %get3A_2451 : vector<1x1x16xf32> to vector<16xf32>
        %max3A_2453 = arith.maximumf %max3A_2446, %get3A_2452 : vector<16xf32>
        %get3A_2454 = arith.constant 0 : i32
        %get3A_2455 = arith.index_cast %select_n3A_1838 : i32 to index
        %get3A_2456 = arith.index_cast %get3A_2454 : i32 to index
        %get3A_2457 = arith.constant 352 : index
        %get3A_2458 = tpu.vector_load %arg7[%get3A_2455, %get3A_2456, %get3A_2457] {strides = array<i32>} : memref<8x4x384xf32, #tpu.memory_space<vmem>>, vector<1x1x16xf32>,
        %get3A_2459 = vector.shape_cast %get3A_2458 : vector<1x1x16xf32> to vector<16xf32>
        %max3A_2460 = arith.maximumf %while3A_1788, %get3A_2459 : vector<16xf32>
        %get3A_2461 = arith.constant 1 : i32
        %get3A_2462 = arith.index_cast %select_n3A_1838 : i32 to index
        %get3A_2463 = arith.index_cast %get3A_2461 : i32 to index
        %get3A_2464 = arith.constant 352 : index
        %get3A_2465 = tpu.vector_load %arg7[%get3A_2462, %get3A_2463, %get3A_2464] {strides = array<i32>} : memref<8x4x384xf32, #tpu.memory_space<vmem>>, vector<1x1x16xf32>,
        %get3A_2466 = vector.shape_cast %get3A_2465 : vector<1x1x16xf32> to vector<16xf32>
        %max3A_2467 = arith.maximumf %max3A_2460, %get3A_2466 : vector<16xf32>
        %get3A_2468 = arith.constant 2 : i32
        %get3A_2469 = arith.index_cast %select_n3A_1838 : i32 to index
        %get3A_2470 = arith.index_cast %get3A_2468 : i32 to index
        %get3A_2471 = arith.constant 352 : index
        %get3A_2472 = tpu.vector_load %arg7[%get3A_2469, %get3A_2470, %get3A_2471] {strides = array<i32>} : memref<8x4x384xf32, #tpu.memory_space<vmem>>, vector<1x1x16xf32>,
        %get3A_2473 = vector.shape_cast %get3A_2472 : vector<1x1x16xf32> to vector<16xf32>
        %max3A_2474 = arith.maximumf %max3A_2467, %get3A_2473 : vector<16xf32>
        %get3A_2475 = arith.constant 3 : i32
        %get3A_2476 = arith.index_cast %select_n3A_1838 : i32 to index
        %get3A_2477 = arith.index_cast %get3A_2475 : i32 to index
        %get3A_2478 = arith.constant 352 : index
        %get3A_2479 = tpu.vector_load %arg7[%get3A_2476, %get3A_2477, %get3A_2478] {strides = array<i32>} : memref<8x4x384xf32, #tpu.memory_space<vmem>>, vector<1x1x16xf32>,
        %get3A_2480 = vector.shape_cast %get3A_2479 : vector<1x1x16xf32> to vector<16xf32>
        %max3A_2481 = arith.maximumf %max3A_2474, %get3A_2480 : vector<16xf32>
        %get3A_2482 = arith.constant 0 : i32
        %get3A_2483 = arith.index_cast %select_n3A_1838 : i32 to index
        %get3A_2484 = arith.index_cast %get3A_2482 : i32 to index
        %get3A_2485 = arith.constant 368 : index
        %get3A_2486 = tpu.vector_load %arg7[%get3A_2483, %get3A_2484, %get3A_2485] {strides = array<i32>} : memref<8x4x384xf32, #tpu.memory_space<vmem>>, vector<1x1x16xf32>,
        %get3A_2487 = vector.shape_cast %get3A_2486 : vector<1x1x16xf32> to vector<16xf32>
        %max3A_2488 = arith.maximumf %while3A_1789, %get3A_2487 : vector<16xf32>
        %get3A_2489 = arith.constant 1 : i32
        %get3A_2490 = arith.index_cast %select_n3A_1838 : i32 to index
        %get3A_2491 = arith.index_cast %get3A_2489 : i32 to index
        %get3A_2492 = arith.constant 368 : index
        %get3A_2493 = tpu.vector_load %arg7[%get3A_2490, %get3A_2491, %get3A_2492] {strides = array<i32>} : memref<8x4x384xf32, #tpu.memory_space<vmem>>, vector<1x1x16xf32>,
        %get3A_2494 = vector.shape_cast %get3A_2493 : vector<1x1x16xf32> to vector<16xf32>
        %max3A_2495 = arith.maximumf %max3A_2488, %get3A_2494 : vector<16xf32>
        %get3A_2496 = arith.constant 2 : i32
        %get3A_2497 = arith.index_cast %select_n3A_1838 : i32 to index
        %get3A_2498 = arith.index_cast %get3A_2496 : i32 to index
        %get3A_2499 = arith.constant 368 : index
        %get3A_2500 = tpu.vector_load %arg7[%get3A_2497, %get3A_2498, %get3A_2499] {strides = array<i32>} : memref<8x4x384xf32, #tpu.memory_space<vmem>>, vector<1x1x16xf32>,
        %get3A_2501 = vector.shape_cast %get3A_2500 : vector<1x1x16xf32> to vector<16xf32>
        %max3A_2502 = arith.maximumf %max3A_2495, %get3A_2501 : vector<16xf32>
        %get3A_2503 = arith.constant 3 : i32
        %get3A_2504 = arith.index_cast %select_n3A_1838 : i32 to index
        %get3A_2505 = arith.index_cast %get3A_2503 : i32 to index
        %get3A_2506 = arith.constant 368 : index
        %get3A_2507 = tpu.vector_load %arg7[%get3A_2504, %get3A_2505, %get3A_2506] {strides = array<i32>} : memref<8x4x384xf32, #tpu.memory_space<vmem>>, vector<1x1x16xf32>,
        %get3A_2508 = vector.shape_cast %get3A_2507 : vector<1x1x16xf32> to vector<16xf32>
        %max3A_2509 = arith.maximumf %max3A_2502, %get3A_2508 : vector<16xf32>
        %div3A_2510 = arith.divsi %while3A_1765, %select_n3A_103 : i32
        %sign3A_2511 = arith.constant 0 : i32
        %sign3A_2512 = arith.cmpi sgt, %while3A_1765, %sign3A_2511 : i32
        %sign3A_2513 = arith.extui %sign3A_2512 : i1 to i32
        %sign3A_2514 = arith.constant 0 : i32
        %sign3A_2515 = arith.cmpi slt, %while3A_1765, %sign3A_2514 : i32
        %sign3A_2516 = arith.extui %sign3A_2515 : i1 to i32
        %sign3A_2517 = arith.subi %sign3A_2513, %sign3A_2516 : i32
        %sign3A_2518 = arith.constant 0 : i32
        %sign3A_2519 = arith.cmpi sgt, %select_n3A_103, %sign3A_2518 : i32
        %sign3A_2520 = arith.extui %sign3A_2519 : i1 to i32
        %sign3A_2521 = arith.constant 0 : i32
        %sign3A_2522 = arith.cmpi slt, %select_n3A_103, %sign3A_2521 : i32
        %sign3A_2523 = arith.extui %sign3A_2522 : i1 to i32
        %sign3A_2524 = arith.subi %sign3A_2520, %sign3A_2523 : i32
        %ne3A_2525 = arith.cmpi ne, %sign3A_2517, %sign3A_2524 : i32
        %rem3A_2526 = arith.remsi %while3A_1765, %select_n3A_103 : i32
        %ne3A_2527 = arith.constant 0 : i32
        %ne3A_2528 = arith.cmpi ne, %rem3A_2526, %ne3A_2527 : i32
        %and3A_2529 = arith.andi %ne3A_2525, %ne3A_2528 : i1
        %sub3A_2530 = arith.constant 1 : i32
        %sub3A_2531 = arith.subi %div3A_2510, %sub3A_2530 : i32
        %select_n3A_2532 = arith.select %and3A_2529, %sub3A_2531, %div3A_2510 : i32
        %mul3A_2533 = arith.muli %select_n3A_2532, %select_n3A_103 : i32
        %sub3A_2534 = arith.subi %while3A_1765, %mul3A_2533 : i32
        %sub3A_2535 = arith.constant 1 : i32
        %sub3A_2536 = arith.subi %select_n3A_103, %sub3A_2535 : i32
        %eq3A_2537 = arith.cmpi eq, %sub3A_2534, %sub3A_2536 : i32
        %convert_element_type3A_2538 = arith.extui %eq3A_2537 : i1 to i32
        %cond3A_2539 = arith.constant 0 : i32
        %cond3A_2540 = arith.cmpi ne, %convert_element_type3A_2538, %cond3A_2539 : i32
        scf.if %cond3A_2540 {
          %mul3A_2565 = arith.constant 384 : i32
          %mul3A_2566 = arith.muli %select_n3A_2532, %mul3A_2565 : i32
          %add3A_2567 = arith.constant 0 : i32
          %add3A_2568 = arith.addi %mul3A_2566, %add3A_2567 : i32
          %swap3A_2569 = arith.index_cast %add3A_2568 : i32 to index
          %swap3A_2570 = tpu.vector_load %arg8[%swap3A_2569] {strides = array<i32>} : memref<18816xf32, #tpu.memory_space<vmem>>, vector<16xf32>,
          %swap3A_2571 = vector.shape_cast %swap3A_2570 : vector<16xf32> to vector<16xf32>
          %swap3A_2572 = vector.shape_cast %max3A_1865 : vector<16xf32> to vector<16xf32>
          tpu.vector_store %arg8[%swap3A_2569], %swap3A_2572 {strides = array<i32>} : memref<18816xf32, #tpu.memory_space<vmem>>, vector<16xf32>,
          %add3A_2573 = arith.constant 16 : i32
          %add3A_2574 = arith.addi %mul3A_2566, %add3A_2573 : i32
          %swap3A_2575 = arith.index_cast %add3A_2574 : i32 to index
          %swap3A_2576 = tpu.vector_load %arg8[%swap3A_2575] {strides = array<i32>} : memref<18816xf32, #tpu.memory_space<vmem>>, vector<16xf32>,
          %swap3A_2577 = vector.shape_cast %swap3A_2576 : vector<16xf32> to vector<16xf32>
          %swap3A_2578 = vector.shape_cast %max3A_1893 : vector<16xf32> to vector<16xf32>
          tpu.vector_store %arg8[%swap3A_2575], %swap3A_2578 {strides = array<i32>} : memref<18816xf32, #tpu.memory_space<vmem>>, vector<16xf32>,
          %add3A_2579 = arith.constant 32 : i32
          %add3A_2580 = arith.addi %mul3A_2566, %add3A_2579 : i32
          %swap3A_2581 = arith.index_cast %add3A_2580 : i32 to index
          %swap3A_2582 = tpu.vector_load %arg8[%swap3A_2581] {strides = array<i32>} : memref<18816xf32, #tpu.memory_space<vmem>>, vector<16xf32>,
          %swap3A_2583 = vector.shape_cast %swap3A_2582 : vector<16xf32> to vector<16xf32>
          %swap3A_2584 = vector.shape_cast %max3A_1921 : vector<16xf32> to vector<16xf32>
          tpu.vector_store %arg8[%swap3A_2581], %swap3A_2584 {strides = array<i32>} : memref<18816xf32, #tpu.memory_space<vmem>>, vector<16xf32>,
          %add3A_2585 = arith.constant 48 : i32
          %add3A_2586 = arith.addi %mul3A_2566, %add3A_2585 : i32
          %swap3A_2587 = arith.index_cast %add3A_2586 : i32 to index
          %swap3A_2588 = tpu.vector_load %arg8[%swap3A_2587] {strides = array<i32>} : memref<18816xf32, #tpu.memory_space<vmem>>, vector<16xf32>,
          %swap3A_2589 = vector.shape_cast %swap3A_2588 : vector<16xf32> to vector<16xf32>
          %swap3A_2590 = vector.shape_cast %max3A_1949 : vector<16xf32> to vector<16xf32>
          tpu.vector_store %arg8[%swap3A_2587], %swap3A_2590 {strides = array<i32>} : memref<18816xf32, #tpu.memory_space<vmem>>, vector<16xf32>,
          %add3A_2591 = arith.constant 64 : i32
          %add3A_2592 = arith.addi %mul3A_2566, %add3A_2591 : i32
          %swap3A_2593 = arith.index_cast %add3A_2592 : i32 to index
          %swap3A_2594 = tpu.vector_load %arg8[%swap3A_2593] {strides = array<i32>} : memref<18816xf32, #tpu.memory_space<vmem>>, vector<16xf32>,
          %swap3A_2595 = vector.shape_cast %swap3A_2594 : vector<16xf32> to vector<16xf32>
          %swap3A_2596 = vector.shape_cast %max3A_1977 : vector<16xf32> to vector<16xf32>
          tpu.vector_store %arg8[%swap3A_2593], %swap3A_2596 {strides = array<i32>} : memref<18816xf32, #tpu.memory_space<vmem>>, vector<16xf32>,
          %add3A_2597 = arith.constant 80 : i32
          %add3A_2598 = arith.addi %mul3A_2566, %add3A_2597 : i32
          %swap3A_2599 = arith.index_cast %add3A_2598 : i32 to index
          %swap3A_2600 = tpu.vector_load %arg8[%swap3A_2599] {strides = array<i32>} : memref<18816xf32, #tpu.memory_space<vmem>>, vector<16xf32>,
          %swap3A_2601 = vector.shape_cast %swap3A_2600 : vector<16xf32> to vector<16xf32>
          %swap3A_2602 = vector.shape_cast %max3A_2005 : vector<16xf32> to vector<16xf32>
          tpu.vector_store %arg8[%swap3A_2599], %swap3A_2602 {strides = array<i32>} : memref<18816xf32, #tpu.memory_space<vmem>>, vector<16xf32>,
          %add3A_2603 = arith.constant 96 : i32
          %add3A_2604 = arith.addi %mul3A_2566, %add3A_2603 : i32
          %swap3A_2605 = arith.index_cast %add3A_2604 : i32 to index
          %swap3A_2606 = tpu.vector_load %arg8[%swap3A_2605] {strides = array<i32>} : memref<18816xf32, #tpu.memory_space<vmem>>, vector<16xf32>,
          %swap3A_2607 = vector.shape_cast %swap3A_2606 : vector<16xf32> to vector<16xf32>
          %swap3A_2608 = vector.shape_cast %max3A_2033 : vector<16xf32> to vector<16xf32>
          tpu.vector_store %arg8[%swap3A_2605], %swap3A_2608 {strides = array<i32>} : memref<18816xf32, #tpu.memory_space<vmem>>, vector<16xf32>,
          %add3A_2609 = arith.constant 112 : i32
          %add3A_2610 = arith.addi %mul3A_2566, %add3A_2609 : i32
          %swap3A_2611 = arith.index_cast %add3A_2610 : i32 to index
          %swap3A_2612 = tpu.vector_load %arg8[%swap3A_2611] {strides = array<i32>} : memref<18816xf32, #tpu.memory_space<vmem>>, vector<16xf32>,
          %swap3A_2613 = vector.shape_cast %swap3A_2612 : vector<16xf32> to vector<16xf32>
          %swap3A_2614 = vector.shape_cast %max3A_2061 : vector<16xf32> to vector<16xf32>
          tpu.vector_store %arg8[%swap3A_2611], %swap3A_2614 {strides = array<i32>} : memref<18816xf32, #tpu.memory_space<vmem>>, vector<16xf32>,
          %add3A_2615 = arith.constant 128 : i32
          %add3A_2616 = arith.addi %mul3A_2566, %add3A_2615 : i32
          %swap3A_2617 = arith.index_cast %add3A_2616 : i32 to index
          %swap3A_2618 = tpu.vector_load %arg8[%swap3A_2617] {strides = array<i32>} : memref<18816xf32, #tpu.memory_space<vmem>>, vector<16xf32>,
          %swap3A_2619 = vector.shape_cast %swap3A_2618 : vector<16xf32> to vector<16xf32>
          %swap3A_2620 = vector.shape_cast %max3A_2089 : vector<16xf32> to vector<16xf32>
          tpu.vector_store %arg8[%swap3A_2617], %swap3A_2620 {strides = array<i32>} : memref<18816xf32, #tpu.memory_space<vmem>>, vector<16xf32>,
          %add3A_2621 = arith.constant 144 : i32
          %add3A_2622 = arith.addi %mul3A_2566, %add3A_2621 : i32
          %swap3A_2623 = arith.index_cast %add3A_2622 : i32 to index
          %swap3A_2624 = tpu.vector_load %arg8[%swap3A_2623] {strides = array<i32>} : memref<18816xf32, #tpu.memory_space<vmem>>, vector<16xf32>,
          %swap3A_2625 = vector.shape_cast %swap3A_2624 : vector<16xf32> to vector<16xf32>
          %swap3A_2626 = vector.shape_cast %max3A_2117 : vector<16xf32> to vector<16xf32>
          tpu.vector_store %arg8[%swap3A_2623], %swap3A_2626 {strides = array<i32>} : memref<18816xf32, #tpu.memory_space<vmem>>, vector<16xf32>,
          %add3A_2627 = arith.constant 160 : i32
          %add3A_2628 = arith.addi %mul3A_2566, %add3A_2627 : i32
          %swap3A_2629 = arith.index_cast %add3A_2628 : i32 to index
          %swap3A_2630 = tpu.vector_load %arg8[%swap3A_2629] {strides = array<i32>} : memref<18816xf32, #tpu.memory_space<vmem>>, vector<16xf32>,
          %swap3A_2631 = vector.shape_cast %swap3A_2630 : vector<16xf32> to vector<16xf32>
          %swap3A_2632 = vector.shape_cast %max3A_2145 : vector<16xf32> to vector<16xf32>
          tpu.vector_store %arg8[%swap3A_2629], %swap3A_2632 {strides = array<i32>} : memref<18816xf32, #tpu.memory_space<vmem>>, vector<16xf32>,
          %add3A_2633 = arith.constant 176 : i32
          %add3A_2634 = arith.addi %mul3A_2566, %add3A_2633 : i32
          %swap3A_2635 = arith.index_cast %add3A_2634 : i32 to index
          %swap3A_2636 = tpu.vector_load %arg8[%swap3A_2635] {strides = array<i32>} : memref<18816xf32, #tpu.memory_space<vmem>>, vector<16xf32>,
          %swap3A_2637 = vector.shape_cast %swap3A_2636 : vector<16xf32> to vector<16xf32>
          %swap3A_2638 = vector.shape_cast %max3A_2173 : vector<16xf32> to vector<16xf32>
          tpu.vector_store %arg8[%swap3A_2635], %swap3A_2638 {strides = array<i32>} : memref<18816xf32, #tpu.memory_space<vmem>>, vector<16xf32>,
          %add3A_2639 = arith.constant 192 : i32
          %add3A_2640 = arith.addi %mul3A_2566, %add3A_2639 : i32
          %swap3A_2641 = arith.index_cast %add3A_2640 : i32 to index
          %swap3A_2642 = tpu.vector_load %arg8[%swap3A_2641] {strides = array<i32>} : memref<18816xf32, #tpu.memory_space<vmem>>, vector<16xf32>,
          %swap3A_2643 = vector.shape_cast %swap3A_2642 : vector<16xf32> to vector<16xf32>
          %swap3A_2644 = vector.shape_cast %max3A_2201 : vector<16xf32> to vector<16xf32>
          tpu.vector_store %arg8[%swap3A_2641], %swap3A_2644 {strides = array<i32>} : memref<18816xf32, #tpu.memory_space<vmem>>, vector<16xf32>,
          %add3A_2645 = arith.constant 208 : i32
          %add3A_2646 = arith.addi %mul3A_2566, %add3A_2645 : i32
          %swap3A_2647 = arith.index_cast %add3A_2646 : i32 to index
          %swap3A_2648 = tpu.vector_load %arg8[%swap3A_2647] {strides = array<i32>} : memref<18816xf32, #tpu.memory_space<vmem>>, vector<16xf32>,
          %swap3A_2649 = vector.shape_cast %swap3A_2648 : vector<16xf32> to vector<16xf32>
          %swap3A_2650 = vector.shape_cast %max3A_2229 : vector<16xf32> to vector<16xf32>
          tpu.vector_store %arg8[%swap3A_2647], %swap3A_2650 {strides = array<i32>} : memref<18816xf32, #tpu.memory_space<vmem>>, vector<16xf32>,
          %add3A_2651 = arith.constant 224 : i32
          %add3A_2652 = arith.addi %mul3A_2566, %add3A_2651 : i32
          %swap3A_2653 = arith.index_cast %add3A_2652 : i32 to index
          %swap3A_2654 = tpu.vector_load %arg8[%swap3A_2653] {strides = array<i32>} : memref<18816xf32, #tpu.memory_space<vmem>>, vector<16xf32>,
          %swap3A_2655 = vector.shape_cast %swap3A_2654 : vector<16xf32> to vector<16xf32>
          %swap3A_2656 = vector.shape_cast %max3A_2257 : vector<16xf32> to vector<16xf32>
          tpu.vector_store %arg8[%swap3A_2653], %swap3A_2656 {strides = array<i32>} : memref<18816xf32, #tpu.memory_space<vmem>>, vector<16xf32>,
          %add3A_2657 = arith.constant 240 : i32
          %add3A_2658 = arith.addi %mul3A_2566, %add3A_2657 : i32
          %swap3A_2659 = arith.index_cast %add3A_2658 : i32 to index
          %swap3A_2660 = tpu.vector_load %arg8[%swap3A_2659] {strides = array<i32>} : memref<18816xf32, #tpu.memory_space<vmem>>, vector<16xf32>,
          %swap3A_2661 = vector.shape_cast %swap3A_2660 : vector<16xf32> to vector<16xf32>
          %swap3A_2662 = vector.shape_cast %max3A_2285 : vector<16xf32> to vector<16xf32>
          tpu.vector_store %arg8[%swap3A_2659], %swap3A_2662 {strides = array<i32>} : memref<18816xf32, #tpu.memory_space<vmem>>, vector<16xf32>,
          %add3A_2663 = arith.constant 256 : i32
          %add3A_2664 = arith.addi %mul3A_2566, %add3A_2663 : i32
          %swap3A_2665 = arith.index_cast %add3A_2664 : i32 to index
          %swap3A_2666 = tpu.vector_load %arg8[%swap3A_2665] {strides = array<i32>} : memref<18816xf32, #tpu.memory_space<vmem>>, vector<16xf32>,
          %swap3A_2667 = vector.shape_cast %swap3A_2666 : vector<16xf32> to vector<16xf32>
          %swap3A_2668 = vector.shape_cast %max3A_2313 : vector<16xf32> to vector<16xf32>
          tpu.vector_store %arg8[%swap3A_2665], %swap3A_2668 {strides = array<i32>} : memref<18816xf32, #tpu.memory_space<vmem>>, vector<16xf32>,
          %add3A_2669 = arith.constant 272 : i32
          %add3A_2670 = arith.addi %mul3A_2566, %add3A_2669 : i32
          %swap3A_2671 = arith.index_cast %add3A_2670 : i32 to index
          %swap3A_2672 = tpu.vector_load %arg8[%swap3A_2671] {strides = array<i32>} : memref<18816xf32, #tpu.memory_space<vmem>>, vector<16xf32>,
          %swap3A_2673 = vector.shape_cast %swap3A_2672 : vector<16xf32> to vector<16xf32>
          %swap3A_2674 = vector.shape_cast %max3A_2341 : vector<16xf32> to vector<16xf32>
          tpu.vector_store %arg8[%swap3A_2671], %swap3A_2674 {strides = array<i32>} : memref<18816xf32, #tpu.memory_space<vmem>>, vector<16xf32>,
          %add3A_2675 = arith.constant 288 : i32
          %add3A_2676 = arith.addi %mul3A_2566, %add3A_2675 : i32
          %swap3A_2677 = arith.index_cast %add3A_2676 : i32 to index
          %swap3A_2678 = tpu.vector_load %arg8[%swap3A_2677] {strides = array<i32>} : memref<18816xf32, #tpu.memory_space<vmem>>, vector<16xf32>,
          %swap3A_2679 = vector.shape_cast %swap3A_2678 : vector<16xf32> to vector<16xf32>
          %swap3A_2680 = vector.shape_cast %max3A_2369 : vector<16xf32> to vector<16xf32>
          tpu.vector_store %arg8[%swap3A_2677], %swap3A_2680 {strides = array<i32>} : memref<18816xf32, #tpu.memory_space<vmem>>, vector<16xf32>,
          %add3A_2681 = arith.constant 304 : i32
          %add3A_2682 = arith.addi %mul3A_2566, %add3A_2681 : i32
          %swap3A_2683 = arith.index_cast %add3A_2682 : i32 to index
          %swap3A_2684 = tpu.vector_load %arg8[%swap3A_2683] {strides = array<i32>} : memref<18816xf32, #tpu.memory_space<vmem>>, vector<16xf32>,
          %swap3A_2685 = vector.shape_cast %swap3A_2684 : vector<16xf32> to vector<16xf32>
          %swap3A_2686 = vector.shape_cast %max3A_2397 : vector<16xf32> to vector<16xf32>
          tpu.vector_store %arg8[%swap3A_2683], %swap3A_2686 {strides = array<i32>} : memref<18816xf32, #tpu.memory_space<vmem>>, vector<16xf32>,
          %add3A_2687 = arith.constant 320 : i32
          %add3A_2688 = arith.addi %mul3A_2566, %add3A_2687 : i32
          %swap3A_2689 = arith.index_cast %add3A_2688 : i32 to index
          %swap3A_2690 = tpu.vector_load %arg8[%swap3A_2689] {strides = array<i32>} : memref<18816xf32, #tpu.memory_space<vmem>>, vector<16xf32>,
          %swap3A_2691 = vector.shape_cast %swap3A_2690 : vector<16xf32> to vector<16xf32>
          %swap3A_2692 = vector.shape_cast %max3A_2425 : vector<16xf32> to vector<16xf32>
          tpu.vector_store %arg8[%swap3A_2689], %swap3A_2692 {strides = array<i32>} : memref<18816xf32, #tpu.memory_space<vmem>>, vector<16xf32>,
          %add3A_2693 = arith.constant 336 : i32
          %add3A_2694 = arith.addi %mul3A_2566, %add3A_2693 : i32
          %swap3A_2695 = arith.index_cast %add3A_2694 : i32 to index
          %swap3A_2696 = tpu.vector_load %arg8[%swap3A_2695] {strides = array<i32>} : memref<18816xf32, #tpu.memory_space<vmem>>, vector<16xf32>,
          %swap3A_2697 = vector.shape_cast %swap3A_2696 : vector<16xf32> to vector<16xf32>
          %swap3A_2698 = vector.shape_cast %max3A_2453 : vector<16xf32> to vector<16xf32>
          tpu.vector_store %arg8[%swap3A_2695], %swap3A_2698 {strides = array<i32>} : memref<18816xf32, #tpu.memory_space<vmem>>, vector<16xf32>,
          %add3A_2699 = arith.constant 352 : i32
          %add3A_2700 = arith.addi %mul3A_2566, %add3A_2699 : i32
          %swap3A_2701 = arith.index_cast %add3A_2700 : i32 to index
          %swap3A_2702 = tpu.vector_load %arg8[%swap3A_2701] {strides = array<i32>} : memref<18816xf32, #tpu.memory_space<vmem>>, vector<16xf32>,
          %swap3A_2703 = vector.shape_cast %swap3A_2702 : vector<16xf32> to vector<16xf32>
          %swap3A_2704 = vector.shape_cast %max3A_2481 : vector<16xf32> to vector<16xf32>
          tpu.vector_store %arg8[%swap3A_2701], %swap3A_2704 {strides = array<i32>} : memref<18816xf32, #tpu.memory_space<vmem>>, vector<16xf32>,
          %add3A_2705 = arith.constant 368 : i32
          %add3A_2706 = arith.addi %mul3A_2566, %add3A_2705 : i32
          %swap3A_2707 = arith.index_cast %add3A_2706 : i32 to index
          %swap3A_2708 = tpu.vector_load %arg8[%swap3A_2707] {strides = array<i32>} : memref<18816xf32, #tpu.memory_space<vmem>>, vector<16xf32>,
          %swap3A_2709 = vector.shape_cast %swap3A_2708 : vector<16xf32> to vector<16xf32>
          %swap3A_2710 = vector.shape_cast %max3A_2509 : vector<16xf32> to vector<16xf32>
          tpu.vector_store %arg8[%swap3A_2707], %swap3A_2710 {strides = array<i32>} : memref<18816xf32, #tpu.memory_space<vmem>>, vector<16xf32>,
        } else {
        }
        %select_n3A_2541 = arith.select %eq3A_2537, %broadcast_in_dim3A_5, %max3A_1865 : vector<16xf32>
        %select_n3A_2542 = arith.select %eq3A_2537, %broadcast_in_dim3A_5, %max3A_1893 : vector<16xf32>
        %select_n3A_2543 = arith.select %eq3A_2537, %broadcast_in_dim3A_5, %max3A_1921 : vector<16xf32>
        %select_n3A_2544 = arith.select %eq3A_2537, %broadcast_in_dim3A_5, %max3A_1949 : vector<16xf32>
        %select_n3A_2545 = arith.select %eq3A_2537, %broadcast_in_dim3A_5, %max3A_1977 : vector<16xf32>
        %select_n3A_2546 = arith.select %eq3A_2537, %broadcast_in_dim3A_5, %max3A_2005 : vector<16xf32>
        %select_n3A_2547 = arith.select %eq3A_2537, %broadcast_in_dim3A_5, %max3A_2033 : vector<16xf32>
        %select_n3A_2548 = arith.select %eq3A_2537, %broadcast_in_dim3A_5, %max3A_2061 : vector<16xf32>
        %select_n3A_2549 = arith.select %eq3A_2537, %broadcast_in_dim3A_5, %max3A_2089 : vector<16xf32>
        %select_n3A_2550 = arith.select %eq3A_2537, %broadcast_in_dim3A_5, %max3A_2117 : vector<16xf32>
        %select_n3A_2551 = arith.select %eq3A_2537, %broadcast_in_dim3A_5, %max3A_2145 : vector<16xf32>
        %select_n3A_2552 = arith.select %eq3A_2537, %broadcast_in_dim3A_5, %max3A_2173 : vector<16xf32>
        %select_n3A_2553 = arith.select %eq3A_2537, %broadcast_in_dim3A_5, %max3A_2201 : vector<16xf32>
        %select_n3A_2554 = arith.select %eq3A_2537, %broadcast_in_dim3A_5, %max3A_2229 : vector<16xf32>
        %select_n3A_2555 = arith.select %eq3A_2537, %broadcast_in_dim3A_5, %max3A_2257 : vector<16xf32>
        %select_n3A_2556 = arith.select %eq3A_2537, %broadcast_in_dim3A_5, %max3A_2285 : vector<16xf32>
        %select_n3A_2557 = arith.select %eq3A_2537, %broadcast_in_dim3A_5, %max3A_2313 : vector<16xf32>
        %select_n3A_2558 = arith.select %eq3A_2537, %broadcast_in_dim3A_5, %max3A_2341 : vector<16xf32>
        %select_n3A_2559 = arith.select %eq3A_2537, %broadcast_in_dim3A_5, %max3A_2369 : vector<16xf32>
        %select_n3A_2560 = arith.select %eq3A_2537, %broadcast_in_dim3A_5, %max3A_2397 : vector<16xf32>
        %select_n3A_2561 = arith.select %eq3A_2537, %broadcast_in_dim3A_5, %max3A_2425 : vector<16xf32>
        %select_n3A_2562 = arith.select %eq3A_2537, %broadcast_in_dim3A_5, %max3A_2453 : vector<16xf32>
        %select_n3A_2563 = arith.select %eq3A_2537, %broadcast_in_dim3A_5, %max3A_2481 : vector<16xf32>
        %select_n3A_2564 = arith.select %eq3A_2537, %broadcast_in_dim3A_5, %max3A_2509 : vector<16xf32>
        scf.yield %select_n3A_2541, %select_n3A_2542, %select_n3A_2543, %select_n3A_2544, %select_n3A_2545, %select_n3A_2546, %select_n3A_2547, %select_n3A_2548, %select_n3A_2549, %select_n3A_2550, %select_n3A_2551, %select_n3A_2552, %select_n3A_2553, %select_n3A_2554, %select_n3A_2555, %select_n3A_2556, %select_n3A_2557, %select_n3A_2558, %select_n3A_2559, %select_n3A_2560, %select_n3A_2561, %select_n3A_2562, %select_n3A_2563, %select_n3A_2564 : vector<16xf32>, vector<16xf32>, vector<16xf32>, vector<16xf32>, vector<16xf32>, vector<16xf32>, vector<16xf32>, vector<16xf32>, vector<16xf32>, vector<16xf32>, vector<16xf32>, vector<16xf32>, vector<16xf32>, vector<16xf32>, vector<16xf32>, vector<16xf32>, vector<16xf32>, vector<16xf32>, vector<16xf32>, vector<16xf32>, vector<16xf32>, vector<16xf32>, vector<16xf32>, vector<16xf32>
      }
      %sub3A_1759 = arith.constant 160 : i32
      %sub3A_1760 = arith.subi %add3A_12, %sub3A_1759 : i32
      %mul3A_1761 = arith.constant 49 : i32
      %mul3A_1762 = arith.muli %sub3A_1760, %mul3A_1761 : i32
      %mul3A_1763 = arith.constant 384 : i32
      %mul3A_1764 = arith.muli %mul3A_1762, %mul3A_1763 : i32
      "tpu.region"() ({
        %run_scoped3A = tpu.sem_alloc : memref<!tpu.dma_semaphore, #tpu.memory_space<semaphore_mem>>
        %dma_start3A_1765 = tpu.memref_slice %arg4[%mul3A_1764] : memref<1806336xf32, #tpu.memory_space<hbm>> -> memref<18816xf32, #tpu.memory_space<hbm>>
        %dma_start3A_1766 = tpu.memref_slice %arg4[%mul3A_1764] : memref<1806336xf32, #tpu.memory_space<hbm>> -> memref<18816xf32, #tpu.memory_space<hbm>>
        tpu.enqueue_dma source(%arg8 : memref<18816xf32, #tpu.memory_space<vmem>>) target(%dma_start3A_1766 : memref<18816xf32, #tpu.memory_space<hbm>>) target_semaphore(%run_scoped3A : memref<!tpu.dma_semaphore, #tpu.memory_space<semaphore_mem>>)
        %dma_wait3A = tpu.memref_slice %arg4[%mul3A_1764] : memref<1806336xf32, #tpu.memory_space<hbm>> -> memref<18816xf32, #tpu.memory_space<hbm>>
        %dma_wait3A_1767 = tpu.memref_slice %arg4[%mul3A_1764] : memref<1806336xf32, #tpu.memory_space<hbm>> -> memref<18816xf32, #tpu.memory_space<hbm>>
        tpu.wait_dma2 semaphore(%run_scoped3A : memref<!tpu.dma_semaphore, #tpu.memory_space<semaphore_mem>>) src(%arg8 : memref<18816xf32, #tpu.memory_space<vmem>>) dst(%dma_wait3A_1767 : memref<18816xf32, #tpu.memory_space<hbm>>)
        tpu.yield
      }) : () -> ()
    }
    %scan3A_10 = arith.constant 3 : i32
    return
  }
}

module attributes {stable_mosaic.version = 14 : i64} {
  func.func @_tc_body(%arg0: i32, %arg1: memref<4x64x4xf32, #tpu.memory_space<smem>>, %arg2: memref<1x64x64x384xf32, #tpu.memory_space<vmem>>, %arg3: memref<1x7x7x384xf32, #tpu.memory_space<vmem>>, %arg4: memref<64x7x384xf32, #tpu.memory_space<vmem>>) attributes {dimension_semantics = [#tpu.dimension_semantics<arbitrary>], iteration_bounds = array<i64: 160>, scalar_prefetch = 0 : i64, scratch_operands = 1 : i64, tpu.core_type = #tpu.core_type<tc>, window_params = [{transform_indices = @transform_0, window_bounds = array<i64: 4, 64, 4>}, {transform_indices = @transform_1, window_bounds = array<i64: 1, 64, 64, 384>}, {transform_indices = @transform_2, window_bounds = array<i64: 1, 7, 7, 384>}]} {
    %jit3A = arith.constant 64 : i32
    %div3A = arith.divsi %arg0, %jit3A : i32
    %sign3A = arith.constant 0 : i32
    %sign3A_0 = arith.cmpi sgt, %arg0, %sign3A : i32
    %sign3A_1 = arith.extui %sign3A_0 : i1 to i32
    %sign3A_2 = arith.constant 0 : i32
    %sign3A_3 = arith.cmpi slt, %arg0, %sign3A_2 : i32
    %sign3A_4 = arith.extui %sign3A_3 : i1 to i32
    %sign3A_5 = arith.subi %sign3A_1, %sign3A_4 : i32
    %sign3A_6 = arith.constant 0 : i32
    %sign3A_7 = arith.cmpi sgt, %jit3A, %sign3A_6 : i32
    %sign3A_8 = arith.extui %sign3A_7 : i1 to i32
    %sign3A_9 = arith.constant 0 : i32
    %sign3A_10 = arith.cmpi slt, %jit3A, %sign3A_9 : i32
    %sign3A_11 = arith.extui %sign3A_10 : i1 to i32
    %sign3A_12 = arith.subi %sign3A_8, %sign3A_11 : i32
    %ne3A = arith.cmpi ne, %sign3A_5, %sign3A_12 : i32
    %rem3A = arith.remsi %arg0, %jit3A : i32
    %ne3A_13 = arith.constant 0 : i32
    %ne3A_14 = arith.cmpi ne, %rem3A, %ne3A_13 : i32
    %and3A = arith.andi %ne3A, %ne3A_14 : i1
    %sub3A = arith.constant 1 : i32
    %sub3A_15 = arith.subi %div3A, %sub3A : i32
    %select_n3A = arith.select %and3A, %sub3A_15, %div3A : i32
    %jit3A_16 = arith.constant 64 : i32
    %eq3A = arith.constant 0 : i32
    %eq3A_17 = arith.cmpi eq, %jit3A_16, %eq3A : i32
    %jit3A_18 = arith.constant 1 : i32
    %select_n3A_19 = arith.select %eq3A_17, %jit3A_18, %jit3A_16 : i32
    %rem3A_20 = arith.remsi %arg0, %select_n3A_19 : i32
    %ne3A_21 = arith.constant 0 : i32
    %ne3A_22 = arith.cmpi ne, %rem3A_20, %ne3A_21 : i32
    %lt3A = arith.constant 0 : i32
    %lt3A_23 = arith.cmpi slt, %rem3A_20, %lt3A : i32
    %lt3A_24 = arith.constant 0 : i32
    %lt3A_25 = arith.cmpi slt, %select_n3A_19, %lt3A_24 : i32
    %ne3A_26 = arith.xori %lt3A_23, %lt3A_25 : i1
    %and3A_27 = arith.andi %ne3A_26, %ne3A_22 : i1
    %add3A = arith.addi %rem3A_20, %select_n3A_19 : i32
    %select_n3A_28 = arith.select %and3A_27, %add3A, %rem3A_20 : i32
    %get3A = arith.index_cast %select_n3A : i32 to index
    %get3A_29 = arith.index_cast %select_n3A_28 : i32 to index
    %get3A_30 = arith.constant 0 : index
    %get3A_31 = memref.load %arg1[%get3A, %get3A_29, %get3A_30] : memref<4x64x4xf32, #tpu.memory_space<smem>>
    %mul3A = arith.constant 6.400000e+01 : f32
    %mul3A_32 = arith.mulf %get3A_31, %mul3A : f32
    %convert_element_type3A = arith.fptosi %mul3A_32 : f32 to i32
    %get3A_33 = arith.index_cast %select_n3A : i32 to index
    %get3A_34 = arith.index_cast %select_n3A_28 : i32 to index
    %get3A_35 = arith.constant 1 : index
    %get3A_36 = memref.load %arg1[%get3A_33, %get3A_34, %get3A_35] : memref<4x64x4xf32, #tpu.memory_space<smem>>
    %mul3A_37 = arith.constant 6.400000e+01 : f32
    %mul3A_38 = arith.mulf %get3A_36, %mul3A_37 : f32
    %convert_element_type3A_39 = arith.fptosi %mul3A_38 : f32 to i32
    %get3A_40 = arith.index_cast %select_n3A : i32 to index
    %get3A_41 = arith.index_cast %select_n3A_28 : i32 to index
    %get3A_42 = arith.constant 2 : index
    %get3A_43 = memref.load %arg1[%get3A_40, %get3A_41, %get3A_42] : memref<4x64x4xf32, #tpu.memory_space<smem>>
    %mul3A_44 = arith.constant 6.400000e+01 : f32
    %mul3A_45 = arith.mulf %get3A_43, %mul3A_44 : f32
    %convert_element_type3A_46 = arith.fptosi %mul3A_45 : f32 to i32
    %get3A_47 = arith.index_cast %select_n3A : i32 to index
    %get3A_48 = arith.index_cast %select_n3A_28 : i32 to index
    %get3A_49 = arith.constant 3 : index
    %get3A_50 = memref.load %arg1[%get3A_47, %get3A_48, %get3A_49] : memref<4x64x4xf32, #tpu.memory_space<smem>>
    %mul3A_51 = arith.constant 6.400000e+01 : f32
    %mul3A_52 = arith.mulf %get3A_50, %mul3A_51 : f32
    %convert_element_type3A_53 = arith.fptosi %mul3A_52 : f32 to i32
    %add3A_54 = arith.constant 1 : i32
    %add3A_55 = arith.addi %convert_element_type3A_46, %add3A_54 : i32
    %sub3A_56 = arith.subi %add3A_55, %convert_element_type3A : i32
    %add3A_57 = arith.constant 1 : i32
    %add3A_58 = arith.addi %convert_element_type3A_53, %add3A_57 : i32
    %sub3A_59 = arith.subi %add3A_58, %convert_element_type3A_39 : i32
    %mul3A_60 = arith.constant 0 : i32
    %mul3A_61 = arith.muli %mul3A_60, %sub3A_59 : i32
    %add3A_62 = arith.constant 6 : i32
    %add3A_63 = arith.addi %mul3A_61, %add3A_62 : i32
    %jit3A_64 = arith.constant 7 : i32
    %div3A_65 = arith.divsi %add3A_63, %jit3A_64 : i32
    %sign3A_66 = arith.constant 0 : i32
    %sign3A_67 = arith.cmpi sgt, %add3A_63, %sign3A_66 : i32
    %sign3A_68 = arith.extui %sign3A_67 : i1 to i32
    %sign3A_69 = arith.constant 0 : i32
    %sign3A_70 = arith.cmpi slt, %add3A_63, %sign3A_69 : i32
    %sign3A_71 = arith.extui %sign3A_70 : i1 to i32
    %sign3A_72 = arith.subi %sign3A_68, %sign3A_71 : i32
    %sign3A_73 = arith.constant 0 : i32
    %sign3A_74 = arith.cmpi sgt, %jit3A_64, %sign3A_73 : i32
    %sign3A_75 = arith.extui %sign3A_74 : i1 to i32
    %sign3A_76 = arith.constant 0 : i32
    %sign3A_77 = arith.cmpi slt, %jit3A_64, %sign3A_76 : i32
    %sign3A_78 = arith.extui %sign3A_77 : i1 to i32
    %sign3A_79 = arith.subi %sign3A_75, %sign3A_78 : i32
    %ne3A_80 = arith.cmpi ne, %sign3A_72, %sign3A_79 : i32
    %rem3A_81 = arith.remsi %add3A_63, %jit3A_64 : i32
    %ne3A_82 = arith.constant 0 : i32
    %ne3A_83 = arith.cmpi ne, %rem3A_81, %ne3A_82 : i32
    %and3A_84 = arith.andi %ne3A_80, %ne3A_83 : i1
    %sub3A_85 = arith.constant 1 : i32
    %sub3A_86 = arith.subi %div3A_65, %sub3A_85 : i32
    %select_n3A_87 = arith.select %and3A_84, %sub3A_86, %div3A_65 : i32
    %add3A_88 = arith.addi %convert_element_type3A_39, %select_n3A_87 : i32
    %mul3A_89 = arith.constant 1 : i32
    %mul3A_90 = arith.muli %mul3A_89, %sub3A_59 : i32
    %add3A_91 = arith.constant 6 : i32
    %add3A_92 = arith.addi %mul3A_90, %add3A_91 : i32
    %jit3A_93 = arith.constant 7 : i32
    %div3A_94 = arith.divsi %add3A_92, %jit3A_93 : i32
    %sign3A_95 = arith.constant 0 : i32
    %sign3A_96 = arith.cmpi sgt, %add3A_92, %sign3A_95 : i32
    %sign3A_97 = arith.extui %sign3A_96 : i1 to i32
    %sign3A_98 = arith.constant 0 : i32
    %sign3A_99 = arith.cmpi slt, %add3A_92, %sign3A_98 : i32
    %sign3A_100 = arith.extui %sign3A_99 : i1 to i32
    %sign3A_101 = arith.subi %sign3A_97, %sign3A_100 : i32
    %sign3A_102 = arith.constant 0 : i32
    %sign3A_103 = arith.cmpi sgt, %jit3A_93, %sign3A_102 : i32
    %sign3A_104 = arith.extui %sign3A_103 : i1 to i32
    %sign3A_105 = arith.constant 0 : i32
    %sign3A_106 = arith.cmpi slt, %jit3A_93, %sign3A_105 : i32
    %sign3A_107 = arith.extui %sign3A_106 : i1 to i32
    %sign3A_108 = arith.subi %sign3A_104, %sign3A_107 : i32
    %ne3A_109 = arith.cmpi ne, %sign3A_101, %sign3A_108 : i32
    %rem3A_110 = arith.remsi %add3A_92, %jit3A_93 : i32
    %ne3A_111 = arith.constant 0 : i32
    %ne3A_112 = arith.cmpi ne, %rem3A_110, %ne3A_111 : i32
    %and3A_113 = arith.andi %ne3A_109, %ne3A_112 : i1
    %sub3A_114 = arith.constant 1 : i32
    %sub3A_115 = arith.subi %div3A_94, %sub3A_114 : i32
    %select_n3A_116 = arith.select %and3A_113, %sub3A_115, %div3A_94 : i32
    %add3A_117 = arith.addi %convert_element_type3A_39, %select_n3A_116 : i32
    %eq3A_118 = arith.cmpi eq, %add3A_88, %add3A_117 : i32
    %sub3A_119 = arith.constant 1 : i32
    %sub3A_120 = arith.subi %add3A_88, %sub3A_119 : i32
    %select_n3A_121 = arith.select %eq3A_118, %sub3A_120, %add3A_88 : i32
    %get3A_122 = arith.constant 0 : index
    %get3A_123 = arith.index_cast %select_n3A_121 : i32 to index
    %get3A_124 = arith.constant 0 : index
    %get3A_125 = arith.constant 0 : index
    %get3A_126 = vector.load %arg2[%get3A_122, %get3A_123, %get3A_124, %get3A_125] : memref<1x64x64x384xf32, #tpu.memory_space<vmem>>, vector<1x1x64x384xf32>
    %get3A_127 = vector.shape_cast %get3A_126 : vector<1x1x64x384xf32> to vector<64x384xf32>
    %sub3A_128 = arith.subi %add3A_117, %select_n3A_121 : i32
    %while3A = arith.constant 1 : i32
    %while3A_129 = arith.subi %sub3A_128, %while3A : i32
    %while3A_130 = arith.addi %while3A, %while3A_129 : i32
    %while3A_131 = arith.constant 1 : i32
    %while3A_132 = arith.divsi %while3A_129, %while3A_131 : i32
    %while3A_133 = arith.muli %while3A_132, %while3A_131 : i32
    %while3A_134 = arith.addi %while3A, %while3A_133 : i32
    %while3A_135 = arith.constant 1 : i32
    %while3A_136 = scf.for %while3A_1197 = %while3A to %while3A_134 step %while3A_135 iter_args(%while3A_1198 = %get3A_127) -> (vector<64x384xf32>)  : i32 {
      %add3A_1199 = arith.addi %select_n3A_121, %while3A_1197 : i32
      %get3A_1200 = arith.constant 0 : index
      %get3A_1201 = arith.index_cast %add3A_1199 : i32 to index
      %get3A_1202 = arith.constant 0 : index
      %get3A_1203 = arith.constant 0 : index
      %get3A_1204 = vector.load %arg2[%get3A_1200, %get3A_1201, %get3A_1202, %get3A_1203] : memref<1x64x64x384xf32, #tpu.memory_space<vmem>>, vector<1x1x64x384xf32>
      %get3A_1205 = vector.shape_cast %get3A_1204 : vector<1x1x64x384xf32> to vector<64x384xf32>
      %max3A = arith.maximumf %while3A_1198, %get3A_1205 : vector<64x384xf32>
      scf.yield %max3A : vector<64x384xf32>
    }
    %while3A_137 = arith.constant 1 : i32
    %while3A_138 = scf.for %while3A_1197 = %while3A_134 to %while3A_130 step %while3A_137 iter_args(%while3A_1198 = %while3A_136) -> (vector<64x384xf32>)  : i32 {
      %add3A_1199 = arith.addi %select_n3A_121, %while3A_1197 : i32
      %get3A_1200 = arith.constant 0 : index
      %get3A_1201 = arith.index_cast %add3A_1199 : i32 to index
      %get3A_1202 = arith.constant 0 : index
      %get3A_1203 = arith.constant 0 : index
      %get3A_1204 = vector.load %arg2[%get3A_1200, %get3A_1201, %get3A_1202, %get3A_1203] : memref<1x64x64x384xf32, #tpu.memory_space<vmem>>, vector<1x1x64x384xf32>
      %get3A_1205 = vector.shape_cast %get3A_1204 : vector<1x1x64x384xf32> to vector<64x384xf32>
      %max3A = arith.maximumf %while3A_1198, %get3A_1205 : vector<64x384xf32>
      scf.yield %max3A : vector<64x384xf32>
    }
    %mul3A_139 = arith.constant 1 : i32
    %mul3A_140 = arith.muli %mul3A_139, %sub3A_59 : i32
    %add3A_141 = arith.constant 6 : i32
    %add3A_142 = arith.addi %mul3A_140, %add3A_141 : i32
    %jit3A_143 = arith.constant 7 : i32
    %div3A_144 = arith.divsi %add3A_142, %jit3A_143 : i32
    %sign3A_145 = arith.constant 0 : i32
    %sign3A_146 = arith.cmpi sgt, %add3A_142, %sign3A_145 : i32
    %sign3A_147 = arith.extui %sign3A_146 : i1 to i32
    %sign3A_148 = arith.constant 0 : i32
    %sign3A_149 = arith.cmpi slt, %add3A_142, %sign3A_148 : i32
    %sign3A_150 = arith.extui %sign3A_149 : i1 to i32
    %sign3A_151 = arith.subi %sign3A_147, %sign3A_150 : i32
    %sign3A_152 = arith.constant 0 : i32
    %sign3A_153 = arith.cmpi sgt, %jit3A_143, %sign3A_152 : i32
    %sign3A_154 = arith.extui %sign3A_153 : i1 to i32
    %sign3A_155 = arith.constant 0 : i32
    %sign3A_156 = arith.cmpi slt, %jit3A_143, %sign3A_155 : i32
    %sign3A_157 = arith.extui %sign3A_156 : i1 to i32
    %sign3A_158 = arith.subi %sign3A_154, %sign3A_157 : i32
    %ne3A_159 = arith.cmpi ne, %sign3A_151, %sign3A_158 : i32
    %rem3A_160 = arith.remsi %add3A_142, %jit3A_143 : i32
    %ne3A_161 = arith.constant 0 : i32
    %ne3A_162 = arith.cmpi ne, %rem3A_160, %ne3A_161 : i32
    %and3A_163 = arith.andi %ne3A_159, %ne3A_162 : i1
    %sub3A_164 = arith.constant 1 : i32
    %sub3A_165 = arith.subi %div3A_144, %sub3A_164 : i32
    %select_n3A_166 = arith.select %and3A_163, %sub3A_165, %div3A_144 : i32
    %add3A_167 = arith.addi %convert_element_type3A_39, %select_n3A_166 : i32
    %mul3A_168 = arith.constant 2 : i32
    %mul3A_169 = arith.muli %mul3A_168, %sub3A_59 : i32
    %add3A_170 = arith.constant 6 : i32
    %add3A_171 = arith.addi %mul3A_169, %add3A_170 : i32
    %jit3A_172 = arith.constant 7 : i32
    %div3A_173 = arith.divsi %add3A_171, %jit3A_172 : i32
    %sign3A_174 = arith.constant 0 : i32
    %sign3A_175 = arith.cmpi sgt, %add3A_171, %sign3A_174 : i32
    %sign3A_176 = arith.extui %sign3A_175 : i1 to i32
    %sign3A_177 = arith.constant 0 : i32
    %sign3A_178 = arith.cmpi slt, %add3A_171, %sign3A_177 : i32
    %sign3A_179 = arith.extui %sign3A_178 : i1 to i32
    %sign3A_180 = arith.subi %sign3A_176, %sign3A_179 : i32
    %sign3A_181 = arith.constant 0 : i32
    %sign3A_182 = arith.cmpi sgt, %jit3A_172, %sign3A_181 : i32
    %sign3A_183 = arith.extui %sign3A_182 : i1 to i32
    %sign3A_184 = arith.constant 0 : i32
    %sign3A_185 = arith.cmpi slt, %jit3A_172, %sign3A_184 : i32
    %sign3A_186 = arith.extui %sign3A_185 : i1 to i32
    %sign3A_187 = arith.subi %sign3A_183, %sign3A_186 : i32
    %ne3A_188 = arith.cmpi ne, %sign3A_180, %sign3A_187 : i32
    %rem3A_189 = arith.remsi %add3A_171, %jit3A_172 : i32
    %ne3A_190 = arith.constant 0 : i32
    %ne3A_191 = arith.cmpi ne, %rem3A_189, %ne3A_190 : i32
    %and3A_192 = arith.andi %ne3A_188, %ne3A_191 : i1
    %sub3A_193 = arith.constant 1 : i32
    %sub3A_194 = arith.subi %div3A_173, %sub3A_193 : i32
    %select_n3A_195 = arith.select %and3A_192, %sub3A_194, %div3A_173 : i32
    %add3A_196 = arith.addi %convert_element_type3A_39, %select_n3A_195 : i32
    %eq3A_197 = arith.cmpi eq, %add3A_167, %add3A_196 : i32
    %sub3A_198 = arith.constant 1 : i32
    %sub3A_199 = arith.subi %add3A_167, %sub3A_198 : i32
    %select_n3A_200 = arith.select %eq3A_197, %sub3A_199, %add3A_167 : i32
    %get3A_201 = arith.constant 0 : index
    %get3A_202 = arith.index_cast %select_n3A_200 : i32 to index
    %get3A_203 = arith.constant 0 : index
    %get3A_204 = arith.constant 0 : index
    %get3A_205 = vector.load %arg2[%get3A_201, %get3A_202, %get3A_203, %get3A_204] : memref<1x64x64x384xf32, #tpu.memory_space<vmem>>, vector<1x1x64x384xf32>
    %get3A_206 = vector.shape_cast %get3A_205 : vector<1x1x64x384xf32> to vector<64x384xf32>
    %sub3A_207 = arith.subi %add3A_196, %select_n3A_200 : i32
    %while3A_208 = arith.constant 1 : i32
    %while3A_209 = arith.subi %sub3A_207, %while3A_208 : i32
    %while3A_210 = arith.addi %while3A_208, %while3A_209 : i32
    %while3A_211 = arith.constant 1 : i32
    %while3A_212 = arith.divsi %while3A_209, %while3A_211 : i32
    %while3A_213 = arith.muli %while3A_212, %while3A_211 : i32
    %while3A_214 = arith.addi %while3A_208, %while3A_213 : i32
    %while3A_215 = arith.constant 1 : i32
    %while3A_216 = scf.for %while3A_1197 = %while3A_208 to %while3A_214 step %while3A_215 iter_args(%while3A_1198 = %get3A_206) -> (vector<64x384xf32>)  : i32 {
      %add3A_1199 = arith.addi %select_n3A_200, %while3A_1197 : i32
      %get3A_1200 = arith.constant 0 : index
      %get3A_1201 = arith.index_cast %add3A_1199 : i32 to index
      %get3A_1202 = arith.constant 0 : index
      %get3A_1203 = arith.constant 0 : index
      %get3A_1204 = vector.load %arg2[%get3A_1200, %get3A_1201, %get3A_1202, %get3A_1203] : memref<1x64x64x384xf32, #tpu.memory_space<vmem>>, vector<1x1x64x384xf32>
      %get3A_1205 = vector.shape_cast %get3A_1204 : vector<1x1x64x384xf32> to vector<64x384xf32>
      %max3A = arith.maximumf %while3A_1198, %get3A_1205 : vector<64x384xf32>
      scf.yield %max3A : vector<64x384xf32>
    }
    %while3A_217 = arith.constant 1 : i32
    %while3A_218 = scf.for %while3A_1197 = %while3A_214 to %while3A_210 step %while3A_217 iter_args(%while3A_1198 = %while3A_216) -> (vector<64x384xf32>)  : i32 {
      %add3A_1199 = arith.addi %select_n3A_200, %while3A_1197 : i32
      %get3A_1200 = arith.constant 0 : index
      %get3A_1201 = arith.index_cast %add3A_1199 : i32 to index
      %get3A_1202 = arith.constant 0 : index
      %get3A_1203 = arith.constant 0 : index
      %get3A_1204 = vector.load %arg2[%get3A_1200, %get3A_1201, %get3A_1202, %get3A_1203] : memref<1x64x64x384xf32, #tpu.memory_space<vmem>>, vector<1x1x64x384xf32>
      %get3A_1205 = vector.shape_cast %get3A_1204 : vector<1x1x64x384xf32> to vector<64x384xf32>
      %max3A = arith.maximumf %while3A_1198, %get3A_1205 : vector<64x384xf32>
      scf.yield %max3A : vector<64x384xf32>
    }
    %mul3A_219 = arith.constant 2 : i32
    %mul3A_220 = arith.muli %mul3A_219, %sub3A_59 : i32
    %add3A_221 = arith.constant 6 : i32
    %add3A_222 = arith.addi %mul3A_220, %add3A_221 : i32
    %jit3A_223 = arith.constant 7 : i32
    %div3A_224 = arith.divsi %add3A_222, %jit3A_223 : i32
    %sign3A_225 = arith.constant 0 : i32
    %sign3A_226 = arith.cmpi sgt, %add3A_222, %sign3A_225 : i32
    %sign3A_227 = arith.extui %sign3A_226 : i1 to i32
    %sign3A_228 = arith.constant 0 : i32
    %sign3A_229 = arith.cmpi slt, %add3A_222, %sign3A_228 : i32
    %sign3A_230 = arith.extui %sign3A_229 : i1 to i32
    %sign3A_231 = arith.subi %sign3A_227, %sign3A_230 : i32
    %sign3A_232 = arith.constant 0 : i32
    %sign3A_233 = arith.cmpi sgt, %jit3A_223, %sign3A_232 : i32
    %sign3A_234 = arith.extui %sign3A_233 : i1 to i32
    %sign3A_235 = arith.constant 0 : i32
    %sign3A_236 = arith.cmpi slt, %jit3A_223, %sign3A_235 : i32
    %sign3A_237 = arith.extui %sign3A_236 : i1 to i32
    %sign3A_238 = arith.subi %sign3A_234, %sign3A_237 : i32
    %ne3A_239 = arith.cmpi ne, %sign3A_231, %sign3A_238 : i32
    %rem3A_240 = arith.remsi %add3A_222, %jit3A_223 : i32
    %ne3A_241 = arith.constant 0 : i32
    %ne3A_242 = arith.cmpi ne, %rem3A_240, %ne3A_241 : i32
    %and3A_243 = arith.andi %ne3A_239, %ne3A_242 : i1
    %sub3A_244 = arith.constant 1 : i32
    %sub3A_245 = arith.subi %div3A_224, %sub3A_244 : i32
    %select_n3A_246 = arith.select %and3A_243, %sub3A_245, %div3A_224 : i32
    %add3A_247 = arith.addi %convert_element_type3A_39, %select_n3A_246 : i32
    %mul3A_248 = arith.constant 3 : i32
    %mul3A_249 = arith.muli %mul3A_248, %sub3A_59 : i32
    %add3A_250 = arith.constant 6 : i32
    %add3A_251 = arith.addi %mul3A_249, %add3A_250 : i32
    %jit3A_252 = arith.constant 7 : i32
    %div3A_253 = arith.divsi %add3A_251, %jit3A_252 : i32
    %sign3A_254 = arith.constant 0 : i32
    %sign3A_255 = arith.cmpi sgt, %add3A_251, %sign3A_254 : i32
    %sign3A_256 = arith.extui %sign3A_255 : i1 to i32
    %sign3A_257 = arith.constant 0 : i32
    %sign3A_258 = arith.cmpi slt, %add3A_251, %sign3A_257 : i32
    %sign3A_259 = arith.extui %sign3A_258 : i1 to i32
    %sign3A_260 = arith.subi %sign3A_256, %sign3A_259 : i32
    %sign3A_261 = arith.constant 0 : i32
    %sign3A_262 = arith.cmpi sgt, %jit3A_252, %sign3A_261 : i32
    %sign3A_263 = arith.extui %sign3A_262 : i1 to i32
    %sign3A_264 = arith.constant 0 : i32
    %sign3A_265 = arith.cmpi slt, %jit3A_252, %sign3A_264 : i32
    %sign3A_266 = arith.extui %sign3A_265 : i1 to i32
    %sign3A_267 = arith.subi %sign3A_263, %sign3A_266 : i32
    %ne3A_268 = arith.cmpi ne, %sign3A_260, %sign3A_267 : i32
    %rem3A_269 = arith.remsi %add3A_251, %jit3A_252 : i32
    %ne3A_270 = arith.constant 0 : i32
    %ne3A_271 = arith.cmpi ne, %rem3A_269, %ne3A_270 : i32
    %and3A_272 = arith.andi %ne3A_268, %ne3A_271 : i1
    %sub3A_273 = arith.constant 1 : i32
    %sub3A_274 = arith.subi %div3A_253, %sub3A_273 : i32
    %select_n3A_275 = arith.select %and3A_272, %sub3A_274, %div3A_253 : i32
    %add3A_276 = arith.addi %convert_element_type3A_39, %select_n3A_275 : i32
    %eq3A_277 = arith.cmpi eq, %add3A_247, %add3A_276 : i32
    %sub3A_278 = arith.constant 1 : i32
    %sub3A_279 = arith.subi %add3A_247, %sub3A_278 : i32
    %select_n3A_280 = arith.select %eq3A_277, %sub3A_279, %add3A_247 : i32
    %get3A_281 = arith.constant 0 : index
    %get3A_282 = arith.index_cast %select_n3A_280 : i32 to index
    %get3A_283 = arith.constant 0 : index
    %get3A_284 = arith.constant 0 : index
    %get3A_285 = vector.load %arg2[%get3A_281, %get3A_282, %get3A_283, %get3A_284] : memref<1x64x64x384xf32, #tpu.memory_space<vmem>>, vector<1x1x64x384xf32>
    %get3A_286 = vector.shape_cast %get3A_285 : vector<1x1x64x384xf32> to vector<64x384xf32>
    %sub3A_287 = arith.subi %add3A_276, %select_n3A_280 : i32
    %while3A_288 = arith.constant 1 : i32
    %while3A_289 = arith.subi %sub3A_287, %while3A_288 : i32
    %while3A_290 = arith.addi %while3A_288, %while3A_289 : i32
    %while3A_291 = arith.constant 1 : i32
    %while3A_292 = arith.divsi %while3A_289, %while3A_291 : i32
    %while3A_293 = arith.muli %while3A_292, %while3A_291 : i32
    %while3A_294 = arith.addi %while3A_288, %while3A_293 : i32
    %while3A_295 = arith.constant 1 : i32
    %while3A_296 = scf.for %while3A_1197 = %while3A_288 to %while3A_294 step %while3A_295 iter_args(%while3A_1198 = %get3A_286) -> (vector<64x384xf32>)  : i32 {
      %add3A_1199 = arith.addi %select_n3A_280, %while3A_1197 : i32
      %get3A_1200 = arith.constant 0 : index
      %get3A_1201 = arith.index_cast %add3A_1199 : i32 to index
      %get3A_1202 = arith.constant 0 : index
      %get3A_1203 = arith.constant 0 : index
      %get3A_1204 = vector.load %arg2[%get3A_1200, %get3A_1201, %get3A_1202, %get3A_1203] : memref<1x64x64x384xf32, #tpu.memory_space<vmem>>, vector<1x1x64x384xf32>
      %get3A_1205 = vector.shape_cast %get3A_1204 : vector<1x1x64x384xf32> to vector<64x384xf32>
      %max3A = arith.maximumf %while3A_1198, %get3A_1205 : vector<64x384xf32>
      scf.yield %max3A : vector<64x384xf32>
    }
    %while3A_297 = arith.constant 1 : i32
    %while3A_298 = scf.for %while3A_1197 = %while3A_294 to %while3A_290 step %while3A_297 iter_args(%while3A_1198 = %while3A_296) -> (vector<64x384xf32>)  : i32 {
      %add3A_1199 = arith.addi %select_n3A_280, %while3A_1197 : i32
      %get3A_1200 = arith.constant 0 : index
      %get3A_1201 = arith.index_cast %add3A_1199 : i32 to index
      %get3A_1202 = arith.constant 0 : index
      %get3A_1203 = arith.constant 0 : index
      %get3A_1204 = vector.load %arg2[%get3A_1200, %get3A_1201, %get3A_1202, %get3A_1203] : memref<1x64x64x384xf32, #tpu.memory_space<vmem>>, vector<1x1x64x384xf32>
      %get3A_1205 = vector.shape_cast %get3A_1204 : vector<1x1x64x384xf32> to vector<64x384xf32>
      %max3A = arith.maximumf %while3A_1198, %get3A_1205 : vector<64x384xf32>
      scf.yield %max3A : vector<64x384xf32>
    }
    %mul3A_299 = arith.constant 3 : i32
    %mul3A_300 = arith.muli %mul3A_299, %sub3A_59 : i32
    %add3A_301 = arith.constant 6 : i32
    %add3A_302 = arith.addi %mul3A_300, %add3A_301 : i32
    %jit3A_303 = arith.constant 7 : i32
    %div3A_304 = arith.divsi %add3A_302, %jit3A_303 : i32
    %sign3A_305 = arith.constant 0 : i32
    %sign3A_306 = arith.cmpi sgt, %add3A_302, %sign3A_305 : i32
    %sign3A_307 = arith.extui %sign3A_306 : i1 to i32
    %sign3A_308 = arith.constant 0 : i32
    %sign3A_309 = arith.cmpi slt, %add3A_302, %sign3A_308 : i32
    %sign3A_310 = arith.extui %sign3A_309 : i1 to i32
    %sign3A_311 = arith.subi %sign3A_307, %sign3A_310 : i32
    %sign3A_312 = arith.constant 0 : i32
    %sign3A_313 = arith.cmpi sgt, %jit3A_303, %sign3A_312 : i32
    %sign3A_314 = arith.extui %sign3A_313 : i1 to i32
    %sign3A_315 = arith.constant 0 : i32
    %sign3A_316 = arith.cmpi slt, %jit3A_303, %sign3A_315 : i32
    %sign3A_317 = arith.extui %sign3A_316 : i1 to i32
    %sign3A_318 = arith.subi %sign3A_314, %sign3A_317 : i32
    %ne3A_319 = arith.cmpi ne, %sign3A_311, %sign3A_318 : i32
    %rem3A_320 = arith.remsi %add3A_302, %jit3A_303 : i32
    %ne3A_321 = arith.constant 0 : i32
    %ne3A_322 = arith.cmpi ne, %rem3A_320, %ne3A_321 : i32
    %and3A_323 = arith.andi %ne3A_319, %ne3A_322 : i1
    %sub3A_324 = arith.constant 1 : i32
    %sub3A_325 = arith.subi %div3A_304, %sub3A_324 : i32
    %select_n3A_326 = arith.select %and3A_323, %sub3A_325, %div3A_304 : i32
    %add3A_327 = arith.addi %convert_element_type3A_39, %select_n3A_326 : i32
    %mul3A_328 = arith.constant 4 : i32
    %mul3A_329 = arith.muli %mul3A_328, %sub3A_59 : i32
    %add3A_330 = arith.constant 6 : i32
    %add3A_331 = arith.addi %mul3A_329, %add3A_330 : i32
    %jit3A_332 = arith.constant 7 : i32
    %div3A_333 = arith.divsi %add3A_331, %jit3A_332 : i32
    %sign3A_334 = arith.constant 0 : i32
    %sign3A_335 = arith.cmpi sgt, %add3A_331, %sign3A_334 : i32
    %sign3A_336 = arith.extui %sign3A_335 : i1 to i32
    %sign3A_337 = arith.constant 0 : i32
    %sign3A_338 = arith.cmpi slt, %add3A_331, %sign3A_337 : i32
    %sign3A_339 = arith.extui %sign3A_338 : i1 to i32
    %sign3A_340 = arith.subi %sign3A_336, %sign3A_339 : i32
    %sign3A_341 = arith.constant 0 : i32
    %sign3A_342 = arith.cmpi sgt, %jit3A_332, %sign3A_341 : i32
    %sign3A_343 = arith.extui %sign3A_342 : i1 to i32
    %sign3A_344 = arith.constant 0 : i32
    %sign3A_345 = arith.cmpi slt, %jit3A_332, %sign3A_344 : i32
    %sign3A_346 = arith.extui %sign3A_345 : i1 to i32
    %sign3A_347 = arith.subi %sign3A_343, %sign3A_346 : i32
    %ne3A_348 = arith.cmpi ne, %sign3A_340, %sign3A_347 : i32
    %rem3A_349 = arith.remsi %add3A_331, %jit3A_332 : i32
    %ne3A_350 = arith.constant 0 : i32
    %ne3A_351 = arith.cmpi ne, %rem3A_349, %ne3A_350 : i32
    %and3A_352 = arith.andi %ne3A_348, %ne3A_351 : i1
    %sub3A_353 = arith.constant 1 : i32
    %sub3A_354 = arith.subi %div3A_333, %sub3A_353 : i32
    %select_n3A_355 = arith.select %and3A_352, %sub3A_354, %div3A_333 : i32
    %add3A_356 = arith.addi %convert_element_type3A_39, %select_n3A_355 : i32
    %eq3A_357 = arith.cmpi eq, %add3A_327, %add3A_356 : i32
    %sub3A_358 = arith.constant 1 : i32
    %sub3A_359 = arith.subi %add3A_327, %sub3A_358 : i32
    %select_n3A_360 = arith.select %eq3A_357, %sub3A_359, %add3A_327 : i32
    %get3A_361 = arith.constant 0 : index
    %get3A_362 = arith.index_cast %select_n3A_360 : i32 to index
    %get3A_363 = arith.constant 0 : index
    %get3A_364 = arith.constant 0 : index
    %get3A_365 = vector.load %arg2[%get3A_361, %get3A_362, %get3A_363, %get3A_364] : memref<1x64x64x384xf32, #tpu.memory_space<vmem>>, vector<1x1x64x384xf32>
    %get3A_366 = vector.shape_cast %get3A_365 : vector<1x1x64x384xf32> to vector<64x384xf32>
    %sub3A_367 = arith.subi %add3A_356, %select_n3A_360 : i32
    %while3A_368 = arith.constant 1 : i32
    %while3A_369 = arith.subi %sub3A_367, %while3A_368 : i32
    %while3A_370 = arith.addi %while3A_368, %while3A_369 : i32
    %while3A_371 = arith.constant 1 : i32
    %while3A_372 = arith.divsi %while3A_369, %while3A_371 : i32
    %while3A_373 = arith.muli %while3A_372, %while3A_371 : i32
    %while3A_374 = arith.addi %while3A_368, %while3A_373 : i32
    %while3A_375 = arith.constant 1 : i32
    %while3A_376 = scf.for %while3A_1197 = %while3A_368 to %while3A_374 step %while3A_375 iter_args(%while3A_1198 = %get3A_366) -> (vector<64x384xf32>)  : i32 {
      %add3A_1199 = arith.addi %select_n3A_360, %while3A_1197 : i32
      %get3A_1200 = arith.constant 0 : index
      %get3A_1201 = arith.index_cast %add3A_1199 : i32 to index
      %get3A_1202 = arith.constant 0 : index
      %get3A_1203 = arith.constant 0 : index
      %get3A_1204 = vector.load %arg2[%get3A_1200, %get3A_1201, %get3A_1202, %get3A_1203] : memref<1x64x64x384xf32, #tpu.memory_space<vmem>>, vector<1x1x64x384xf32>
      %get3A_1205 = vector.shape_cast %get3A_1204 : vector<1x1x64x384xf32> to vector<64x384xf32>
      %max3A = arith.maximumf %while3A_1198, %get3A_1205 : vector<64x384xf32>
      scf.yield %max3A : vector<64x384xf32>
    }
    %while3A_377 = arith.constant 1 : i32
    %while3A_378 = scf.for %while3A_1197 = %while3A_374 to %while3A_370 step %while3A_377 iter_args(%while3A_1198 = %while3A_376) -> (vector<64x384xf32>)  : i32 {
      %add3A_1199 = arith.addi %select_n3A_360, %while3A_1197 : i32
      %get3A_1200 = arith.constant 0 : index
      %get3A_1201 = arith.index_cast %add3A_1199 : i32 to index
      %get3A_1202 = arith.constant 0 : index
      %get3A_1203 = arith.constant 0 : index
      %get3A_1204 = vector.load %arg2[%get3A_1200, %get3A_1201, %get3A_1202, %get3A_1203] : memref<1x64x64x384xf32, #tpu.memory_space<vmem>>, vector<1x1x64x384xf32>
      %get3A_1205 = vector.shape_cast %get3A_1204 : vector<1x1x64x384xf32> to vector<64x384xf32>
      %max3A = arith.maximumf %while3A_1198, %get3A_1205 : vector<64x384xf32>
      scf.yield %max3A : vector<64x384xf32>
    }
    %mul3A_379 = arith.constant 4 : i32
    %mul3A_380 = arith.muli %mul3A_379, %sub3A_59 : i32
    %add3A_381 = arith.constant 6 : i32
    %add3A_382 = arith.addi %mul3A_380, %add3A_381 : i32
    %jit3A_383 = arith.constant 7 : i32
    %div3A_384 = arith.divsi %add3A_382, %jit3A_383 : i32
    %sign3A_385 = arith.constant 0 : i32
    %sign3A_386 = arith.cmpi sgt, %add3A_382, %sign3A_385 : i32
    %sign3A_387 = arith.extui %sign3A_386 : i1 to i32
    %sign3A_388 = arith.constant 0 : i32
    %sign3A_389 = arith.cmpi slt, %add3A_382, %sign3A_388 : i32
    %sign3A_390 = arith.extui %sign3A_389 : i1 to i32
    %sign3A_391 = arith.subi %sign3A_387, %sign3A_390 : i32
    %sign3A_392 = arith.constant 0 : i32
    %sign3A_393 = arith.cmpi sgt, %jit3A_383, %sign3A_392 : i32
    %sign3A_394 = arith.extui %sign3A_393 : i1 to i32
    %sign3A_395 = arith.constant 0 : i32
    %sign3A_396 = arith.cmpi slt, %jit3A_383, %sign3A_395 : i32
    %sign3A_397 = arith.extui %sign3A_396 : i1 to i32
    %sign3A_398 = arith.subi %sign3A_394, %sign3A_397 : i32
    %ne3A_399 = arith.cmpi ne, %sign3A_391, %sign3A_398 : i32
    %rem3A_400 = arith.remsi %add3A_382, %jit3A_383 : i32
    %ne3A_401 = arith.constant 0 : i32
    %ne3A_402 = arith.cmpi ne, %rem3A_400, %ne3A_401 : i32
    %and3A_403 = arith.andi %ne3A_399, %ne3A_402 : i1
    %sub3A_404 = arith.constant 1 : i32
    %sub3A_405 = arith.subi %div3A_384, %sub3A_404 : i32
    %select_n3A_406 = arith.select %and3A_403, %sub3A_405, %div3A_384 : i32
    %add3A_407 = arith.addi %convert_element_type3A_39, %select_n3A_406 : i32
    %mul3A_408 = arith.constant 5 : i32
    %mul3A_409 = arith.muli %mul3A_408, %sub3A_59 : i32
    %add3A_410 = arith.constant 6 : i32
    %add3A_411 = arith.addi %mul3A_409, %add3A_410 : i32
    %jit3A_412 = arith.constant 7 : i32
    %div3A_413 = arith.divsi %add3A_411, %jit3A_412 : i32
    %sign3A_414 = arith.constant 0 : i32
    %sign3A_415 = arith.cmpi sgt, %add3A_411, %sign3A_414 : i32
    %sign3A_416 = arith.extui %sign3A_415 : i1 to i32
    %sign3A_417 = arith.constant 0 : i32
    %sign3A_418 = arith.cmpi slt, %add3A_411, %sign3A_417 : i32
    %sign3A_419 = arith.extui %sign3A_418 : i1 to i32
    %sign3A_420 = arith.subi %sign3A_416, %sign3A_419 : i32
    %sign3A_421 = arith.constant 0 : i32
    %sign3A_422 = arith.cmpi sgt, %jit3A_412, %sign3A_421 : i32
    %sign3A_423 = arith.extui %sign3A_422 : i1 to i32
    %sign3A_424 = arith.constant 0 : i32
    %sign3A_425 = arith.cmpi slt, %jit3A_412, %sign3A_424 : i32
    %sign3A_426 = arith.extui %sign3A_425 : i1 to i32
    %sign3A_427 = arith.subi %sign3A_423, %sign3A_426 : i32
    %ne3A_428 = arith.cmpi ne, %sign3A_420, %sign3A_427 : i32
    %rem3A_429 = arith.remsi %add3A_411, %jit3A_412 : i32
    %ne3A_430 = arith.constant 0 : i32
    %ne3A_431 = arith.cmpi ne, %rem3A_429, %ne3A_430 : i32
    %and3A_432 = arith.andi %ne3A_428, %ne3A_431 : i1
    %sub3A_433 = arith.constant 1 : i32
    %sub3A_434 = arith.subi %div3A_413, %sub3A_433 : i32
    %select_n3A_435 = arith.select %and3A_432, %sub3A_434, %div3A_413 : i32
    %add3A_436 = arith.addi %convert_element_type3A_39, %select_n3A_435 : i32
    %eq3A_437 = arith.cmpi eq, %add3A_407, %add3A_436 : i32
    %sub3A_438 = arith.constant 1 : i32
    %sub3A_439 = arith.subi %add3A_407, %sub3A_438 : i32
    %select_n3A_440 = arith.select %eq3A_437, %sub3A_439, %add3A_407 : i32
    %get3A_441 = arith.constant 0 : index
    %get3A_442 = arith.index_cast %select_n3A_440 : i32 to index
    %get3A_443 = arith.constant 0 : index
    %get3A_444 = arith.constant 0 : index
    %get3A_445 = vector.load %arg2[%get3A_441, %get3A_442, %get3A_443, %get3A_444] : memref<1x64x64x384xf32, #tpu.memory_space<vmem>>, vector<1x1x64x384xf32>
    %get3A_446 = vector.shape_cast %get3A_445 : vector<1x1x64x384xf32> to vector<64x384xf32>
    %sub3A_447 = arith.subi %add3A_436, %select_n3A_440 : i32
    %while3A_448 = arith.constant 1 : i32
    %while3A_449 = arith.subi %sub3A_447, %while3A_448 : i32
    %while3A_450 = arith.addi %while3A_448, %while3A_449 : i32
    %while3A_451 = arith.constant 1 : i32
    %while3A_452 = arith.divsi %while3A_449, %while3A_451 : i32
    %while3A_453 = arith.muli %while3A_452, %while3A_451 : i32
    %while3A_454 = arith.addi %while3A_448, %while3A_453 : i32
    %while3A_455 = arith.constant 1 : i32
    %while3A_456 = scf.for %while3A_1197 = %while3A_448 to %while3A_454 step %while3A_455 iter_args(%while3A_1198 = %get3A_446) -> (vector<64x384xf32>)  : i32 {
      %add3A_1199 = arith.addi %select_n3A_440, %while3A_1197 : i32
      %get3A_1200 = arith.constant 0 : index
      %get3A_1201 = arith.index_cast %add3A_1199 : i32 to index
      %get3A_1202 = arith.constant 0 : index
      %get3A_1203 = arith.constant 0 : index
      %get3A_1204 = vector.load %arg2[%get3A_1200, %get3A_1201, %get3A_1202, %get3A_1203] : memref<1x64x64x384xf32, #tpu.memory_space<vmem>>, vector<1x1x64x384xf32>
      %get3A_1205 = vector.shape_cast %get3A_1204 : vector<1x1x64x384xf32> to vector<64x384xf32>
      %max3A = arith.maximumf %while3A_1198, %get3A_1205 : vector<64x384xf32>
      scf.yield %max3A : vector<64x384xf32>
    }
    %while3A_457 = arith.constant 1 : i32
    %while3A_458 = scf.for %while3A_1197 = %while3A_454 to %while3A_450 step %while3A_457 iter_args(%while3A_1198 = %while3A_456) -> (vector<64x384xf32>)  : i32 {
      %add3A_1199 = arith.addi %select_n3A_440, %while3A_1197 : i32
      %get3A_1200 = arith.constant 0 : index
      %get3A_1201 = arith.index_cast %add3A_1199 : i32 to index
      %get3A_1202 = arith.constant 0 : index
      %get3A_1203 = arith.constant 0 : index
      %get3A_1204 = vector.load %arg2[%get3A_1200, %get3A_1201, %get3A_1202, %get3A_1203] : memref<1x64x64x384xf32, #tpu.memory_space<vmem>>, vector<1x1x64x384xf32>
      %get3A_1205 = vector.shape_cast %get3A_1204 : vector<1x1x64x384xf32> to vector<64x384xf32>
      %max3A = arith.maximumf %while3A_1198, %get3A_1205 : vector<64x384xf32>
      scf.yield %max3A : vector<64x384xf32>
    }
    %mul3A_459 = arith.constant 5 : i32
    %mul3A_460 = arith.muli %mul3A_459, %sub3A_59 : i32
    %add3A_461 = arith.constant 6 : i32
    %add3A_462 = arith.addi %mul3A_460, %add3A_461 : i32
    %jit3A_463 = arith.constant 7 : i32
    %div3A_464 = arith.divsi %add3A_462, %jit3A_463 : i32
    %sign3A_465 = arith.constant 0 : i32
    %sign3A_466 = arith.cmpi sgt, %add3A_462, %sign3A_465 : i32
    %sign3A_467 = arith.extui %sign3A_466 : i1 to i32
    %sign3A_468 = arith.constant 0 : i32
    %sign3A_469 = arith.cmpi slt, %add3A_462, %sign3A_468 : i32
    %sign3A_470 = arith.extui %sign3A_469 : i1 to i32
    %sign3A_471 = arith.subi %sign3A_467, %sign3A_470 : i32
    %sign3A_472 = arith.constant 0 : i32
    %sign3A_473 = arith.cmpi sgt, %jit3A_463, %sign3A_472 : i32
    %sign3A_474 = arith.extui %sign3A_473 : i1 to i32
    %sign3A_475 = arith.constant 0 : i32
    %sign3A_476 = arith.cmpi slt, %jit3A_463, %sign3A_475 : i32
    %sign3A_477 = arith.extui %sign3A_476 : i1 to i32
    %sign3A_478 = arith.subi %sign3A_474, %sign3A_477 : i32
    %ne3A_479 = arith.cmpi ne, %sign3A_471, %sign3A_478 : i32
    %rem3A_480 = arith.remsi %add3A_462, %jit3A_463 : i32
    %ne3A_481 = arith.constant 0 : i32
    %ne3A_482 = arith.cmpi ne, %rem3A_480, %ne3A_481 : i32
    %and3A_483 = arith.andi %ne3A_479, %ne3A_482 : i1
    %sub3A_484 = arith.constant 1 : i32
    %sub3A_485 = arith.subi %div3A_464, %sub3A_484 : i32
    %select_n3A_486 = arith.select %and3A_483, %sub3A_485, %div3A_464 : i32
    %add3A_487 = arith.addi %convert_element_type3A_39, %select_n3A_486 : i32
    %mul3A_488 = arith.constant 6 : i32
    %mul3A_489 = arith.muli %mul3A_488, %sub3A_59 : i32
    %add3A_490 = arith.constant 6 : i32
    %add3A_491 = arith.addi %mul3A_489, %add3A_490 : i32
    %jit3A_492 = arith.constant 7 : i32
    %div3A_493 = arith.divsi %add3A_491, %jit3A_492 : i32
    %sign3A_494 = arith.constant 0 : i32
    %sign3A_495 = arith.cmpi sgt, %add3A_491, %sign3A_494 : i32
    %sign3A_496 = arith.extui %sign3A_495 : i1 to i32
    %sign3A_497 = arith.constant 0 : i32
    %sign3A_498 = arith.cmpi slt, %add3A_491, %sign3A_497 : i32
    %sign3A_499 = arith.extui %sign3A_498 : i1 to i32
    %sign3A_500 = arith.subi %sign3A_496, %sign3A_499 : i32
    %sign3A_501 = arith.constant 0 : i32
    %sign3A_502 = arith.cmpi sgt, %jit3A_492, %sign3A_501 : i32
    %sign3A_503 = arith.extui %sign3A_502 : i1 to i32
    %sign3A_504 = arith.constant 0 : i32
    %sign3A_505 = arith.cmpi slt, %jit3A_492, %sign3A_504 : i32
    %sign3A_506 = arith.extui %sign3A_505 : i1 to i32
    %sign3A_507 = arith.subi %sign3A_503, %sign3A_506 : i32
    %ne3A_508 = arith.cmpi ne, %sign3A_500, %sign3A_507 : i32
    %rem3A_509 = arith.remsi %add3A_491, %jit3A_492 : i32
    %ne3A_510 = arith.constant 0 : i32
    %ne3A_511 = arith.cmpi ne, %rem3A_509, %ne3A_510 : i32
    %and3A_512 = arith.andi %ne3A_508, %ne3A_511 : i1
    %sub3A_513 = arith.constant 1 : i32
    %sub3A_514 = arith.subi %div3A_493, %sub3A_513 : i32
    %select_n3A_515 = arith.select %and3A_512, %sub3A_514, %div3A_493 : i32
    %add3A_516 = arith.addi %convert_element_type3A_39, %select_n3A_515 : i32
    %eq3A_517 = arith.cmpi eq, %add3A_487, %add3A_516 : i32
    %sub3A_518 = arith.constant 1 : i32
    %sub3A_519 = arith.subi %add3A_487, %sub3A_518 : i32
    %select_n3A_520 = arith.select %eq3A_517, %sub3A_519, %add3A_487 : i32
    %get3A_521 = arith.constant 0 : index
    %get3A_522 = arith.index_cast %select_n3A_520 : i32 to index
    %get3A_523 = arith.constant 0 : index
    %get3A_524 = arith.constant 0 : index
    %get3A_525 = vector.load %arg2[%get3A_521, %get3A_522, %get3A_523, %get3A_524] : memref<1x64x64x384xf32, #tpu.memory_space<vmem>>, vector<1x1x64x384xf32>
    %get3A_526 = vector.shape_cast %get3A_525 : vector<1x1x64x384xf32> to vector<64x384xf32>
    %sub3A_527 = arith.subi %add3A_516, %select_n3A_520 : i32
    %while3A_528 = arith.constant 1 : i32
    %while3A_529 = arith.subi %sub3A_527, %while3A_528 : i32
    %while3A_530 = arith.addi %while3A_528, %while3A_529 : i32
    %while3A_531 = arith.constant 1 : i32
    %while3A_532 = arith.divsi %while3A_529, %while3A_531 : i32
    %while3A_533 = arith.muli %while3A_532, %while3A_531 : i32
    %while3A_534 = arith.addi %while3A_528, %while3A_533 : i32
    %while3A_535 = arith.constant 1 : i32
    %while3A_536 = scf.for %while3A_1197 = %while3A_528 to %while3A_534 step %while3A_535 iter_args(%while3A_1198 = %get3A_526) -> (vector<64x384xf32>)  : i32 {
      %add3A_1199 = arith.addi %select_n3A_520, %while3A_1197 : i32
      %get3A_1200 = arith.constant 0 : index
      %get3A_1201 = arith.index_cast %add3A_1199 : i32 to index
      %get3A_1202 = arith.constant 0 : index
      %get3A_1203 = arith.constant 0 : index
      %get3A_1204 = vector.load %arg2[%get3A_1200, %get3A_1201, %get3A_1202, %get3A_1203] : memref<1x64x64x384xf32, #tpu.memory_space<vmem>>, vector<1x1x64x384xf32>
      %get3A_1205 = vector.shape_cast %get3A_1204 : vector<1x1x64x384xf32> to vector<64x384xf32>
      %max3A = arith.maximumf %while3A_1198, %get3A_1205 : vector<64x384xf32>
      scf.yield %max3A : vector<64x384xf32>
    }
    %while3A_537 = arith.constant 1 : i32
    %while3A_538 = scf.for %while3A_1197 = %while3A_534 to %while3A_530 step %while3A_537 iter_args(%while3A_1198 = %while3A_536) -> (vector<64x384xf32>)  : i32 {
      %add3A_1199 = arith.addi %select_n3A_520, %while3A_1197 : i32
      %get3A_1200 = arith.constant 0 : index
      %get3A_1201 = arith.index_cast %add3A_1199 : i32 to index
      %get3A_1202 = arith.constant 0 : index
      %get3A_1203 = arith.constant 0 : index
      %get3A_1204 = vector.load %arg2[%get3A_1200, %get3A_1201, %get3A_1202, %get3A_1203] : memref<1x64x64x384xf32, #tpu.memory_space<vmem>>, vector<1x1x64x384xf32>
      %get3A_1205 = vector.shape_cast %get3A_1204 : vector<1x1x64x384xf32> to vector<64x384xf32>
      %max3A = arith.maximumf %while3A_1198, %get3A_1205 : vector<64x384xf32>
      scf.yield %max3A : vector<64x384xf32>
    }
    %mul3A_539 = arith.constant 6 : i32
    %mul3A_540 = arith.muli %mul3A_539, %sub3A_59 : i32
    %add3A_541 = arith.constant 6 : i32
    %add3A_542 = arith.addi %mul3A_540, %add3A_541 : i32
    %jit3A_543 = arith.constant 7 : i32
    %div3A_544 = arith.divsi %add3A_542, %jit3A_543 : i32
    %sign3A_545 = arith.constant 0 : i32
    %sign3A_546 = arith.cmpi sgt, %add3A_542, %sign3A_545 : i32
    %sign3A_547 = arith.extui %sign3A_546 : i1 to i32
    %sign3A_548 = arith.constant 0 : i32
    %sign3A_549 = arith.cmpi slt, %add3A_542, %sign3A_548 : i32
    %sign3A_550 = arith.extui %sign3A_549 : i1 to i32
    %sign3A_551 = arith.subi %sign3A_547, %sign3A_550 : i32
    %sign3A_552 = arith.constant 0 : i32
    %sign3A_553 = arith.cmpi sgt, %jit3A_543, %sign3A_552 : i32
    %sign3A_554 = arith.extui %sign3A_553 : i1 to i32
    %sign3A_555 = arith.constant 0 : i32
    %sign3A_556 = arith.cmpi slt, %jit3A_543, %sign3A_555 : i32
    %sign3A_557 = arith.extui %sign3A_556 : i1 to i32
    %sign3A_558 = arith.subi %sign3A_554, %sign3A_557 : i32
    %ne3A_559 = arith.cmpi ne, %sign3A_551, %sign3A_558 : i32
    %rem3A_560 = arith.remsi %add3A_542, %jit3A_543 : i32
    %ne3A_561 = arith.constant 0 : i32
    %ne3A_562 = arith.cmpi ne, %rem3A_560, %ne3A_561 : i32
    %and3A_563 = arith.andi %ne3A_559, %ne3A_562 : i1
    %sub3A_564 = arith.constant 1 : i32
    %sub3A_565 = arith.subi %div3A_544, %sub3A_564 : i32
    %select_n3A_566 = arith.select %and3A_563, %sub3A_565, %div3A_544 : i32
    %add3A_567 = arith.addi %convert_element_type3A_39, %select_n3A_566 : i32
    %mul3A_568 = arith.constant 7 : i32
    %mul3A_569 = arith.muli %mul3A_568, %sub3A_59 : i32
    %add3A_570 = arith.constant 6 : i32
    %add3A_571 = arith.addi %mul3A_569, %add3A_570 : i32
    %jit3A_572 = arith.constant 7 : i32
    %div3A_573 = arith.divsi %add3A_571, %jit3A_572 : i32
    %sign3A_574 = arith.constant 0 : i32
    %sign3A_575 = arith.cmpi sgt, %add3A_571, %sign3A_574 : i32
    %sign3A_576 = arith.extui %sign3A_575 : i1 to i32
    %sign3A_577 = arith.constant 0 : i32
    %sign3A_578 = arith.cmpi slt, %add3A_571, %sign3A_577 : i32
    %sign3A_579 = arith.extui %sign3A_578 : i1 to i32
    %sign3A_580 = arith.subi %sign3A_576, %sign3A_579 : i32
    %sign3A_581 = arith.constant 0 : i32
    %sign3A_582 = arith.cmpi sgt, %jit3A_572, %sign3A_581 : i32
    %sign3A_583 = arith.extui %sign3A_582 : i1 to i32
    %sign3A_584 = arith.constant 0 : i32
    %sign3A_585 = arith.cmpi slt, %jit3A_572, %sign3A_584 : i32
    %sign3A_586 = arith.extui %sign3A_585 : i1 to i32
    %sign3A_587 = arith.subi %sign3A_583, %sign3A_586 : i32
    %ne3A_588 = arith.cmpi ne, %sign3A_580, %sign3A_587 : i32
    %rem3A_589 = arith.remsi %add3A_571, %jit3A_572 : i32
    %ne3A_590 = arith.constant 0 : i32
    %ne3A_591 = arith.cmpi ne, %rem3A_589, %ne3A_590 : i32
    %and3A_592 = arith.andi %ne3A_588, %ne3A_591 : i1
    %sub3A_593 = arith.constant 1 : i32
    %sub3A_594 = arith.subi %div3A_573, %sub3A_593 : i32
    %select_n3A_595 = arith.select %and3A_592, %sub3A_594, %div3A_573 : i32
    %add3A_596 = arith.addi %convert_element_type3A_39, %select_n3A_595 : i32
    %eq3A_597 = arith.cmpi eq, %add3A_567, %add3A_596 : i32
    %sub3A_598 = arith.constant 1 : i32
    %sub3A_599 = arith.subi %add3A_567, %sub3A_598 : i32
    %select_n3A_600 = arith.select %eq3A_597, %sub3A_599, %add3A_567 : i32
    %get3A_601 = arith.constant 0 : index
    %get3A_602 = arith.index_cast %select_n3A_600 : i32 to index
    %get3A_603 = arith.constant 0 : index
    %get3A_604 = arith.constant 0 : index
    %get3A_605 = vector.load %arg2[%get3A_601, %get3A_602, %get3A_603, %get3A_604] : memref<1x64x64x384xf32, #tpu.memory_space<vmem>>, vector<1x1x64x384xf32>
    %get3A_606 = vector.shape_cast %get3A_605 : vector<1x1x64x384xf32> to vector<64x384xf32>
    %sub3A_607 = arith.subi %add3A_596, %select_n3A_600 : i32
    %while3A_608 = arith.constant 1 : i32
    %while3A_609 = arith.subi %sub3A_607, %while3A_608 : i32
    %while3A_610 = arith.addi %while3A_608, %while3A_609 : i32
    %while3A_611 = arith.constant 1 : i32
    %while3A_612 = arith.divsi %while3A_609, %while3A_611 : i32
    %while3A_613 = arith.muli %while3A_612, %while3A_611 : i32
    %while3A_614 = arith.addi %while3A_608, %while3A_613 : i32
    %while3A_615 = arith.constant 1 : i32
    %while3A_616 = scf.for %while3A_1197 = %while3A_608 to %while3A_614 step %while3A_615 iter_args(%while3A_1198 = %get3A_606) -> (vector<64x384xf32>)  : i32 {
      %add3A_1199 = arith.addi %select_n3A_600, %while3A_1197 : i32
      %get3A_1200 = arith.constant 0 : index
      %get3A_1201 = arith.index_cast %add3A_1199 : i32 to index
      %get3A_1202 = arith.constant 0 : index
      %get3A_1203 = arith.constant 0 : index
      %get3A_1204 = vector.load %arg2[%get3A_1200, %get3A_1201, %get3A_1202, %get3A_1203] : memref<1x64x64x384xf32, #tpu.memory_space<vmem>>, vector<1x1x64x384xf32>
      %get3A_1205 = vector.shape_cast %get3A_1204 : vector<1x1x64x384xf32> to vector<64x384xf32>
      %max3A = arith.maximumf %while3A_1198, %get3A_1205 : vector<64x384xf32>
      scf.yield %max3A : vector<64x384xf32>
    }
    %while3A_617 = arith.constant 1 : i32
    %while3A_618 = scf.for %while3A_1197 = %while3A_614 to %while3A_610 step %while3A_617 iter_args(%while3A_1198 = %while3A_616) -> (vector<64x384xf32>)  : i32 {
      %add3A_1199 = arith.addi %select_n3A_600, %while3A_1197 : i32
      %get3A_1200 = arith.constant 0 : index
      %get3A_1201 = arith.index_cast %add3A_1199 : i32 to index
      %get3A_1202 = arith.constant 0 : index
      %get3A_1203 = arith.constant 0 : index
      %get3A_1204 = vector.load %arg2[%get3A_1200, %get3A_1201, %get3A_1202, %get3A_1203] : memref<1x64x64x384xf32, #tpu.memory_space<vmem>>, vector<1x1x64x384xf32>
      %get3A_1205 = vector.shape_cast %get3A_1204 : vector<1x1x64x384xf32> to vector<64x384xf32>
      %max3A = arith.maximumf %while3A_1198, %get3A_1205 : vector<64x384xf32>
      scf.yield %max3A : vector<64x384xf32>
    }
    %stack3A = vector.shape_cast %while3A_138 : vector<64x384xf32> to vector<64x1x384xf32>
    %stack3A_619 = vector.shape_cast %while3A_218 : vector<64x384xf32> to vector<64x1x384xf32>
    %stack3A_620 = vector.shape_cast %while3A_298 : vector<64x384xf32> to vector<64x1x384xf32>
    %stack3A_621 = vector.shape_cast %while3A_378 : vector<64x384xf32> to vector<64x1x384xf32>
    %stack3A_622 = vector.shape_cast %while3A_458 : vector<64x384xf32> to vector<64x1x384xf32>
    %stack3A_623 = vector.shape_cast %while3A_538 : vector<64x384xf32> to vector<64x1x384xf32>
    %stack3A_624 = vector.shape_cast %while3A_618 : vector<64x384xf32> to vector<64x1x384xf32>
    %stack3A_625 = tpu.concatenate %stack3A, %stack3A_619, %stack3A_620, %stack3A_621, %stack3A_622, %stack3A_623, %stack3A_624 in 1 : vector<64x1x384xf32>, vector<64x1x384xf32>, vector<64x1x384xf32>, vector<64x1x384xf32>, vector<64x1x384xf32>, vector<64x1x384xf32>, vector<64x1x384xf32> -> vector<64x7x384xf32>
    %swap3A = arith.constant 0 : index
    %swap3A_626 = arith.constant 0 : index
    %swap3A_627 = arith.constant 0 : index
    %swap3A_628 = vector.load %arg4[%swap3A, %swap3A_626, %swap3A_627] : memref<64x7x384xf32, #tpu.memory_space<vmem>>, vector<64x7x384xf32>
    tpu.vector_store %arg4[%swap3A, %swap3A_626, %swap3A_627], %stack3A_625 {strides = array<i32>} : memref<64x7x384xf32, #tpu.memory_space<vmem>>, vector<64x7x384xf32>,
    %mul3A_629 = arith.constant 0 : i32
    %mul3A_630 = arith.muli %mul3A_629, %sub3A_56 : i32
    %add3A_631 = arith.constant 6 : i32
    %add3A_632 = arith.addi %mul3A_630, %add3A_631 : i32
    %jit3A_633 = arith.constant 7 : i32
    %div3A_634 = arith.divsi %add3A_632, %jit3A_633 : i32
    %sign3A_635 = arith.constant 0 : i32
    %sign3A_636 = arith.cmpi sgt, %add3A_632, %sign3A_635 : i32
    %sign3A_637 = arith.extui %sign3A_636 : i1 to i32
    %sign3A_638 = arith.constant 0 : i32
    %sign3A_639 = arith.cmpi slt, %add3A_632, %sign3A_638 : i32
    %sign3A_640 = arith.extui %sign3A_639 : i1 to i32
    %sign3A_641 = arith.subi %sign3A_637, %sign3A_640 : i32
    %sign3A_642 = arith.constant 0 : i32
    %sign3A_643 = arith.cmpi sgt, %jit3A_633, %sign3A_642 : i32
    %sign3A_644 = arith.extui %sign3A_643 : i1 to i32
    %sign3A_645 = arith.constant 0 : i32
    %sign3A_646 = arith.cmpi slt, %jit3A_633, %sign3A_645 : i32
    %sign3A_647 = arith.extui %sign3A_646 : i1 to i32
    %sign3A_648 = arith.subi %sign3A_644, %sign3A_647 : i32
    %ne3A_649 = arith.cmpi ne, %sign3A_641, %sign3A_648 : i32
    %rem3A_650 = arith.remsi %add3A_632, %jit3A_633 : i32
    %ne3A_651 = arith.constant 0 : i32
    %ne3A_652 = arith.cmpi ne, %rem3A_650, %ne3A_651 : i32
    %and3A_653 = arith.andi %ne3A_649, %ne3A_652 : i1
    %sub3A_654 = arith.constant 1 : i32
    %sub3A_655 = arith.subi %div3A_634, %sub3A_654 : i32
    %select_n3A_656 = arith.select %and3A_653, %sub3A_655, %div3A_634 : i32
    %add3A_657 = arith.addi %convert_element_type3A, %select_n3A_656 : i32
    %mul3A_658 = arith.constant 1 : i32
    %mul3A_659 = arith.muli %mul3A_658, %sub3A_56 : i32
    %add3A_660 = arith.constant 6 : i32
    %add3A_661 = arith.addi %mul3A_659, %add3A_660 : i32
    %jit3A_662 = arith.constant 7 : i32
    %div3A_663 = arith.divsi %add3A_661, %jit3A_662 : i32
    %sign3A_664 = arith.constant 0 : i32
    %sign3A_665 = arith.cmpi sgt, %add3A_661, %sign3A_664 : i32
    %sign3A_666 = arith.extui %sign3A_665 : i1 to i32
    %sign3A_667 = arith.constant 0 : i32
    %sign3A_668 = arith.cmpi slt, %add3A_661, %sign3A_667 : i32
    %sign3A_669 = arith.extui %sign3A_668 : i1 to i32
    %sign3A_670 = arith.subi %sign3A_666, %sign3A_669 : i32
    %sign3A_671 = arith.constant 0 : i32
    %sign3A_672 = arith.cmpi sgt, %jit3A_662, %sign3A_671 : i32
    %sign3A_673 = arith.extui %sign3A_672 : i1 to i32
    %sign3A_674 = arith.constant 0 : i32
    %sign3A_675 = arith.cmpi slt, %jit3A_662, %sign3A_674 : i32
    %sign3A_676 = arith.extui %sign3A_675 : i1 to i32
    %sign3A_677 = arith.subi %sign3A_673, %sign3A_676 : i32
    %ne3A_678 = arith.cmpi ne, %sign3A_670, %sign3A_677 : i32
    %rem3A_679 = arith.remsi %add3A_661, %jit3A_662 : i32
    %ne3A_680 = arith.constant 0 : i32
    %ne3A_681 = arith.cmpi ne, %rem3A_679, %ne3A_680 : i32
    %and3A_682 = arith.andi %ne3A_678, %ne3A_681 : i1
    %sub3A_683 = arith.constant 1 : i32
    %sub3A_684 = arith.subi %div3A_663, %sub3A_683 : i32
    %select_n3A_685 = arith.select %and3A_682, %sub3A_684, %div3A_663 : i32
    %add3A_686 = arith.addi %convert_element_type3A, %select_n3A_685 : i32
    %eq3A_687 = arith.cmpi eq, %add3A_657, %add3A_686 : i32
    %sub3A_688 = arith.constant 1 : i32
    %sub3A_689 = arith.subi %add3A_657, %sub3A_688 : i32
    %select_n3A_690 = arith.select %eq3A_687, %sub3A_689, %add3A_657 : i32
    %get3A_691 = arith.index_cast %select_n3A_690 : i32 to index
    %get3A_692 = arith.constant 0 : index
    %get3A_693 = arith.constant 0 : index
    %get3A_694 = vector.load %arg4[%get3A_691, %get3A_692, %get3A_693] : memref<64x7x384xf32, #tpu.memory_space<vmem>>, vector<1x7x384xf32>
    %get3A_695 = vector.shape_cast %get3A_694 : vector<1x7x384xf32> to vector<7x384xf32>
    %sub3A_696 = arith.subi %add3A_686, %select_n3A_690 : i32
    %while3A_697 = arith.constant 1 : i32
    %while3A_698 = arith.subi %sub3A_696, %while3A_697 : i32
    %while3A_699 = arith.addi %while3A_697, %while3A_698 : i32
    %while3A_700 = arith.constant 1 : i32
    %while3A_701 = arith.divsi %while3A_698, %while3A_700 : i32
    %while3A_702 = arith.muli %while3A_701, %while3A_700 : i32
    %while3A_703 = arith.addi %while3A_697, %while3A_702 : i32
    %while3A_704 = arith.constant 1 : i32
    %while3A_705 = scf.for %while3A_1197 = %while3A_697 to %while3A_703 step %while3A_704 iter_args(%while3A_1198 = %get3A_695) -> (vector<7x384xf32>)  : i32 {
      %add3A_1199 = arith.addi %select_n3A_690, %while3A_1197 : i32
      %get3A_1200 = arith.index_cast %add3A_1199 : i32 to index
      %get3A_1201 = arith.constant 0 : index
      %get3A_1202 = arith.constant 0 : index
      %get3A_1203 = vector.load %arg4[%get3A_1200, %get3A_1201, %get3A_1202] : memref<64x7x384xf32, #tpu.memory_space<vmem>>, vector<1x7x384xf32>
      %get3A_1204 = vector.shape_cast %get3A_1203 : vector<1x7x384xf32> to vector<7x384xf32>
      %max3A = arith.maximumf %while3A_1198, %get3A_1204 : vector<7x384xf32>
      scf.yield %max3A : vector<7x384xf32>
    }
    %while3A_706 = arith.constant 1 : i32
    %while3A_707 = scf.for %while3A_1197 = %while3A_703 to %while3A_699 step %while3A_706 iter_args(%while3A_1198 = %while3A_705) -> (vector<7x384xf32>)  : i32 {
      %add3A_1199 = arith.addi %select_n3A_690, %while3A_1197 : i32
      %get3A_1200 = arith.index_cast %add3A_1199 : i32 to index
      %get3A_1201 = arith.constant 0 : index
      %get3A_1202 = arith.constant 0 : index
      %get3A_1203 = vector.load %arg4[%get3A_1200, %get3A_1201, %get3A_1202] : memref<64x7x384xf32, #tpu.memory_space<vmem>>, vector<1x7x384xf32>
      %get3A_1204 = vector.shape_cast %get3A_1203 : vector<1x7x384xf32> to vector<7x384xf32>
      %max3A = arith.maximumf %while3A_1198, %get3A_1204 : vector<7x384xf32>
      scf.yield %max3A : vector<7x384xf32>
    }
    %mul3A_708 = arith.constant 1 : i32
    %mul3A_709 = arith.muli %mul3A_708, %sub3A_56 : i32
    %add3A_710 = arith.constant 6 : i32
    %add3A_711 = arith.addi %mul3A_709, %add3A_710 : i32
    %jit3A_712 = arith.constant 7 : i32
    %div3A_713 = arith.divsi %add3A_711, %jit3A_712 : i32
    %sign3A_714 = arith.constant 0 : i32
    %sign3A_715 = arith.cmpi sgt, %add3A_711, %sign3A_714 : i32
    %sign3A_716 = arith.extui %sign3A_715 : i1 to i32
    %sign3A_717 = arith.constant 0 : i32
    %sign3A_718 = arith.cmpi slt, %add3A_711, %sign3A_717 : i32
    %sign3A_719 = arith.extui %sign3A_718 : i1 to i32
    %sign3A_720 = arith.subi %sign3A_716, %sign3A_719 : i32
    %sign3A_721 = arith.constant 0 : i32
    %sign3A_722 = arith.cmpi sgt, %jit3A_712, %sign3A_721 : i32
    %sign3A_723 = arith.extui %sign3A_722 : i1 to i32
    %sign3A_724 = arith.constant 0 : i32
    %sign3A_725 = arith.cmpi slt, %jit3A_712, %sign3A_724 : i32
    %sign3A_726 = arith.extui %sign3A_725 : i1 to i32
    %sign3A_727 = arith.subi %sign3A_723, %sign3A_726 : i32
    %ne3A_728 = arith.cmpi ne, %sign3A_720, %sign3A_727 : i32
    %rem3A_729 = arith.remsi %add3A_711, %jit3A_712 : i32
    %ne3A_730 = arith.constant 0 : i32
    %ne3A_731 = arith.cmpi ne, %rem3A_729, %ne3A_730 : i32
    %and3A_732 = arith.andi %ne3A_728, %ne3A_731 : i1
    %sub3A_733 = arith.constant 1 : i32
    %sub3A_734 = arith.subi %div3A_713, %sub3A_733 : i32
    %select_n3A_735 = arith.select %and3A_732, %sub3A_734, %div3A_713 : i32
    %add3A_736 = arith.addi %convert_element_type3A, %select_n3A_735 : i32
    %mul3A_737 = arith.constant 2 : i32
    %mul3A_738 = arith.muli %mul3A_737, %sub3A_56 : i32
    %add3A_739 = arith.constant 6 : i32
    %add3A_740 = arith.addi %mul3A_738, %add3A_739 : i32
    %jit3A_741 = arith.constant 7 : i32
    %div3A_742 = arith.divsi %add3A_740, %jit3A_741 : i32
    %sign3A_743 = arith.constant 0 : i32
    %sign3A_744 = arith.cmpi sgt, %add3A_740, %sign3A_743 : i32
    %sign3A_745 = arith.extui %sign3A_744 : i1 to i32
    %sign3A_746 = arith.constant 0 : i32
    %sign3A_747 = arith.cmpi slt, %add3A_740, %sign3A_746 : i32
    %sign3A_748 = arith.extui %sign3A_747 : i1 to i32
    %sign3A_749 = arith.subi %sign3A_745, %sign3A_748 : i32
    %sign3A_750 = arith.constant 0 : i32
    %sign3A_751 = arith.cmpi sgt, %jit3A_741, %sign3A_750 : i32
    %sign3A_752 = arith.extui %sign3A_751 : i1 to i32
    %sign3A_753 = arith.constant 0 : i32
    %sign3A_754 = arith.cmpi slt, %jit3A_741, %sign3A_753 : i32
    %sign3A_755 = arith.extui %sign3A_754 : i1 to i32
    %sign3A_756 = arith.subi %sign3A_752, %sign3A_755 : i32
    %ne3A_757 = arith.cmpi ne, %sign3A_749, %sign3A_756 : i32
    %rem3A_758 = arith.remsi %add3A_740, %jit3A_741 : i32
    %ne3A_759 = arith.constant 0 : i32
    %ne3A_760 = arith.cmpi ne, %rem3A_758, %ne3A_759 : i32
    %and3A_761 = arith.andi %ne3A_757, %ne3A_760 : i1
    %sub3A_762 = arith.constant 1 : i32
    %sub3A_763 = arith.subi %div3A_742, %sub3A_762 : i32
    %select_n3A_764 = arith.select %and3A_761, %sub3A_763, %div3A_742 : i32
    %add3A_765 = arith.addi %convert_element_type3A, %select_n3A_764 : i32
    %eq3A_766 = arith.cmpi eq, %add3A_736, %add3A_765 : i32
    %sub3A_767 = arith.constant 1 : i32
    %sub3A_768 = arith.subi %add3A_736, %sub3A_767 : i32
    %select_n3A_769 = arith.select %eq3A_766, %sub3A_768, %add3A_736 : i32
    %get3A_770 = arith.index_cast %select_n3A_769 : i32 to index
    %get3A_771 = arith.constant 0 : index
    %get3A_772 = arith.constant 0 : index
    %get3A_773 = vector.load %arg4[%get3A_770, %get3A_771, %get3A_772] : memref<64x7x384xf32, #tpu.memory_space<vmem>>, vector<1x7x384xf32>
    %get3A_774 = vector.shape_cast %get3A_773 : vector<1x7x384xf32> to vector<7x384xf32>
    %sub3A_775 = arith.subi %add3A_765, %select_n3A_769 : i32
    %while3A_776 = arith.constant 1 : i32
    %while3A_777 = arith.subi %sub3A_775, %while3A_776 : i32
    %while3A_778 = arith.addi %while3A_776, %while3A_777 : i32
    %while3A_779 = arith.constant 1 : i32
    %while3A_780 = arith.divsi %while3A_777, %while3A_779 : i32
    %while3A_781 = arith.muli %while3A_780, %while3A_779 : i32
    %while3A_782 = arith.addi %while3A_776, %while3A_781 : i32
    %while3A_783 = arith.constant 1 : i32
    %while3A_784 = scf.for %while3A_1197 = %while3A_776 to %while3A_782 step %while3A_783 iter_args(%while3A_1198 = %get3A_774) -> (vector<7x384xf32>)  : i32 {
      %add3A_1199 = arith.addi %select_n3A_769, %while3A_1197 : i32
      %get3A_1200 = arith.index_cast %add3A_1199 : i32 to index
      %get3A_1201 = arith.constant 0 : index
      %get3A_1202 = arith.constant 0 : index
      %get3A_1203 = vector.load %arg4[%get3A_1200, %get3A_1201, %get3A_1202] : memref<64x7x384xf32, #tpu.memory_space<vmem>>, vector<1x7x384xf32>
      %get3A_1204 = vector.shape_cast %get3A_1203 : vector<1x7x384xf32> to vector<7x384xf32>
      %max3A = arith.maximumf %while3A_1198, %get3A_1204 : vector<7x384xf32>
      scf.yield %max3A : vector<7x384xf32>
    }
    %while3A_785 = arith.constant 1 : i32
    %while3A_786 = scf.for %while3A_1197 = %while3A_782 to %while3A_778 step %while3A_785 iter_args(%while3A_1198 = %while3A_784) -> (vector<7x384xf32>)  : i32 {
      %add3A_1199 = arith.addi %select_n3A_769, %while3A_1197 : i32
      %get3A_1200 = arith.index_cast %add3A_1199 : i32 to index
      %get3A_1201 = arith.constant 0 : index
      %get3A_1202 = arith.constant 0 : index
      %get3A_1203 = vector.load %arg4[%get3A_1200, %get3A_1201, %get3A_1202] : memref<64x7x384xf32, #tpu.memory_space<vmem>>, vector<1x7x384xf32>
      %get3A_1204 = vector.shape_cast %get3A_1203 : vector<1x7x384xf32> to vector<7x384xf32>
      %max3A = arith.maximumf %while3A_1198, %get3A_1204 : vector<7x384xf32>
      scf.yield %max3A : vector<7x384xf32>
    }
    %mul3A_787 = arith.constant 2 : i32
    %mul3A_788 = arith.muli %mul3A_787, %sub3A_56 : i32
    %add3A_789 = arith.constant 6 : i32
    %add3A_790 = arith.addi %mul3A_788, %add3A_789 : i32
    %jit3A_791 = arith.constant 7 : i32
    %div3A_792 = arith.divsi %add3A_790, %jit3A_791 : i32
    %sign3A_793 = arith.constant 0 : i32
    %sign3A_794 = arith.cmpi sgt, %add3A_790, %sign3A_793 : i32
    %sign3A_795 = arith.extui %sign3A_794 : i1 to i32
    %sign3A_796 = arith.constant 0 : i32
    %sign3A_797 = arith.cmpi slt, %add3A_790, %sign3A_796 : i32
    %sign3A_798 = arith.extui %sign3A_797 : i1 to i32
    %sign3A_799 = arith.subi %sign3A_795, %sign3A_798 : i32
    %sign3A_800 = arith.constant 0 : i32
    %sign3A_801 = arith.cmpi sgt, %jit3A_791, %sign3A_800 : i32
    %sign3A_802 = arith.extui %sign3A_801 : i1 to i32
    %sign3A_803 = arith.constant 0 : i32
    %sign3A_804 = arith.cmpi slt, %jit3A_791, %sign3A_803 : i32
    %sign3A_805 = arith.extui %sign3A_804 : i1 to i32
    %sign3A_806 = arith.subi %sign3A_802, %sign3A_805 : i32
    %ne3A_807 = arith.cmpi ne, %sign3A_799, %sign3A_806 : i32
    %rem3A_808 = arith.remsi %add3A_790, %jit3A_791 : i32
    %ne3A_809 = arith.constant 0 : i32
    %ne3A_810 = arith.cmpi ne, %rem3A_808, %ne3A_809 : i32
    %and3A_811 = arith.andi %ne3A_807, %ne3A_810 : i1
    %sub3A_812 = arith.constant 1 : i32
    %sub3A_813 = arith.subi %div3A_792, %sub3A_812 : i32
    %select_n3A_814 = arith.select %and3A_811, %sub3A_813, %div3A_792 : i32
    %add3A_815 = arith.addi %convert_element_type3A, %select_n3A_814 : i32
    %mul3A_816 = arith.constant 3 : i32
    %mul3A_817 = arith.muli %mul3A_816, %sub3A_56 : i32
    %add3A_818 = arith.constant 6 : i32
    %add3A_819 = arith.addi %mul3A_817, %add3A_818 : i32
    %jit3A_820 = arith.constant 7 : i32
    %div3A_821 = arith.divsi %add3A_819, %jit3A_820 : i32
    %sign3A_822 = arith.constant 0 : i32
    %sign3A_823 = arith.cmpi sgt, %add3A_819, %sign3A_822 : i32
    %sign3A_824 = arith.extui %sign3A_823 : i1 to i32
    %sign3A_825 = arith.constant 0 : i32
    %sign3A_826 = arith.cmpi slt, %add3A_819, %sign3A_825 : i32
    %sign3A_827 = arith.extui %sign3A_826 : i1 to i32
    %sign3A_828 = arith.subi %sign3A_824, %sign3A_827 : i32
    %sign3A_829 = arith.constant 0 : i32
    %sign3A_830 = arith.cmpi sgt, %jit3A_820, %sign3A_829 : i32
    %sign3A_831 = arith.extui %sign3A_830 : i1 to i32
    %sign3A_832 = arith.constant 0 : i32
    %sign3A_833 = arith.cmpi slt, %jit3A_820, %sign3A_832 : i32
    %sign3A_834 = arith.extui %sign3A_833 : i1 to i32
    %sign3A_835 = arith.subi %sign3A_831, %sign3A_834 : i32
    %ne3A_836 = arith.cmpi ne, %sign3A_828, %sign3A_835 : i32
    %rem3A_837 = arith.remsi %add3A_819, %jit3A_820 : i32
    %ne3A_838 = arith.constant 0 : i32
    %ne3A_839 = arith.cmpi ne, %rem3A_837, %ne3A_838 : i32
    %and3A_840 = arith.andi %ne3A_836, %ne3A_839 : i1
    %sub3A_841 = arith.constant 1 : i32
    %sub3A_842 = arith.subi %div3A_821, %sub3A_841 : i32
    %select_n3A_843 = arith.select %and3A_840, %sub3A_842, %div3A_821 : i32
    %add3A_844 = arith.addi %convert_element_type3A, %select_n3A_843 : i32
    %eq3A_845 = arith.cmpi eq, %add3A_815, %add3A_844 : i32
    %sub3A_846 = arith.constant 1 : i32
    %sub3A_847 = arith.subi %add3A_815, %sub3A_846 : i32
    %select_n3A_848 = arith.select %eq3A_845, %sub3A_847, %add3A_815 : i32
    %get3A_849 = arith.index_cast %select_n3A_848 : i32 to index
    %get3A_850 = arith.constant 0 : index
    %get3A_851 = arith.constant 0 : index
    %get3A_852 = vector.load %arg4[%get3A_849, %get3A_850, %get3A_851] : memref<64x7x384xf32, #tpu.memory_space<vmem>>, vector<1x7x384xf32>
    %get3A_853 = vector.shape_cast %get3A_852 : vector<1x7x384xf32> to vector<7x384xf32>
    %sub3A_854 = arith.subi %add3A_844, %select_n3A_848 : i32
    %while3A_855 = arith.constant 1 : i32
    %while3A_856 = arith.subi %sub3A_854, %while3A_855 : i32
    %while3A_857 = arith.addi %while3A_855, %while3A_856 : i32
    %while3A_858 = arith.constant 1 : i32
    %while3A_859 = arith.divsi %while3A_856, %while3A_858 : i32
    %while3A_860 = arith.muli %while3A_859, %while3A_858 : i32
    %while3A_861 = arith.addi %while3A_855, %while3A_860 : i32
    %while3A_862 = arith.constant 1 : i32
    %while3A_863 = scf.for %while3A_1197 = %while3A_855 to %while3A_861 step %while3A_862 iter_args(%while3A_1198 = %get3A_853) -> (vector<7x384xf32>)  : i32 {
      %add3A_1199 = arith.addi %select_n3A_848, %while3A_1197 : i32
      %get3A_1200 = arith.index_cast %add3A_1199 : i32 to index
      %get3A_1201 = arith.constant 0 : index
      %get3A_1202 = arith.constant 0 : index
      %get3A_1203 = vector.load %arg4[%get3A_1200, %get3A_1201, %get3A_1202] : memref<64x7x384xf32, #tpu.memory_space<vmem>>, vector<1x7x384xf32>
      %get3A_1204 = vector.shape_cast %get3A_1203 : vector<1x7x384xf32> to vector<7x384xf32>
      %max3A = arith.maximumf %while3A_1198, %get3A_1204 : vector<7x384xf32>
      scf.yield %max3A : vector<7x384xf32>
    }
    %while3A_864 = arith.constant 1 : i32
    %while3A_865 = scf.for %while3A_1197 = %while3A_861 to %while3A_857 step %while3A_864 iter_args(%while3A_1198 = %while3A_863) -> (vector<7x384xf32>)  : i32 {
      %add3A_1199 = arith.addi %select_n3A_848, %while3A_1197 : i32
      %get3A_1200 = arith.index_cast %add3A_1199 : i32 to index
      %get3A_1201 = arith.constant 0 : index
      %get3A_1202 = arith.constant 0 : index
      %get3A_1203 = vector.load %arg4[%get3A_1200, %get3A_1201, %get3A_1202] : memref<64x7x384xf32, #tpu.memory_space<vmem>>, vector<1x7x384xf32>
      %get3A_1204 = vector.shape_cast %get3A_1203 : vector<1x7x384xf32> to vector<7x384xf32>
      %max3A = arith.maximumf %while3A_1198, %get3A_1204 : vector<7x384xf32>
      scf.yield %max3A : vector<7x384xf32>
    }
    %mul3A_866 = arith.constant 3 : i32
    %mul3A_867 = arith.muli %mul3A_866, %sub3A_56 : i32
    %add3A_868 = arith.constant 6 : i32
    %add3A_869 = arith.addi %mul3A_867, %add3A_868 : i32
    %jit3A_870 = arith.constant 7 : i32
    %div3A_871 = arith.divsi %add3A_869, %jit3A_870 : i32
    %sign3A_872 = arith.constant 0 : i32
    %sign3A_873 = arith.cmpi sgt, %add3A_869, %sign3A_872 : i32
    %sign3A_874 = arith.extui %sign3A_873 : i1 to i32
    %sign3A_875 = arith.constant 0 : i32
    %sign3A_876 = arith.cmpi slt, %add3A_869, %sign3A_875 : i32
    %sign3A_877 = arith.extui %sign3A_876 : i1 to i32
    %sign3A_878 = arith.subi %sign3A_874, %sign3A_877 : i32
    %sign3A_879 = arith.constant 0 : i32
    %sign3A_880 = arith.cmpi sgt, %jit3A_870, %sign3A_879 : i32
    %sign3A_881 = arith.extui %sign3A_880 : i1 to i32
    %sign3A_882 = arith.constant 0 : i32
    %sign3A_883 = arith.cmpi slt, %jit3A_870, %sign3A_882 : i32
    %sign3A_884 = arith.extui %sign3A_883 : i1 to i32
    %sign3A_885 = arith.subi %sign3A_881, %sign3A_884 : i32
    %ne3A_886 = arith.cmpi ne, %sign3A_878, %sign3A_885 : i32
    %rem3A_887 = arith.remsi %add3A_869, %jit3A_870 : i32
    %ne3A_888 = arith.constant 0 : i32
    %ne3A_889 = arith.cmpi ne, %rem3A_887, %ne3A_888 : i32
    %and3A_890 = arith.andi %ne3A_886, %ne3A_889 : i1
    %sub3A_891 = arith.constant 1 : i32
    %sub3A_892 = arith.subi %div3A_871, %sub3A_891 : i32
    %select_n3A_893 = arith.select %and3A_890, %sub3A_892, %div3A_871 : i32
    %add3A_894 = arith.addi %convert_element_type3A, %select_n3A_893 : i32
    %mul3A_895 = arith.constant 4 : i32
    %mul3A_896 = arith.muli %mul3A_895, %sub3A_56 : i32
    %add3A_897 = arith.constant 6 : i32
    %add3A_898 = arith.addi %mul3A_896, %add3A_897 : i32
    %jit3A_899 = arith.constant 7 : i32
    %div3A_900 = arith.divsi %add3A_898, %jit3A_899 : i32
    %sign3A_901 = arith.constant 0 : i32
    %sign3A_902 = arith.cmpi sgt, %add3A_898, %sign3A_901 : i32
    %sign3A_903 = arith.extui %sign3A_902 : i1 to i32
    %sign3A_904 = arith.constant 0 : i32
    %sign3A_905 = arith.cmpi slt, %add3A_898, %sign3A_904 : i32
    %sign3A_906 = arith.extui %sign3A_905 : i1 to i32
    %sign3A_907 = arith.subi %sign3A_903, %sign3A_906 : i32
    %sign3A_908 = arith.constant 0 : i32
    %sign3A_909 = arith.cmpi sgt, %jit3A_899, %sign3A_908 : i32
    %sign3A_910 = arith.extui %sign3A_909 : i1 to i32
    %sign3A_911 = arith.constant 0 : i32
    %sign3A_912 = arith.cmpi slt, %jit3A_899, %sign3A_911 : i32
    %sign3A_913 = arith.extui %sign3A_912 : i1 to i32
    %sign3A_914 = arith.subi %sign3A_910, %sign3A_913 : i32
    %ne3A_915 = arith.cmpi ne, %sign3A_907, %sign3A_914 : i32
    %rem3A_916 = arith.remsi %add3A_898, %jit3A_899 : i32
    %ne3A_917 = arith.constant 0 : i32
    %ne3A_918 = arith.cmpi ne, %rem3A_916, %ne3A_917 : i32
    %and3A_919 = arith.andi %ne3A_915, %ne3A_918 : i1
    %sub3A_920 = arith.constant 1 : i32
    %sub3A_921 = arith.subi %div3A_900, %sub3A_920 : i32
    %select_n3A_922 = arith.select %and3A_919, %sub3A_921, %div3A_900 : i32
    %add3A_923 = arith.addi %convert_element_type3A, %select_n3A_922 : i32
    %eq3A_924 = arith.cmpi eq, %add3A_894, %add3A_923 : i32
    %sub3A_925 = arith.constant 1 : i32
    %sub3A_926 = arith.subi %add3A_894, %sub3A_925 : i32
    %select_n3A_927 = arith.select %eq3A_924, %sub3A_926, %add3A_894 : i32
    %get3A_928 = arith.index_cast %select_n3A_927 : i32 to index
    %get3A_929 = arith.constant 0 : index
    %get3A_930 = arith.constant 0 : index
    %get3A_931 = vector.load %arg4[%get3A_928, %get3A_929, %get3A_930] : memref<64x7x384xf32, #tpu.memory_space<vmem>>, vector<1x7x384xf32>
    %get3A_932 = vector.shape_cast %get3A_931 : vector<1x7x384xf32> to vector<7x384xf32>
    %sub3A_933 = arith.subi %add3A_923, %select_n3A_927 : i32
    %while3A_934 = arith.constant 1 : i32
    %while3A_935 = arith.subi %sub3A_933, %while3A_934 : i32
    %while3A_936 = arith.addi %while3A_934, %while3A_935 : i32
    %while3A_937 = arith.constant 1 : i32
    %while3A_938 = arith.divsi %while3A_935, %while3A_937 : i32
    %while3A_939 = arith.muli %while3A_938, %while3A_937 : i32
    %while3A_940 = arith.addi %while3A_934, %while3A_939 : i32
    %while3A_941 = arith.constant 1 : i32
    %while3A_942 = scf.for %while3A_1197 = %while3A_934 to %while3A_940 step %while3A_941 iter_args(%while3A_1198 = %get3A_932) -> (vector<7x384xf32>)  : i32 {
      %add3A_1199 = arith.addi %select_n3A_927, %while3A_1197 : i32
      %get3A_1200 = arith.index_cast %add3A_1199 : i32 to index
      %get3A_1201 = arith.constant 0 : index
      %get3A_1202 = arith.constant 0 : index
      %get3A_1203 = vector.load %arg4[%get3A_1200, %get3A_1201, %get3A_1202] : memref<64x7x384xf32, #tpu.memory_space<vmem>>, vector<1x7x384xf32>
      %get3A_1204 = vector.shape_cast %get3A_1203 : vector<1x7x384xf32> to vector<7x384xf32>
      %max3A = arith.maximumf %while3A_1198, %get3A_1204 : vector<7x384xf32>
      scf.yield %max3A : vector<7x384xf32>
    }
    %while3A_943 = arith.constant 1 : i32
    %while3A_944 = scf.for %while3A_1197 = %while3A_940 to %while3A_936 step %while3A_943 iter_args(%while3A_1198 = %while3A_942) -> (vector<7x384xf32>)  : i32 {
      %add3A_1199 = arith.addi %select_n3A_927, %while3A_1197 : i32
      %get3A_1200 = arith.index_cast %add3A_1199 : i32 to index
      %get3A_1201 = arith.constant 0 : index
      %get3A_1202 = arith.constant 0 : index
      %get3A_1203 = vector.load %arg4[%get3A_1200, %get3A_1201, %get3A_1202] : memref<64x7x384xf32, #tpu.memory_space<vmem>>, vector<1x7x384xf32>
      %get3A_1204 = vector.shape_cast %get3A_1203 : vector<1x7x384xf32> to vector<7x384xf32>
      %max3A = arith.maximumf %while3A_1198, %get3A_1204 : vector<7x384xf32>
      scf.yield %max3A : vector<7x384xf32>
    }
    %mul3A_945 = arith.constant 4 : i32
    %mul3A_946 = arith.muli %mul3A_945, %sub3A_56 : i32
    %add3A_947 = arith.constant 6 : i32
    %add3A_948 = arith.addi %mul3A_946, %add3A_947 : i32
    %jit3A_949 = arith.constant 7 : i32
    %div3A_950 = arith.divsi %add3A_948, %jit3A_949 : i32
    %sign3A_951 = arith.constant 0 : i32
    %sign3A_952 = arith.cmpi sgt, %add3A_948, %sign3A_951 : i32
    %sign3A_953 = arith.extui %sign3A_952 : i1 to i32
    %sign3A_954 = arith.constant 0 : i32
    %sign3A_955 = arith.cmpi slt, %add3A_948, %sign3A_954 : i32
    %sign3A_956 = arith.extui %sign3A_955 : i1 to i32
    %sign3A_957 = arith.subi %sign3A_953, %sign3A_956 : i32
    %sign3A_958 = arith.constant 0 : i32
    %sign3A_959 = arith.cmpi sgt, %jit3A_949, %sign3A_958 : i32
    %sign3A_960 = arith.extui %sign3A_959 : i1 to i32
    %sign3A_961 = arith.constant 0 : i32
    %sign3A_962 = arith.cmpi slt, %jit3A_949, %sign3A_961 : i32
    %sign3A_963 = arith.extui %sign3A_962 : i1 to i32
    %sign3A_964 = arith.subi %sign3A_960, %sign3A_963 : i32
    %ne3A_965 = arith.cmpi ne, %sign3A_957, %sign3A_964 : i32
    %rem3A_966 = arith.remsi %add3A_948, %jit3A_949 : i32
    %ne3A_967 = arith.constant 0 : i32
    %ne3A_968 = arith.cmpi ne, %rem3A_966, %ne3A_967 : i32
    %and3A_969 = arith.andi %ne3A_965, %ne3A_968 : i1
    %sub3A_970 = arith.constant 1 : i32
    %sub3A_971 = arith.subi %div3A_950, %sub3A_970 : i32
    %select_n3A_972 = arith.select %and3A_969, %sub3A_971, %div3A_950 : i32
    %add3A_973 = arith.addi %convert_element_type3A, %select_n3A_972 : i32
    %mul3A_974 = arith.constant 5 : i32
    %mul3A_975 = arith.muli %mul3A_974, %sub3A_56 : i32
    %add3A_976 = arith.constant 6 : i32
    %add3A_977 = arith.addi %mul3A_975, %add3A_976 : i32
    %jit3A_978 = arith.constant 7 : i32
    %div3A_979 = arith.divsi %add3A_977, %jit3A_978 : i32
    %sign3A_980 = arith.constant 0 : i32
    %sign3A_981 = arith.cmpi sgt, %add3A_977, %sign3A_980 : i32
    %sign3A_982 = arith.extui %sign3A_981 : i1 to i32
    %sign3A_983 = arith.constant 0 : i32
    %sign3A_984 = arith.cmpi slt, %add3A_977, %sign3A_983 : i32
    %sign3A_985 = arith.extui %sign3A_984 : i1 to i32
    %sign3A_986 = arith.subi %sign3A_982, %sign3A_985 : i32
    %sign3A_987 = arith.constant 0 : i32
    %sign3A_988 = arith.cmpi sgt, %jit3A_978, %sign3A_987 : i32
    %sign3A_989 = arith.extui %sign3A_988 : i1 to i32
    %sign3A_990 = arith.constant 0 : i32
    %sign3A_991 = arith.cmpi slt, %jit3A_978, %sign3A_990 : i32
    %sign3A_992 = arith.extui %sign3A_991 : i1 to i32
    %sign3A_993 = arith.subi %sign3A_989, %sign3A_992 : i32
    %ne3A_994 = arith.cmpi ne, %sign3A_986, %sign3A_993 : i32
    %rem3A_995 = arith.remsi %add3A_977, %jit3A_978 : i32
    %ne3A_996 = arith.constant 0 : i32
    %ne3A_997 = arith.cmpi ne, %rem3A_995, %ne3A_996 : i32
    %and3A_998 = arith.andi %ne3A_994, %ne3A_997 : i1
    %sub3A_999 = arith.constant 1 : i32
    %sub3A_1000 = arith.subi %div3A_979, %sub3A_999 : i32
    %select_n3A_1001 = arith.select %and3A_998, %sub3A_1000, %div3A_979 : i32
    %add3A_1002 = arith.addi %convert_element_type3A, %select_n3A_1001 : i32
    %eq3A_1003 = arith.cmpi eq, %add3A_973, %add3A_1002 : i32
    %sub3A_1004 = arith.constant 1 : i32
    %sub3A_1005 = arith.subi %add3A_973, %sub3A_1004 : i32
    %select_n3A_1006 = arith.select %eq3A_1003, %sub3A_1005, %add3A_973 : i32
    %get3A_1007 = arith.index_cast %select_n3A_1006 : i32 to index
    %get3A_1008 = arith.constant 0 : index
    %get3A_1009 = arith.constant 0 : index
    %get3A_1010 = vector.load %arg4[%get3A_1007, %get3A_1008, %get3A_1009] : memref<64x7x384xf32, #tpu.memory_space<vmem>>, vector<1x7x384xf32>
    %get3A_1011 = vector.shape_cast %get3A_1010 : vector<1x7x384xf32> to vector<7x384xf32>
    %sub3A_1012 = arith.subi %add3A_1002, %select_n3A_1006 : i32
    %while3A_1013 = arith.constant 1 : i32
    %while3A_1014 = arith.subi %sub3A_1012, %while3A_1013 : i32
    %while3A_1015 = arith.addi %while3A_1013, %while3A_1014 : i32
    %while3A_1016 = arith.constant 1 : i32
    %while3A_1017 = arith.divsi %while3A_1014, %while3A_1016 : i32
    %while3A_1018 = arith.muli %while3A_1017, %while3A_1016 : i32
    %while3A_1019 = arith.addi %while3A_1013, %while3A_1018 : i32
    %while3A_1020 = arith.constant 1 : i32
    %while3A_1021 = scf.for %while3A_1197 = %while3A_1013 to %while3A_1019 step %while3A_1020 iter_args(%while3A_1198 = %get3A_1011) -> (vector<7x384xf32>)  : i32 {
      %add3A_1199 = arith.addi %select_n3A_1006, %while3A_1197 : i32
      %get3A_1200 = arith.index_cast %add3A_1199 : i32 to index
      %get3A_1201 = arith.constant 0 : index
      %get3A_1202 = arith.constant 0 : index
      %get3A_1203 = vector.load %arg4[%get3A_1200, %get3A_1201, %get3A_1202] : memref<64x7x384xf32, #tpu.memory_space<vmem>>, vector<1x7x384xf32>
      %get3A_1204 = vector.shape_cast %get3A_1203 : vector<1x7x384xf32> to vector<7x384xf32>
      %max3A = arith.maximumf %while3A_1198, %get3A_1204 : vector<7x384xf32>
      scf.yield %max3A : vector<7x384xf32>
    }
    %while3A_1022 = arith.constant 1 : i32
    %while3A_1023 = scf.for %while3A_1197 = %while3A_1019 to %while3A_1015 step %while3A_1022 iter_args(%while3A_1198 = %while3A_1021) -> (vector<7x384xf32>)  : i32 {
      %add3A_1199 = arith.addi %select_n3A_1006, %while3A_1197 : i32
      %get3A_1200 = arith.index_cast %add3A_1199 : i32 to index
      %get3A_1201 = arith.constant 0 : index
      %get3A_1202 = arith.constant 0 : index
      %get3A_1203 = vector.load %arg4[%get3A_1200, %get3A_1201, %get3A_1202] : memref<64x7x384xf32, #tpu.memory_space<vmem>>, vector<1x7x384xf32>
      %get3A_1204 = vector.shape_cast %get3A_1203 : vector<1x7x384xf32> to vector<7x384xf32>
      %max3A = arith.maximumf %while3A_1198, %get3A_1204 : vector<7x384xf32>
      scf.yield %max3A : vector<7x384xf32>
    }
    %mul3A_1024 = arith.constant 5 : i32
    %mul3A_1025 = arith.muli %mul3A_1024, %sub3A_56 : i32
    %add3A_1026 = arith.constant 6 : i32
    %add3A_1027 = arith.addi %mul3A_1025, %add3A_1026 : i32
    %jit3A_1028 = arith.constant 7 : i32
    %div3A_1029 = arith.divsi %add3A_1027, %jit3A_1028 : i32
    %sign3A_1030 = arith.constant 0 : i32
    %sign3A_1031 = arith.cmpi sgt, %add3A_1027, %sign3A_1030 : i32
    %sign3A_1032 = arith.extui %sign3A_1031 : i1 to i32
    %sign3A_1033 = arith.constant 0 : i32
    %sign3A_1034 = arith.cmpi slt, %add3A_1027, %sign3A_1033 : i32
    %sign3A_1035 = arith.extui %sign3A_1034 : i1 to i32
    %sign3A_1036 = arith.subi %sign3A_1032, %sign3A_1035 : i32
    %sign3A_1037 = arith.constant 0 : i32
    %sign3A_1038 = arith.cmpi sgt, %jit3A_1028, %sign3A_1037 : i32
    %sign3A_1039 = arith.extui %sign3A_1038 : i1 to i32
    %sign3A_1040 = arith.constant 0 : i32
    %sign3A_1041 = arith.cmpi slt, %jit3A_1028, %sign3A_1040 : i32
    %sign3A_1042 = arith.extui %sign3A_1041 : i1 to i32
    %sign3A_1043 = arith.subi %sign3A_1039, %sign3A_1042 : i32
    %ne3A_1044 = arith.cmpi ne, %sign3A_1036, %sign3A_1043 : i32
    %rem3A_1045 = arith.remsi %add3A_1027, %jit3A_1028 : i32
    %ne3A_1046 = arith.constant 0 : i32
    %ne3A_1047 = arith.cmpi ne, %rem3A_1045, %ne3A_1046 : i32
    %and3A_1048 = arith.andi %ne3A_1044, %ne3A_1047 : i1
    %sub3A_1049 = arith.constant 1 : i32
    %sub3A_1050 = arith.subi %div3A_1029, %sub3A_1049 : i32
    %select_n3A_1051 = arith.select %and3A_1048, %sub3A_1050, %div3A_1029 : i32
    %add3A_1052 = arith.addi %convert_element_type3A, %select_n3A_1051 : i32
    %mul3A_1053 = arith.constant 6 : i32
    %mul3A_1054 = arith.muli %mul3A_1053, %sub3A_56 : i32
    %add3A_1055 = arith.constant 6 : i32
    %add3A_1056 = arith.addi %mul3A_1054, %add3A_1055 : i32
    %jit3A_1057 = arith.constant 7 : i32
    %div3A_1058 = arith.divsi %add3A_1056, %jit3A_1057 : i32
    %sign3A_1059 = arith.constant 0 : i32
    %sign3A_1060 = arith.cmpi sgt, %add3A_1056, %sign3A_1059 : i32
    %sign3A_1061 = arith.extui %sign3A_1060 : i1 to i32
    %sign3A_1062 = arith.constant 0 : i32
    %sign3A_1063 = arith.cmpi slt, %add3A_1056, %sign3A_1062 : i32
    %sign3A_1064 = arith.extui %sign3A_1063 : i1 to i32
    %sign3A_1065 = arith.subi %sign3A_1061, %sign3A_1064 : i32
    %sign3A_1066 = arith.constant 0 : i32
    %sign3A_1067 = arith.cmpi sgt, %jit3A_1057, %sign3A_1066 : i32
    %sign3A_1068 = arith.extui %sign3A_1067 : i1 to i32
    %sign3A_1069 = arith.constant 0 : i32
    %sign3A_1070 = arith.cmpi slt, %jit3A_1057, %sign3A_1069 : i32
    %sign3A_1071 = arith.extui %sign3A_1070 : i1 to i32
    %sign3A_1072 = arith.subi %sign3A_1068, %sign3A_1071 : i32
    %ne3A_1073 = arith.cmpi ne, %sign3A_1065, %sign3A_1072 : i32
    %rem3A_1074 = arith.remsi %add3A_1056, %jit3A_1057 : i32
    %ne3A_1075 = arith.constant 0 : i32
    %ne3A_1076 = arith.cmpi ne, %rem3A_1074, %ne3A_1075 : i32
    %and3A_1077 = arith.andi %ne3A_1073, %ne3A_1076 : i1
    %sub3A_1078 = arith.constant 1 : i32
    %sub3A_1079 = arith.subi %div3A_1058, %sub3A_1078 : i32
    %select_n3A_1080 = arith.select %and3A_1077, %sub3A_1079, %div3A_1058 : i32
    %add3A_1081 = arith.addi %convert_element_type3A, %select_n3A_1080 : i32
    %eq3A_1082 = arith.cmpi eq, %add3A_1052, %add3A_1081 : i32
    %sub3A_1083 = arith.constant 1 : i32
    %sub3A_1084 = arith.subi %add3A_1052, %sub3A_1083 : i32
    %select_n3A_1085 = arith.select %eq3A_1082, %sub3A_1084, %add3A_1052 : i32
    %get3A_1086 = arith.index_cast %select_n3A_1085 : i32 to index
    %get3A_1087 = arith.constant 0 : index
    %get3A_1088 = arith.constant 0 : index
    %get3A_1089 = vector.load %arg4[%get3A_1086, %get3A_1087, %get3A_1088] : memref<64x7x384xf32, #tpu.memory_space<vmem>>, vector<1x7x384xf32>
    %get3A_1090 = vector.shape_cast %get3A_1089 : vector<1x7x384xf32> to vector<7x384xf32>
    %sub3A_1091 = arith.subi %add3A_1081, %select_n3A_1085 : i32
    %while3A_1092 = arith.constant 1 : i32
    %while3A_1093 = arith.subi %sub3A_1091, %while3A_1092 : i32
    %while3A_1094 = arith.addi %while3A_1092, %while3A_1093 : i32
    %while3A_1095 = arith.constant 1 : i32
    %while3A_1096 = arith.divsi %while3A_1093, %while3A_1095 : i32
    %while3A_1097 = arith.muli %while3A_1096, %while3A_1095 : i32
    %while3A_1098 = arith.addi %while3A_1092, %while3A_1097 : i32
    %while3A_1099 = arith.constant 1 : i32
    %while3A_1100 = scf.for %while3A_1197 = %while3A_1092 to %while3A_1098 step %while3A_1099 iter_args(%while3A_1198 = %get3A_1090) -> (vector<7x384xf32>)  : i32 {
      %add3A_1199 = arith.addi %select_n3A_1085, %while3A_1197 : i32
      %get3A_1200 = arith.index_cast %add3A_1199 : i32 to index
      %get3A_1201 = arith.constant 0 : index
      %get3A_1202 = arith.constant 0 : index
      %get3A_1203 = vector.load %arg4[%get3A_1200, %get3A_1201, %get3A_1202] : memref<64x7x384xf32, #tpu.memory_space<vmem>>, vector<1x7x384xf32>
      %get3A_1204 = vector.shape_cast %get3A_1203 : vector<1x7x384xf32> to vector<7x384xf32>
      %max3A = arith.maximumf %while3A_1198, %get3A_1204 : vector<7x384xf32>
      scf.yield %max3A : vector<7x384xf32>
    }
    %while3A_1101 = arith.constant 1 : i32
    %while3A_1102 = scf.for %while3A_1197 = %while3A_1098 to %while3A_1094 step %while3A_1101 iter_args(%while3A_1198 = %while3A_1100) -> (vector<7x384xf32>)  : i32 {
      %add3A_1199 = arith.addi %select_n3A_1085, %while3A_1197 : i32
      %get3A_1200 = arith.index_cast %add3A_1199 : i32 to index
      %get3A_1201 = arith.constant 0 : index
      %get3A_1202 = arith.constant 0 : index
      %get3A_1203 = vector.load %arg4[%get3A_1200, %get3A_1201, %get3A_1202] : memref<64x7x384xf32, #tpu.memory_space<vmem>>, vector<1x7x384xf32>
      %get3A_1204 = vector.shape_cast %get3A_1203 : vector<1x7x384xf32> to vector<7x384xf32>
      %max3A = arith.maximumf %while3A_1198, %get3A_1204 : vector<7x384xf32>
      scf.yield %max3A : vector<7x384xf32>
    }
    %mul3A_1103 = arith.constant 6 : i32
    %mul3A_1104 = arith.muli %mul3A_1103, %sub3A_56 : i32
    %add3A_1105 = arith.constant 6 : i32
    %add3A_1106 = arith.addi %mul3A_1104, %add3A_1105 : i32
    %jit3A_1107 = arith.constant 7 : i32
    %div3A_1108 = arith.divsi %add3A_1106, %jit3A_1107 : i32
    %sign3A_1109 = arith.constant 0 : i32
    %sign3A_1110 = arith.cmpi sgt, %add3A_1106, %sign3A_1109 : i32
    %sign3A_1111 = arith.extui %sign3A_1110 : i1 to i32
    %sign3A_1112 = arith.constant 0 : i32
    %sign3A_1113 = arith.cmpi slt, %add3A_1106, %sign3A_1112 : i32
    %sign3A_1114 = arith.extui %sign3A_1113 : i1 to i32
    %sign3A_1115 = arith.subi %sign3A_1111, %sign3A_1114 : i32
    %sign3A_1116 = arith.constant 0 : i32
    %sign3A_1117 = arith.cmpi sgt, %jit3A_1107, %sign3A_1116 : i32
    %sign3A_1118 = arith.extui %sign3A_1117 : i1 to i32
    %sign3A_1119 = arith.constant 0 : i32
    %sign3A_1120 = arith.cmpi slt, %jit3A_1107, %sign3A_1119 : i32
    %sign3A_1121 = arith.extui %sign3A_1120 : i1 to i32
    %sign3A_1122 = arith.subi %sign3A_1118, %sign3A_1121 : i32
    %ne3A_1123 = arith.cmpi ne, %sign3A_1115, %sign3A_1122 : i32
    %rem3A_1124 = arith.remsi %add3A_1106, %jit3A_1107 : i32
    %ne3A_1125 = arith.constant 0 : i32
    %ne3A_1126 = arith.cmpi ne, %rem3A_1124, %ne3A_1125 : i32
    %and3A_1127 = arith.andi %ne3A_1123, %ne3A_1126 : i1
    %sub3A_1128 = arith.constant 1 : i32
    %sub3A_1129 = arith.subi %div3A_1108, %sub3A_1128 : i32
    %select_n3A_1130 = arith.select %and3A_1127, %sub3A_1129, %div3A_1108 : i32
    %add3A_1131 = arith.addi %convert_element_type3A, %select_n3A_1130 : i32
    %mul3A_1132 = arith.constant 7 : i32
    %mul3A_1133 = arith.muli %mul3A_1132, %sub3A_56 : i32
    %add3A_1134 = arith.constant 6 : i32
    %add3A_1135 = arith.addi %mul3A_1133, %add3A_1134 : i32
    %jit3A_1136 = arith.constant 7 : i32
    %div3A_1137 = arith.divsi %add3A_1135, %jit3A_1136 : i32
    %sign3A_1138 = arith.constant 0 : i32
    %sign3A_1139 = arith.cmpi sgt, %add3A_1135, %sign3A_1138 : i32
    %sign3A_1140 = arith.extui %sign3A_1139 : i1 to i32
    %sign3A_1141 = arith.constant 0 : i32
    %sign3A_1142 = arith.cmpi slt, %add3A_1135, %sign3A_1141 : i32
    %sign3A_1143 = arith.extui %sign3A_1142 : i1 to i32
    %sign3A_1144 = arith.subi %sign3A_1140, %sign3A_1143 : i32
    %sign3A_1145 = arith.constant 0 : i32
    %sign3A_1146 = arith.cmpi sgt, %jit3A_1136, %sign3A_1145 : i32
    %sign3A_1147 = arith.extui %sign3A_1146 : i1 to i32
    %sign3A_1148 = arith.constant 0 : i32
    %sign3A_1149 = arith.cmpi slt, %jit3A_1136, %sign3A_1148 : i32
    %sign3A_1150 = arith.extui %sign3A_1149 : i1 to i32
    %sign3A_1151 = arith.subi %sign3A_1147, %sign3A_1150 : i32
    %ne3A_1152 = arith.cmpi ne, %sign3A_1144, %sign3A_1151 : i32
    %rem3A_1153 = arith.remsi %add3A_1135, %jit3A_1136 : i32
    %ne3A_1154 = arith.constant 0 : i32
    %ne3A_1155 = arith.cmpi ne, %rem3A_1153, %ne3A_1154 : i32
    %and3A_1156 = arith.andi %ne3A_1152, %ne3A_1155 : i1
    %sub3A_1157 = arith.constant 1 : i32
    %sub3A_1158 = arith.subi %div3A_1137, %sub3A_1157 : i32
    %select_n3A_1159 = arith.select %and3A_1156, %sub3A_1158, %div3A_1137 : i32
    %add3A_1160 = arith.addi %convert_element_type3A, %select_n3A_1159 : i32
    %eq3A_1161 = arith.cmpi eq, %add3A_1131, %add3A_1160 : i32
    %sub3A_1162 = arith.constant 1 : i32
    %sub3A_1163 = arith.subi %add3A_1131, %sub3A_1162 : i32
    %select_n3A_1164 = arith.select %eq3A_1161, %sub3A_1163, %add3A_1131 : i32
    %get3A_1165 = arith.index_cast %select_n3A_1164 : i32 to index
    %get3A_1166 = arith.constant 0 : index
    %get3A_1167 = arith.constant 0 : index
    %get3A_1168 = vector.load %arg4[%get3A_1165, %get3A_1166, %get3A_1167] : memref<64x7x384xf32, #tpu.memory_space<vmem>>, vector<1x7x384xf32>
    %get3A_1169 = vector.shape_cast %get3A_1168 : vector<1x7x384xf32> to vector<7x384xf32>
    %sub3A_1170 = arith.subi %add3A_1160, %select_n3A_1164 : i32
    %while3A_1171 = arith.constant 1 : i32
    %while3A_1172 = arith.subi %sub3A_1170, %while3A_1171 : i32
    %while3A_1173 = arith.addi %while3A_1171, %while3A_1172 : i32
    %while3A_1174 = arith.constant 1 : i32
    %while3A_1175 = arith.divsi %while3A_1172, %while3A_1174 : i32
    %while3A_1176 = arith.muli %while3A_1175, %while3A_1174 : i32
    %while3A_1177 = arith.addi %while3A_1171, %while3A_1176 : i32
    %while3A_1178 = arith.constant 1 : i32
    %while3A_1179 = scf.for %while3A_1197 = %while3A_1171 to %while3A_1177 step %while3A_1178 iter_args(%while3A_1198 = %get3A_1169) -> (vector<7x384xf32>)  : i32 {
      %add3A_1199 = arith.addi %select_n3A_1164, %while3A_1197 : i32
      %get3A_1200 = arith.index_cast %add3A_1199 : i32 to index
      %get3A_1201 = arith.constant 0 : index
      %get3A_1202 = arith.constant 0 : index
      %get3A_1203 = vector.load %arg4[%get3A_1200, %get3A_1201, %get3A_1202] : memref<64x7x384xf32, #tpu.memory_space<vmem>>, vector<1x7x384xf32>
      %get3A_1204 = vector.shape_cast %get3A_1203 : vector<1x7x384xf32> to vector<7x384xf32>
      %max3A = arith.maximumf %while3A_1198, %get3A_1204 : vector<7x384xf32>
      scf.yield %max3A : vector<7x384xf32>
    }
    %while3A_1180 = arith.constant 1 : i32
    %while3A_1181 = scf.for %while3A_1197 = %while3A_1177 to %while3A_1173 step %while3A_1180 iter_args(%while3A_1198 = %while3A_1179) -> (vector<7x384xf32>)  : i32 {
      %add3A_1199 = arith.addi %select_n3A_1164, %while3A_1197 : i32
      %get3A_1200 = arith.index_cast %add3A_1199 : i32 to index
      %get3A_1201 = arith.constant 0 : index
      %get3A_1202 = arith.constant 0 : index
      %get3A_1203 = vector.load %arg4[%get3A_1200, %get3A_1201, %get3A_1202] : memref<64x7x384xf32, #tpu.memory_space<vmem>>, vector<1x7x384xf32>
      %get3A_1204 = vector.shape_cast %get3A_1203 : vector<1x7x384xf32> to vector<7x384xf32>
      %max3A = arith.maximumf %while3A_1198, %get3A_1204 : vector<7x384xf32>
      scf.yield %max3A : vector<7x384xf32>
    }
    %stack3A_1182 = vector.shape_cast %while3A_707 : vector<7x384xf32> to vector<7x1x384xf32>
    %stack3A_1183 = vector.shape_cast %while3A_786 : vector<7x384xf32> to vector<7x1x384xf32>
    %stack3A_1184 = vector.shape_cast %while3A_865 : vector<7x384xf32> to vector<7x1x384xf32>
    %stack3A_1185 = vector.shape_cast %while3A_944 : vector<7x384xf32> to vector<7x1x384xf32>
    %stack3A_1186 = vector.shape_cast %while3A_1023 : vector<7x384xf32> to vector<7x1x384xf32>
    %stack3A_1187 = vector.shape_cast %while3A_1102 : vector<7x384xf32> to vector<7x1x384xf32>
    %stack3A_1188 = vector.shape_cast %while3A_1181 : vector<7x384xf32> to vector<7x1x384xf32>
    %stack3A_1189 = tpu.concatenate %stack3A_1182, %stack3A_1183, %stack3A_1184, %stack3A_1185, %stack3A_1186, %stack3A_1187, %stack3A_1188 in 1 : vector<7x1x384xf32>, vector<7x1x384xf32>, vector<7x1x384xf32>, vector<7x1x384xf32>, vector<7x1x384xf32>, vector<7x1x384xf32>, vector<7x1x384xf32> -> vector<7x7x384xf32>
    %swap3A_1190 = arith.constant 0 : index
    %swap3A_1191 = arith.constant 0 : index
    %swap3A_1192 = arith.constant 0 : index
    %swap3A_1193 = arith.constant 0 : index
    %swap3A_1194 = vector.load %arg3[%swap3A_1190, %swap3A_1191, %swap3A_1192, %swap3A_1193] : memref<1x7x7x384xf32, #tpu.memory_space<vmem>>, vector<1x7x7x384xf32>
    %swap3A_1195 = vector.shape_cast %swap3A_1194 : vector<1x7x7x384xf32> to vector<7x7x384xf32>
    %swap3A_1196 = vector.shape_cast %stack3A_1189 : vector<7x7x384xf32> to vector<1x7x7x384xf32>
    tpu.vector_store %arg3[%swap3A_1190, %swap3A_1191, %swap3A_1192, %swap3A_1193], %swap3A_1196 {strides = array<i32>} : memref<1x7x7x384xf32, #tpu.memory_space<vmem>>, vector<1x7x7x384xf32>,
    return
  }
  func.func @transform_0(%arg0: i32) -> (i32, i32, i32) {
    %c0_i32 = arith.constant 0 : i32
    %c0_i32_0 = arith.constant 0 : i32
    %c0_i32_1 = arith.constant 0 : i32
    %c0_i32_2 = arith.constant 0 : i32
    return %c0_i32, %c0_i32_0, %c0_i32_1 : i32, i32, i32
  }
  func.func @transform_1(%arg0: i32) -> (i32, i32, i32, i32) {
    %jit3A = arith.constant 64 : i32
    %div3A = arith.divsi %arg0, %jit3A : i32
    %sign3A = arith.constant 0 : i32
    %sign3A_0 = arith.cmpi sgt, %arg0, %sign3A : i32
    %sign3A_1 = arith.extui %sign3A_0 : i1 to i32
    %sign3A_2 = arith.constant 0 : i32
    %sign3A_3 = arith.cmpi slt, %arg0, %sign3A_2 : i32
    %sign3A_4 = arith.extui %sign3A_3 : i1 to i32
    %sign3A_5 = arith.subi %sign3A_1, %sign3A_4 : i32
    %sign3A_6 = arith.constant 0 : i32
    %sign3A_7 = arith.cmpi sgt, %jit3A, %sign3A_6 : i32
    %sign3A_8 = arith.extui %sign3A_7 : i1 to i32
    %sign3A_9 = arith.constant 0 : i32
    %sign3A_10 = arith.cmpi slt, %jit3A, %sign3A_9 : i32
    %sign3A_11 = arith.extui %sign3A_10 : i1 to i32
    %sign3A_12 = arith.subi %sign3A_8, %sign3A_11 : i32
    %ne3A = arith.cmpi ne, %sign3A_5, %sign3A_12 : i32
    %rem3A = arith.remsi %arg0, %jit3A : i32
    %ne3A_13 = arith.constant 0 : i32
    %ne3A_14 = arith.cmpi ne, %rem3A, %ne3A_13 : i32
    %and3A = arith.andi %ne3A, %ne3A_14 : i1
    %sub3A = arith.constant 1 : i32
    %sub3A_15 = arith.subi %div3A, %sub3A : i32
    %select_n3A = arith.select %and3A, %sub3A_15, %div3A : i32
    %c0_i32 = arith.constant 0 : i32
    %c0_i32_16 = arith.constant 0 : i32
    %c0_i32_17 = arith.constant 0 : i32
    %c0_i32_18 = arith.constant 0 : i32
    return %select_n3A, %c0_i32, %c0_i32_16, %c0_i32_17 : i32, i32, i32, i32
  }
  func.func @transform_2(%arg0: i32) -> (i32, i32, i32, i32) {
    %c0_i32 = arith.constant 0 : i32
    %c0_i32_0 = arith.constant 0 : i32
    %c0_i32_1 = arith.constant 0 : i32
    %c0_i32_2 = arith.constant 0 : i32
    return %arg0, %c0_i32, %c0_i32_0, %c0_i32_1 : i32, i32, i32, i32
  }
}

</mosaic_0001>

<sc_bundles>
// kernel: kernel.4.cloned.1.call-start
scs
__scs_entry_jumppad:
0x0: {  	(pc) =	sbr.rel $0x88, $3  }
0x1: {  	(tag) =	ssettag $0x0;
	lr =	simm.s32 $0x1  }
0x2: {  	[smem:$0x3F9F] =	sst lr;
	_ =	strace $0xD0000000  }
0x3: {  	_ = 	snop  }
0x4: {  	_ = 	snop  }
0x5: {  	_ = 	snop  }
0x6: {  	_ = 	snop  }
0x7: {  	_ = 	snop  }
__scs_overlays_trampoline_lowered:
0x8: {  	[smem:$0x3FAE] =	sst s0  }
0x9: {  	[smem:$0x3FAF] =	sst s1  }
0xa: {  	[smem:$0x3FB0] =	sst s2  }
0xb: {  	[smem:$0x3FB1] =	sst s3  }
0xc: {  	[smem:$0x3FB2] =	sst s4  }
0xd: {  	[smem:$0x3FB3] =	sst s5  }
0xe: {  	[smem:$0x3FB4] =	sst s6  }
0xf: {  	[smem:$0x3FB5] =	sst s7  }
0x10: {  	[smem:$0x3FB6] =	sst s8  }
0x11: {  	[smem:$0x3FB7] =	sst s9;
	s0 =	simm.s32 @!p0 $0x0  }
0x12: {  	s1 =	sld [smem:$0x3F9D];
	s0 =	simm.s32 @p0 $0x1  }
0x13: {  	[smem:$0x3FB8] =	sst s0;
	s0 =	simm.s32 @!p1 $0x0  }
0x14: {  	s2 =	sld [smem:$0x3F9C];
	s0 =	simm.s32 @p1 $0x1  }
0x15: {  	[smem:$0x3FB9] =	sst s0;
	s0 =	simm.s32 @!p2 $0x0  }
0x16: {  	s3 =	sld [smem:$0x3FDB];
	s0 =	simm.s32 @p2 $0x1  }
0x17: {  	s4 =	simm.s32 $0x1BF5;
	[smem:$0x3FBB] =	sst s0  }
0x18: {  	s0 =	sld [smem:$0x3F9E];
	_ =	swait.ge [sflag:s4], $0x0  }
0x19: {  	s7 =	sld [smem:$0x3F9F]  }
0x1a: {  	s8 =	sadd.s32 $0xFFFFE003, lr  }
0x1b: {  	s9 =	sadd.s32 $0xFFFFFEF7, lr;
	s5 =	simm.s32 $0xFFFFFFFF;
	p2 =	slt.u32 s8, $0xFFFFF086  }
0x1c: {  	p1 =	slt.u32 s9, $0xF7A;
	s5 =	simm.s32 @!p2 $0x0  }
0x1d: {  	s5 =	simm.s32 @p1 $0x1;
	p0 =	seq.s32 s7, s2  }
0x1e: {  	s7 =	smul.u32 @!p0 $0xF7A, s2;
	p2 =	seq.s32 @!p0 s5, $0x0  }
0x1f: {  	s9 =	smul.u32 $0xF7A, s1;
	s8 =	simm.s32 @!p0 $0x1BF5;
	p2 =	por !p2, p0  }
0x20: {  	[sflag:s8] =	ssyncset.s32 @!p0 $0xFFFFF086;
	s6 =	sadd.s32 @!p0 s3, s7;
	s7 =	simm.s32 @!p0 $0x108  }
0x21: {  	s3 =	sadd.s32 s3, s9;
	s6 =	sadd.s32 @!p0 $0x88, s6;
	s7 =	simm.s32 @p2 $0x1082  }
0x22: {  	[simem:s7], [sflag:s8] =	dma.local @!p0 [hbm:s6], $0xF7A  }
0x23: {  	s9 =	sor.u32 $0xD0000000, s2;
	s6 =	simm.s32 $0x108;
	_ =	swait.ge @!p0 [sflag:s8], $0x0  }
0x24: {  	s3 =	sadd.s32 $0x88, s3;
	s6 =	simm.s32 @!p1 $0x1082;
	[sflag:s4] =	ssyncset.s32 $0xFFFFF086  }
0x25: {  	[simem:s6], [sflag:s4] =	dma.local [hbm:s3], $0xF7A  }
0x26: {  	[smem:$0x3F9F] =	sst s1;
	(tag) =	ssettag s2;
	_ =	strace s9  }
0x27: {  	s1 =	sld [smem:$0x3FAF]  }
0x28: {  	s2 =	sld [smem:$0x3FB0]  }
0x29: {  	s4 =	sld [smem:$0x3FB2]  }
0x2a: {  	p0 =	seq.s32 s5, $0x0;
	s5 =	sld [smem:$0x3FB3]  }
0x2b: {  	s6 =	sld [smem:$0x3FB4]  }
0x2c: {  	s7 =	sld [smem:$0x3FB5]  }
0x2d: {  	s3 =	simm.s32 $0x108;
	s8 =	sld [smem:$0x3FB6]  }
0x2e: {  	s3 =	simm.s32 @!p0 $0x1082;
	s9 =	sld [smem:$0x3FB7]  }
0x2f: {  	lr =	sadd.s32 s0, s3;
	s0 =	sld [smem:$0x3FAE]  }
0x30: {  	s3 =	sld [smem:$0x3FB1]  }
0x31: {  	[smem:$0x3FBA] =	sst s10  }
0x32: {  	s10 =	sld [smem:$0x3FB8];
	_ =	sdelay $0x3  }
0x33: {  	p0 =	seq.s32 s10, $0x1;
	s10 =	sld [smem:$0x3FBA];
	_ =	sdelay $0x3  }
0x34: {  	[smem:$0x3FBA] =	sst s10  }
0x35: {  	s10 =	sld [smem:$0x3FB9];
	_ =	sdelay $0x3  }
0x36: {  	p1 =	seq.s32 s10, $0x1;
	s10 =	sld [smem:$0x3FBA];
	_ =	sdelay $0x3  }
0x37: {  	[smem:$0x3FBA] =	sst s10  }
0x38: {  	s10 =	sld [smem:$0x3FBB]  }
0x39: {  	_ = 	snop;
	(pc) =	sbr.ind lr, $3  }
0x3a: {  	_ = 	snop  }
0x3b: {  	_ = 	snop  }
0x3c: {  	p2 =	seq.s32 s10, $0x1;
	s10 =	sld [smem:$0x3FBA]  }
0x3d: {  	_ =	shalt  }
0x3e: {  	_ =	shalt  }
0x3f: {  	_ =	shalt  }
0x40: {  	_ =	shalt  }
0x41: {  	_ =	shalt  }
0x42: {  	_ =	shalt  }
0x43: {  	_ =	shalt  }
0x44: {  	_ =	shalt  }
0x45: {  	_ =	shalt  }
0x46: {  	_ =	shalt  }
0x47: {  	_ =	shalt  }
0x48: {  	_ =	shalt  }
0x49: {  	_ =	shalt  }
0x4a: {  	_ =	shalt  }
0x4b: {  	_ =	shalt  }
0x4c: {  	_ =	shalt  }
0x4d: {  	_ =	shalt  }
0x4e: {  	_ =	shalt  }
0x4f: {  	_ =	shalt  }
0x50: {  	_ =	shalt  }
0x51: {  	_ =	shalt  }
0x52: {  	_ =	shalt  }
0x53: {  	_ =	shalt  }
0x54: {  	_ =	shalt  }
0x55: {  	_ =	shalt  }
0x56: {  	_ =	shalt  }
0x57: {  	_ =	shalt  }
0x58: {  	_ =	shalt  }
0x59: {  	_ =	shalt  }
0x5a: {  	_ =	shalt  }
0x5b: {  	_ =	shalt  }
0x5c: {  	_ =	shalt  }
0x5d: {  	_ =	shalt  }
0x5e: {  	_ =	shalt  }
0x5f: {  	_ =	shalt  }
0x60: {  	_ =	shalt  }
0x61: {  	_ =	shalt  }
0x62: {  	_ =	shalt  }
0x63: {  	_ =	shalt  }
0x64: {  	_ =	shalt  }
0x65: {  	_ =	shalt  }
0x66: {  	_ =	shalt  }
0x67: {  	_ =	shalt  }
0x68: {  	_ =	shalt  }
0x69: {  	_ =	shalt  }
0x6a: {  	_ =	shalt  }
0x6b: {  	_ =	shalt  }
0x6c: {  	_ =	shalt  }
0x6d: {  	_ =	shalt  }
0x6e: {  	_ =	shalt  }
0x6f: {  	_ =	shalt  }
0x70: {  	_ =	shalt  }
0x71: {  	_ =	shalt  }
0x72: {  	_ =	shalt  }
0x73: {  	_ =	shalt  }
0x74: {  	_ =	shalt  }
0x75: {  	_ =	shalt  }
0x76: {  	_ =	shalt  }
0x77: {  	_ =	shalt  }
0x78: {  	_ =	shalt  }
0x79: {  	_ =	shalt  }
0x7a: {  	_ =	shalt  }
0x7b: {  	_ =	shalt  }
0x7c: {  	_ =	shalt  }
0x7d: {  	_ =	shalt  }
0x7e: {  	_ =	shalt  }
0x7f: {  	_ =	shalt  }
0x80: {  	_ =	shalt  }
0x81: {  	_ =	shalt  }
0x82: {  	_ =	shalt  }
0x83: {  	_ =	shalt  }
0x84: {  	_ =	shalt  }
0x85: {  	_ =	shalt  }
0x86: {  	_ =	shalt  }
0x87: {  	_ =	shalt  }
.Lfunc_end0:
.L_simem_size_0:
called_computation_lowered:
.L_overlay_start_0:
0x88: {  	s2 =	sld [smem:$0x3FD9]  }
0x89: {  	s3 =	sld [smem:$0x3FFE];
	_ =	sdelay $0x1  }
0x8a: {  	s1 =	srdreg.scid  }
0x8b: {  	s0 =	sand.u32 $0x1, s1  }
0x8c: {  	s17 =	sshll.u32 s0, $0xA;
	s2 =	sadd.s32 s3, s2  }
0x8d: {  	s2 =	sadd.s32 s2, s17  }
0x8e: {  	[smem:$0x3FC6] =	sst s2  }
0x8f: {  	_ = 	snop  }
0x90: {  	s2 =	sld [smem:$0x3FC9]  }
0x91: {  	s18 =	sld [smem:$0x3FD0];
	(tm) =	ssettm $0x1  }
0x92: {  	s4 =	sld [smem:$0x3FFB];
	_ =	sdelay $0x3  }
0x93: {  	_ =	strace s4  }
0x94: {  	s4 =	sld [smem:$0x3FFC];
	_ =	sdelay $0x3  }
0x95: {  	_ =	strace s4  }
0x96: {  	s4 =	sld [smem:$0x3FFD];
	_ =	sdelay $0x3  }
0x97: {  	_ =	strace s4  }
0x98: {  	_ =	strace $0x8FFFFFFF  }
0x99: {  	s19 =	sld [smem:$0x3FDB];
	_ =	sdelay $0x1  }
0x9a: {  	s5 =	simm.s32 $_scs_section_size  }
0x9b: {  	s6 =	simm.s32 $_size__tile_overlayer_lowered;
	s7 =	simm.s32 $_tile_overlayer_lowered  }
0x9c: {  	s22 =	simm.s32 $0x1BFF;
	s21 =	sshll.u32 s7, $0x1;
	s4 =	sadd.s32 s5, s19  }
0x9d: {  	s8 =	simm.s32 $0x0;
	s20 =	sshll.u32 s6, $0x1;
	s6 =	sadd.s32 s21, s4  }
0x9e: {  	[timem:s8], [sflag:s22] =	dma.local [hbm:s6], s20  }
0x9f: {  	_ =	swait.ge [sflag:s22], s20  }
0xa0: {  	s5 =	ssub.s32 $0x0, s20;
	[sflag:s22] =	ssyncset.done $0x0  }
0xa1: {  	[sflag:s22] =	ssyncadd.s32 s5;
	_ =	sdelay $0x1  }
0xa2: {  	s23 =	simm.s32 $0x1B8B  }
0xa3: {  	_ =	swait.ge [sflag:s23], $0x1  }
0xa4: {  	[sflag:s23] =	ssyncset.done $0x0  }
0xa5: {  	s25 =	simm.s32 $0x1B8E;
	s24 =	sld [smem:$0x3FFE];
	[sflag:s23] =	ssyncadd.s32 $0xFFFFFFFF  }
0xa6: {  	s26 =	simm.s32 $execute0_lowered;
	[smem:$0x3FD2] =	sst s25  }
0xa7: {  	s6 =	sshll.u32 s26, $0x1;
	_ =	strace $0x80000046;
	[dreg:$0x1] =	wrdreg $0xFFFFFFFF  }
0xa8: {  	s28 =	simm.s32 $_size_execute0_lowered;
	s4 =	sadd.s32 s4, s6;
	[dreg:$0x0] =	wrdreg $0x0  }
0xa9: {  	s6 =	sshll.u32 s28, $0x1;
	[dreg:$0x2] =	wrdreg s4  }
0xaa: {  	[dreg:$0x3] =	wrdreg s6  }
0xab: {  	[dreg:$0x4] =	wrdreg $0xC0  }
0xac: {  	_ =	task [dreg:s8], $0x5FFFF  }
0xad: {  	[dreg:$0x1] =	wrdreg $0xFFFFFFFF  }
0xae: {  	[dreg:$0x0] =	wrdreg $0x60  }
0xaf: {  	[dreg:$0x2] =	wrdreg s2  }
0xb0: {  	[dreg:$0x3] =	wrdreg s24  }
0xb1: {  	[dreg:$0x4] =	wrdreg s18  }
0xb2: {  	[dreg:$0x5] =	wrdreg $0x9  }
0xb3: {  	_ =	task.clear_ibuf [dreg:s8], $0x6FFFF;
	_ =	strace $0x90000046  }
0xb4: {  	s29 =	simm.s32 $0x9;
	_ =	strace $0x80000048  }
0xb5: {  	_ =	swait.ge [sflag:s29], $0x1  }
0xb6: {  	[sflag:s29] =	ssyncadd.s32 $0xFFFFFFFF  }
0xb7: {  	_ =	strace $0x90000048  }
0xb8: {  	_ =	sfence  }
0xb9: {  	s30 =	sld [smem:$0x0];
	_ =	sdelay $0x2  }
0xba: {  	s31 =	sshll.u32 s1, $0xD;
	s1 =	sshrl.u32 s1, $0x2  }
0xbb: {  	s3 =	sand.u32 $0x4000, s31;
	s1 =	sadd.s32 s1, s30  }
0xbc: {  	s0 =	sor.u32 s3, s0;
	s1 =	sshll.u32 s1, $0x11  }
0xbd: {  	s0 =	sor.u32 s1, s0  }
0xbe: {  	s0 =	sadd.s32 $0x8F2B, s0  }
0xbf: {  	[sflag:s0] =	ssyncadd.remote.s32 $0x1  }
0xc0: {  	_ =	sfence.sel $0xFFFF  }
0xc1: {  	[dreg:$0x0] =	wrdreg $0xFFFFFFFF;
	(pc) =	sbr.abs _section_cstart, $3  }
0xc2: {  	[dreg:$0x1] =	wrdreg $0xFFFFFFFF  }
0xc3: {  	_ =	task.clear_ibuf [dreg:s8], $0x2FFFF;
	_ =	strace $0x9FFFFFFF  }
0xc4: {  	(tm) =	ssettm $0x7FFFFFFF  }
0xc5: {  	_ =	shalt  }
tec
execute0_lowered:
.L_overlay_start_1:
0x0: {  	(tag) =	ssettag $0x1  }
0x1: {  	s1 =	srdreg.scid;
	s2 =	stileid.u32  }
0x2: {  	s1 =	sand.u32 $0x1, s1;
	s2 =	sshll.u32 s2, $0x1  }
0x3: {  	s3 =	ssub.s32 $0x2, s1;
	s1 =	sor.u32 s1, s2  }
0x4: {  	s0 =	rddreg [dreg:$0x1];
	s21 =	simm.s32 $0x0;
	s1 =	smul.u32 $0x3, s1  }
.Ltmp0:
0x5: {  	v0 =	vlaneseq.u32;
	[smem:$0x7FF] =	sst s21;
	s0 =	sadd.s32 $0x400, s0;
	(pc) =	sbr.rel .LBB2_1-.Ltmp0, $4  }
0x6: {  	v2 =	vshrl.u32 v0, $0x2;
	_ =	strace $0x80000047;
	[dreg:$0x5] =	wrdreg s0;
	s30 =	sshrl.u32 s3, $0x1  }
0x7: {  	v0 =	vand.u32 $0x3, v0;
	v63 =	vmul.u32 $0x8, v2;
	s31 =	ssub.s32 s3, s30;
	[dreg:$0x4] =	wrdreg s1;
	s1 =	sadd.s32 $0xA0, s1  }
0x8: {  	[tilespmem:$0x1FFE0] =	vst v0;
	s0 =	smax.u32 s31, $0x1;
	[dreg:$0x6] =	wrdreg s1  }
0x9: {  	s11 =	simm.s32 $0x2;
	vm0 =	vmmov $0xfff;
	[tilespmem:$0x1FFF0] =	vst v63;
	[dreg:$0x7] =	wrdreg s0;
	s1 =	simm.s32 $0x0  }
.LBB2_8:
0xa: {  	s1 =	rddreg [dreg:$0x8]  }
0xb: {  	s0 =	rddreg [dreg:$0x7];
	s1 =	sadd.s32 $0x1, s1  }
0xc: {  	p0 =	sne.s32 s1, s0  }
.Ltmp1:
0xd: {  	_ = 	snop;
	(pc) =	sbr.rel @!p0 .LBB2_9-.Ltmp1, $1  }
0xe: {  	_ =	sdelay $0x3  }
.LBB2_1:
0xf: {  	[dreg:$0x8] =	wrdreg s1  }
.Ltmp2:
0x10: {  	s0 =	rddreg [dreg:$0x5];
	(pc) =	sbr.rel .LBB2_2-.Ltmp2, $4  }
0x11: {  	[tilespmem:s21], [sflag:$0x2] =	stream.linear.gather [hbm4b:s0+s21], $0x8000, $0x38;
	[tilespmem:$0xFD80] =	vst v63  }
0x12: {  	_ =	swait.ge [sflag:s11], $0x8000  }
0x13: {  	[sflag:s11] =	ssyncset.done $0x0  }
0x14: {  	s2 =	simm.s32 $0x0;
	[sflag:s11] =	ssyncadd.s32 $0xFFFF8000  }
.LBB2_7:
0x15: {  	s0 =	rddreg [dreg:$0x4]  }
0x16: {  	s2 =	rddreg [dreg:$0x9]  }
0x17: {  	s0 =	sadd.s32 s0, s2  }
0x18: {  	s2 =	sadd.s32 $0x1, s2;
	s0 =	smul.u32 $0x930, s0  }
0x19: {  	s1 =	rddreg [dreg:$0x2];
	s31 =	simm.s32 $0xB400;
	p0 =	sne.s32 s2, $0x3  }
.Ltmp3:
0x1a: {  	s11 =	simm.s32 $0x2;
	s0 =	sadd.s32 s1, s0;
	(pc) =	sbr.rel @!p0 .LBB2_8-.Ltmp3, $4  }
0x1b: {  	[hbm4b:s0+s21] =	stream.linear.scatter [tilespmem:s31], [sflag:$0x2], $0x4980, $0x38;
	[tilespmem:$0xFD80] =	vst v63  }
0x1c: {  	_ =	swait.ge [sflag:s11], $0x4980  }
0x1d: {  	[sflag:s11] =	ssyncset.done $0x0  }
0x1e: {  	[sflag:s11] =	ssyncadd.s32 $0xFFFFB680  }
.LBB2_2:
0x1f: {  	s0 =	rddreg [dreg:$0x6]  }
0x20: {  	s6 =	sadd.s32 s2, s0  }
0x21: {  	s0 =	sshll.u32 s6, $0x7  }
0x22: {  	s0 =	sand.u32 $0x3FFFFF80, s0  }
0x23: {  	v3 =	vld [tilespmem:s0+$0x0];
	_ =	sdelay $0x4  }
0x24: {  	v3 =	vmul.f32 $6.400000000e+01, v3;
	_ =	sdelay $0x1  }
0x25: {  	v3 =	vtrunc.f32 v3  }
0x26: {  	v4 =	vcvt.f32.s32 v3;
	_ =	sdelay $0x1  }
0x27: {  	(v2sf) =	vpush v4, $0x0  }
0x28: {  	(v2sf) =	vpush v4, $0x1  }
0x29: {  	(v2sf) =	vpush v4, $0x2  }
0x2a: {  	(v2sf) =	vpush v4, $0x3;
	_ =	sdelay $0xb  }
0x2b: {  	s10 =	spop (v2sf)  }
0x2c: {  	s17 =	spop (v2sf)  }
0x2d: {  	s13 =	spop (v2sf)  }
0x2e: {  	s1 =	spop (v2sf)  }
0x2f: {  	s15 =	ssub.s32 s1, s17  }
0x30: {  	s1 =	ssub.s32 s13, s10;
	s22 =	sadd.s32 $0x7, s15  }
0x31: {  	s3 =	sadd.s32 $0x7, s1;
	s14 =	smulhi.u32 $0x92492493, s22  }
0x32: {  	[dreg:$0x9] =	wrdreg s2;
	s16 =	sshra.s32 s22, $0x1F;
	s5 =	smulhi.u32 $0x92492493, s3  }
0x33: {  	s4 =	ssub.s32 $0xFFFFFFF9, s15;
	s7 =	sshra.s32 s3, $0x1F;
	s2 =	smul.u32 $0x92492493, s16  }
0x34: {  	s8 =	ssub.s32 $0xFFFFFFF9, s1;
	s7 =	smul.u32 $0x92492493, s7;
	s0 =	sadd.s32 s4, s14  }
0x35: {  	s18 =	sadd.s32 s8, s5;
	s0 =	sadd.s32 s2, s0  }
0x36: {  	s2 =	sadd.s32 s7, s18;
	s0 =	sadd.s32 s22, s0  }
0x37: {  	s2 =	sadd.s32 s3, s2;
	s19 =	sshrl.u32 s0, $0x1F;
	s0 =	sshra.s32 s0, $0x2  }
0x38: {  	s20 =	sshrl.u32 s2, $0x1F;
	s2 =	sshra.s32 s2, $0x2;
	s0 =	sadd.s32 s19, s0  }
0x39: {  	s2 =	sadd.s32 s20, s2;
	s23 =	smul.u32 $0xFFFFFFF9, s0  }
0x3a: {  	s5 =	smul.u32 $0xFFFFFFF9, s2  }
0x3b: {  	p0 =	slt.s32 s22, $0x1  }
0x3c: {  	p6 =	slt.s32 s3, $0x1;
	p1 =	sne.s32 s23, s4;
	p2 =	sne.s32 s5, s8  }
0x3d: {  	s3 =	simm.s32 $0x1;
	p0 =	por !p0, !p1;
	p1 =	por !p6, !p2  }
0x3e: {  	s4 =	simm.s32 $0x1;
	p0 =	por !p0, !p0;
	p1 =	por !p1, !p1  }
0x3f: {  	s3 =	simm.s32 @!p0 $0x0;
	s4 =	simm.s32 @!p1 $0x0  }
0x40: {  	s8 =	ssub.s32 s0, s3;
	s25 =	ssub.s32 s2, s4  }
0x41: {  	s2 =	smul.u32 s25, s8;
	_ =	sdelay $0x1  }
0x42: {  	s24 =	sadd.s32 $0x3, s2  }
0x43: {  	s26 =	sand.u32 $0x3, s24  }
0x44: {  	s28 =	sshra.s32 s24, $0x1F;
	p3 =	slt.s32 s24, $0x1;
	p4 =	sne.s32 s26, $0x0  }
0x45: {  	s5 =	sshrl.u32 s28, $0x1E;
	p0 =	por !p3, !p4  }
0x46: {  	s3 =	simm.s32 $0x1;
	s0 =	sadd.s32 s5, s24;
	p0 =	por !p0, !p0  }
0x47: {  	s0 =	sshra.s32 s0, $0x2;
	s3 =	simm.s32 @!p0 $0x0  }
0x48: {  	s7 =	sshra.s32 s25, $0x1F;
	s29 =	ssub.s32 s0, s3  }
0x49: {  	s9 =	sxor.u32 s7, s25;
	s30 =	sshra.s32 s29, $0x1F  }
0x4a: {  	s12 =	simm.s32 $0x10000;
	s0 =	ssub.s32 s9, s7;
	s13 =	sxor.u32 s30, s29  }
0x4b: {  	s14 =	simm.s32 $0x1;
	(drf) =	sdiv.u32 s12, s0;
	s31 =	ssub.s32 s13, s30  }
0x4c: {  	(drf) =	srem.u32 s14, s31;
	_ =	sdelay $0x5  }
0x4d: {  	s1 =	sadd.s32 $0x1, s1  }
0x4e: {  	p5 =	slt.s32 s25, $0x0;
	s26 =	sshll.u32 s6, $0x6;
	s5 =	simm.s32 $0x1  }
0x4f: {  	p0 =	slt.s32 s29, $0x1;
	s23 =	sadd.s32 $0x1, s29;
	s16 =	spop (drf)  }
0x50: {  	s4 =	smov.u32 s29;
	s0 =	sxor.u32 s7, s16;
	s19 =	spop (drf)  }
0x51: {  	p3 =	slt.u32 s23, $0x3;
	s18 =	ssub.s32 s0, s7;
	p6 =	sne.s32 s19, $0x0  }
0x52: {  	s4 =	simm.s32 @!p3 $0x0;
	s20 =	smul.u32 s25, s18;
	p2 =	por !p6, !p0  }
0x53: {  	(drf) =	sdiv.u32 s11, s31;
	s16 =	sadd.s32 $0x1, s15;
	p2 =	por !p2, !p2  }
0x54: {  	[dreg:$0xa] =	wrdreg s16;
	p4 =	sne.s32 s20, $0x10000;
	s5 =	simm.s32 @!p2 $0x0  }
0x55: {  	s20 =	smov.u32 s17;
	p1 =	por !p4, !p5;
	s14 =	ssub.s32 s4, s5  }
0x56: {  	p1 =	por !p1, !p1;
	s4 =	simm.s32 $0x1;
	s5 =	sshra.s32 s14, $0x1F  }
0x57: {  	s4 =	simm.s32 @!p1 $0x0;
	p1 =	seq.s32 s8, $0x0;
	s24 =	smul.u32 s16, s5  }
0x58: {  	s3 =	ssub.s32 s18, s4;
	s13 =	sadd.s32 $0x1, s5;
	s23 =	smul.u32 $0xFFFFFFF9, s5  }
0x59: {  	s0 =	sadd.s32 $0x1, s3;
	s13 =	smul.u32 s16, s13;
	s9 =	sadd.s32 $0x6, s24  }
0x5a: {  	s3 =	sand.u32 $0x7FFFF000, s26;
	s28 =	smulhi.u32 $0x92492493, s9;
	s12 =	sshra.s32 s9, $0x1F  }
0x5b: {  	s7 =	ssub.s32 $0xFFFFFFFA, s24;
	s16 =	sadd.s32 $0x6, s13;
	s6 =	smul.u32 $0x92492493, s12  }
0x5c: {  	p3 =	slt.s32 s9, $0x1;
	s12 =	simm.s32 $0x1;
	s26 =	smulhi.u32 $0x92492493, s16  }
0x5d: {  	s18 =	sshra.s32 s16, $0x1F;
	p5 =	slt.s32 s16, $0x1;
	s4 =	sadd.s32 s7, s28  }
0x5e: {  	s12 =	simm.s32 @!p1 $0x0;
	s28 =	sadd.s32 $0xFFFFFFFF, s2;
	s4 =	sadd.s32 s6, s4  }
0x5f: {  	s12 =	ssub.s32 s17, s12;
	s6 =	smul.u32 $0x92492493, s18;
	s19 =	sadd.s32 s9, s4  }
0x60: {  	s4 =	sadd.s32 s14, s23;
	s24 =	sshrl.u32 s19, $0x1F;
	s2 =	sshra.s32 s19, $0x2  }
0x61: {  	s23 =	sadd.s32 $0xFFFFFFFF, s20;
	s19 =	ssub.s32 $0xFFFFFFFA, s13;
	s5 =	sadd.s32 s24, s2  }
0x62: {  	v0 =	vlaneseq.u32;
	v1 =	vmov s28;
	s17 =	sadd.s32 s19, s26;
	s24 =	smov.u32 s20;
	s13 =	smul.u32 $0xFFFFFFF9, s5  }
0x63: {  	vm1 =	vlt.s32 v1, v0;
	s2 =	sadd.s32 s6, s17;
	s17 =	smul.u32 s1, s4;
	s4 =	sadd.s32 $0x1, s4  }
0x64: {  	v5 =	vsel vm1, s28, v0;
	s2 =	sadd.s32 s16, s2;
	s4 =	smul.u32 s1, s4;
	p4 =	sne.s32 s13, s7  }
0x65: {  	v6 =	vmul.u32 s0, v5;
	s18 =	sshrl.u32 s2, $0x1F;
	s20 =	sshra.s32 s2, $0x2;
	s2 =	sadd.s32 $0x6, s17  }
0x66: {  	s13 =	sadd.s32 s8, s23;
	s26 =	smulhi.u32 $0x92492493, s2;
	s6 =	sshra.s32 s2, $0x1F  }
0x67: {  	v6 =	vshra.s32 v6, $0x10;
	s17 =	ssub.s32 $0xFFFFFFFA, s17;
	s7 =	sadd.s32 s18, s20;
	s18 =	smul.u32 $0x92492493, s6  }
0x68: {  	v4 =	vbroadcast v4, $0x0;
	v7 =	vmul.u32 s25, v6;
	v6 =	vadd.s32 s12, v6;
	s12 =	simm.s32 $0x1;
	p2 =	por !p3, !p4;
	s9 =	sadd.s32 s17, s26  }
0x69: {  	s6 =	sadd.s32 $0xFFFFFFFF, s10;
	s9 =	sadd.s32 s18, s9;
	s18 =	smul.u32 $0xFFFFFFF9, s7  }
0x6a: {  	v4 =	vadd.s32 v4, v5;
	vm1 =	vlt.s32 v6, s13;
	p4 =	slt.s32 s2, $0x1;
	p3 =	por !p2, !p2;
	s26 =	sadd.s32 s25, s6  }
0x6b: {  	v35 =	vnsel vm1, s13, v6;
	v4 =	vsub.s32 v4, v7;
	s12 =	simm.s32 @!p3 $0x0;
	p6 =	sne.s32 s18, s19;
	s18 =	sadd.s32 $0x6, s4  }
0x6c: {  	v5 =	vshll.u32 v35, $0x6;
	vm1 =	vlt.s32 v4, s26;
	s5 =	ssub.s32 s5, s12;
	s13 =	smulhi.u32 $0x92492493, s18;
	s20 =	sshra.s32 s18, $0x1F  }
0x6d: {  	v5 =	vadd.s32 s3, v5;
	s9 =	sadd.s32 s2, s9;
	v4 =	vnsel vm1, s26, v4;
	s4 =	ssub.s32 $0xFFFFFFFA, s4;
	s19 =	smul.u32 $0x92492493, s20  }
0x6e: {  	s8 =	sshrl.u32 s9, $0x1F;
	s9 =	sshra.s32 s9, $0x2;
	v4 =	vadd.s32 v4, v5;
	s16 =	sadd.s32 s4, s13  }
0x6f: {  	s2 =	simm.s32 $0x1;
	s9 =	sadd.s32 s8, s9;
	[tilespmem:$0x8000] =	vst v4;
	s8 =	sadd.s32 s19, s16  }
0x70: {  	s26 =	smul.u32 $0xFFFFFFF9, s9;
	v4 =	vld.msk [tilespmem:$0x8000], $0xf;
	s16 =	sadd.s32 s18, s8;
	s8 =	sshll.u32 s29, $0x2  }
0x71: {  	s13 =	sshrl.u32 s16, $0x1F;
	s16 =	sshra.s32 s16, $0x2;
	s14 =	smul.u32 s14, s8  }
0x72: {  	p2 =	por !p5, !p6;
	p5 =	slt.s32 s18, $0x1;
	s16 =	sadd.s32 s13, s16  }
0x73: {  	p3 =	sne.s32 s26, s17;
	s17 =	smul.u32 $0xFFFFFFF9, s16;
	s14 =	ssub.s32 $0x4, s14  }
0x74: {  	v39 =	vld [tilespmem:$0x1FFE0];
	p2 =	por !p2, !p2;
	s20 =	sadd.s32 s24, s5;
	s19 =	simm.s32 $0x1;
	v36 =	vadd.s32 s14, v0  }
0x75: {  	s19 =	simm.s32 @!p2 $0x0;
	p1 =	por !p4, !p3;
	v37 =	vshrl.u32 v4, $0x3;
	p6 =	sne.s32 s17, s4;
	vm1 =	vlt.s32 v36, s28  }
0x76: {  	v2 =	vld [tilespmem:$0x1FFF0];
	s7 =	ssub.s32 s7, s19;
	p1 =	por !p1, !p1;
	v6 =	vmul.u32 $0x18, v37;
	p2 =	por !p5, !p6;
	v5 =	vnsel vm1, s28, v36  }
0x77: {  	p4 =	seq.s32 s5, s7;
	v4 =	vand.u32 $0x7, v4;
	s4 =	simm.s32 $0x1;
	p2 =	por !p2, !p2;
	v38 =	vmul.u32 s0, v5  }
0x78: {  	s5 =	simm.s32 $0x1;
	s2 =	simm.s32 @!p1 $0x0;
	v4 =	vor.u32 v4, v6;
	s4 =	simm.s32 @!p2 $0x0  }
0x79: {  	s5 =	simm.s32 @!p4 $0x0;
	s2 =	ssub.s32 s9, s2;
	v4 =	vperm.xlane v4, v39;
	s4 =	ssub.s32 s16, s4;
	v40 =	vshra.s32 v38, $0x10  }
0x7a: {  	s9 =	simm.s32 $0x1;
	s5 =	ssub.s32 s20, s5;
	p1 =	seq.s32 s2, s4;
	v7 =	vmul.u32 s25, v40  }
0x7b: {  	s26 =	sadd.s32 s7, s23;
	v4 =	vadd.s32 v2, v4;
	s2 =	sadd.s32 s10, s2;
	v6 =	vadd.s32 s5, v40;
	s9 =	simm.s32 @!p1 $0x0  }
0x7c: {  	vm1 =	vlt.s32 v6, s26;
	s2 =	ssub.s32 s2, s9;
	v5 =	vsub.s32 v5, v7  }
0x7d: {  	s5 =	sadd.s32 s4, s6;
	v6 =	vnsel vm1, s26, v6;
	v5 =	vadd.s32 s2, v5  }
0x7e: {  	v6 =	vshll.u32 v6, $0x6;
	vm1 =	vlt.s32 v5, s5  }
0x7f: {  	s7 =	rddreg [dreg:$0x0];
	s9 =	simm.s32 $0x8400;
	v6 =	vadd.s32 s3, v6;
	v5 =	vnsel vm1, s5, v5  }
0x80: {  	[tilespmem:s9], [sflag:$0x1] =	stream.indirect_vreg.gather [hbm4b:s7+s21], $0x80, v4, vm0, $0xb8;
	v41 =	vadd.s32 v5, v6;
	[tilespmem:$0xFD80] =	vst v63  }
0x81: {  	[tilespmem:$0x8080] =	vst v41  }
0x82: {  	v4 =	vld.msk [tilespmem:$0x8080], $0xf;
	_ =	sdelay $0x1  }
0x83: {  	s11 =	spop (drf)  }
0x84: {  	s2 =	sxor.u32 s30, s11  }
0x85: {  	s2 =	ssub.s32 s2, s30  }
0x86: {  	s14 =	smul.u32 s29, s2;
	v42 =	vshrl.u32 v4, $0x3  }
0x87: {  	v5 =	vmul.u32 $0x18, v42  }
0x88: {  	p3 =	sne.s32 s14, $0x2;
	v4 =	vand.u32 $0x7, v4  }
0x89: {  	[dreg:$0xf] =	wrdreg s10;
	p1 =	por !p3, !p0;
	v4 =	vor.u32 v4, v5  }
0x8a: {  	[dreg:$0xd] =	wrdreg s23;
	s4 =	simm.s32 $0x1;
	p1 =	por !p1, !p1;
	v4 =	vperm.xlane v4, v39  }
0x8b: {  	[dreg:$0xb] =	wrdreg s6;
	s12 =	smov.u32 s3;
	s4 =	simm.s32 @!p1 $0x0  }
0x8c: {  	s15 =	ssub.s32 $0x5, s15;
	[dreg:$0xc] =	wrdreg s12;
	s5 =	ssub.s32 s2, s4;
	v4 =	vadd.s32 v2, v4  }
0x8d: {  	s13 =	smov.u32 s0;
	s2 =	smov.u32 s15;
	p1 =	sgt.s32 s5, $0xFFFFFFFF  }
0x8e: {  	s0 =	smov.u32 s25;
	s9 =	simm.s32 $0x0;
	s2 =	simm.s32 @p1 $0x6  }
0x8f: {  	s16 =	simm.s32 $0x8A00;
	s9 =	simm.s32 @!p1 $0x7;
	s17 =	smulhi.u32 $0x92492493, s2  }
0x90: {  	s18 =	sshra.s32 s2, $0x1F;
	s9 =	sadd.s32 s5, s9;
	s5 =	smul.u32 s5, s8  }
0x91: {  	[tilespmem:s16], [sflag:$0x1] =	stream.indirect_vreg.gather [hbm4b:s7+s21], $0x80, v4, vm0, $0xb8;
	[tilespmem:$0xFD80] =	vst v63  }
0x92: {  	s26 =	smov.u32 s7;
	s5 =	ssub.s32 $0x8, s5;
	s7 =	smul.u32 $0x92492493, s18  }
0x93: {  	p4 =	slt.s32 s2, $0x1;
	s4 =	ssub.s32 s17, s2;
	v43 =	vadd.s32 s5, v0;
	s5 =	simm.s32 $0x1  }
0x94: {  	s18 =	smul.u32 s1, s9;
	s9 =	sadd.s32 $0x1, s9;
	s4 =	sadd.s32 s7, s4  }
0x95: {  	s9 =	smul.u32 s1, s9;
	s7 =	smov.u32 s22;
	s4 =	sadd.s32 s2, s4  }
0x96: {  	s17 =	sadd.s32 $0x6, s18;
	s7 =	simm.s32 @!p1 $0x6;
	s19 =	sshrl.u32 s4, $0x1F  }
0x97: {  	s4 =	sshra.s32 s4, $0x2;
	s20 =	smulhi.u32 $0x92492493, s7;
	s21 =	sshra.s32 s7, $0x1F  }
0x98: {  	s2 =	ssub.s32 $0x0, s2;
	s4 =	sadd.s32 s19, s4;
	s3 =	smul.u32 $0x92492493, s21  }
0x99: {  	p6 =	slt.s32 s7, $0x1;
	s11 =	smul.u32 $0xFFFFFFF9, s4;
	s16 =	ssub.s32 s20, s7  }
0x9a: {  	s21 =	sshra.s32 s17, $0x1F;
	s20 =	smulhi.u32 $0x92492493, s17;
	s14 =	sadd.s32 s3, s16  }
0x9b: {  	s3 =	smul.u32 $0x92492493, s21;
	s14 =	sadd.s32 s7, s14;
	p5 =	sne.s32 s11, s2  }
0x9c: {  	s7 =	ssub.s32 $0x0, s7;
	s19 =	sshrl.u32 s14, $0x1F;
	s14 =	sshra.s32 s14, $0x2  }
0x9d: {  	p1 =	por !p4, !p5;
	s2 =	sadd.s32 s19, s14;
	s14 =	ssub.s32 $0xFFFFFFFA, s18  }
0x9e: {  	s11 =	smul.u32 $0xFFFFFFF9, s2;
	s18 =	sadd.s32 s14, s20;
	s20 =	simm.s32 $0x3  }
0x9f: {  	p4 =	slt.s32 s17, $0x1;
	p1 =	por !p1, !p1;
	(drf) =	sdiv.u32 s20, s31  }
0xa0: {  	s19 =	simm.s32 $0x1;
	s16 =	sadd.s32 s3, s18;
	s18 =	simm.s32 $0x1  }
0xa1: {  	s3 =	sadd.s32 $0x6, s9;
	s9 =	ssub.s32 $0xFFFFFFFA, s9;
	p3 =	sne.s32 s11, s7  }
0xa2: {  	s18 =	simm.s32 @!p1 $0x0;
	s21 =	sadd.s32 s17, s16;
	p1 =	por !p6, !p3  }
0xa3: {  	s16 =	sshrl.u32 s21, $0x1F;
	s7 =	sshra.s32 s21, $0x2;
	p1 =	por !p1, !p1  }
0xa4: {  	s11 =	smulhi.u32 $0x92492493, s3;
	s7 =	sadd.s32 s16, s7;
	s19 =	simm.s32 @!p1 $0x0  }
0xa5: {  	s4 =	ssub.s32 s4, s18;
	s16 =	smul.u32 $0xFFFFFFF9, s7;
	s2 =	ssub.s32 s2, s19  }
0xa6: {  	s17 =	sshra.s32 s3, $0x1F;
	s18 =	sadd.s32 s24, s4;
	p3 =	seq.s32 s4, s2  }
0xa7: {  	p5 =	sne.s32 s16, s14;
	s16 =	smul.u32 $0x92492493, s17;
	s14 =	sadd.s32 s9, s11  }
0xa8: {  	s4 =	simm.s32 $0x1;
	s2 =	sadd.s32 s2, s23;
	s19 =	spop (drf)  }
0xa9: {  	p1 =	por !p4, !p5;
	s14 =	sadd.s32 s16, s14;
	s17 =	sxor.u32 s30, s19  }
0xaa: {  	s14 =	sadd.s32 s3, s14;
	s19 =	simm.s32 $0x1;
	s17 =	ssub.s32 s17, s30  }
0xab: {  	s21 =	sshrl.u32 s14, $0x1F;
	s19 =	simm.s32 @!p3 $0x0;
	s20 =	smul.u32 s29, s17  }
0xac: {  	s14 =	sshra.s32 s14, $0x2;
	p3 =	por !p1, !p1;
	s18 =	ssub.s32 s18, s19  }
0xad: {  	s19 =	sadd.s32 s21, s14;
	s4 =	simm.s32 @!p3 $0x0;
	p6 =	sne.s32 s20, $0x3  }
0xae: {  	s14 =	smul.u32 $0xFFFFFFF9, s19;
	s4 =	ssub.s32 s7, s4;
	p2 =	por !p0, !p6  }
0xaf: {  	s16 =	simm.s32 $0x1;
	s21 =	sadd.s32 s10, s4;
	p2 =	por !p2, !p2  }
0xb0: {  	vm1 =	vlt.s32 v43, s28;
	p4 =	sne.s32 s14, s9;
	s16 =	simm.s32 @!p2 $0x0;
	p2 =	slt.s32 s3, $0x1  }
0xb1: {  	v4 =	vnsel vm1, s28, v43;
	s14 =	smov.u32 s15;
	s16 =	ssub.s32 s17, s16;
	p2 =	por !p2, !p4  }
0xb2: {  	v44 =	vmul.u32 s13, v4;
	s17 =	simm.s32 $0x4;
	p1 =	sgt.s32 s16, $0xFFFFFFFF;
	p2 =	por !p2, !p2  }
0xb3: {  	(drf) =	sdiv.u32 s17, s31;
	s14 =	simm.s32 @p1 $0x6;
	s5 =	simm.s32 @!p2 $0x0  }
0xb4: {  	v5 =	vshra.s32 v44, $0x10;
	s3 =	smulhi.u32 $0x92492493, s14;
	s11 =	sshra.s32 s14, $0x1F;
	s5 =	ssub.s32 s19, s5  }
0xb5: {  	v45 =	vmul.u32 s25, v5;
	s20 =	smul.u32 $0x92492493, s11;
	p2 =	seq.s32 s4, s5;
	s4 =	simm.s32 $0x1  }
0xb6: {  	p6 =	slt.s32 s14, $0x1;
	s9 =	ssub.s32 s3, s14;
	s4 =	simm.s32 @!p2 $0x0  }
0xb7: {  	v4 =	vsub.s32 v4, v45;
	s11 =	sadd.s32 s5, s6;
	s7 =	sadd.s32 s20, s9;
	s4 =	ssub.s32 s21, s4  }
0xb8: {  	s9 =	smov.u32 s22;
	s7 =	sadd.s32 s14, s7;
	v4 =	vadd.s32 s4, v4;
	s4 =	simm.s32 $0x0  }
0xb9: {  	s9 =	simm.s32 @!p1 $0x6;
	s3 =	sshrl.u32 s7, $0x1F;
	s7 =	sshra.s32 s7, $0x2  }
0xba: {  	v5 =	vadd.s32 s18, v5;
	s4 =	simm.s32 @!p1 $0x7;
	s18 =	smulhi.u32 $0x92492493, s9;
	s20 =	sshra.s32 s9, $0x1F  }
0xbb: {  	vm1 =	vlt.s32 v5, s2;
	s5 =	sadd.s32 s3, s7;
	s4 =	sadd.s32 s16, s4;
	s17 =	smul.u32 $0x92492493, s20  }
0xbc: {  	v5 =	vnsel vm1, s2, v5;
	s3 =	ssub.s32 $0x0, s14;
	s14 =	simm.s32 $0x1;
	s7 =	smul.u32 $0xFFFFFFF9, s5  }
0xbd: {  	v5 =	vshll.u32 v5, $0x6;
	vm1 =	vlt.s32 v4, s11;
	s21 =	smul.u32 s1, s4;
	s4 =	sadd.s32 $0x1, s4;
	s2 =	ssub.s32 s18, s9  }
0xbe: {  	v5 =	vadd.s32 s12, v5;
	v4 =	vnsel vm1, s11, v4;
	s25 =	spop (drf);
	s4 =	smul.u32 s1, s4;
	s2 =	sadd.s32 s17, s2  }
0xbf: {  	v4 =	vadd.s32 v4, v5;
	s23 =	sxor.u32 s30, s25;
	p1 =	sne.s32 s7, s3;
	s20 =	sadd.s32 $0x6, s21  }
0xc0: {  	[tilespmem:$0x8100] =	vst v4;
	s2 =	sadd.s32 s9, s2;
	s18 =	ssub.s32 $0xFFFFFFFA, s21;
	s23 =	ssub.s32 s23, s30  }
0xc1: {  	v4 =	vld.msk [tilespmem:$0x8100], $0xf;
	s6 =	sshra.s32 s20, $0x1F;
	s7 =	sadd.s32 $0x6, s4;
	s3 =	smulhi.u32 $0x92492493, s20  }
0xc2: {  	s12 =	sshrl.u32 s2, $0x1F;
	s2 =	sshra.s32 s2, $0x2;
	s17 =	smul.u32 $0x92492493, s6  }
0xc3: {  	s4 =	ssub.s32 $0xFFFFFFFA, s4;
	s11 =	sshra.s32 s7, $0x1F;
	s6 =	smulhi.u32 $0x92492493, s7  }
0xc4: {  	p1 =	por !p6, !p1;
	p6 =	slt.s32 s9, $0x1;
	s19 =	smul.u32 $0x92492493, s11  }
0xc5: {  	s2 =	sadd.s32 s12, s2;
	s25 =	sadd.s32 s18, s3;
	s11 =	smul.u32 s29, s23  }
0xc6: {  	p1 =	por !p1, !p1;
	s21 =	smul.u32 $0xFFFFFFF9, s2;
	s17 =	sadd.s32 s17, s25;
	v46 =	vshrl.u32 v4, $0x3  }
0xc7: {  	s12 =	sadd.s32 s4, s6;
	s6 =	simm.s32 @!p0 $0x0;
	s25 =	ssub.s32 $0x0, s9;
	v5 =	vmul.u32 $0x18, v46  }
0xc8: {  	v4 =	vand.u32 $0x7, v4;
	s12 =	sadd.s32 s19, s12;
	p5 =	sne.s32 s11, $0x4;
	s19 =	sadd.s32 s20, s17  }
0xc9: {  	s6 =	simm.s32 @p0 $0x1;
	s11 =	simm.s32 $0x1;
	s17 =	sshrl.u32 s19, $0x1F;
	v4 =	vor.u32 v4, v5  }
0xca: {  	s3 =	sshra.s32 s19, $0x2;
	s12 =	sadd.s32 s7, s12;
	p2 =	por !p0, !p5;
	v4 =	vperm.xlane v4, v39  }
0xcb: {  	[smem:$0x7FC] =	sst s6;
	p5 =	sne.s32 s21, s25;
	s19 =	simm.s32 $0x0  }
0xcc: {  	s21 =	simm.s32 $0x9000;
	s3 =	sadd.s32 s17, s3;
	s17 =	sshrl.u32 s12, $0x1F;
	v4 =	vadd.s32 v2, v4  }
0xcd: {  	s12 =	sshra.s32 s12, $0x2;
	p2 =	por !p2, !p2;
	p5 =	por !p6, !p5  }
0xce: {  	p6 =	slt.s32 s20, $0x1;
	s6 =	smul.u32 $0xFFFFFFF9, s3;
	s11 =	simm.s32 @!p2 $0x0  }
0xcf: {  	s12 =	sadd.s32 s17, s12;
	p5 =	por !p5, !p5;
	s17 =	ssub.s32 s23, s11  }
0xd0: {  	s25 =	smul.u32 $0xFFFFFFF9, s12;
	s11 =	simm.s32 $0x1;
	s14 =	simm.s32 @!p5 $0x0  }
0xd1: {  	[tilespmem:s21], [sflag:$0x1] =	stream.indirect_vreg.gather [hbm4b:s26+s19], $0x80, v4, vm0, $0xb8;
	[tilespmem:$0xFD80] =	vst v63  }
0xd2: {  	p4 =	sne.s32 s6, s18;
	p3 =	sgt.s32 s17, $0xFFFFFFFF;
	s19 =	smov.u32 s15  }
0xd3: {  	s11 =	simm.s32 @!p1 $0x0;
	s18 =	ssub.s32 s2, s14;
	s19 =	simm.s32 @p3 $0x6  }
0xd4: {  	p2 =	sne.s32 s25, s4;
	s23 =	smulhi.u32 $0x92492493, s19;
	s25 =	sshra.s32 s19, $0x1F  }
0xd5: {  	s5 =	ssub.s32 s5, s11;
	p1 =	por !p6, !p4;
	s9 =	smul.u32 $0x92492493, s25  }
0xd6: {  	p5 =	seq.s32 s5, s18;
	s6 =	sadd.s32 s24, s5;
	s4 =	ssub.s32 s23, s19  }
0xd7: {  	p1 =	por !p1, !p1;
	s5 =	simm.s32 $0x1;
	s4 =	sadd.s32 s9, s4  }
0xd8: {  	[dreg:$0x10] =	wrdreg s24;
	s5 =	simm.s32 @!p1 $0x0;
	s26 =	sadd.s32 s19, s4  }
0xd9: {  	s9 =	simm.s32 $0x5;
	s4 =	sshrl.u32 s26, $0x1F;
	s2 =	sshra.s32 s26, $0x2  }
0xda: {  	s3 =	ssub.s32 s3, s5;
	(drf) =	sdiv.u32 s9, s31;
	s20 =	sadd.s32 s4, s2  }
0xdb: {  	s14 =	ssub.s32 $0x0, s19;
	s2 =	simm.s32 $0x1;
	s11 =	smul.u32 $0xFFFFFFF9, s20  }
0xdc: {  	s4 =	simm.s32 $0x1;
	s2 =	simm.s32 @!p5 $0x0;
	p5 =	slt.s32 s7, $0x1  }
0xdd: {  	s9 =	ssub.s32 s6, s2;
	p1 =	por !p5, !p2;
	p2 =	sne.s32 s11, s14  }
0xde: {  	s14 =	smov.u32 s22;
	p1 =	por !p1, !p1;
	s2 =	simm.s32 @!p2 $0x0  }
0xdf: {  	s14 =	simm.s32 @!p3 $0x6;
	s4 =	simm.s32 @!p1 $0x0;
	s2 =	simm.s32 @p2 $0x1  }
0xe0: {  	s21 =	smulhi.u32 $0x92492493, s14;
	s23 =	sshra.s32 s14, $0x1F;
	s4 =	ssub.s32 s12, s4  }
0xe1: {  	s12 =	smul.u32 s16, s8;
	[smem:$0x7FB] =	sst s2;
	s2 =	simm.s32 $0x0  }
0xe2: {  	s24 =	smul.u32 $0x92492493, s23;
	p1 =	seq.s32 s3, s4;
	s3 =	sadd.s32 s10, s3  }
0xe3: {  	s2 =	simm.s32 @!p3 $0x7;
	s5 =	ssub.s32 s21, s14;
	s26 =	spop (drf)  }
0xe4: {  	s11 =	sadd.s32 s17, s2;
	s2 =	sadd.s32 s24, s5;
	s5 =	simm.s32 $0x1  }
0xe5: {  	s24 =	smov.u32 s8;
	s7 =	smul.u32 s1, s11;
	s2 =	sadd.s32 s14, s2  }
0xe6: {  	s5 =	simm.s32 @!p1 $0x0;
	s11 =	sadd.s32 $0x1, s11;
	s6 =	sshrl.u32 s2, $0x1F  }
0xe7: {  	s8 =	sshra.s32 s2, $0x2;
	s3 =	ssub.s32 s3, s5;
	s11 =	smul.u32 s1, s11  }
0xe8: {  	s21 =	sadd.s32 $0x6, s7;
	s5 =	sadd.s32 s6, s8;
	s8 =	ssub.s32 $0xC, s12  }
0xe9: {  	s23 =	sxor.u32 s30, s26;
	s25 =	sshra.s32 s21, $0x1F;
	s26 =	smulhi.u32 $0x92492493, s21;
	v47 =	vadd.s32 s8, v0  }
0xea: {  	s2 =	ssub.s32 $0xFFFFFFFA, s7;
	s16 =	smul.u32 $0x92492493, s25;
	s25 =	ssub.s32 s23, s30;
	vm1 =	vlt.s32 v47, s28  }
0xeb: {  	[dreg:$0x11] =	wrdreg s24;
	s10 =	smul.u32 s29, s25;
	s26 =	sadd.s32 s2, s26;
	v4 =	vnsel vm1, s28, v47  }
0xec: {  	s7 =	simm.s32 $0x1;
	s6 =	sadd.s32 s16, s26;
	s16 =	smov.u32 s13;
	v48 =	vmul.u32 s13, v4  }
0xed: {  	s13 =	smov.u32 s0;
	p6 =	sne.s32 s10, $0x5;
	s6 =	sadd.s32 s21, s6  }
0xee: {  	p1 =	por !p0, !p6;
	s10 =	sshrl.u32 s6, $0x1F;
	s6 =	sshra.s32 s6, $0x2;
	v5 =	vshra.s32 v48, $0x10  }
0xef: {  	p1 =	por !p1, !p1;
	s23 =	sadd.s32 s10, s6;
	v49 =	vmul.u32 s0, v5;
	v5 =	vadd.s32 s9, v5;
	s9 =	simm.s32 $0x6  }
0xf0: {  	s0 =	rddreg [dreg:$0xd];
	s7 =	simm.s32 @!p1 $0x0;
	(drf) =	sdiv.u32 s9, s31  }
0xf1: {  	p1 =	slt.s32 s19, $0x1;
	s12 =	ssub.s32 s25, s7;
	s7 =	sadd.s32 $0x6, s11  }
0xf2: {  	s19 =	sld [smem:$0x7FB];
	s11 =	ssub.s32 $0xFFFFFFFA, s11;
	v4 =	vsub.s32 v4, v49;
	s25 =	smulhi.u32 $0x92492493, s7  }
0xf3: {  	p3 =	sgt.s32 s12, $0xFFFFFFFF;
	s26 =	sshra.s32 s7, $0x1F;
	v4 =	vadd.s32 s3, v4;
	s3 =	smul.u32 $0xFFFFFFF9, s23  }
0xf4: {  	[dreg:$0x12] =	wrdreg s12;
	s12 =	smul.u32 $0x92492493, s26;
	s15 =	simm.s32 @p3 $0x6  }
0xf5: {  	s22 =	simm.s32 @!p3 $0x6;
	s26 =	sadd.s32 s18, s0;
	s18 =	smul.u32 $0xFFFFFFF9, s5  }
0xf6: {  	p2 =	seq.s32 s19, $0x1;
	s19 =	rddreg [dreg:$0x10];
	s6 =	sadd.s32 s11, s25  }
0xf7: {  	s8 =	smulhi.u32 $0x92492493, s15;
	s10 =	sshra.s32 s15, $0x1F;
	p5 =	sne.s32 s3, s2  }
0xf8: {  	p1 =	por !p1, !p2;
	p2 =	slt.s32 s21, $0x1;
	s21 =	sld [smem:$0x7FC]  }
0xf9: {  	s6 =	sadd.s32 s12, s6;
	s12 =	smul.u32 $0x92492493, s10;
	s10 =	sshra.s32 s22, $0x1F  }
0xfa: {  	s8 =	ssub.s32 s8, s15;
	s6 =	sadd.s32 s7, s6;
	s25 =	smul.u32 $0x92492493, s10  }
0xfb: {  	vm1 =	vlt.s32 v5, s26;
	s12 =	sadd.s32 s12, s8;
	s8 =	rddreg [dreg:$0xb];
	s10 =	sshrl.u32 s6, $0x1F  }
0xfc: {  	v5 =	vnsel vm1, s26, v5;
	s6 =	sshra.s32 s6, $0x2;
	s26 =	sadd.s32 s4, s8;
	s12 =	sadd.s32 s15, s12  }
0xfd: {  	s9 =	sadd.s32 s10, s6;
	s10 =	rddreg [dreg:$0xc];
	vm1 =	vlt.s32 v4, s26;
	s4 =	sshrl.u32 s12, $0x1F  }
0xfe: {  	s6 =	sshra.s32 s12, $0x2;
	s12 =	ssub.s32 $0x0, s14;
	v4 =	vnsel vm1, s26, v4;
	s26 =	smulhi.u32 $0x92492493, s22  }
0xff: {  	p6 =	sne.s32 s18, s12;
	s6 =	sadd.s32 s4, s6;
	s18 =	smul.u32 $0xFFFFFFF9, s9  }
0x100: {  	p1 =	por !p1, !p1;
	[dreg:$0xe] =	wrdreg s6;
	s6 =	smul.u32 $0xFFFFFFF9, s6  }
0x101: {  	s12 =	ssub.s32 $0x0, s15;
	s4 =	simm.s32 $0x1;
	s3 =	ssub.s32 s26, s22  }
0x102: {  	p4 =	sne.s32 s18, s11;
	s26 =	ssub.s32 $0x0, s22;
	p0 =	sne.s32 s6, s12  }
0x103: {  	s2 =	sadd.s32 s25, s3;
	s12 =	spop (drf);
	s3 =	simm.s32 @!p0 $0x0  }
0x104: {  	v5 =	vshll.u32 v5, $0x6;
	s2 =	sadd.s32 s22, s2;
	s3 =	simm.s32 @p0 $0x1;
	p0 =	slt.s32 s14, $0x1  }
0x105: {  	v5 =	vadd.s32 s10, v5;
	s18 =	sshrl.u32 s2, $0x1F;
	s2 =	sshra.s32 s2, $0x2;
	[smem:$0x7FD] =	sst s3  }
0x106: {  	v4 =	vadd.s32 v4, v5;
	s18 =	sadd.s32 s18, s2;
	p0 =	por !p0, !p6;
	s3 =	simm.s32 $0x1  }
0x107: {  	[tilespmem:$0x8180] =	vst v4;
	p0 =	por !p0, !p0;
	s25 =	smul.u32 $0xFFFFFFF9, s18;
	s3 =	simm.s32 @!p1 $0x0  }
0x108: {  	v4 =	vld.msk [tilespmem:$0x8180], $0xf;
	p1 =	por !p2, !p5;
	p2 =	slt.s32 s7, $0x1;
	s7 =	simm.s32 $0x0  }
0x109: {  	s4 =	simm.s32 @!p0 $0x0;
	s11 =	ssub.s32 s20, s3;
	s20 =	smul.u32 s17, s24  }
0x10a: {  	p2 =	por !p2, !p4;
	s7 =	simm.s32 @!p3 $0x7;
	p4 =	seq.s32 s21, $0x1  }
0x10b: {  	s24 =	simm.s32 $0x0;
	p6 =	sne.s32 s25, s26;
	s3 =	ssub.s32 s5, s4  }
0x10c: {  	s4 =	sxor.u32 s30, s12;
	s5 =	simm.s32 $0x1;
	s2 =	sadd.s32 s19, s11  }
0x10d: {  	v50 =	vshrl.u32 v4, $0x3;
	s25 =	simm.s32 $0x9600;
	s26 =	rddreg [dreg:$0x0];
	p0 =	seq.s32 s11, s3  }
0x10e: {  	v5 =	vmul.u32 $0x18, v50;
	s4 =	ssub.s32 s4, s30;
	s6 =	ssub.s32 $0x10, s20;
	s11 =	simm.s32 $0x1  }
0x10f: {  	v4 =	vand.u32 $0x7, v4;
	s21 =	sadd.s32 s3, s0;
	s5 =	simm.s32 @!p0 $0x0;
	s14 =	smul.u32 s29, s4  }
0x110: {  	v4 =	vor.u32 v4, v5;
	p0 =	por !p1, !p1;
	s2 =	ssub.s32 s2, s5;
	s5 =	simm.s32 $0x1  }
0x111: {  	v51 =	vadd.s32 s6, v0;
	s6 =	simm.s32 $0x1;
	v4 =	vperm.xlane v4, v39;
	p5 =	sne.s32 s14, $0x6;
	s5 =	simm.s32 @!p0 $0x0  }
0x112: {  	vm1 =	vlt.s32 v51, s28;
	p0 =	por !p2, !p2;
	p1 =	por !p4, !p5;
	s5 =	ssub.s32 s23, s5  }
0x113: {  	v52 =	vnsel vm1, s28, v51;
	v4 =	vadd.s32 v2, v4;
	s11 =	simm.s32 @!p0 $0x0;
	s23 =	smov.u32 s16;
	p1 =	por !p1, !p1  }
0x114: {  	v5 =	vmul.u32 s16, v52;
	s16 =	rddreg [dreg:$0x12];
	p4 =	slt.s32 s15, $0x1;
	s6 =	simm.s32 @!p1 $0x0  }
0x115: {  	p5 =	slt.s32 s22, $0x1;
	s17 =	ssub.s32 s4, s6;
	s4 =	sadd.s32 s16, s7  }
0x116: {  	s15 =	simm.s32 $0x1;
	s6 =	ssub.s32 s9, s11;
	s7 =	smul.u32 s1, s4  }
0x117: {  	s12 =	sshll.u32 s17, $0x18;
	p0 =	seq.s32 s5, s6;
	s6 =	sadd.s32 s6, s8  }
0x118: {  	[tilespmem:s25], [sflag:$0x1] =	stream.indirect_vreg.gather [hbm4b:s26+s24], $0x80, v4, vm0, $0xb8;
	[tilespmem:$0xFD80] =	vst v63  }
0x119: {  	s8 =	sadd.s32 $0x1, s4;
	p3 =	slt.s32 s17, $0x1;
	s24 =	rddreg [dreg:$0xf]  }
0x11a: {  	s20 =	sshra.s32 s12, $0x18;
	s25 =	smov.u32 s13;
	s12 =	simm.s32 $0x1  }
0x11b: {  	v5 =	vshra.s32 v5, $0x10;
	s3 =	smul.u32 s1, s8;
	s8 =	ssub.s32 $0x0, s17;
	s14 =	sadd.s32 s24, s5  }
0x11c: {  	v53 =	vmul.u32 s13, v5;
	s9 =	smul.u32 $0xFFFFFF93, s20;
	s5 =	sadd.s32 $0x6, s7;
	s12 =	simm.s32 @!p0 $0x0  }
0x11d: {  	v5 =	vadd.s32 s2, v5;
	s26 =	smulhi.u32 $0x92492493, s5;
	s11 =	ssub.s32 s14, s12;
	s12 =	ssub.s32 $0xFFFFFFFA, s7  }
0x11e: {  	vm1 =	vlt.s32 v5, s21;
	v4 =	vsub.s32 v52, v53;
	s7 =	sadd.s32 $0x6, s3;
	s3 =	ssub.s32 $0xFFFFFFFA, s3;
	s9 =	sshrl.u32 s9, $0x8  }
0x11f: {  	v5 =	vnsel vm1, s21, v5;
	v4 =	vadd.s32 s11, v4;
	s11 =	sshra.s32 s5, $0x1F;
	s21 =	smulhi.u32 $0x92492493, s7;
	s0 =	sadd.s32 s12, s26  }
0x120: {  	s4 =	sadd.s32 s17, s9;
	s13 =	smul.u32 $0x92492493, s11;
	s26 =	sshra.s32 s7, $0x1F  }
0x121: {  	s14 =	sand.u32 $0x80, s4;
	s4 =	sshll.u32 s4, $0x18;
	s9 =	smul.u32 $0x92492493, s26  }
0x122: {  	v5 =	vshll.u32 v5, $0x6;
	vm1 =	vlt.s32 v4, s6;
	s26 =	sld [smem:$0x7FD];
	s20 =	sshrl.u32 s14, $0x7;
	s4 =	sshra.s32 s4, $0x1A  }
0x123: {  	v5 =	vadd.s32 s10, v5;
	v4 =	vnsel vm1, s6, v4;
	s6 =	sadd.s32 s3, s21;
	s21 =	rddreg [dreg:$0xa];
	s4 =	sadd.s32 s20, s4  }
0x124: {  	v4 =	vadd.s32 v4, v5;
	s2 =	sadd.s32 s13, s0;
	s6 =	sadd.s32 s9, s6;
	s0 =	smul.u32 $0xFFFFFFF9, s4  }
0x125: {  	s14 =	sand.u32 $0xFF, s8;
	[tilespmem:$0x8200] =	vst v4;
	s2 =	sadd.s32 s5, s2;
	s6 =	sadd.s32 s7, s6  }
0x126: {  	v4 =	vld.msk [tilespmem:$0x8200], $0xf;
	s13 =	sshrl.u32 s6, $0x1F;
	s6 =	sshra.s32 s6, $0x2;
	s11 =	sand.u32 $0xFF, s0  }
0x127: {  	s6 =	sadd.s32 s13, s6;
	s0 =	simm.s32 $0x0;
	p2 =	sne.s32 s11, s14  }
0x128: {  	s11 =	sshrl.u32 s2, $0x1F;
	s2 =	sshra.s32 s2, $0x2;
	s20 =	smul.u32 $0xFFFFFFF9, s6  }
0x129: {  	s9 =	sadd.s32 s11, s2;
	p0 =	por !p3, !p2;
	s11 =	simm.s32 $0x1  }
0x12a: {  	p2 =	seq.s32 s26, $0x1;
	p3 =	por !p5, !p6;
	s26 =	rddreg [dreg:$0xe]  }
0x12b: {  	p5 =	slt.s32 s5, $0x1;
	v54 =	vshrl.u32 v4, $0x3;
	p0 =	por !p0, !p0;
	s14 =	smul.u32 $0xFFFFFFF9, s9  }
0x12c: {  	p6 =	slt.s32 s7, $0x1;
	v5 =	vmul.u32 $0x18, v54;
	s11 =	simm.s32 @!p0 $0x0;
	p0 =	por !p4, !p2  }
0x12d: {  	v4 =	vand.u32 $0x7, v4;
	p2 =	por !p3, !p3;
	s4 =	ssub.s32 s4, s11;
	p1 =	sne.s32 s14, s12  }
0x12e: {  	p4 =	por !p0, !p0;
	s12 =	simm.s32 $0x1;
	v4 =	vor.u32 v4, v5;
	s8 =	smul.u32 s21, s4  }
0x12f: {  	p0 =	sne.s32 s20, s3;
	s15 =	simm.s32 @!p2 $0x0;
	s12 =	simm.s32 @!p4 $0x0;
	v4 =	vperm.xlane v4, v39  }
0x130: {  	s2 =	ssub.s32 s18, s15;
	p1 =	por !p5, !p1;
	s14 =	sadd.s32 $0x6, s8  }
0x131: {  	p0 =	por !p6, !p0;
	v4 =	vadd.s32 v2, v4;
	s13 =	smulhi.u32 $0x92492493, s14;
	s20 =	sshra.s32 s14, $0x1F  }
0x132: {  	s12 =	ssub.s32 s26, s12;
	s3 =	ssub.s32 $0xFFFFFFFA, s8;
	s11 =	smul.u32 $0x92492493, s20  }
0x133: {  	p1 =	por !p1, !p1;
	s26 =	smul.u32 $0xFFFFFFF9, s4;
	s22 =	sadd.s32 s3, s13  }
0x134: {  	s4 =	sadd.s32 $0x1, s4;
	s8 =	simm.s32 $0x9C00;
	s11 =	sadd.s32 s11, s22  }
0x135: {  	s7 =	sadd.s32 s17, s26;
	s13 =	rddreg [dreg:$0x0];
	s20 =	sadd.s32 s14, s11  }
0x136: {  	[tilespmem:s8], [sflag:$0x1] =	stream.indirect_vreg.gather [hbm4b:s13+s0], $0x80, v4, vm0, $0xb8;
	[tilespmem:$0xFD80] =	vst v63  }
0x137: {  	p2 =	seq.s32 s12, s2;
	s26 =	smul.u32 s1, s7;
	s11 =	sshrl.u32 s20, $0x1F  }
0x138: {  	s5 =	sshra.s32 s20, $0x2;
	s13 =	smov.u32 s19;
	s0 =	sadd.s32 s19, s12  }
0x139: {  	s8 =	smul.u32 s21, s4;
	s15 =	sadd.s32 s11, s5;
	s5 =	simm.s32 $0x1  }
0x13a: {  	s20 =	sadd.s32 $0x1, s7;
	s7 =	simm.s32 $0x1;
	s5 =	simm.s32 @!p1 $0x0  }
0x13b: {  	s22 =	smul.u32 $0xFFFFFFF9, s15;
	s5 =	ssub.s32 s9, s5;
	s9 =	simm.s32 $0x1  }
0x13c: {  	p1 =	por !p0, !p0;
	s4 =	sadd.s32 $0x6, s8;
	s9 =	simm.s32 @!p2 $0x0  }
0x13d: {  	s12 =	ssub.s32 $0xFFFFFFFA, s8;
	s9 =	ssub.s32 s0, s9;
	s0 =	rddreg [dreg:$0x11]  }
0x13e: {  	p3 =	sne.s32 s22, s3;
	s3 =	simm.s32 $0x1;
	s21 =	smul.u32 s16, s0  }
0x13f: {  	s19 =	sadd.s32 s24, s5;
	s22 =	sshra.s32 s4, $0x1F;
	s3 =	simm.s32 @!p1 $0x0  }
0x140: {  	s18 =	smul.u32 $0x92492493, s22;
	s3 =	ssub.s32 s6, s3;
	s6 =	ssub.s32 $0x14, s21  }
0x141: {  	p1 =	seq.s32 s5, s3;
	s5 =	sadd.s32 $0x6, s26;
	s21 =	smulhi.u32 $0x92492493, s4;
	v55 =	vadd.s32 s6, v0  }
0x142: {  	s8 =	smov.u32 s23;
	s22 =	sshra.s32 s5, $0x1F;
	s6 =	smul.u32 s1, s20;
	vm1 =	vlt.s32 v55, s28  }
0x143: {  	s16 =	ssub.s32 $0xFFFFFFFA, s26;
	s7 =	simm.s32 @!p1 $0x0;
	s20 =	smul.u32 $0x92492493, s22;
	v4 =	vnsel vm1, s28, v55  }
0x144: {  	s11 =	ssub.s32 s19, s7;
	s7 =	sadd.s32 $0x6, s6;
	v56 =	vmul.u32 s23, v4;
	s23 =	smulhi.u32 $0x92492493, s5  }
0x145: {  	s19 =	sadd.s32 s12, s21;
	s22 =	smulhi.u32 $0x92492493, s7;
	s26 =	sshra.s32 s7, $0x1F  }
0x146: {  	s6 =	ssub.s32 $0xFFFFFFFA, s6;
	s21 =	sadd.s32 s16, s23;
	s23 =	smul.u32 $0x92492493, s26  }
0x147: {  	p4 =	slt.s32 s14, $0x1;
	p6 =	slt.s32 s4, $0x1;
	v5 =	vshra.s32 v56, $0x10;
	s22 =	sadd.s32 s6, s22  }
0x148: {  	p0 =	por !p4, !p3;
	v57 =	vmul.u32 s25, v5;
	v5 =	vadd.s32 s9, v5;
	s9 =	sadd.s32 s23, s22;
	s22 =	rddreg [dreg:$0xd]  }
0x149: {  	p0 =	por !p0, !p0;
	s18 =	sadd.s32 s18, s19;
	s2 =	sadd.s32 s2, s22  }
0x14a: {  	s18 =	sadd.s32 s4, s18;
	s26 =	sadd.s32 s20, s21;
	s23 =	rddreg [dreg:$0xb];
	v4 =	vsub.s32 v4, v57;
	vm1 =	vlt.s32 v5, s2  }
0x14b: {  	s19 =	sadd.s32 s5, s26;
	s26 =	sshrl.u32 s18, $0x1F;
	s3 =	sadd.s32 s3, s23;
	v4 =	vadd.s32 s11, v4;
	v5 =	vnsel vm1, s2, v5  }
0x14c: {  	s9 =	sadd.s32 s7, s9;
	s11 =	sshra.s32 s18, $0x2;
	s18 =	sshrl.u32 s19, $0x1F;
	vm1 =	vlt.s32 v4, s3;
	v5 =	vshll.u32 v5, $0x6  }
0x14d: {  	s19 =	sshra.s32 s19, $0x2;
	s20 =	sshrl.u32 s9, $0x1F;
	s2 =	sadd.s32 s26, s11;
	v4 =	vnsel vm1, s3, v4;
	v5 =	vadd.s32 s10, v5  }
0x14e: {  	s9 =	sshra.s32 s9, $0x2;
	s11 =	sadd.s32 s18, s19;
	s26 =	smul.u32 $0xFFFFFFF9, s2;
	v4 =	vadd.s32 v4, v5  }
0x14f: {  	s19 =	smov.u32 s10;
	s3 =	sadd.s32 s20, s9;
	s10 =	smul.u32 $0xFFFFFFF9, s11;
	[tilespmem:$0x8280] =	vst v4  }
0x150: {  	s9 =	simm.s32 $0x1;
	s14 =	smul.u32 $0xFFFFFFF9, s3;
	p5 =	sne.s32 s26, s12;
	v4 =	vld.msk [tilespmem:$0x8280], $0xf  }
0x151: {  	p2 =	sne.s32 s10, s16;
	p3 =	por !p6, !p5;
	s16 =	smul.u32 s17, s0  }
0x152: {  	p4 =	sne.s32 s14, s6;
	s6 =	simm.s32 $0x1;
	p5 =	slt.s32 s5, $0x1  }
0x153: {  	p6 =	slt.s32 s7, $0x1;
	s5 =	simm.s32 $0x1;
	s4 =	ssub.s32 $0x18, s16  }
0x154: {  	s7 =	simm.s32 $0x1;
	p3 =	por !p3, !p3;
	s6 =	simm.s32 @!p0 $0x0;
	v58 =	vadd.s32 s4, v0  }
0x155: {  	p2 =	por !p5, !p2;
	p1 =	por !p6, !p4;
	s9 =	simm.s32 @!p3 $0x0;
	vm1 =	vlt.s32 v58, s28;
	v59 =	vshrl.u32 v4, $0x3  }
0x156: {  	s6 =	ssub.s32 s15, s6;
	p2 =	por !p2, !p2;
	p1 =	por !p1, !p1;
	v5 =	vnsel vm1, s28, v58;
	v6 =	vmul.u32 $0x18, v59  }
0x157: {  	s2 =	ssub.s32 s2, s9;
	s4 =	simm.s32 $0x1;
	s5 =	simm.s32 @!p1 $0x0;
	v4 =	vand.u32 $0x7, v4;
	v60 =	vmul.u32 s8, v5  }
0x158: {  	s17 =	sadd.s32 s13, s6;
	p0 =	seq.s32 s6, s2;
	s4 =	simm.s32 @!p2 $0x0;
	v4 =	vor.u32 v4, v6  }
0x159: {  	s3 =	ssub.s32 s3, s5;
	s4 =	ssub.s32 s11, s4;
	s7 =	simm.s32 @!p0 $0x0;
	v61 =	vshra.s32 v60, $0x10;
	v4 =	vperm.xlane v4, v39  }
0x15a: {  	s6 =	simm.s32 $0x1;
	s5 =	ssub.s32 s17, s7;
	p0 =	seq.s32 s4, s3;
	v7 =	vmul.u32 s25, v61  }
0x15b: {  	s2 =	sadd.s32 s2, s22;
	s4 =	sadd.s32 s24, s4;
	s6 =	simm.s32 @!p0 $0x0;
	v6 =	vadd.s32 s5, v61;
	v4 =	vadd.s32 v2, v4  }
0x15c: {  	s4 =	ssub.s32 s4, s6;
	vm1 =	vlt.s32 v6, s2;
	v5 =	vsub.s32 v5, v7  }
0x15d: {  	s18 =	sadd.s32 s3, s23;
	v6 =	vnsel vm1, s2, v6;
	v5 =	vadd.s32 s4, v5  }
0x15e: {  	v6 =	vshll.u32 v6, $0x6;
	vm1 =	vlt.s32 v5, s18  }
0x15f: {  	s21 =	simm.s32 $0x0;
	s20 =	simm.s32 $0xA200;
	s26 =	rddreg [dreg:$0x0];
	v6 =	vadd.s32 s19, v6;
	v5 =	vnsel vm1, s18, v5  }
0x160: {  	v62 =	vadd.s32 v5, v6;
	[tilespmem:s20], [sflag:$0x1] =	stream.indirect_vreg.gather [hbm4b:s26+s21], $0x80, v4, vm0, $0xb8;
	[tilespmem:$0xFD80] =	vst v63  }
0x161: {  	[tilespmem:$0x8300] =	vst v62  }
0x162: {  	v4 =	vld.msk [tilespmem:$0x8300], $0xf;
	_ =	sdelay $0x4  }
0x163: {  	v63 =	vshrl.u32 v4, $0x3  }
0x164: {  	v5 =	vmul.u32 $0x18, v63  }
0x165: {  	v4 =	vand.u32 $0x7, v4  }
0x166: {  	v4 =	vor.u32 v4, v5  }
0x167: {  	s12 =	smov.u32 s0;
	s0 =	smov.u32 s13;
	s13 =	smul.u32 $0x31, s29;
	v4 =	vperm.xlane v4, v39  }
0x168: {  	_ = 	snop  }
0x169: {  	p0 =	slt.s32 s13, $0x1;
	v4 =	vadd.s32 v2, v4  }
.Ltmp4:
0x16a: {  	_ = 	snop;
	(pc) =	sbr.rel @p0 .LBB2_7-.Ltmp4, $3  }
0x16b: {  	_ =	sdelay $0x1  }
0x16c: {  	[tilespmem:$0x1FFD0] =	vst v1;
	s28 =	simm.s32 $0xA800  }
0x16d: {  	[tilespmem:s28], [sflag:$0x1] =	stream.indirect_vreg.gather [hbm4b:s26+s21], $0x80, v4, vm0, $0xb8;
	[tilespmem:$0xFD80] =	vst v63  }
0x16e: {  	v6 =	vimm.f32 $-Inf;
	v3 =	vimm.f32 $-Inf;
	v10 =	vimm.f32 $-Inf  }
0x16f: {  	v8 =	vimm.f32 $-Inf;
	v11 =	vimm.f32 $-Inf;
	v14 =	vimm.f32 $-Inf  }
0x170: {  	v16 =	vimm.f32 $-Inf;
	v18 =	vimm.f32 $-Inf;
	v17 =	vimm.f32 $-Inf  }
0x171: {  	v12 =	vimm.f32 $-Inf;
	v15 =	vimm.f32 $-Inf;
	v13 =	vimm.f32 $-Inf  }
.Ltmp5:
0x172: {  	s9 =	smov.u32 s8;
	v9 =	vimm.f32 $-Inf;
	v7 =	vimm.f32 $-Inf;
	v4 =	vimm.f32 $-Inf;
	(pc) =	sbr.rel .LBB2_4-.Ltmp5, $4  }
0x173: {  	s8 =	smov.u32 s24;
	s28 =	smov.u32 s22;
	v2 =	vimm.f32 $-Inf;
	v1 =	vimm.f32 $-Inf;
	v0 =	vmov s9  }
0x174: {  	s10 =	smov.u32 s23;
	p0 =	sgt.s32 s29, $0x0;
	s3 =	simm.s32 $0x1;
	v19 =	vimm.f32 $-Inf;
	v20 =	vimm.f32 $-Inf;
	[tilespmem:$0x1FFA0] =	vst v0;
	v0 =	vmov s25  }
0x175: {  	v27 =	vimm.f32 $-Inf;
	s11 =	ssub.s32 $0x0, s12;
	v28 =	vimm.f32 $-Inf;
	s3 =	simm.s32 @!p0 $0x0;
	p0 =	slt.s32 s29, $0x0;
	[tilespmem:$0x1FFB0] =	vst v0;
	v0 =	vmov s19  }
0x176: {  	s12 =	simm.s32 $0x0;
	s14 =	simm.s32 $0x1C;
	v29 =	vimm.f32 $-Inf;
	v30 =	vimm.f32 $-Inf;
	s3 =	simm.s32 @p0 $0xFFFFFFFF;
	[tilespmem:$0x1FFC0] =	vst v0;
	v0 =	vimm.f32 $-Inf  }
.LBB2_6:
0x177: {  	s2 =	sand.u32 $0x7, s12  }
0x178: {  	s2 =	smul.u32 $0x1800, s2;
	_ =	sdelay $0x1  }
0x179: {  	s15 =	sshrl.u32 s2, $0x2  }
0x17a: {  	v26 =	vld [tilespmem:s15+$0x8910];
	_ =	sdelay $0x4  }
0x17b: {  	[tilespmem:$0x1FDD0] =	vst v26;
	v26 =	vld [tilespmem:s15+$0x8990];
	_ =	sdelay $0x4  }
0x17c: {  	[tilespmem:$0x1FDF0] =	vst v26;
	v26 =	vld [tilespmem:s15+$0x8820];
	_ =	sdelay $0x4  }
0x17d: {  	[tilespmem:$0x1FDE0] =	vst v26;
	v26 =	vld [tilespmem:s15+$0x88A0];
	_ =	sdelay $0x4  }
0x17e: {  	[tilespmem:$0x1FE00] =	vst v26;
	v26 =	vld [tilespmem:s15+$0x8920];
	_ =	sdelay $0x4  }
0x17f: {  	[tilespmem:$0x1FE20] =	vst v26;
	v26 =	vld [tilespmem:s15+$0x89A0];
	_ =	sdelay $0x4  }
0x180: {  	[tilespmem:$0x1FE40] =	vst v26;
	v26 =	vld [tilespmem:s15+$0x8830];
	_ =	sdelay $0x4  }
0x181: {  	[tilespmem:$0x1FE10] =	vst v26;
	v26 =	vld [tilespmem:s15+$0x88B0];
	_ =	sdelay $0x3  }
0x182: {  	v37 =	vld [tilespmem:s15+$0x8400]  }
0x183: {  	[tilespmem:$0x1FE30] =	vst v26;
	v26 =	vld [tilespmem:s15+$0x8930]  }
0x184: {  	v38 =	vld [tilespmem:s15+$0x8480]  }
0x185: {  	v39 =	vld [tilespmem:s15+$0x8500]  }
0x186: {  	v41 =	vld [tilespmem:s15+$0x8410]  }
0x187: {  	v53 =	vld [tilespmem:s15+$0x8440]  }
0x188: {  	[tilespmem:$0x1FE50] =	vst v26;
	v26 =	vld [tilespmem:$0x1FE60]  }
0x189: {  	v42 =	vld [tilespmem:s15+$0x8490]  }
0x18a: {  	v43 =	vld [tilespmem:s15+$0x8510]  }
0x18b: {  	v45 =	vld [tilespmem:s15+$0x8420]  }
0x18c: {  	v57 =	vld [tilespmem:s15+$0x8450]  }
0x18d: {  	v26 =	vmax.f32 v26, v53;
	v53 =	vld [tilespmem:$0x1FE70]  }
0x18e: {  	v58 =	vld [tilespmem:s15+$0x84D0]  }
0x18f: {  	v46 =	vld [tilespmem:s15+$0x84A0]  }
0x190: {  	v61 =	vld [tilespmem:s15+$0x8460];
	v29 =	vmax.f32 v29, v41  }
0x191: {  	v1 =	vld [tilespmem:s15+$0x8470];
	v29 =	vmax.f32 v29, v42  }
0x192: {  	v2 =	vld [tilespmem:s15+$0x84F0];
	v29 =	vmax.f32 v29, v43;
	v43 =	vmax.f32 v53, v57  }
0x193: {  	v43 =	vmax.f32 v43, v58;
	v58 =	vld [tilespmem:$0x1FE80]  }
0x194: {  	v3 =	vld [tilespmem:s15+$0x8570]  }
0x195: {  	v4 =	vld [tilespmem:s15+$0x85F0]  }
0x196: {  	v5 =	vld [tilespmem:s15+$0x8600]  }
0x197: {  	v6 =	vld [tilespmem:s15+$0x8680];
	v28 =	vmax.f32 v28, v45  }
0x198: {  	v28 =	vmax.f32 v28, v46;
	v46 =	vmax.f32 v58, v61;
	v61 =	vld [tilespmem:$0x1FE90]  }
0x199: {  	v12 =	vld [tilespmem:s15+$0x87C0]  }
0x19a: {  	v7 =	vld [tilespmem:s15+$0x8700]  }
0x19b: {  	v9 =	vld [tilespmem:s15+$0x8610]  }
0x19c: {  	v13 =	vld [tilespmem:s15+$0x8620]  }
0x19d: {  	v14 =	vld [tilespmem:s15+$0x86A0];
	v1 =	vmax.f32 v61, v1  }
0x19e: {  	[tilespmem:$0x1FD20] =	vst v12;
	v12 =	vld [tilespmem:s15+$0x8750];
	v1 =	vmax.f32 v1, v2  }
0x19f: {  	v2 =	vld [tilespmem:$0x1FEA0];
	v1 =	vmax.f32 v1, v3  }
0x1a0: {  	v1 =	vmax.f32 v1, v4;
	v4 =	vld [tilespmem:$0x1FEB0]  }
0x1a1: {  	v15 =	vld [tilespmem:s15+$0x8720]  }
0x1a2: {  	v17 =	vld [tilespmem:s15+$0x8630]  }
0x1a3: {  	v16 =	vld [tilespmem:s15+$0x8760]  }
0x1a4: {  	[tilespmem:$0x1FD30] =	vst v12;
	v12 =	vld [tilespmem:s15+$0x87D0]  }
0x1a5: {  	v2 =	vmax.f32 v2, v5;
	v4 =	vmax.f32 v4, v9;
	v9 =	vld [tilespmem:$0x1FED0]  }
0x1a6: {  	v21 =	vld [tilespmem:s15+$0x8640];
	v2 =	vmax.f32 v2, v6  }
0x1a7: {  	v2 =	vmax.f32 v2, v7;
	v7 =	vld [tilespmem:$0x1FEC0]  }
0x1a8: {  	[tilespmem:$0x1FD50] =	vst v16;
	v16 =	vld [tilespmem:s15+$0x87E0]  }
0x1a9: {  	[tilespmem:$0x1FD40] =	vst v12;
	v12 =	vld [tilespmem:s15+$0x8660]  }
0x1aa: {  	v9 =	vmax.f32 v9, v17;
	v17 =	vld [tilespmem:$0x1FF00]  }
0x1ab: {  	v22 =	vld [tilespmem:s15+$0x86C0]  }
0x1ac: {  	v7 =	vmax.f32 v7, v13;
	v13 =	vld [tilespmem:$0x1FEE0]  }
0x1ad: {  	v35 =	vld [tilespmem:s15+$0x8740]  }
0x1ae: {  	[tilespmem:$0x1FD60] =	vst v16;
	v16 =	vld [tilespmem:s15+$0x86F0]  }
0x1af: {  	v12 =	vmax.f32 v17, v12;
	v17 =	vld [tilespmem:$0x1FD20]  }
0x1b0: {  	v25 =	vld [tilespmem:s15+$0x8650]  }
0x1b1: {  	v20 =	vld [tilespmem:s15+$0x86D0];
	v7 =	vmax.f32 v7, v14;
	v13 =	vmax.f32 v13, v21  }
0x1b2: {  	v7 =	vmax.f32 v7, v15;
	v15 =	vld [tilespmem:$0x1FEF0];
	v13 =	vmax.f32 v13, v22  }
0x1b3: {  	[tilespmem:$0x1FD70] =	vst v16;
	v16 =	vld [tilespmem:s15+$0x8770];
	v13 =	vmax.f32 v13, v35  }
0x1b4: {  	v13 =	vmax.f32 v13, v17;
	v17 =	vld [tilespmem:$0x1FD30]  }
0x1b5: {  	v40 =	vld [tilespmem:s15+$0x8580]  }
0x1b6: {  	v44 =	vld [tilespmem:s15+$0x8590]  }
0x1b7: {  	v47 =	vld [tilespmem:s15+$0x8520];
	v15 =	vmax.f32 v15, v25  }
0x1b8: {  	[tilespmem:$0x1FD80] =	vst v16;
	v16 =	vld [tilespmem:s15+$0x87F0];
	v15 =	vmax.f32 v15, v20  }
0x1b9: {  	v15 =	vmax.f32 v15, v17;
	v17 =	vld [tilespmem:$0x1FD40]  }
0x1ba: {  	v18 =	vld [tilespmem:s15+$0x86B0]  }
0x1bb: {  	v48 =	vld [tilespmem:s15+$0x85A0]  }
0x1bc: {  	v31 =	vld [tilespmem:s15+$0x86E0]  }
0x1bd: {  	[tilespmem:$0x1FDA0] =	vst v16;
	v16 =	vld [tilespmem:s15+$0x8880]  }
0x1be: {  	v15 =	vmax.f32 v15, v17;
	v17 =	vld [tilespmem:$0x1FD50]  }
0x1bf: {  	v9 =	vmax.f32 v9, v18;
	v18 =	vld [tilespmem:$0x1FD60]  }
0x1c0: {  	v19 =	vld [tilespmem:s15+$0x8730]  }
0x1c1: {  	v36 =	vld [tilespmem:s15+$0x8670]  }
0x1c2: {  	[tilespmem:$0x1FD90] =	vst v16;
	v16 =	vld [tilespmem:s15+$0x8900];
	v12 =	vmax.f32 v12, v31  }
0x1c3: {  	v12 =	vmax.f32 v12, v17;
	v17 =	vld [tilespmem:$0x1FF10]  }
0x1c4: {  	v12 =	vmax.f32 v12, v18;
	v18 =	vld [tilespmem:$0x1FD70]  }
0x1c5: {  	v9 =	vmax.f32 v9, v19;
	v19 =	vld [tilespmem:$0x1FD80]  }
0x1c6: {  	v49 =	vld [tilespmem:s15+$0x8430]  }
0x1c7: {  	v34 =	vld [tilespmem:s15+$0x8800]  }
0x1c8: {  	[tilespmem:$0x1FDB0] =	vst v16;
	v16 =	vld [tilespmem:s15+$0x8980];
	v17 =	vmax.f32 v17, v36  }
0x1c9: {  	v17 =	vmax.f32 v17, v18;
	v18 =	vld [tilespmem:$0x1FF20]  }
0x1ca: {  	v17 =	vmax.f32 v17, v19;
	v19 =	vld [tilespmem:$0x1FD90]  }
0x1cb: {  	v50 =	vld [tilespmem:s15+$0x84B0]  }
0x1cc: {  	v51 =	vld [tilespmem:s15+$0x8530]  }
0x1cd: {  	v52 =	vld [tilespmem:s15+$0x85B0]  }
0x1ce: {  	[tilespmem:$0x1FDC0] =	vst v16;
	v16 =	vld [tilespmem:s15+$0x8810];
	v18 =	vmax.f32 v18, v34  }
0x1cf: {  	v18 =	vmax.f32 v18, v19;
	v19 =	vld [tilespmem:$0x1FF30]  }
0x1d0: {  	v54 =	vld [tilespmem:s15+$0x84C0]  }
0x1d1: {  	v55 =	vld [tilespmem:s15+$0x8540]  }
0x1d2: {  	v56 =	vld [tilespmem:s15+$0x85C0]  }
0x1d3: {  	v59 =	vld [tilespmem:s15+$0x8550]  }
0x1d4: {  	v16 =	vmax.f32 v19, v16;
	v19 =	vld [tilespmem:$0x1FDA0]  }
0x1d5: {  	v60 =	vld [tilespmem:s15+$0x85D0]  }
0x1d6: {  	v62 =	vld [tilespmem:s15+$0x84E0]  }
0x1d7: {  	v63 =	vld [tilespmem:s15+$0x8560]  }
0x1d8: {  	v0 =	vld [tilespmem:s15+$0x85E0]  }
0x1d9: {  	v17 =	vmax.f32 v17, v19;
	v19 =	vld [tilespmem:$0x1FDB0]  }
0x1da: {  	v8 =	vld [tilespmem:s15+$0x8780]  }
0x1db: {  	s26 =	sshra.s32 s12, $0x1F;
	v10 =	vld [tilespmem:s15+$0x8690]  }
0x1dc: {  	s4 =	sxor.u32 s26, s12;
	v11 =	vld [tilespmem:s15+$0x8710]  }
0x1dd: {  	s4 =	ssub.s32 s4, s26;
	v23 =	vld [tilespmem:s15+$0x8790]  }
0x1de: {  	(drf) =	sdiv.u32 s4, s31;
	v18 =	vmax.f32 v18, v19;
	v19 =	vld [tilespmem:$0x1FDC0]  }
0x1df: {  	v24 =	vld [tilespmem:s15+$0x87A0]  }
0x1e0: {  	v32 =	vld [tilespmem:s15+$0x87B0]  }
0x1e1: {  	v33 =	vld [tilespmem:s15+$0x8890]  }
0x1e2: {  	v30 =	vmax.f32 v30, v37;
	v37 =	vld [tilespmem:s15+$0x89B0]  }
0x1e3: {  	v18 =	vmax.f32 v18, v19;
	v19 =	vld [tilespmem:$0x1FDD0]  }
0x1e4: {  	v41 =	vld [tilespmem:s15+$0x89C0]  }
0x1e5: {  	v30 =	vmax.f32 v30, v38;
	v38 =	vld [tilespmem:s15+$0x8840]  }
0x1e6: {  	v42 =	vld [tilespmem:s15+$0x8850]  }
0x1e7: {  	s2 =	sxor.u32 s30, s26;
	s4 =	spop (drf);
	v20 =	vld [tilespmem:$0x1FDE0];
	v16 =	vmax.f32 v16, v33  }
0x1e8: {  	s4 =	sxor.u32 s2, s4;
	v16 =	vmax.f32 v16, v19;
	v19 =	vld [tilespmem:$0x1FF40]  }
0x1e9: {  	p0 =	sgt.s32 s12, $0x0;
	v30 =	vmax.f32 v30, v39;
	v39 =	vld [tilespmem:s15+$0x88C0];
	s2 =	ssub.s32 s4, s2;
	s4 =	simm.s32 $0x1  }
0x1ea: {  	v30 =	vmax.f32 v30, v40;
	v40 =	vld [tilespmem:s15+$0x8940];
	s4 =	simm.s32 @!p0 $0x0;
	p0 =	slt.s32 s12, $0x0;
	s5 =	smul.u32 s29, s2  }
0x1eb: {  	s4 =	simm.s32 @p0 $0xFFFFFFFF;
	v26 =	vmax.f32 v26, v54;
	v54 =	vld [tilespmem:s15+$0x88D0]  }
0x1ec: {  	p0 =	sne.s32 s4, s3;
	p1 =	sne.s32 s12, s5;
	v57 =	vld [tilespmem:s15+$0x8950]  }
0x1ed: {  	p0 =	por !p0, !p1;
	v19 =	vmax.f32 v19, v20;
	v20 =	vld [tilespmem:$0x1FDF0]  }
0x1ee: {  	s4 =	simm.s32 $0x1;
	p0 =	por !p0, !p0;
	v43 =	vmax.f32 v43, v59;
	v59 =	vld [tilespmem:s15+$0x89D0]  }
0x1ef: {  	s4 =	simm.s32 @!p0 $0x0;
	v46 =	vmax.f32 v46, v62;
	v62 =	vld [tilespmem:s15+$0x8860]  }
0x1f0: {  	s2 =	ssub.s32 s2, s4;
	v3 =	vld [tilespmem:s15+$0x8960]  }
0x1f1: {  	s4 =	sadd.s32 $0x1, s2;
	v5 =	vld [tilespmem:s15+$0x88E0]  }
0x1f2: {  	s4 =	smul.u32 s4, s29;
	v16 =	vmax.f32 v16, v20;
	v20 =	vld [tilespmem:$0x1FE00]  }
0x1f3: {  	v6 =	vld [tilespmem:s15+$0x89E0]  }
0x1f4: {  	s4 =	sadd.s32 $0xFFFFFFFF, s4;
	v2 =	vmax.f32 v2, v8;
	v8 =	vld [tilespmem:s15+$0x8870]  }
0x1f5: {  	p0 =	sne.s32 s4, s12;
	v4 =	vmax.f32 v4, v10;
	v10 =	vld [tilespmem:s15+$0x88F0]  }
0x1f6: {  	s2 =	smul.u32 @!p0 $0x600, s2;
	v21 =	vld [tilespmem:$0x1FE10]  }
0x1f7: {  	v19 =	vmax.f32 v19, v20;
	v20 =	vld [tilespmem:$0x1FF50]  }
0x1f8: {  	v27 =	vmax.f32 v27, v49;
	s5 =	sshra.s32 @!p0 s2, $0x2;
	v4 =	vmax.f32 v4, v11;
	v11 =	vld [tilespmem:s15+$0x8970]  }
0x1f9: {  	v27 =	vmax.f32 v27, v50;
	v28 =	vmax.f32 v28, v47;
	v29 =	vmax.f32 v29, v44;
	v14 =	vld [tilespmem:s15+$0x89F0];
	[tilespmem:s5+$0xB400] =	vst @!p0 v30  }
0x1fa: {  	v27 =	vmax.f32 v27, v51;
	v28 =	vmax.f32 v28, v48;
	[tilespmem:s5+$0xB410] =	vst @!p0 v29  }
0x1fb: {  	v27 =	vmax.f32 v27, v52;
	v26 =	vmax.f32 v26, v55;
	v4 =	vmax.f32 v4, v23;
	v23 =	vld [tilespmem:$0x1FF80];
	[tilespmem:s5+$0xB420] =	vst @!p0 v28  }
0x1fc: {  	v26 =	vmax.f32 v26, v56;
	v46 =	vmax.f32 v46, v63;
	[tilespmem:s5+$0xB430] =	vst @!p0 v27;
	v20 =	vmax.f32 v20, v21;
	v21 =	vld [tilespmem:$0x1FE20]  }
0x1fd: {  	v0 =	vmax.f32 v46, v0;
	[tilespmem:s5+$0xB440] =	vst @!p0 v26;
	v22 =	vld [tilespmem:$0x1FE40]  }
0x1fe: {  	[tilespmem:s5+$0xB460] =	vst @!p0 v0;
	v7 =	vmax.f32 v7, v24;
	v24 =	vld [tilespmem:$0x1FF90]  }
0x1ff: {  	[tilespmem:s5+$0xB470] =	vst @!p0 v1  }
0x200: {  	[tilespmem:s5+$0xB490] =	vst @!p0 v4  }
0x201: {  	v43 =	vmax.f32 v43, v60;
	[tilespmem:s5+$0xB480] =	vst @!p0 v2;
	v23 =	vmax.f32 v23, v62;
	v19 =	vmax.f32 v19, v21;
	v21 =	vld [tilespmem:$0x1FE30]  }
0x202: {  	[tilespmem:s5+$0xB450] =	vst @!p0 v43;
	v5 =	vmax.f32 v23, v5;
	v19 =	vmax.f32 v19, v22;
	v22 =	vld [tilespmem:$0x1FE50]  }
0x203: {  	v9 =	vmax.f32 v9, v32;
	[tilespmem:s5+$0xB4A0] =	vst @!p0 v7;
	v3 =	vmax.f32 v5, v3;
	v8 =	vmax.f32 v24, v8  }
0x204: {  	v4 =	vpsel !p0, $0xFF800000, v4;
	[tilespmem:s5+$0xB4B0] =	vst @!p0 v9;
	v3 =	vmax.f32 v3, v6;
	v8 =	vmax.f32 v8, v10  }
0x205: {  	v2 =	vpsel !p0, $0xFF800000, v2;
	v1 =	vpsel !p0, $0xFF800000, v1;
	[tilespmem:s5+$0xB560] =	vst @!p0 v3;
	v5 =	vmax.f32 v8, v11  }
0x206: {  	v0 =	vpsel !p0, $0xFF800000, v0;
	[tilespmem:s5+$0xB4C0] =	vst @!p0 v13;
	v5 =	vmax.f32 v5, v14;
	v20 =	vmax.f32 v20, v21;
	v21 =	vld [tilespmem:$0x1FF60]  }
0x207: {  	v27 =	vpsel !p0, $0xFF800000, v27;
	v28 =	vpsel !p0, $0xFF800000, v28;
	[tilespmem:s5+$0xB570] =	vst @!p0 v5;
	v20 =	vmax.f32 v20, v22;
	v22 =	vld [tilespmem:$0x1FF70]  }
0x208: {  	v29 =	vpsel !p0, $0xFF800000, v29;
	v30 =	vpsel !p0, $0xFF800000, v30;
	v9 =	vpsel !p0, $0xFF800000, v9;
	[tilespmem:s5+$0xB4D0] =	vst @!p0 v15  }
0x209: {  	v7 =	vpsel !p0, $0xFF800000, v7;
	v3 =	vpsel !p0, $0xFF800000, v3;
	v13 =	vpsel !p0, $0xFF800000, v13;
	[tilespmem:s5+$0xB4E0] =	vst @!p0 v12  }
0x20a: {  	s12 =	sadd.s32 $0x1, s12;
	v6 =	vpsel !p0, $0xFF800000, v5;
	v15 =	vpsel !p0, $0xFF800000, v15;
	v12 =	vpsel !p0, $0xFF800000, v12;
	[tilespmem:s5+$0xB4F0] =	vst @!p0 v17  }
0x20b: {  	p1 =	sne.s32 s13, s12;
	v17 =	vpsel !p0, $0xFF800000, v17;
	[tilespmem:s5+$0xB500] =	vst @!p0 v18;
	v18 =	vpsel !p0, $0xFF800000, v18;
	v21 =	vmax.f32 v21, v38  }
.Ltmp6:
0x20c: {  	[tilespmem:s5+$0xB510] =	vst @!p0 v16;
	v16 =	vpsel !p0, $0xFF800000, v16;
	v21 =	vmax.f32 v21, v39;
	v22 =	vmax.f32 v22, v42;
	(pc) =	sbr.rel @!p1 .LBB2_7-.Ltmp6, $4  }
0x20d: {  	[tilespmem:s5+$0xB520] =	vst @!p0 v19;
	v20 =	vmax.f32 v20, v37;
	v21 =	vmax.f32 v21, v40;
	v22 =	vmax.f32 v22, v54  }
0x20e: {  	v14 =	vpsel !p0, $0xFF800000, v19;
	[tilespmem:s5+$0xB530] =	vst @!p0 v20;
	v22 =	vmax.f32 v22, v57;
	v8 =	vmax.f32 v21, v41  }
0x20f: {  	v19 =	vpsel !p0, $0xFF800000, v43;
	v11 =	vpsel !p0, $0xFF800000, v20;
	v10 =	vmax.f32 v22, v59;
	[tilespmem:s5+$0xB540] =	vst @!p0 v8  }
0x210: {  	s14 =	sadd.s32 $0x4, s14;
	v20 =	vpsel !p0, $0xFF800000, v26;
	v8 =	vpsel !p0, $0xFF800000, v8;
	[tilespmem:s5+$0xB550] =	vst @!p0 v10;
	v10 =	vpsel !p0, $0xFF800000, v10  }
.LBB2_4:
0x211: {  	[tilespmem:$0x1FE60] =	vst v20  }
0x212: {  	[tilespmem:$0x1FE70] =	vst v19  }
0x213: {  	[tilespmem:$0x1FE80] =	vst v0  }
0x214: {  	[tilespmem:$0x1FE90] =	vst v1  }
0x215: {  	[tilespmem:$0x1FEA0] =	vst v2  }
0x216: {  	[tilespmem:$0x1FEB0] =	vst v4  }
0x217: {  	[tilespmem:$0x1FEC0] =	vst v7  }
0x218: {  	[tilespmem:$0x1FED0] =	vst v9  }
0x219: {  	[tilespmem:$0x1FEE0] =	vst v13  }
0x21a: {  	[tilespmem:$0x1FEF0] =	vst v15  }
0x21b: {  	[tilespmem:$0x1FF00] =	vst v12  }
0x21c: {  	[tilespmem:$0x1FF10] =	vst v17  }
0x21d: {  	[tilespmem:$0x1FF20] =	vst v18  }
0x21e: {  	[tilespmem:$0x1FF30] =	vst v16  }
0x21f: {  	[tilespmem:$0x1FF40] =	vst v14  }
0x220: {  	[tilespmem:$0x1FF50] =	vst v11  }
0x221: {  	[tilespmem:$0x1FF60] =	vst v8;
	s15 =	sadd.s32 $0x7, s12  }
0x222: {  	[tilespmem:$0x1FF70] =	vst v10;
	p0 =	sge.s32 s15, s13  }
.Ltmp7:
0x223: {  	[tilespmem:$0x1FF80] =	vst v3;
	(pc) =	sbr.rel @p0 .LBB2_6-.Ltmp7, $4  }
0x224: {  	[tilespmem:$0x1FF90] =	vst v6;
	s2 =	simm.s32 $0x1  }
0x225: {  	_ =	swait.ge [sflag:s2], $0x600  }
0x226: {  	[sflag:s2] =	ssyncset.done $0x0  }
0x227: {  	[sflag:s2] =	ssyncadd.s32 $0xFFFFFA00  }
0x228: {  	s2 =	sshra.s32 s15, $0x1F  }
0x229: {  	s4 =	sxor.u32 s2, s15  }
0x22a: {  	s4 =	ssub.s32 s4, s2  }
0x22b: {  	(drf) =	sdiv.u32 s4, s31;
	_ =	sdelay $0x8  }
0x22c: {  	s2 =	sxor.u32 s30, s2;
	s4 =	spop (drf)  }
0x22d: {  	s4 =	sxor.u32 s2, s4  }
0x22e: {  	p0 =	sgt.s32 s15, $0x0;
	s2 =	ssub.s32 s4, s2;
	s4 =	simm.s32 $0x1  }
0x22f: {  	s4 =	simm.s32 @!p0 $0x0;
	p0 =	slt.s32 s15, $0x0;
	s5 =	smul.u32 s29, s2  }
0x230: {  	s4 =	simm.s32 @p0 $0xFFFFFFFF  }
0x231: {  	p0 =	sne.s32 s4, s3;
	p1 =	sne.s32 s15, s5  }
0x232: {  	p0 =	por !p0, !p1  }
0x233: {  	s4 =	simm.s32 $0x1;
	p0 =	por !p0, !p0  }
0x234: {  	s4 =	simm.s32 @!p0 $0x0  }
0x235: {  	s5 =	ssub.s32 s2, s4  }
0x236: {  	s2 =	smulhi.u32 $0x92492493, s5;
	s4 =	sshra.s32 s5, $0x1F  }
0x237: {  	s4 =	smul.u32 $0x92492493, s4  }
0x238: {  	s2 =	ssub.s32 s2, s5  }
0x239: {  	s2 =	sadd.s32 s4, s2  }
0x23a: {  	s2 =	sadd.s32 s5, s2  }
0x23b: {  	s23 =	sshrl.u32 s2, $0x1F;
	s2 =	sshra.s32 s2, $0x2  }
0x23c: {  	s2 =	sadd.s32 s23, s2  }
0x23d: {  	s4 =	smul.u32 $0xFFFFFFF9, s2  }
0x23e: {  	s6 =	ssub.s32 $0x0, s5  }
0x23f: {  	p3 =	slt.s32 s5, $0x1;
	p4 =	sne.s32 s4, s6  }
0x240: {  	p0 =	por !p3, !p4  }
0x241: {  	s4 =	simm.s32 $0x1;
	p0 =	por !p0, !p0  }
0x242: {  	s4 =	simm.s32 @!p0 $0x0  }
0x243: {  	s17 =	rddreg [dreg:$0xa];
	s2 =	ssub.s32 s2, s4  }
0x244: {  	s4 =	smul.u32 s17, s2  }
0x245: {  	s16 =	sadd.s32 $0x1, s2;
	s2 =	smul.u32 $0xFFFFFFF9, s2  }
0x246: {  	s16 =	smul.u32 s17, s16  }
0x247: {  	s6 =	sadd.s32 $0x6, s4;
	s2 =	sadd.s32 s5, s2;
	s5 =	smul.u32 s5, s11  }
0x248: {  	s7 =	smulhi.u32 $0x92492493, s6  }
0x249: {  	s9 =	sshra.s32 s6, $0x1F;
	s20 =	smul.u32 s1, s2  }
0x24a: {  	s4 =	ssub.s32 $0xFFFFFFFA, s4;
	s9 =	smul.u32 $0x92492493, s9  }
0x24b: {  	s2 =	sadd.s32 $0x1, s2;
	p3 =	slt.s32 s6, $0x1;
	s7 =	sadd.s32 s4, s7  }
0x24c: {  	s2 =	smul.u32 s1, s2;
	s5 =	sadd.s32 s5, s14;
	s7 =	sadd.s32 s9, s7  }
0x24d: {  	s9 =	sadd.s32 $0x6, s16;
	s16 =	ssub.s32 $0xFFFFFFFA, s16;
	s7 =	sadd.s32 s6, s7  }
0x24e: {  	s24 =	smulhi.u32 $0x92492493, s9;
	s19 =	sshra.s32 s9, $0x1F;
	p6 =	slt.s32 s9, $0x1  }
0x24f: {  	s18 =	sshrl.u32 s7, $0x1F;
	s7 =	sshra.s32 s7, $0x2;
	s19 =	smul.u32 $0x92492493, s19  }
0x250: {  	s7 =	sadd.s32 s18, s7;
	s17 =	sadd.s32 s16, s24;
	s18 =	sadd.s32 $0x6, s20  }
0x251: {  	s20 =	ssub.s32 $0xFFFFFFFA, s20;
	s24 =	sadd.s32 $0x6, s2;
	s2 =	ssub.s32 $0xFFFFFFFA, s2  }
0x252: {  	s17 =	sadd.s32 s19, s17;
	s25 =	smulhi.u32 $0x92492493, s18;
	s21 =	sshra.s32 s18, $0x1F  }
0x253: {  	s26 =	sshra.s32 s24, $0x1F;
	s17 =	sadd.s32 s9, s17;
	s21 =	smul.u32 $0x92492493, s21  }
0x254: {  	p4 =	slt.s32 s18, $0x1;
	s22 =	sshrl.u32 s17, $0x1F;
	s19 =	sadd.s32 s20, s25  }
0x255: {  	s17 =	sshra.s32 s17, $0x2;
	s25 =	smulhi.u32 $0x92492493, s24;
	s19 =	sadd.s32 s21, s19  }
0x256: {  	s21 =	smul.u32 $0xFFFFFFF9, s7;
	s17 =	sadd.s32 s22, s17;
	s19 =	sadd.s32 s18, s19  }
0x257: {  	s22 =	smul.u32 $0xFFFFFFF9, s17;
	s23 =	sshrl.u32 s19, $0x1F;
	s19 =	sshra.s32 s19, $0x2  }
0x258: {  	s9 =	simm.s32 $0x1;
	s19 =	sadd.s32 s23, s19;
	s23 =	smul.u32 $0x92492493, s26  }
0x259: {  	p5 =	sne.s32 s21, s4;
	s26 =	sadd.s32 s2, s25;
	p2 =	sne.s32 s22, s16  }
0x25a: {  	p1 =	por !p3, !p5;
	s4 =	smul.u32 $0xFFFFFFF9, s19;
	s23 =	sadd.s32 s23, s26  }
0x25b: {  	v57 =	vld [tilespmem:$0x1FFD0];
	p5 =	slt.s32 s24, $0x1;
	p1 =	por !p1, !p1;
	s25 =	sadd.s32 s24, s23  }
0x25c: {  	p0 =	sne.s32 s4, s20;
	s6 =	sshrl.u32 s25, $0x1F;
	s4 =	sshra.s32 s25, $0x2  }
0x25d: {  	v58 =	vld [tilespmem:$0x1FFA0];
	p3 =	por !p6, !p2;
	s4 =	sadd.s32 s6, s4;
	s6 =	simm.s32 $0x1  }
0x25e: {  	v0 =	vlaneseq.u32;
	p0 =	por !p4, !p0;
	s6 =	simm.s32 @!p1 $0x0;
	s26 =	smul.u32 $0xFFFFFFF9, s4  }
0x25f: {  	v31 =	vadd.s32 s5, v0;
	p0 =	por !p0, !p0;
	p1 =	por !p3, !p3;
	s6 =	ssub.s32 s7, s6  }
0x260: {  	v59 =	vld [tilespmem:$0x1FFB0];
	vm1 =	vlt.s32 v31, v57;
	s9 =	simm.s32 @!p1 $0x0;
	s7 =	simm.s32 $0x1;
	p6 =	sne.s32 s26, s2  }
0x261: {  	v31 =	vsel vm1, v31, v57;
	s16 =	sadd.s32 s0, s6;
	s18 =	ssub.s32 s17, s9;
	p1 =	por !p5, !p6  }
0x262: {  	v32 =	vmul.u32 v58, v31;
	s7 =	simm.s32 @!p0 $0x0;
	s9 =	simm.s32 $0x1;
	p0 =	por !p1, !p1  }
0x263: {  	p1 =	seq.s32 s6, s18;
	s6 =	simm.s32 $0x1;
	s9 =	simm.s32 @!p0 $0x0  }
0x264: {  	v32 =	vshra.s32 v32, $0x10;
	s7 =	ssub.s32 s19, s7;
	s6 =	simm.s32 @!p1 $0x0;
	s4 =	ssub.s32 s4, s9  }
0x265: {  	v60 =	vld [tilespmem:$0x1FFC0];
	v33 =	vmul.u32 v32, v59;
	s2 =	ssub.s32 s16, s6;
	s6 =	simm.s32 $0x1;
	p0 =	seq.s32 s7, s4  }
0x266: {  	s19 =	sadd.s32 s18, s28;
	s7 =	sadd.s32 s8, s7;
	v32 =	vadd.s32 s2, v32;
	s6 =	simm.s32 @!p0 $0x0  }
0x267: {  	v31 =	vsub.s32 v31, v33;
	vm1 =	vlt.s32 v32, s19;
	s20 =	ssub.s32 s7, s6  }
0x268: {  	s22 =	sadd.s32 s4, s10;
	v32 =	vnsel vm1, s19, v32;
	v31 =	vadd.s32 s20, v31  }
0x269: {  	v32 =	vshll.u32 v32, $0x6;
	vm1 =	vlt.s32 v31, s22  }
0x26a: {  	s23 =	sand.u32 $0x7, s15;
	v32 =	vadd.s32 v60, v32;
	v31 =	vnsel vm1, s22, v31  }
0x26b: {  	s24 =	sshll.u32 s23, $0x7;
	v31 =	vadd.s32 v31, v32  }
0x26c: {  	s25 =	sor.u32 $0x8000, s24;
	[tilespmem:s24+$0x8000] =	vst v31  }
0x26d: {  	v31 =	vld.msk [tilespmem:s25+$0x0], $0xf;
	_ =	sdelay $0x3  }
0x26e: {  	v62 =	vld [tilespmem:$0x1FFE0]  }
0x26f: {  	v61 =	vshrl.u32 v31, $0x3  }
0x270: {  	v63 =	vld [tilespmem:$0x1FFF0];
	v32 =	vmul.u32 $0x18, v61  }
0x271: {  	v31 =	vand.u32 $0x7, v31  }
0x272: {  	v31 =	vor.u32 v31, v32  }
0x273: {  	v31 =	vperm.xlane v31, v62;
	_ =	sdelay $0x1  }
0x274: {  	s2 =	smul.u32 $0x1800, s23;
	v31 =	vadd.s32 v63, v31  }
.Ltmp8:
0x275: {  	_ = 	snop;
	(pc) =	sbr.rel .LBB2_6-.Ltmp8, $4  }
0x276: {  	_ = 	snop  }
0x277: {  	s2 =	sshrl.u32 s2, $0x2  }
0x278: {  	s21 =	simm.s32 $0x0;
	s26 =	rddreg [dreg:$0x0];
	s2 =	sadd.s32 $0x8400, s2  }
0x279: {  	[tilespmem:s2], [sflag:$0x1] =	stream.indirect_vreg.gather [hbm4b:s26+s21], $0x80, v31, vm0, $0xb8;
	[tilespmem:$0xFD80] =	vst v63  }
.LBB2_9:
0x27a: {  	_ =	sfence.sel $0x180000  }
0x27b: {  	[bflag:$0x0] =	sbarrier.arrive $0xFFFF  }
0x27c: {  	_ =	strace $0x90000047  }
0x27d: {  	s0 =	stileid.u32;
	[bflag:$0x2] =	sbarrier.arrive $0xFFFF  }
0x27e: {  	p0 =	sne.s32 s0, $0x0;
	s0 =	rddreg [dreg:$0x3]  }
0x27f: {  	s0 =	sadd.s32 @!p0 $0x100000, s0  }
0x280: {  	[sflag:s0] =	ssyncadd.tile.s32 @!p0 $0x1;
	_ =	shalt  }
.Lfunc_end2:
_tile_overlayer_lowered:
.L_overlay_start_2:
0x281: {  	(tag) =	ssettag $0x2  }
0x282: {  	s0 =	rddreg [dreg:$0x0];
	s2 =	stileid.u32  }
0x283: {  	s1 =	rddreg [dreg:$0x1];
	p0 =	sne.s32 s2, $0x0  }
0x284: {  	s3 =	rddreg [dreg:$0x2];
	[bflag:$0x3] =	sbarrier.arrive $0xFFFF;
	s2 =	simm.s32 @!p0 $0x1C02  }
0x285: {  	[timem:s3], [sflag:s2] =	dma.local @!p0 [hbm:s0], s1  }
0x286: {  	s0 =	simm.s32 @!p0 $0x2  }
0x287: {  	_ =	swait.ge @!p0 [sflag:s0], s1  }
0x288: {  	s1 =	ssub.s32 @!p0 $0x0, s1;
	[sflag:s0] =	ssyncset.done @!p0 $0x0  }
0x289: {  	[sflag:s0] =	ssyncadd.s32 @!p0 s1  }
0x28a: {  	[bflag:$0x3] =	sbarrier.arrive $0xFFFF  }
0x28b: {  	_ =	shalt  }

</sc_bundles>
